<compile_context>
chip_gen: v7x
topology: tpu7x:2x2x1
jax: 0.10.2.dev20260603
libtpu: 0.0.44.dev20260713+nightly
codegen_flags: <defaults>
</compile_context>

<pallas_src>
import functools

import jax
import jax.numpy as jnp
from jax import lax
from jax.experimental import pallas as pl
from jax.experimental.pallas import tpu as pltpu
from jax.experimental.pallas import tpu_sc as plsc

B = 4096
L = 200
EMB = 64
H = 300

NC, NS, LANES = 2, 16, 16
NW = NC * NS
SEG_PER_W = B // NW
CH0, CH1 = 128, L - 128
ECH = EMB // LANES

_mesh = plsc.VectorSubcoreMesh(core_axis_name="c", subcore_axis_name="s")


@functools.partial(
    pl.kernel,
    out_type=jax.ShapeDtypeStruct((B, EMB), jnp.float32),
    mesh=_mesh,
    scratch_types=[
        pltpu.VMEM((SEG_PER_W, L), jnp.int32),
        pltpu.VMEM((L, EMB), jnp.float32),
        pltpu.VMEM((L, EMB), jnp.float32),
        pltpu.VMEM((L, EMB), jnp.float32),
        pltpu.VMEM((L, EMB), jnp.float32),
        pltpu.VMEM((L, EMB), jnp.float32),
        pltpu.VMEM((L, EMB), jnp.float32),
        pltpu.VMEM((SEG_PER_W, EMB), jnp.float32),
        pltpu.SemaphoreType.DMA,
        pltpu.SemaphoreType.DMA,
        pltpu.SemaphoreType.DMA,
        pltpu.SemaphoreType.DMA,
        pltpu.SemaphoreType.DMA,
        pltpu.SemaphoreType.DMA,
    ],
    compiler_params=pltpu.CompilerParams(use_tc_tiling_on_sc=False),
)
def _sc_pool(ids_hbm, table_hbm, out_hbm, idx_v, buf0, buf1, buf2, buf3,
             buf4, buf5, out_v, sem0, sem1, sem2, sem3, sem4, sem5):
    wid = lax.axis_index("s") * NC + lax.axis_index("c")
    pltpu.sync_copy(ids_hbm.at[pl.ds(wid * SEG_PER_W, SEG_PER_W)], idx_v)

    bufs = (buf0, buf1, buf2, buf3, buf4, buf5)
    sems = (sem0, sem1, sem2, sem3, sem4, sem5)
    NBUF = 6

    def fire(seg, b):
        pltpu.async_copy(table_hbm.at[idx_v.at[seg, pl.ds(0, CH0)]],
                         bufs[b].at[pl.ds(0, CH0)], sems[b])
        pltpu.async_copy(table_hbm.at[idx_v.at[seg, pl.ds(CH0, CH1)]],
                         bufs[b].at[pl.ds(CH0, CH1)], sems[b])

    def drain(b):
        pltpu.make_async_copy(table_hbm.at[pl.ds(0, L)], bufs[b], sems[b]).wait()

    for b in range(NBUF):
        fire(b, b)

    def seg_body(s, b):
        drain(b)
        buf = bufs[b]

        def row8(r8, acc):
            return tuple(tuple(acc[k][c] + buf[r8 * 8 + k, pl.ds(c * LANES, LANES)]
                               for c in range(ECH)) for k in range(8))

        acc = tuple(tuple(jnp.zeros((LANES,), jnp.float32) for _ in range(ECH))
                    for _ in range(8))
        acc = lax.fori_loop(0, L // 8, row8, acc)
        for c in range(ECH):
            f4 = [acc[k][c] + acc[k + 4][c] for k in range(4)]
            f2 = [f4[k] + f4[k + 2] for k in range(2)]
            out_v[s, pl.ds(c * LANES, LANES)] = f2[0] + f2[1]

        nxt = s + NBUF

        @pl.when(nxt < SEG_PER_W)
        def _():
            fire(nxt, b)

    def loop_body(i, carry):
        for b in range(NBUF):
            seg_body(NBUF * i + b, b)
        return carry

    lax.fori_loop(0, SEG_PER_W // NBUF, loop_body, 0)
    for b in range(SEG_PER_W % NBUF):
        seg_body((SEG_PER_W // NBUF) * NBUF + b, b)
    pltpu.sync_copy(out_v, out_hbm.at[pl.ds(wid * SEG_PER_W, SEG_PER_W)])


VOCAB = 1000000
TCOLS = 32768
THALF = TCOLS // 2
LOG_THALF = THALF.bit_length() - 1
TGRID = (VOCAB + TCOLS - 1) // TCOLS
VOCAB_PAD = TGRID * TCOLS


def _tr_body(xt_ref, out_ref):
    x = xt_ref[...]
    xx = jnp.concatenate([x[:, :THALF], x[:, THALF:]], axis=0)
    out_ref[...] = jnp.transpose(xx)


_tr_call = pl.pallas_call(
    _tr_body,
    grid=(TGRID,),
    in_specs=[pl.BlockSpec((EMB, TCOLS), lambda i: (0, i))],
    out_specs=pl.BlockSpec((THALF, 2 * EMB), lambda i: (i, 0)),
    out_shape=jax.ShapeDtypeStruct((TGRID * THALF, 2 * EMB), jnp.float32),
)


BLK = 512
GRID = B // BLK


def _mlp_body(x_ref, len_ref, lab_ref, w1_ref, b1_ref, w2_ref, b2_ref,
              w3_ref, b3_ref, wfc_ref, bfc_ref, loss_ref, pred_ref):
    i = pl.program_id(0)
    bf = jnp.bfloat16
    x = x_ref[...] * (1.0 / len_ref[...])
    h = jnp.tanh(jnp.dot(x.astype(bf), w1_ref[...].astype(bf),
                         preferred_element_type=jnp.float32) + b1_ref[...])
    h = jnp.tanh(jnp.dot(h.astype(bf), w2_ref[...].astype(bf),
                         preferred_element_type=jnp.float32) + b2_ref[...])
    h = jnp.tanh(jnp.dot(h.astype(bf), w3_ref[...].astype(bf),
                         preferred_element_type=jnp.float32) + b3_ref[...])
    z = jnp.dot(h.astype(bf), wfc_ref[...].astype(bf),
                preferred_element_type=jnp.float32) + bfc_ref[...]
    sig = jax.nn.sigmoid(z)
    pred_ref[...] = (sig > 0.5).astype(jnp.float32)
    pv = jnp.clip(sig, 1e-7, 1.0 - 1e-7)
    lv = lab_ref[...]
    part = -jnp.sum(lv * jnp.log(pv) + (1.0 - lv) * jnp.log(1.0 - pv)) * (1.0 / B)

    @pl.when(i == 0)
    def _():
        loss_ref[...] = jnp.zeros((1, 1), jnp.float32)

    loss_ref[...] += jnp.reshape(part, (1, 1))


_mlp_call = pl.pallas_call(
    _mlp_body,
    grid=(GRID,),
    in_specs=[
        pl.BlockSpec((BLK, EMB), lambda i: (i, 0)),
        pl.BlockSpec((BLK, 1), lambda i: (i, 0)),
        pl.BlockSpec((BLK, 1), lambda i: (i, 0)),
        pl.BlockSpec((EMB, H), lambda i: (0, 0)),
        pl.BlockSpec((1, H), lambda i: (0, 0)),
        pl.BlockSpec((H, H), lambda i: (0, 0)),
        pl.BlockSpec((1, H), lambda i: (0, 0)),
        pl.BlockSpec((H, H), lambda i: (0, 0)),
        pl.BlockSpec((1, H), lambda i: (0, 0)),
        pl.BlockSpec((H, 1), lambda i: (0, 0)),
        pl.BlockSpec((1, 1), lambda i: (0, 0)),
    ],
    out_specs=[
        pl.BlockSpec((1, 1), lambda i: (0, 0)),
        pl.BlockSpec((BLK, 1), lambda i: (i, 0)),
    ],
    out_shape=[
        jax.ShapeDtypeStruct((1, 1), jnp.float32),
        jax.ShapeDtypeStruct((B, 1), jnp.float32),
    ],
)


def kernel(input_ids, labels, lengths, table, W1, b1, W2, b2, W3, b3, Wfc, bfc):
    ids_r = ((input_ids & ~(TCOLS - 1))
             + 2 * (input_ids & (THALF - 1))
             + ((input_ids >> LOG_THALF) & 1))
    tlin = _tr_call(table.T)
    pooled = _sc_pool(ids_r, tlin.reshape(VOCAB_PAD, EMB))
    loss2, pred = _mlp_call(
        pooled, lengths, labels.reshape(B, 1),
        W1, b1.reshape(1, H), W2, b2.reshape(1, H),
        W3, b3.reshape(1, H), Wfc, bfc.reshape(1, 1))
    return loss2.reshape(()), pred

# --- scband reference (transcript-rebuilt; emitter-appended) ---
"""Pipeline reference for scband-dan-15187004358930 (READ-ONLY COPY).

The authoritative reference and input builder live on the scoring server;
editing this copy changes nothing except your own understanding.
"""

import jax, jax.numpy as jnp
import numpy as np

VOCAB = 1000000
EMB = 64
B = 4096
L = 200
H = 300


def setup_inputs(seed: int = 0) -> dict:
    key = jax.random.key(seed)
    ks = jax.random.split(key, 12)
    input_ids = jax.random.randint(ks[0], (B, L), 0, VOCAB, dtype=jnp.int64 if jax.config.jax_enable_x64 else jnp.int32).astype(jnp.int32)
    labels = jax.random.uniform(ks[1], (B,), dtype=jnp.float32)
    lengths = jnp.ones((B, 1), dtype=jnp.float32)
    table = jax.random.normal(ks[2], (VOCAB, EMB), dtype=jnp.float32)
    s1 = 1.0 / np.sqrt(EMB)
    s2 = 1.0 / np.sqrt(H)
    W1 = jax.random.uniform(ks[3], (EMB, H), dtype=jnp.float32, minval=-s1, maxval=s1)
    b1 = jax.random.uniform(ks[4], (H,), dtype=jnp.float32, minval=-s1, maxval=s1)
    W2 = jax.random.uniform(ks[5], (H, H), dtype=jnp.float32, minval=-s2, maxval=s2)
    b2 = jax.random.uniform(ks[6], (H,), dtype=jnp.float32, minval=-s2, maxval=s2)
    W3 = jax.random.uniform(ks[7], (H, H), dtype=jnp.float32, minval=-s2, maxval=s2)
    b3 = jax.random.uniform(ks[8], (H,), dtype=jnp.float32, minval=-s2, maxval=s2)
    Wfc = jax.random.uniform(ks[9], (H, 1), dtype=jnp.float32, minval=-s2, maxval=s2)
    bfc = jax.random.uniform(ks[10], (1,), dtype=jnp.float32, minval=-s2, maxval=s2)
    return {"input_ids": input_ids, "labels": labels, "lengths": lengths, "table": table,
            "W1": W1, "b1": b1, "W2": W2, "b2": b2, "W3": W3, "b3": b3, "Wfc": Wfc, "bfc": bfc}


def reference(input_ids, labels, lengths, table, W1, b1, W2, b2, W3, b3, Wfc, bfc):
    # embedding lookup + bag-of-words sum
    emb = jnp.take(table, input_ids, axis=0)   # [B, L, EMB]
    out = emb.sum(axis=1)                      # [B, EMB]
    out = out * (1.0 / lengths)                # average by token length
    # hidden MLP (dropout p=0.0 -> identity)
    h = jnp.tanh(out @ W1 + b1)
    h = jnp.tanh(h @ W2 + b2)
    h = jnp.tanh(h @ W3 + b3)
    pred_prob = jax.nn.sigmoid(h @ Wfc + bfc)  # [B, 1]
    predicted_labels = (pred_prob > 0.5).astype(jnp.float32)
    pv = jnp.clip(pred_prob.reshape(-1), 1e-7, 1.0 - 1e-7)
    lv = labels.reshape(-1)
    loss = -jnp.mean(lv * jnp.log(pv) + (1.0 - lv) * jnp.log(1.0 - pv))
    return (loss, predicted_labels)

if __name__ == "__main__":
    import jax
    _d = setup_inputs()
    print(jax.jit(kernel)(*tuple(_d.values())))

</pallas_src>

<mosaic_0001>
#map = affine_map<(d0, d1) -> (0, 0)>
module attributes {stable_mosaic.version = 14 : i64} {
  func.func @_sc_pool(%arg0: i32, %arg1: i32, %arg2: memref<4096x200xi32, #tpu.memory_space<hbm>>, %arg3: memref<1015808x64xf32, #tpu.memory_space<hbm>>, %arg4: memref<4096x64xf32, #tpu.memory_space<hbm>>, %arg5: memref<128x200xi32, #tpu.memory_space<vmem>>, %arg6: memref<200x64xf32, #tpu.memory_space<vmem>>, %arg7: memref<200x64xf32, #tpu.memory_space<vmem>>, %arg8: memref<200x64xf32, #tpu.memory_space<vmem>>, %arg9: memref<200x64xf32, #tpu.memory_space<vmem>>, %arg10: memref<200x64xf32, #tpu.memory_space<vmem>>, %arg11: memref<200x64xf32, #tpu.memory_space<vmem>>, %arg12: memref<128x64xf32, #tpu.memory_space<vmem>>, %arg13: memref<!tpu.dma_semaphore, #tpu.memory_space<semaphore_mem>>, %arg14: memref<!tpu.dma_semaphore, #tpu.memory_space<semaphore_mem>>, %arg15: memref<!tpu.dma_semaphore, #tpu.memory_space<semaphore_mem>>, %arg16: memref<!tpu.dma_semaphore, #tpu.memory_space<semaphore_mem>>, %arg17: memref<!tpu.dma_semaphore, #tpu.memory_space<semaphore_mem>>, %arg18: memref<!tpu.dma_semaphore, #tpu.memory_space<semaphore_mem>>) attributes {dimension_semantics = [#tpu.dimension_semantics<core_parallel>, #tpu.dimension_semantics<subcore_parallel>], iteration_bounds = array<i64: 2, 16>, scalar_prefetch = 0 : i64, scratch_operands = 14 : i64, tpu.core_type = #tpu.core_type<sc_vector_subcore>, window_params = [{transform_indices = #map}, {transform_indices = #map}, {transform_indices = #map}]} {
    %mul3A = arith.constant 2 : i32
    %mul3A_0 = arith.muli %arg1, %mul3A : i32
    %add3A = arith.addi %mul3A_0, %arg0 : i32
    %mul3A_1 = arith.constant 128 : i32
    %mul3A_2 = arith.muli %add3A, %mul3A_1 : i32
    "tpu.region"() ({
      %run_scoped3A = tpu.sem_alloc : memref<!tpu.dma_semaphore, #tpu.memory_space<semaphore_mem>>
      %dma_start3A_382 = arith.constant 0 : i32
      %dma_start3A_383 = tpu.memref_slice %arg2[%mul3A_2, %dma_start3A_382] : memref<4096x200xi32, #tpu.memory_space<hbm>> -> memref<128x200xi32, #tpu.memory_space<hbm>>
      %dma_start3A_384 = arith.constant 0 : i32
      %dma_start3A_385 = tpu.memref_slice %arg2[%mul3A_2, %dma_start3A_384] : memref<4096x200xi32, #tpu.memory_space<hbm>> -> memref<128x200xi32, #tpu.memory_space<hbm>>
      tpu.enqueue_dma source(%dma_start3A_385 : memref<128x200xi32, #tpu.memory_space<hbm>>) target(%arg5 : memref<128x200xi32, #tpu.memory_space<vmem>>) target_semaphore(%run_scoped3A : memref<!tpu.dma_semaphore, #tpu.memory_space<semaphore_mem>>)
      %dma_wait3A_386 = arith.constant 0 : i32
      %dma_wait3A_387 = tpu.memref_slice %arg2[%mul3A_2, %dma_wait3A_386] : memref<4096x200xi32, #tpu.memory_space<hbm>> -> memref<128x200xi32, #tpu.memory_space<hbm>>
      %dma_wait3A_388 = arith.constant 0 : i32
      %dma_wait3A_389 = tpu.memref_slice %arg2[%mul3A_2, %dma_wait3A_388] : memref<4096x200xi32, #tpu.memory_space<hbm>> -> memref<128x200xi32, #tpu.memory_space<hbm>>
      tpu.wait_dma2 semaphore(%run_scoped3A : memref<!tpu.dma_semaphore, #tpu.memory_space<semaphore_mem>>) src(%dma_wait3A_389 : memref<128x200xi32, #tpu.memory_space<hbm>>) dst(%arg5 : memref<128x200xi32, #tpu.memory_space<vmem>>)
      tpu.yield
    }) : () -> ()
    %dma_start3A = arith.constant 0 : i32
    %dma_start3A_3 = arith.constant 0 : i32
    %dma_start3A_4 = arith.constant 0 : i32
    %dma_start3A_5 = tpu.memref_slice %arg6[%dma_start3A_3, %dma_start3A_4] : memref<200x64xf32, #tpu.memory_space<vmem>> -> memref<128x64xf32, #tpu.memory_space<vmem>>
    %dma_start3A_6 = arith.constant 0 : i32
    %dma_start3A_7 = tpu.memref_slice %arg5[%dma_start3A, %dma_start3A_6] : memref<128x200xi32, #tpu.memory_space<vmem>> -> memref<1x128xi32, #tpu.memory_space<vmem>>
    %dma_start3A_8 = tpu.memref_squeeze %dma_start3A_7 : memref<1x128xi32, #tpu.memory_space<vmem>> -> memref<128xi32, #tpu.memory_space<vmem>>
    %dma_start3A_9 = arith.constant 0 : i32
    %dma_start3A_10 = arith.constant 0 : i32
    %dma_start3A_11 = tpu.memref_slice %arg3[%dma_start3A_9, %dma_start3A_10] : memref<1015808x64xf32, #tpu.memory_space<hbm>> -> memref<1015808x64xf32, #tpu.memory_space<hbm>>
    tpu.enqueue_indirect_dma source(%dma_start3A_11 : memref<1015808x64xf32, #tpu.memory_space<hbm>>) target(%dma_start3A_5 : memref<128x64xf32, #tpu.memory_space<vmem>>) offsets(%dma_start3A_8 : memref<128xi32, #tpu.memory_space<vmem>>) semaphore(%arg13 : memref<!tpu.dma_semaphore, #tpu.memory_space<semaphore_mem>>)
    %dma_start3A_12 = arith.constant 0 : i32
    %dma_start3A_13 = arith.constant 128 : i32
    %dma_start3A_14 = arith.constant 0 : i32
    %dma_start3A_15 = tpu.memref_slice %arg6[%dma_start3A_13, %dma_start3A_14] : memref<200x64xf32, #tpu.memory_space<vmem>> -> memref<72x64xf32, #tpu.memory_space<vmem>>
    %dma_start3A_16 = arith.constant 128 : i32
    %dma_start3A_17 = tpu.memref_slice %arg5[%dma_start3A_12, %dma_start3A_16] : memref<128x200xi32, #tpu.memory_space<vmem>> -> memref<1x72xi32, #tpu.memory_space<vmem>>
    %dma_start3A_18 = tpu.memref_squeeze %dma_start3A_17 : memref<1x72xi32, #tpu.memory_space<vmem>> -> memref<72xi32, #tpu.memory_space<vmem>>
    %dma_start3A_19 = arith.constant 0 : i32
    %dma_start3A_20 = arith.constant 0 : i32
    %dma_start3A_21 = tpu.memref_slice %arg3[%dma_start3A_19, %dma_start3A_20] : memref<1015808x64xf32, #tpu.memory_space<hbm>> -> memref<1015808x64xf32, #tpu.memory_space<hbm>>
    tpu.enqueue_indirect_dma source(%dma_start3A_21 : memref<1015808x64xf32, #tpu.memory_space<hbm>>) target(%dma_start3A_15 : memref<72x64xf32, #tpu.memory_space<vmem>>) offsets(%dma_start3A_18 : memref<72xi32, #tpu.memory_space<vmem>>) semaphore(%arg13 : memref<!tpu.dma_semaphore, #tpu.memory_space<semaphore_mem>>)
    %dma_start3A_22 = arith.constant 1 : i32
    %dma_start3A_23 = arith.constant 0 : i32
    %dma_start3A_24 = arith.constant 0 : i32
    %dma_start3A_25 = tpu.memref_slice %arg7[%dma_start3A_23, %dma_start3A_24] : memref<200x64xf32, #tpu.memory_space<vmem>> -> memref<128x64xf32, #tpu.memory_space<vmem>>
    %dma_start3A_26 = arith.constant 0 : i32
    %dma_start3A_27 = tpu.memref_slice %arg5[%dma_start3A_22, %dma_start3A_26] : memref<128x200xi32, #tpu.memory_space<vmem>> -> memref<1x128xi32, #tpu.memory_space<vmem>>
    %dma_start3A_28 = tpu.memref_squeeze %dma_start3A_27 : memref<1x128xi32, #tpu.memory_space<vmem>> -> memref<128xi32, #tpu.memory_space<vmem>>
    %dma_start3A_29 = arith.constant 0 : i32
    %dma_start3A_30 = arith.constant 0 : i32
    %dma_start3A_31 = tpu.memref_slice %arg3[%dma_start3A_29, %dma_start3A_30] : memref<1015808x64xf32, #tpu.memory_space<hbm>> -> memref<1015808x64xf32, #tpu.memory_space<hbm>>
    tpu.enqueue_indirect_dma source(%dma_start3A_31 : memref<1015808x64xf32, #tpu.memory_space<hbm>>) target(%dma_start3A_25 : memref<128x64xf32, #tpu.memory_space<vmem>>) offsets(%dma_start3A_28 : memref<128xi32, #tpu.memory_space<vmem>>) semaphore(%arg14 : memref<!tpu.dma_semaphore, #tpu.memory_space<semaphore_mem>>)
    %dma_start3A_32 = arith.constant 1 : i32
    %dma_start3A_33 = arith.constant 128 : i32
    %dma_start3A_34 = arith.constant 0 : i32
    %dma_start3A_35 = tpu.memref_slice %arg7[%dma_start3A_33, %dma_start3A_34] : memref<200x64xf32, #tpu.memory_space<vmem>> -> memref<72x64xf32, #tpu.memory_space<vmem>>
    %dma_start3A_36 = arith.constant 128 : i32
    %dma_start3A_37 = tpu.memref_slice %arg5[%dma_start3A_32, %dma_start3A_36] : memref<128x200xi32, #tpu.memory_space<vmem>> -> memref<1x72xi32, #tpu.memory_space<vmem>>
    %dma_start3A_38 = tpu.memref_squeeze %dma_start3A_37 : memref<1x72xi32, #tpu.memory_space<vmem>> -> memref<72xi32, #tpu.memory_space<vmem>>
    %dma_start3A_39 = arith.constant 0 : i32
    %dma_start3A_40 = arith.constant 0 : i32
    %dma_start3A_41 = tpu.memref_slice %arg3[%dma_start3A_39, %dma_start3A_40] : memref<1015808x64xf32, #tpu.memory_space<hbm>> -> memref<1015808x64xf32, #tpu.memory_space<hbm>>
    tpu.enqueue_indirect_dma source(%dma_start3A_41 : memref<1015808x64xf32, #tpu.memory_space<hbm>>) target(%dma_start3A_35 : memref<72x64xf32, #tpu.memory_space<vmem>>) offsets(%dma_start3A_38 : memref<72xi32, #tpu.memory_space<vmem>>) semaphore(%arg14 : memref<!tpu.dma_semaphore, #tpu.memory_space<semaphore_mem>>)
    %dma_start3A_42 = arith.constant 2 : i32
    %dma_start3A_43 = arith.constant 0 : i32
    %dma_start3A_44 = arith.constant 0 : i32
    %dma_start3A_45 = tpu.memref_slice %arg8[%dma_start3A_43, %dma_start3A_44] : memref<200x64xf32, #tpu.memory_space<vmem>> -> memref<128x64xf32, #tpu.memory_space<vmem>>
    %dma_start3A_46 = arith.constant 0 : i32
    %dma_start3A_47 = tpu.memref_slice %arg5[%dma_start3A_42, %dma_start3A_46] : memref<128x200xi32, #tpu.memory_space<vmem>> -> memref<1x128xi32, #tpu.memory_space<vmem>>
    %dma_start3A_48 = tpu.memref_squeeze %dma_start3A_47 : memref<1x128xi32, #tpu.memory_space<vmem>> -> memref<128xi32, #tpu.memory_space<vmem>>
    %dma_start3A_49 = arith.constant 0 : i32
    %dma_start3A_50 = arith.constant 0 : i32
    %dma_start3A_51 = tpu.memref_slice %arg3[%dma_start3A_49, %dma_start3A_50] : memref<1015808x64xf32, #tpu.memory_space<hbm>> -> memref<1015808x64xf32, #tpu.memory_space<hbm>>
    tpu.enqueue_indirect_dma source(%dma_start3A_51 : memref<1015808x64xf32, #tpu.memory_space<hbm>>) target(%dma_start3A_45 : memref<128x64xf32, #tpu.memory_space<vmem>>) offsets(%dma_start3A_48 : memref<128xi32, #tpu.memory_space<vmem>>) semaphore(%arg15 : memref<!tpu.dma_semaphore, #tpu.memory_space<semaphore_mem>>)
    %dma_start3A_52 = arith.constant 2 : i32
    %dma_start3A_53 = arith.constant 128 : i32
    %dma_start3A_54 = arith.constant 0 : i32
    %dma_start3A_55 = tpu.memref_slice %arg8[%dma_start3A_53, %dma_start3A_54] : memref<200x64xf32, #tpu.memory_space<vmem>> -> memref<72x64xf32, #tpu.memory_space<vmem>>
    %dma_start3A_56 = arith.constant 128 : i32
    %dma_start3A_57 = tpu.memref_slice %arg5[%dma_start3A_52, %dma_start3A_56] : memref<128x200xi32, #tpu.memory_space<vmem>> -> memref<1x72xi32, #tpu.memory_space<vmem>>
    %dma_start3A_58 = tpu.memref_squeeze %dma_start3A_57 : memref<1x72xi32, #tpu.memory_space<vmem>> -> memref<72xi32, #tpu.memory_space<vmem>>
    %dma_start3A_59 = arith.constant 0 : i32
    %dma_start3A_60 = arith.constant 0 : i32
    %dma_start3A_61 = tpu.memref_slice %arg3[%dma_start3A_59, %dma_start3A_60] : memref<1015808x64xf32, #tpu.memory_space<hbm>> -> memref<1015808x64xf32, #tpu.memory_space<hbm>>
    tpu.enqueue_indirect_dma source(%dma_start3A_61 : memref<1015808x64xf32, #tpu.memory_space<hbm>>) target(%dma_start3A_55 : memref<72x64xf32, #tpu.memory_space<vmem>>) offsets(%dma_start3A_58 : memref<72xi32, #tpu.memory_space<vmem>>) semaphore(%arg15 : memref<!tpu.dma_semaphore, #tpu.memory_space<semaphore_mem>>)
    %dma_start3A_62 = arith.constant 3 : i32
    %dma_start3A_63 = arith.constant 0 : i32
    %dma_start3A_64 = arith.constant 0 : i32
    %dma_start3A_65 = tpu.memref_slice %arg9[%dma_start3A_63, %dma_start3A_64] : memref<200x64xf32, #tpu.memory_space<vmem>> -> memref<128x64xf32, #tpu.memory_space<vmem>>
    %dma_start3A_66 = arith.constant 0 : i32
    %dma_start3A_67 = tpu.memref_slice %arg5[%dma_start3A_62, %dma_start3A_66] : memref<128x200xi32, #tpu.memory_space<vmem>> -> memref<1x128xi32, #tpu.memory_space<vmem>>
    %dma_start3A_68 = tpu.memref_squeeze %dma_start3A_67 : memref<1x128xi32, #tpu.memory_space<vmem>> -> memref<128xi32, #tpu.memory_space<vmem>>
    %dma_start3A_69 = arith.constant 0 : i32
    %dma_start3A_70 = arith.constant 0 : i32
    %dma_start3A_71 = tpu.memref_slice %arg3[%dma_start3A_69, %dma_start3A_70] : memref<1015808x64xf32, #tpu.memory_space<hbm>> -> memref<1015808x64xf32, #tpu.memory_space<hbm>>
    tpu.enqueue_indirect_dma source(%dma_start3A_71 : memref<1015808x64xf32, #tpu.memory_space<hbm>>) target(%dma_start3A_65 : memref<128x64xf32, #tpu.memory_space<vmem>>) offsets(%dma_start3A_68 : memref<128xi32, #tpu.memory_space<vmem>>) semaphore(%arg16 : memref<!tpu.dma_semaphore, #tpu.memory_space<semaphore_mem>>)
    %dma_start3A_72 = arith.constant 3 : i32
    %dma_start3A_73 = arith.constant 128 : i32
    %dma_start3A_74 = arith.constant 0 : i32
    %dma_start3A_75 = tpu.memref_slice %arg9[%dma_start3A_73, %dma_start3A_74] : memref<200x64xf32, #tpu.memory_space<vmem>> -> memref<72x64xf32, #tpu.memory_space<vmem>>
    %dma_start3A_76 = arith.constant 128 : i32
    %dma_start3A_77 = tpu.memref_slice %arg5[%dma_start3A_72, %dma_start3A_76] : memref<128x200xi32, #tpu.memory_space<vmem>> -> memref<1x72xi32, #tpu.memory_space<vmem>>
    %dma_start3A_78 = tpu.memref_squeeze %dma_start3A_77 : memref<1x72xi32, #tpu.memory_space<vmem>> -> memref<72xi32, #tpu.memory_space<vmem>>
    %dma_start3A_79 = arith.constant 0 : i32
    %dma_start3A_80 = arith.constant 0 : i32
    %dma_start3A_81 = tpu.memref_slice %arg3[%dma_start3A_79, %dma_start3A_80] : memref<1015808x64xf32, #tpu.memory_space<hbm>> -> memref<1015808x64xf32, #tpu.memory_space<hbm>>
    tpu.enqueue_indirect_dma source(%dma_start3A_81 : memref<1015808x64xf32, #tpu.memory_space<hbm>>) target(%dma_start3A_75 : memref<72x64xf32, #tpu.memory_space<vmem>>) offsets(%dma_start3A_78 : memref<72xi32, #tpu.memory_space<vmem>>) semaphore(%arg16 : memref<!tpu.dma_semaphore, #tpu.memory_space<semaphore_mem>>)
    %dma_start3A_82 = arith.constant 4 : i32
    %dma_start3A_83 = arith.constant 0 : i32
    %dma_start3A_84 = arith.constant 0 : i32
    %dma_start3A_85 = tpu.memref_slice %arg10[%dma_start3A_83, %dma_start3A_84] : memref<200x64xf32, #tpu.memory_space<vmem>> -> memref<128x64xf32, #tpu.memory_space<vmem>>
    %dma_start3A_86 = arith.constant 0 : i32
    %dma_start3A_87 = tpu.memref_slice %arg5[%dma_start3A_82, %dma_start3A_86] : memref<128x200xi32, #tpu.memory_space<vmem>> -> memref<1x128xi32, #tpu.memory_space<vmem>>
    %dma_start3A_88 = tpu.memref_squeeze %dma_start3A_87 : memref<1x128xi32, #tpu.memory_space<vmem>> -> memref<128xi32, #tpu.memory_space<vmem>>
    %dma_start3A_89 = arith.constant 0 : i32
    %dma_start3A_90 = arith.constant 0 : i32
    %dma_start3A_91 = tpu.memref_slice %arg3[%dma_start3A_89, %dma_start3A_90] : memref<1015808x64xf32, #tpu.memory_space<hbm>> -> memref<1015808x64xf32, #tpu.memory_space<hbm>>
    tpu.enqueue_indirect_dma source(%dma_start3A_91 : memref<1015808x64xf32, #tpu.memory_space<hbm>>) target(%dma_start3A_85 : memref<128x64xf32, #tpu.memory_space<vmem>>) offsets(%dma_start3A_88 : memref<128xi32, #tpu.memory_space<vmem>>) semaphore(%arg17 : memref<!tpu.dma_semaphore, #tpu.memory_space<semaphore_mem>>)
    %dma_start3A_92 = arith.constant 4 : i32
    %dma_start3A_93 = arith.constant 128 : i32
    %dma_start3A_94 = arith.constant 0 : i32
    %dma_start3A_95 = tpu.memref_slice %arg10[%dma_start3A_93, %dma_start3A_94] : memref<200x64xf32, #tpu.memory_space<vmem>> -> memref<72x64xf32, #tpu.memory_space<vmem>>
    %dma_start3A_96 = arith.constant 128 : i32
    %dma_start3A_97 = tpu.memref_slice %arg5[%dma_start3A_92, %dma_start3A_96] : memref<128x200xi32, #tpu.memory_space<vmem>> -> memref<1x72xi32, #tpu.memory_space<vmem>>
    %dma_start3A_98 = tpu.memref_squeeze %dma_start3A_97 : memref<1x72xi32, #tpu.memory_space<vmem>> -> memref<72xi32, #tpu.memory_space<vmem>>
    %dma_start3A_99 = arith.constant 0 : i32
    %dma_start3A_100 = arith.constant 0 : i32
    %dma_start3A_101 = tpu.memref_slice %arg3[%dma_start3A_99, %dma_start3A_100] : memref<1015808x64xf32, #tpu.memory_space<hbm>> -> memref<1015808x64xf32, #tpu.memory_space<hbm>>
    tpu.enqueue_indirect_dma source(%dma_start3A_101 : memref<1015808x64xf32, #tpu.memory_space<hbm>>) target(%dma_start3A_95 : memref<72x64xf32, #tpu.memory_space<vmem>>) offsets(%dma_start3A_98 : memref<72xi32, #tpu.memory_space<vmem>>) semaphore(%arg17 : memref<!tpu.dma_semaphore, #tpu.memory_space<semaphore_mem>>)
    %dma_start3A_102 = arith.constant 5 : i32
    %dma_start3A_103 = arith.constant 0 : i32
    %dma_start3A_104 = arith.constant 0 : i32
    %dma_start3A_105 = tpu.memref_slice %arg11[%dma_start3A_103, %dma_start3A_104] : memref<200x64xf32, #tpu.memory_space<vmem>> -> memref<128x64xf32, #tpu.memory_space<vmem>>
    %dma_start3A_106 = arith.constant 0 : i32
    %dma_start3A_107 = tpu.memref_slice %arg5[%dma_start3A_102, %dma_start3A_106] : memref<128x200xi32, #tpu.memory_space<vmem>> -> memref<1x128xi32, #tpu.memory_space<vmem>>
    %dma_start3A_108 = tpu.memref_squeeze %dma_start3A_107 : memref<1x128xi32, #tpu.memory_space<vmem>> -> memref<128xi32, #tpu.memory_space<vmem>>
    %dma_start3A_109 = arith.constant 0 : i32
    %dma_start3A_110 = arith.constant 0 : i32
    %dma_start3A_111 = tpu.memref_slice %arg3[%dma_start3A_109, %dma_start3A_110] : memref<1015808x64xf32, #tpu.memory_space<hbm>> -> memref<1015808x64xf32, #tpu.memory_space<hbm>>
    tpu.enqueue_indirect_dma source(%dma_start3A_111 : memref<1015808x64xf32, #tpu.memory_space<hbm>>) target(%dma_start3A_105 : memref<128x64xf32, #tpu.memory_space<vmem>>) offsets(%dma_start3A_108 : memref<128xi32, #tpu.memory_space<vmem>>) semaphore(%arg18 : memref<!tpu.dma_semaphore, #tpu.memory_space<semaphore_mem>>)
    %dma_start3A_112 = arith.constant 5 : i32
    %dma_start3A_113 = arith.constant 128 : i32
    %dma_start3A_114 = arith.constant 0 : i32
    %dma_start3A_115 = tpu.memref_slice %arg11[%dma_start3A_113, %dma_start3A_114] : memref<200x64xf32, #tpu.memory_space<vmem>> -> memref<72x64xf32, #tpu.memory_space<vmem>>
    %dma_start3A_116 = arith.constant 128 : i32
    %dma_start3A_117 = tpu.memref_slice %arg5[%dma_start3A_112, %dma_start3A_116] : memref<128x200xi32, #tpu.memory_space<vmem>> -> memref<1x72xi32, #tpu.memory_space<vmem>>
    %dma_start3A_118 = tpu.memref_squeeze %dma_start3A_117 : memref<1x72xi32, #tpu.memory_space<vmem>> -> memref<72xi32, #tpu.memory_space<vmem>>
    %dma_start3A_119 = arith.constant 0 : i32
    %dma_start3A_120 = arith.constant 0 : i32
    %dma_start3A_121 = tpu.memref_slice %arg3[%dma_start3A_119, %dma_start3A_120] : memref<1015808x64xf32, #tpu.memory_space<hbm>> -> memref<1015808x64xf32, #tpu.memory_space<hbm>>
    tpu.enqueue_indirect_dma source(%dma_start3A_121 : memref<1015808x64xf32, #tpu.memory_space<hbm>>) target(%dma_start3A_115 : memref<72x64xf32, #tpu.memory_space<vmem>>) offsets(%dma_start3A_118 : memref<72xi32, #tpu.memory_space<vmem>>) semaphore(%arg18 : memref<!tpu.dma_semaphore, #tpu.memory_space<semaphore_mem>>)
    %scan3A = arith.constant 0 : i32
    %scan3A_122 = arith.constant 0 : i32
    %scan3A_123 = arith.constant 21 : i32
    %scan3A_124 = arith.addi %scan3A_122, %scan3A_123 : i32
    %scan3A_125 = arith.constant 1 : i32
    scf.for %scan3A_382 = %scan3A_122 to %scan3A_124 step %scan3A_125  : i32 {
      %mul3A_383 = arith.constant 6 : i32
      %mul3A_384 = arith.muli %mul3A_383, %scan3A_382 : i32
      %add3A_385 = arith.constant 0 : i32
      %add3A_386 = arith.addi %mul3A_384, %add3A_385 : i32
      %dma_wait3A_387 = arith.constant 0 : i32
      %dma_wait3A_388 = arith.constant 0 : i32
      %dma_wait3A_389 = tpu.memref_slice %arg3[%dma_wait3A_387, %dma_wait3A_388] : memref<1015808x64xf32, #tpu.memory_space<hbm>> -> memref<200x64xf32, #tpu.memory_space<hbm>>
      %dma_wait3A_390 = arith.constant 0 : i32
      %dma_wait3A_391 = arith.constant 0 : i32
      %dma_wait3A_392 = tpu.memref_slice %arg3[%dma_wait3A_390, %dma_wait3A_391] : memref<1015808x64xf32, #tpu.memory_space<hbm>> -> memref<200x64xf32, #tpu.memory_space<hbm>>
      tpu.wait_dma2 semaphore(%arg13 : memref<!tpu.dma_semaphore, #tpu.memory_space<semaphore_mem>>) src(%dma_wait3A_392 : memref<200x64xf32, #tpu.memory_space<hbm>>) dst(%arg6 : memref<200x64xf32, #tpu.memory_space<vmem>>)
      %broadcast_in_dim3A_393 = arith.constant 0.000000e+00 : f32
      %broadcast_in_dim3A_394 = vector.broadcast %broadcast_in_dim3A_393 : f32 to vector<16xf32>
      %broadcast_in_dim3A_395 = arith.constant 0.000000e+00 : f32
      %broadcast_in_dim3A_396 = vector.broadcast %broadcast_in_dim3A_395 : f32 to vector<16xf32>
      %broadcast_in_dim3A_397 = arith.constant 0.000000e+00 : f32
      %broadcast_in_dim3A_398 = vector.broadcast %broadcast_in_dim3A_397 : f32 to vector<16xf32>
      %broadcast_in_dim3A_399 = arith.constant 0.000000e+00 : f32
      %broadcast_in_dim3A_400 = vector.broadcast %broadcast_in_dim3A_399 : f32 to vector<16xf32>
      %broadcast_in_dim3A_401 = arith.constant 0.000000e+00 : f32
      %broadcast_in_dim3A_402 = vector.broadcast %broadcast_in_dim3A_401 : f32 to vector<16xf32>
      %broadcast_in_dim3A_403 = arith.constant 0.000000e+00 : f32
      %broadcast_in_dim3A_404 = vector.broadcast %broadcast_in_dim3A_403 : f32 to vector<16xf32>
      %broadcast_in_dim3A_405 = arith.constant 0.000000e+00 : f32
      %broadcast_in_dim3A_406 = vector.broadcast %broadcast_in_dim3A_405 : f32 to vector<16xf32>
      %broadcast_in_dim3A_407 = arith.constant 0.000000e+00 : f32
      %broadcast_in_dim3A_408 = vector.broadcast %broadcast_in_dim3A_407 : f32 to vector<16xf32>
      %broadcast_in_dim3A_409 = arith.constant 0.000000e+00 : f32
      %broadcast_in_dim3A_410 = vector.broadcast %broadcast_in_dim3A_409 : f32 to vector<16xf32>
      %broadcast_in_dim3A_411 = arith.constant 0.000000e+00 : f32
      %broadcast_in_dim3A_412 = vector.broadcast %broadcast_in_dim3A_411 : f32 to vector<16xf32>
      %broadcast_in_dim3A_413 = arith.constant 0.000000e+00 : f32
      %broadcast_in_dim3A_414 = vector.broadcast %broadcast_in_dim3A_413 : f32 to vector<16xf32>
      %broadcast_in_dim3A_415 = arith.constant 0.000000e+00 : f32
      %broadcast_in_dim3A_416 = vector.broadcast %broadcast_in_dim3A_415 : f32 to vector<16xf32>
      %broadcast_in_dim3A_417 = arith.constant 0.000000e+00 : f32
      %broadcast_in_dim3A_418 = vector.broadcast %broadcast_in_dim3A_417 : f32 to vector<16xf32>
      %broadcast_in_dim3A_419 = arith.constant 0.000000e+00 : f32
      %broadcast_in_dim3A_420 = vector.broadcast %broadcast_in_dim3A_419 : f32 to vector<16xf32>
      %broadcast_in_dim3A_421 = arith.constant 0.000000e+00 : f32
      %broadcast_in_dim3A_422 = vector.broadcast %broadcast_in_dim3A_421 : f32 to vector<16xf32>
      %broadcast_in_dim3A_423 = arith.constant 0.000000e+00 : f32
      %broadcast_in_dim3A_424 = vector.broadcast %broadcast_in_dim3A_423 : f32 to vector<16xf32>
      %broadcast_in_dim3A_425 = arith.constant 0.000000e+00 : f32
      %broadcast_in_dim3A_426 = vector.broadcast %broadcast_in_dim3A_425 : f32 to vector<16xf32>
      %broadcast_in_dim3A_427 = arith.constant 0.000000e+00 : f32
      %broadcast_in_dim3A_428 = vector.broadcast %broadcast_in_dim3A_427 : f32 to vector<16xf32>
      %broadcast_in_dim3A_429 = arith.constant 0.000000e+00 : f32
      %broadcast_in_dim3A_430 = vector.broadcast %broadcast_in_dim3A_429 : f32 to vector<16xf32>
      %broadcast_in_dim3A_431 = arith.constant 0.000000e+00 : f32
      %broadcast_in_dim3A_432 = vector.broadcast %broadcast_in_dim3A_431 : f32 to vector<16xf32>
      %broadcast_in_dim3A_433 = arith.constant 0.000000e+00 : f32
      %broadcast_in_dim3A_434 = vector.broadcast %broadcast_in_dim3A_433 : f32 to vector<16xf32>
      %broadcast_in_dim3A_435 = arith.constant 0.000000e+00 : f32
      %broadcast_in_dim3A_436 = vector.broadcast %broadcast_in_dim3A_435 : f32 to vector<16xf32>
      %broadcast_in_dim3A_437 = arith.constant 0.000000e+00 : f32
      %broadcast_in_dim3A_438 = vector.broadcast %broadcast_in_dim3A_437 : f32 to vector<16xf32>
      %broadcast_in_dim3A_439 = arith.constant 0.000000e+00 : f32
      %broadcast_in_dim3A_440 = vector.broadcast %broadcast_in_dim3A_439 : f32 to vector<16xf32>
      %broadcast_in_dim3A_441 = arith.constant 0.000000e+00 : f32
      %broadcast_in_dim3A_442 = vector.broadcast %broadcast_in_dim3A_441 : f32 to vector<16xf32>
      %broadcast_in_dim3A_443 = arith.constant 0.000000e+00 : f32
      %broadcast_in_dim3A_444 = vector.broadcast %broadcast_in_dim3A_443 : f32 to vector<16xf32>
      %broadcast_in_dim3A_445 = arith.constant 0.000000e+00 : f32
      %broadcast_in_dim3A_446 = vector.broadcast %broadcast_in_dim3A_445 : f32 to vector<16xf32>
      %broadcast_in_dim3A_447 = arith.constant 0.000000e+00 : f32
      %broadcast_in_dim3A_448 = vector.broadcast %broadcast_in_dim3A_447 : f32 to vector<16xf32>
      %broadcast_in_dim3A_449 = arith.constant 0.000000e+00 : f32
      %broadcast_in_dim3A_450 = vector.broadcast %broadcast_in_dim3A_449 : f32 to vector<16xf32>
      %broadcast_in_dim3A_451 = arith.constant 0.000000e+00 : f32
      %broadcast_in_dim3A_452 = vector.broadcast %broadcast_in_dim3A_451 : f32 to vector<16xf32>
      %broadcast_in_dim3A_453 = arith.constant 0.000000e+00 : f32
      %broadcast_in_dim3A_454 = vector.broadcast %broadcast_in_dim3A_453 : f32 to vector<16xf32>
      %broadcast_in_dim3A_455 = arith.constant 0.000000e+00 : f32
      %broadcast_in_dim3A_456 = vector.broadcast %broadcast_in_dim3A_455 : f32 to vector<16xf32>
      %scan3A_457 = arith.constant 0 : i32
      %scan3A_458 = arith.constant 25 : i32
      %scan3A_459 = arith.addi %scan3A_457, %scan3A_458 : i32
      %scan3A_460 = arith.constant 1 : i32
      %scan3A_461:32 = scf.for %scan3A_1190 = %scan3A_457 to %scan3A_459 step %scan3A_460 iter_args(%scan3A_1191 = %broadcast_in_dim3A_394, %scan3A_1192 = %broadcast_in_dim3A_396, %scan3A_1193 = %broadcast_in_dim3A_398, %scan3A_1194 = %broadcast_in_dim3A_400, %scan3A_1195 = %broadcast_in_dim3A_402, %scan3A_1196 = %broadcast_in_dim3A_404, %scan3A_1197 = %broadcast_in_dim3A_406, %scan3A_1198 = %broadcast_in_dim3A_408, %scan3A_1199 = %broadcast_in_dim3A_410, %scan3A_1200 = %broadcast_in_dim3A_412, %scan3A_1201 = %broadcast_in_dim3A_414, %scan3A_1202 = %broadcast_in_dim3A_416, %scan3A_1203 = %broadcast_in_dim3A_418, %scan3A_1204 = %broadcast_in_dim3A_420, %scan3A_1205 = %broadcast_in_dim3A_422, %scan3A_1206 = %broadcast_in_dim3A_424, %scan3A_1207 = %broadcast_in_dim3A_426, %scan3A_1208 = %broadcast_in_dim3A_428, %scan3A_1209 = %broadcast_in_dim3A_430, %scan3A_1210 = %broadcast_in_dim3A_432, %scan3A_1211 = %broadcast_in_dim3A_434, %scan3A_1212 = %broadcast_in_dim3A_436, %scan3A_1213 = %broadcast_in_dim3A_438, %scan3A_1214 = %broadcast_in_dim3A_440, %scan3A_1215 = %broadcast_in_dim3A_442, %scan3A_1216 = %broadcast_in_dim3A_444, %scan3A_1217 = %broadcast_in_dim3A_446, %scan3A_1218 = %broadcast_in_dim3A_448, %scan3A_1219 = %broadcast_in_dim3A_450, %scan3A_1220 = %broadcast_in_dim3A_452, %scan3A_1221 = %broadcast_in_dim3A_454, %scan3A_1222 = %broadcast_in_dim3A_456) -> (vector<16xf32>, vector<16xf32>, vector<16xf32>, vector<16xf32>, vector<16xf32>, vector<16xf32>, vector<16xf32>, vector<16xf32>, vector<16xf32>, vector<16xf32>, vector<16xf32>, vector<16xf32>, vector<16xf32>, vector<16xf32>, vector<16xf32>, vector<16xf32>, vector<16xf32>, vector<16xf32>, vector<16xf32>, vector<16xf32>, vector<16xf32>, vector<16xf32>, vector<16xf32>, vector<16xf32>, vector<16xf32>, vector<16xf32>, vector<16xf32>, vector<16xf32>, vector<16xf32>, vector<16xf32>, vector<16xf32>, vector<16xf32>)  : i32 {
        %mul3A_1223 = arith.constant 8 : i32
        %mul3A_1224 = arith.muli %scan3A_1190, %mul3A_1223 : i32
        %add3A_1225 = arith.constant 0 : i32
        %add3A_1226 = arith.addi %mul3A_1224, %add3A_1225 : i32
        %get3A = arith.index_cast %add3A_1226 : i32 to index
        %get3A_1227 = arith.constant 0 : index
        %get3A_1228 = tpu.vector_load %arg6[%get3A, %get3A_1227] {strides = array<i32>} : memref<200x64xf32, #tpu.memory_space<vmem>>, vector<1x16xf32>,
        %get3A_1229 = vector.shape_cast %get3A_1228 : vector<1x16xf32> to vector<16xf32>
        %add3A_1230 = arith.addf %scan3A_1191, %get3A_1229 : vector<16xf32>
        %mul3A_1231 = arith.constant 8 : i32
        %mul3A_1232 = arith.muli %scan3A_1190, %mul3A_1231 : i32
        %add3A_1233 = arith.constant 0 : i32
        %add3A_1234 = arith.addi %mul3A_1232, %add3A_1233 : i32
        %get3A_1235 = arith.index_cast %add3A_1234 : i32 to index
        %get3A_1236 = arith.constant 16 : index
        %get3A_1237 = tpu.vector_load %arg6[%get3A_1235, %get3A_1236] {strides = array<i32>} : memref<200x64xf32, #tpu.memory_space<vmem>>, vector<1x16xf32>,
        %get3A_1238 = vector.shape_cast %get3A_1237 : vector<1x16xf32> to vector<16xf32>
        %add3A_1239 = arith.addf %scan3A_1192, %get3A_1238 : vector<16xf32>
        %mul3A_1240 = arith.constant 8 : i32
        %mul3A_1241 = arith.muli %scan3A_1190, %mul3A_1240 : i32
        %add3A_1242 = arith.constant 0 : i32
        %add3A_1243 = arith.addi %mul3A_1241, %add3A_1242 : i32
        %get3A_1244 = arith.index_cast %add3A_1243 : i32 to index
        %get3A_1245 = arith.constant 32 : index
        %get3A_1246 = tpu.vector_load %arg6[%get3A_1244, %get3A_1245] {strides = array<i32>} : memref<200x64xf32, #tpu.memory_space<vmem>>, vector<1x16xf32>,
        %get3A_1247 = vector.shape_cast %get3A_1246 : vector<1x16xf32> to vector<16xf32>
        %add3A_1248 = arith.addf %scan3A_1193, %get3A_1247 : vector<16xf32>
        %mul3A_1249 = arith.constant 8 : i32
        %mul3A_1250 = arith.muli %scan3A_1190, %mul3A_1249 : i32
        %add3A_1251 = arith.constant 0 : i32
        %add3A_1252 = arith.addi %mul3A_1250, %add3A_1251 : i32
        %get3A_1253 = arith.index_cast %add3A_1252 : i32 to index
        %get3A_1254 = arith.constant 48 : index
        %get3A_1255 = tpu.vector_load %arg6[%get3A_1253, %get3A_1254] {strides = array<i32>} : memref<200x64xf32, #tpu.memory_space<vmem>>, vector<1x16xf32>,
        %get3A_1256 = vector.shape_cast %get3A_1255 : vector<1x16xf32> to vector<16xf32>
        %add3A_1257 = arith.addf %scan3A_1194, %get3A_1256 : vector<16xf32>
        %mul3A_1258 = arith.constant 8 : i32
        %mul3A_1259 = arith.muli %scan3A_1190, %mul3A_1258 : i32
        %add3A_1260 = arith.constant 1 : i32
        %add3A_1261 = arith.addi %mul3A_1259, %add3A_1260 : i32
        %get3A_1262 = arith.index_cast %add3A_1261 : i32 to index
        %get3A_1263 = arith.constant 0 : index
        %get3A_1264 = tpu.vector_load %arg6[%get3A_1262, %get3A_1263] {strides = array<i32>} : memref<200x64xf32, #tpu.memory_space<vmem>>, vector<1x16xf32>,
        %get3A_1265 = vector.shape_cast %get3A_1264 : vector<1x16xf32> to vector<16xf32>
        %add3A_1266 = arith.addf %scan3A_1195, %get3A_1265 : vector<16xf32>
        %mul3A_1267 = arith.constant 8 : i32
        %mul3A_1268 = arith.muli %scan3A_1190, %mul3A_1267 : i32
        %add3A_1269 = arith.constant 1 : i32
        %add3A_1270 = arith.addi %mul3A_1268, %add3A_1269 : i32
        %get3A_1271 = arith.index_cast %add3A_1270 : i32 to index
        %get3A_1272 = arith.constant 16 : index
        %get3A_1273 = tpu.vector_load %arg6[%get3A_1271, %get3A_1272] {strides = array<i32>} : memref<200x64xf32, #tpu.memory_space<vmem>>, vector<1x16xf32>,
        %get3A_1274 = vector.shape_cast %get3A_1273 : vector<1x16xf32> to vector<16xf32>
        %add3A_1275 = arith.addf %scan3A_1196, %get3A_1274 : vector<16xf32>
        %mul3A_1276 = arith.constant 8 : i32
        %mul3A_1277 = arith.muli %scan3A_1190, %mul3A_1276 : i32
        %add3A_1278 = arith.constant 1 : i32
        %add3A_1279 = arith.addi %mul3A_1277, %add3A_1278 : i32
        %get3A_1280 = arith.index_cast %add3A_1279 : i32 to index
        %get3A_1281 = arith.constant 32 : index
        %get3A_1282 = tpu.vector_load %arg6[%get3A_1280, %get3A_1281] {strides = array<i32>} : memref<200x64xf32, #tpu.memory_space<vmem>>, vector<1x16xf32>,
        %get3A_1283 = vector.shape_cast %get3A_1282 : vector<1x16xf32> to vector<16xf32>
        %add3A_1284 = arith.addf %scan3A_1197, %get3A_1283 : vector<16xf32>
        %mul3A_1285 = arith.constant 8 : i32
        %mul3A_1286 = arith.muli %scan3A_1190, %mul3A_1285 : i32
        %add3A_1287 = arith.constant 1 : i32
        %add3A_1288 = arith.addi %mul3A_1286, %add3A_1287 : i32
        %get3A_1289 = arith.index_cast %add3A_1288 : i32 to index
        %get3A_1290 = arith.constant 48 : index
        %get3A_1291 = tpu.vector_load %arg6[%get3A_1289, %get3A_1290] {strides = array<i32>} : memref<200x64xf32, #tpu.memory_space<vmem>>, vector<1x16xf32>,
        %get3A_1292 = vector.shape_cast %get3A_1291 : vector<1x16xf32> to vector<16xf32>
        %add3A_1293 = arith.addf %scan3A_1198, %get3A_1292 : vector<16xf32>
        %mul3A_1294 = arith.constant 8 : i32
        %mul3A_1295 = arith.muli %scan3A_1190, %mul3A_1294 : i32
        %add3A_1296 = arith.constant 2 : i32
        %add3A_1297 = arith.addi %mul3A_1295, %add3A_1296 : i32
        %get3A_1298 = arith.index_cast %add3A_1297 : i32 to index
        %get3A_1299 = arith.constant 0 : index
        %get3A_1300 = tpu.vector_load %arg6[%get3A_1298, %get3A_1299] {strides = array<i32>} : memref<200x64xf32, #tpu.memory_space<vmem>>, vector<1x16xf32>,
        %get3A_1301 = vector.shape_cast %get3A_1300 : vector<1x16xf32> to vector<16xf32>
        %add3A_1302 = arith.addf %scan3A_1199, %get3A_1301 : vector<16xf32>
        %mul3A_1303 = arith.constant 8 : i32
        %mul3A_1304 = arith.muli %scan3A_1190, %mul3A_1303 : i32
        %add3A_1305 = arith.constant 2 : i32
        %add3A_1306 = arith.addi %mul3A_1304, %add3A_1305 : i32
        %get3A_1307 = arith.index_cast %add3A_1306 : i32 to index
        %get3A_1308 = arith.constant 16 : index
        %get3A_1309 = tpu.vector_load %arg6[%get3A_1307, %get3A_1308] {strides = array<i32>} : memref<200x64xf32, #tpu.memory_space<vmem>>, vector<1x16xf32>,
        %get3A_1310 = vector.shape_cast %get3A_1309 : vector<1x16xf32> to vector<16xf32>
        %add3A_1311 = arith.addf %scan3A_1200, %get3A_1310 : vector<16xf32>
        %mul3A_1312 = arith.constant 8 : i32
        %mul3A_1313 = arith.muli %scan3A_1190, %mul3A_1312 : i32
        %add3A_1314 = arith.constant 2 : i32
        %add3A_1315 = arith.addi %mul3A_1313, %add3A_1314 : i32
        %get3A_1316 = arith.index_cast %add3A_1315 : i32 to index
        %get3A_1317 = arith.constant 32 : index
        %get3A_1318 = tpu.vector_load %arg6[%get3A_1316, %get3A_1317] {strides = array<i32>} : memref<200x64xf32, #tpu.memory_space<vmem>>, vector<1x16xf32>,
        %get3A_1319 = vector.shape_cast %get3A_1318 : vector<1x16xf32> to vector<16xf32>
        %add3A_1320 = arith.addf %scan3A_1201, %get3A_1319 : vector<16xf32>
        %mul3A_1321 = arith.constant 8 : i32
        %mul3A_1322 = arith.muli %scan3A_1190, %mul3A_1321 : i32
        %add3A_1323 = arith.constant 2 : i32
        %add3A_1324 = arith.addi %mul3A_1322, %add3A_1323 : i32
        %get3A_1325 = arith.index_cast %add3A_1324 : i32 to index
        %get3A_1326 = arith.constant 48 : index
        %get3A_1327 = tpu.vector_load %arg6[%get3A_1325, %get3A_1326] {strides = array<i32>} : memref<200x64xf32, #tpu.memory_space<vmem>>, vector<1x16xf32>,
        %get3A_1328 = vector.shape_cast %get3A_1327 : vector<1x16xf32> to vector<16xf32>
        %add3A_1329 = arith.addf %scan3A_1202, %get3A_1328 : vector<16xf32>
        %mul3A_1330 = arith.constant 8 : i32
        %mul3A_1331 = arith.muli %scan3A_1190, %mul3A_1330 : i32
        %add3A_1332 = arith.constant 3 : i32
        %add3A_1333 = arith.addi %mul3A_1331, %add3A_1332 : i32
        %get3A_1334 = arith.index_cast %add3A_1333 : i32 to index
        %get3A_1335 = arith.constant 0 : index
        %get3A_1336 = tpu.vector_load %arg6[%get3A_1334, %get3A_1335] {strides = array<i32>} : memref<200x64xf32, #tpu.memory_space<vmem>>, vector<1x16xf32>,
        %get3A_1337 = vector.shape_cast %get3A_1336 : vector<1x16xf32> to vector<16xf32>
        %add3A_1338 = arith.addf %scan3A_1203, %get3A_1337 : vector<16xf32>
        %mul3A_1339 = arith.constant 8 : i32
        %mul3A_1340 = arith.muli %scan3A_1190, %mul3A_1339 : i32
        %add3A_1341 = arith.constant 3 : i32
        %add3A_1342 = arith.addi %mul3A_1340, %add3A_1341 : i32
        %get3A_1343 = arith.index_cast %add3A_1342 : i32 to index
        %get3A_1344 = arith.constant 16 : index
        %get3A_1345 = tpu.vector_load %arg6[%get3A_1343, %get3A_1344] {strides = array<i32>} : memref<200x64xf32, #tpu.memory_space<vmem>>, vector<1x16xf32>,
        %get3A_1346 = vector.shape_cast %get3A_1345 : vector<1x16xf32> to vector<16xf32>
        %add3A_1347 = arith.addf %scan3A_1204, %get3A_1346 : vector<16xf32>
        %mul3A_1348 = arith.constant 8 : i32
        %mul3A_1349 = arith.muli %scan3A_1190, %mul3A_1348 : i32
        %add3A_1350 = arith.constant 3 : i32
        %add3A_1351 = arith.addi %mul3A_1349, %add3A_1350 : i32
        %get3A_1352 = arith.index_cast %add3A_1351 : i32 to index
        %get3A_1353 = arith.constant 32 : index
        %get3A_1354 = tpu.vector_load %arg6[%get3A_1352, %get3A_1353] {strides = array<i32>} : memref<200x64xf32, #tpu.memory_space<vmem>>, vector<1x16xf32>,
        %get3A_1355 = vector.shape_cast %get3A_1354 : vector<1x16xf32> to vector<16xf32>
        %add3A_1356 = arith.addf %scan3A_1205, %get3A_1355 : vector<16xf32>
        %mul3A_1357 = arith.constant 8 : i32
        %mul3A_1358 = arith.muli %scan3A_1190, %mul3A_1357 : i32
        %add3A_1359 = arith.constant 3 : i32
        %add3A_1360 = arith.addi %mul3A_1358, %add3A_1359 : i32
        %get3A_1361 = arith.index_cast %add3A_1360 : i32 to index
        %get3A_1362 = arith.constant 48 : index
        %get3A_1363 = tpu.vector_load %arg6[%get3A_1361, %get3A_1362] {strides = array<i32>} : memref<200x64xf32, #tpu.memory_space<vmem>>, vector<1x16xf32>,
        %get3A_1364 = vector.shape_cast %get3A_1363 : vector<1x16xf32> to vector<16xf32>
        %add3A_1365 = arith.addf %scan3A_1206, %get3A_1364 : vector<16xf32>
        %mul3A_1366 = arith.constant 8 : i32
        %mul3A_1367 = arith.muli %scan3A_1190, %mul3A_1366 : i32
        %add3A_1368 = arith.constant 4 : i32
        %add3A_1369 = arith.addi %mul3A_1367, %add3A_1368 : i32
        %get3A_1370 = arith.index_cast %add3A_1369 : i32 to index
        %get3A_1371 = arith.constant 0 : index
        %get3A_1372 = tpu.vector_load %arg6[%get3A_1370, %get3A_1371] {strides = array<i32>} : memref<200x64xf32, #tpu.memory_space<vmem>>, vector<1x16xf32>,
        %get3A_1373 = vector.shape_cast %get3A_1372 : vector<1x16xf32> to vector<16xf32>
        %add3A_1374 = arith.addf %scan3A_1207, %get3A_1373 : vector<16xf32>
        %mul3A_1375 = arith.constant 8 : i32
        %mul3A_1376 = arith.muli %scan3A_1190, %mul3A_1375 : i32
        %add3A_1377 = arith.constant 4 : i32
        %add3A_1378 = arith.addi %mul3A_1376, %add3A_1377 : i32
        %get3A_1379 = arith.index_cast %add3A_1378 : i32 to index
        %get3A_1380 = arith.constant 16 : index
        %get3A_1381 = tpu.vector_load %arg6[%get3A_1379, %get3A_1380] {strides = array<i32>} : memref<200x64xf32, #tpu.memory_space<vmem>>, vector<1x16xf32>,
        %get3A_1382 = vector.shape_cast %get3A_1381 : vector<1x16xf32> to vector<16xf32>
        %add3A_1383 = arith.addf %scan3A_1208, %get3A_1382 : vector<16xf32>
        %mul3A_1384 = arith.constant 8 : i32
        %mul3A_1385 = arith.muli %scan3A_1190, %mul3A_1384 : i32
        %add3A_1386 = arith.constant 4 : i32
        %add3A_1387 = arith.addi %mul3A_1385, %add3A_1386 : i32
        %get3A_1388 = arith.index_cast %add3A_1387 : i32 to index
        %get3A_1389 = arith.constant 32 : index
        %get3A_1390 = tpu.vector_load %arg6[%get3A_1388, %get3A_1389] {strides = array<i32>} : memref<200x64xf32, #tpu.memory_space<vmem>>, vector<1x16xf32>,
        %get3A_1391 = vector.shape_cast %get3A_1390 : vector<1x16xf32> to vector<16xf32>
        %add3A_1392 = arith.addf %scan3A_1209, %get3A_1391 : vector<16xf32>
        %mul3A_1393 = arith.constant 8 : i32
        %mul3A_1394 = arith.muli %scan3A_1190, %mul3A_1393 : i32
        %add3A_1395 = arith.constant 4 : i32
        %add3A_1396 = arith.addi %mul3A_1394, %add3A_1395 : i32
        %get3A_1397 = arith.index_cast %add3A_1396 : i32 to index
        %get3A_1398 = arith.constant 48 : index
        %get3A_1399 = tpu.vector_load %arg6[%get3A_1397, %get3A_1398] {strides = array<i32>} : memref<200x64xf32, #tpu.memory_space<vmem>>, vector<1x16xf32>,
        %get3A_1400 = vector.shape_cast %get3A_1399 : vector<1x16xf32> to vector<16xf32>
        %add3A_1401 = arith.addf %scan3A_1210, %get3A_1400 : vector<16xf32>
        %mul3A_1402 = arith.constant 8 : i32
        %mul3A_1403 = arith.muli %scan3A_1190, %mul3A_1402 : i32
        %add3A_1404 = arith.constant 5 : i32
        %add3A_1405 = arith.addi %mul3A_1403, %add3A_1404 : i32
        %get3A_1406 = arith.index_cast %add3A_1405 : i32 to index
        %get3A_1407 = arith.constant 0 : index
        %get3A_1408 = tpu.vector_load %arg6[%get3A_1406, %get3A_1407] {strides = array<i32>} : memref<200x64xf32, #tpu.memory_space<vmem>>, vector<1x16xf32>,
        %get3A_1409 = vector.shape_cast %get3A_1408 : vector<1x16xf32> to vector<16xf32>
        %add3A_1410 = arith.addf %scan3A_1211, %get3A_1409 : vector<16xf32>
        %mul3A_1411 = arith.constant 8 : i32
        %mul3A_1412 = arith.muli %scan3A_1190, %mul3A_1411 : i32
        %add3A_1413 = arith.constant 5 : i32
        %add3A_1414 = arith.addi %mul3A_1412, %add3A_1413 : i32
        %get3A_1415 = arith.index_cast %add3A_1414 : i32 to index
        %get3A_1416 = arith.constant 16 : index
        %get3A_1417 = tpu.vector_load %arg6[%get3A_1415, %get3A_1416] {strides = array<i32>} : memref<200x64xf32, #tpu.memory_space<vmem>>, vector<1x16xf32>,
        %get3A_1418 = vector.shape_cast %get3A_1417 : vector<1x16xf32> to vector<16xf32>
        %add3A_1419 = arith.addf %scan3A_1212, %get3A_1418 : vector<16xf32>
        %mul3A_1420 = arith.constant 8 : i32
        %mul3A_1421 = arith.muli %scan3A_1190, %mul3A_1420 : i32
        %add3A_1422 = arith.constant 5 : i32
        %add3A_1423 = arith.addi %mul3A_1421, %add3A_1422 : i32
        %get3A_1424 = arith.index_cast %add3A_1423 : i32 to index
        %get3A_1425 = arith.constant 32 : index
        %get3A_1426 = tpu.vector_load %arg6[%get3A_1424, %get3A_1425] {strides = array<i32>} : memref<200x64xf32, #tpu.memory_space<vmem>>, vector<1x16xf32>,
        %get3A_1427 = vector.shape_cast %get3A_1426 : vector<1x16xf32> to vector<16xf32>
        %add3A_1428 = arith.addf %scan3A_1213, %get3A_1427 : vector<16xf32>
        %mul3A_1429 = arith.constant 8 : i32
        %mul3A_1430 = arith.muli %scan3A_1190, %mul3A_1429 : i32
        %add3A_1431 = arith.constant 5 : i32
        %add3A_1432 = arith.addi %mul3A_1430, %add3A_1431 : i32
        %get3A_1433 = arith.index_cast %add3A_1432 : i32 to index
        %get3A_1434 = arith.constant 48 : index
        %get3A_1435 = tpu.vector_load %arg6[%get3A_1433, %get3A_1434] {strides = array<i32>} : memref<200x64xf32, #tpu.memory_space<vmem>>, vector<1x16xf32>,
        %get3A_1436 = vector.shape_cast %get3A_1435 : vector<1x16xf32> to vector<16xf32>
        %add3A_1437 = arith.addf %scan3A_1214, %get3A_1436 : vector<16xf32>
        %mul3A_1438 = arith.constant 8 : i32
        %mul3A_1439 = arith.muli %scan3A_1190, %mul3A_1438 : i32
        %add3A_1440 = arith.constant 6 : i32
        %add3A_1441 = arith.addi %mul3A_1439, %add3A_1440 : i32
        %get3A_1442 = arith.index_cast %add3A_1441 : i32 to index
        %get3A_1443 = arith.constant 0 : index
        %get3A_1444 = tpu.vector_load %arg6[%get3A_1442, %get3A_1443] {strides = array<i32>} : memref<200x64xf32, #tpu.memory_space<vmem>>, vector<1x16xf32>,
        %get3A_1445 = vector.shape_cast %get3A_1444 : vector<1x16xf32> to vector<16xf32>
        %add3A_1446 = arith.addf %scan3A_1215, %get3A_1445 : vector<16xf32>
        %mul3A_1447 = arith.constant 8 : i32
        %mul3A_1448 = arith.muli %scan3A_1190, %mul3A_1447 : i32
        %add3A_1449 = arith.constant 6 : i32
        %add3A_1450 = arith.addi %mul3A_1448, %add3A_1449 : i32
        %get3A_1451 = arith.index_cast %add3A_1450 : i32 to index
        %get3A_1452 = arith.constant 16 : index
        %get3A_1453 = tpu.vector_load %arg6[%get3A_1451, %get3A_1452] {strides = array<i32>} : memref<200x64xf32, #tpu.memory_space<vmem>>, vector<1x16xf32>,
        %get3A_1454 = vector.shape_cast %get3A_1453 : vector<1x16xf32> to vector<16xf32>
        %add3A_1455 = arith.addf %scan3A_1216, %get3A_1454 : vector<16xf32>
        %mul3A_1456 = arith.constant 8 : i32
        %mul3A_1457 = arith.muli %scan3A_1190, %mul3A_1456 : i32
        %add3A_1458 = arith.constant 6 : i32
        %add3A_1459 = arith.addi %mul3A_1457, %add3A_1458 : i32
        %get3A_1460 = arith.index_cast %add3A_1459 : i32 to index
        %get3A_1461 = arith.constant 32 : index
        %get3A_1462 = tpu.vector_load %arg6[%get3A_1460, %get3A_1461] {strides = array<i32>} : memref<200x64xf32, #tpu.memory_space<vmem>>, vector<1x16xf32>,
        %get3A_1463 = vector.shape_cast %get3A_1462 : vector<1x16xf32> to vector<16xf32>
        %add3A_1464 = arith.addf %scan3A_1217, %get3A_1463 : vector<16xf32>
        %mul3A_1465 = arith.constant 8 : i32
        %mul3A_1466 = arith.muli %scan3A_1190, %mul3A_1465 : i32
        %add3A_1467 = arith.constant 6 : i32
        %add3A_1468 = arith.addi %mul3A_1466, %add3A_1467 : i32
        %get3A_1469 = arith.index_cast %add3A_1468 : i32 to index
        %get3A_1470 = arith.constant 48 : index
        %get3A_1471 = tpu.vector_load %arg6[%get3A_1469, %get3A_1470] {strides = array<i32>} : memref<200x64xf32, #tpu.memory_space<vmem>>, vector<1x16xf32>,
        %get3A_1472 = vector.shape_cast %get3A_1471 : vector<1x16xf32> to vector<16xf32>
        %add3A_1473 = arith.addf %scan3A_1218, %get3A_1472 : vector<16xf32>
        %mul3A_1474 = arith.constant 8 : i32
        %mul3A_1475 = arith.muli %scan3A_1190, %mul3A_1474 : i32
        %add3A_1476 = arith.constant 7 : i32
        %add3A_1477 = arith.addi %mul3A_1475, %add3A_1476 : i32
        %get3A_1478 = arith.index_cast %add3A_1477 : i32 to index
        %get3A_1479 = arith.constant 0 : index
        %get3A_1480 = tpu.vector_load %arg6[%get3A_1478, %get3A_1479] {strides = array<i32>} : memref<200x64xf32, #tpu.memory_space<vmem>>, vector<1x16xf32>,
        %get3A_1481 = vector.shape_cast %get3A_1480 : vector<1x16xf32> to vector<16xf32>
        %add3A_1482 = arith.addf %scan3A_1219, %get3A_1481 : vector<16xf32>
        %mul3A_1483 = arith.constant 8 : i32
        %mul3A_1484 = arith.muli %scan3A_1190, %mul3A_1483 : i32
        %add3A_1485 = arith.constant 7 : i32
        %add3A_1486 = arith.addi %mul3A_1484, %add3A_1485 : i32
        %get3A_1487 = arith.index_cast %add3A_1486 : i32 to index
        %get3A_1488 = arith.constant 16 : index
        %get3A_1489 = tpu.vector_load %arg6[%get3A_1487, %get3A_1488] {strides = array<i32>} : memref<200x64xf32, #tpu.memory_space<vmem>>, vector<1x16xf32>,
        %get3A_1490 = vector.shape_cast %get3A_1489 : vector<1x16xf32> to vector<16xf32>
        %add3A_1491 = arith.addf %scan3A_1220, %get3A_1490 : vector<16xf32>
        %mul3A_1492 = arith.constant 8 : i32
        %mul3A_1493 = arith.muli %scan3A_1190, %mul3A_1492 : i32
        %add3A_1494 = arith.constant 7 : i32
        %add3A_1495 = arith.addi %mul3A_1493, %add3A_1494 : i32
        %get3A_1496 = arith.index_cast %add3A_1495 : i32 to index
        %get3A_1497 = arith.constant 32 : index
        %get3A_1498 = tpu.vector_load %arg6[%get3A_1496, %get3A_1497] {strides = array<i32>} : memref<200x64xf32, #tpu.memory_space<vmem>>, vector<1x16xf32>,
        %get3A_1499 = vector.shape_cast %get3A_1498 : vector<1x16xf32> to vector<16xf32>
        %add3A_1500 = arith.addf %scan3A_1221, %get3A_1499 : vector<16xf32>
        %mul3A_1501 = arith.constant 8 : i32
        %mul3A_1502 = arith.muli %scan3A_1190, %mul3A_1501 : i32
        %add3A_1503 = arith.constant 7 : i32
        %add3A_1504 = arith.addi %mul3A_1502, %add3A_1503 : i32
        %get3A_1505 = arith.index_cast %add3A_1504 : i32 to index
        %get3A_1506 = arith.constant 48 : index
        %get3A_1507 = tpu.vector_load %arg6[%get3A_1505, %get3A_1506] {strides = array<i32>} : memref<200x64xf32, #tpu.memory_space<vmem>>, vector<1x16xf32>,
        %get3A_1508 = vector.shape_cast %get3A_1507 : vector<1x16xf32> to vector<16xf32>
        %add3A_1509 = arith.addf %scan3A_1222, %get3A_1508 : vector<16xf32>
        scf.yield %add3A_1230, %add3A_1239, %add3A_1248, %add3A_1257, %add3A_1266, %add3A_1275, %add3A_1284, %add3A_1293, %add3A_1302, %add3A_1311, %add3A_1320, %add3A_1329, %add3A_1338, %add3A_1347, %add3A_1356, %add3A_1365, %add3A_1374, %add3A_1383, %add3A_1392, %add3A_1401, %add3A_1410, %add3A_1419, %add3A_1428, %add3A_1437, %add3A_1446, %add3A_1455, %add3A_1464, %add3A_1473, %add3A_1482, %add3A_1491, %add3A_1500, %add3A_1509 : vector<16xf32>, vector<16xf32>, vector<16xf32>, vector<16xf32>, vector<16xf32>, vector<16xf32>, vector<16xf32>, vector<16xf32>, vector<16xf32>, vector<16xf32>, vector<16xf32>, vector<16xf32>, vector<16xf32>, vector<16xf32>, vector<16xf32>, vector<16xf32>, vector<16xf32>, vector<16xf32>, vector<16xf32>, vector<16xf32>, vector<16xf32>, vector<16xf32>, vector<16xf32>, vector<16xf32>, vector<16xf32>, vector<16xf32>, vector<16xf32>, vector<16xf32>, vector<16xf32>, vector<16xf32>, vector<16xf32>, vector<16xf32>
      }
      %scan3A_462 = arith.constant 25 : i32
      %add3A_463 = arith.addf %scan3A_461#0, %scan3A_461#16 : vector<16xf32>
      %add3A_464 = arith.addf %scan3A_461#4, %scan3A_461#20 : vector<16xf32>
      %add3A_465 = arith.addf %scan3A_461#8, %scan3A_461#24 : vector<16xf32>
      %add3A_466 = arith.addf %scan3A_461#12, %scan3A_461#28 : vector<16xf32>
      %add3A_467 = arith.addf %add3A_463, %add3A_465 : vector<16xf32>
      %add3A_468 = arith.addf %add3A_464, %add3A_466 : vector<16xf32>
      %add3A_469 = arith.addf %add3A_467, %add3A_468 : vector<16xf32>
      %swap3A_470 = arith.index_cast %add3A_386 : i32 to index
      %swap3A_471 = arith.constant 0 : index
      %swap3A_472 = tpu.vector_load %arg12[%swap3A_470, %swap3A_471] {strides = array<i32>} : memref<128x64xf32, #tpu.memory_space<vmem>>, vector<1x16xf32>,
      %swap3A_473 = vector.shape_cast %swap3A_472 : vector<1x16xf32> to vector<16xf32>
      %swap3A_474 = vector.shape_cast %add3A_469 : vector<16xf32> to vector<1x16xf32>
      tpu.vector_store %arg12[%swap3A_470, %swap3A_471], %swap3A_474 {strides = array<i32>} : memref<128x64xf32, #tpu.memory_space<vmem>>, vector<1x16xf32>,
      %add3A_475 = arith.addf %scan3A_461#1, %scan3A_461#17 : vector<16xf32>
      %add3A_476 = arith.addf %scan3A_461#5, %scan3A_461#21 : vector<16xf32>
      %add3A_477 = arith.addf %scan3A_461#9, %scan3A_461#25 : vector<16xf32>
      %add3A_478 = arith.addf %scan3A_461#13, %scan3A_461#29 : vector<16xf32>
      %add3A_479 = arith.addf %add3A_475, %add3A_477 : vector<16xf32>
      %add3A_480 = arith.addf %add3A_476, %add3A_478 : vector<16xf32>
      %add3A_481 = arith.addf %add3A_479, %add3A_480 : vector<16xf32>
      %swap3A_482 = arith.index_cast %add3A_386 : i32 to index
      %swap3A_483 = arith.constant 16 : index
      %swap3A_484 = tpu.vector_load %arg12[%swap3A_482, %swap3A_483] {strides = array<i32>} : memref<128x64xf32, #tpu.memory_space<vmem>>, vector<1x16xf32>,
      %swap3A_485 = vector.shape_cast %swap3A_484 : vector<1x16xf32> to vector<16xf32>
      %swap3A_486 = vector.shape_cast %add3A_481 : vector<16xf32> to vector<1x16xf32>
      tpu.vector_store %arg12[%swap3A_482, %swap3A_483], %swap3A_486 {strides = array<i32>} : memref<128x64xf32, #tpu.memory_space<vmem>>, vector<1x16xf32>,
      %add3A_487 = arith.addf %scan3A_461#2, %scan3A_461#18 : vector<16xf32>
      %add3A_488 = arith.addf %scan3A_461#6, %scan3A_461#22 : vector<16xf32>
      %add3A_489 = arith.addf %scan3A_461#10, %scan3A_461#26 : vector<16xf32>
      %add3A_490 = arith.addf %scan3A_461#14, %scan3A_461#30 : vector<16xf32>
      %add3A_491 = arith.addf %add3A_487, %add3A_489 : vector<16xf32>
      %add3A_492 = arith.addf %add3A_488, %add3A_490 : vector<16xf32>
      %add3A_493 = arith.addf %add3A_491, %add3A_492 : vector<16xf32>
      %swap3A_494 = arith.index_cast %add3A_386 : i32 to index
      %swap3A_495 = arith.constant 32 : index
      %swap3A_496 = tpu.vector_load %arg12[%swap3A_494, %swap3A_495] {strides = array<i32>} : memref<128x64xf32, #tpu.memory_space<vmem>>, vector<1x16xf32>,
      %swap3A_497 = vector.shape_cast %swap3A_496 : vector<1x16xf32> to vector<16xf32>
      %swap3A_498 = vector.shape_cast %add3A_493 : vector<16xf32> to vector<1x16xf32>
      tpu.vector_store %arg12[%swap3A_494, %swap3A_495], %swap3A_498 {strides = array<i32>} : memref<128x64xf32, #tpu.memory_space<vmem>>, vector<1x16xf32>,
      %add3A_499 = arith.addf %scan3A_461#3, %scan3A_461#19 : vector<16xf32>
      %add3A_500 = arith.addf %scan3A_461#7, %scan3A_461#23 : vector<16xf32>
      %add3A_501 = arith.addf %scan3A_461#11, %scan3A_461#27 : vector<16xf32>
      %add3A_502 = arith.addf %scan3A_461#15, %scan3A_461#31 : vector<16xf32>
      %add3A_503 = arith.addf %add3A_499, %add3A_501 : vector<16xf32>
      %add3A_504 = arith.addf %add3A_500, %add3A_502 : vector<16xf32>
      %add3A_505 = arith.addf %add3A_503, %add3A_504 : vector<16xf32>
      %swap3A_506 = arith.index_cast %add3A_386 : i32 to index
      %swap3A_507 = arith.constant 48 : index
      %swap3A_508 = tpu.vector_load %arg12[%swap3A_506, %swap3A_507] {strides = array<i32>} : memref<128x64xf32, #tpu.memory_space<vmem>>, vector<1x16xf32>,
      %swap3A_509 = vector.shape_cast %swap3A_508 : vector<1x16xf32> to vector<16xf32>
      %swap3A_510 = vector.shape_cast %add3A_505 : vector<16xf32> to vector<1x16xf32>
      tpu.vector_store %arg12[%swap3A_506, %swap3A_507], %swap3A_510 {strides = array<i32>} : memref<128x64xf32, #tpu.memory_space<vmem>>, vector<1x16xf32>,
      %add3A_511 = arith.constant 6 : i32
      %add3A_512 = arith.addi %add3A_386, %add3A_511 : i32
      %lt3A = arith.constant 128 : i32
      %lt3A_513 = arith.cmpi slt, %add3A_512, %lt3A : i32
      %convert_element_type3A = arith.extui %lt3A_513 : i1 to i32
      %cond3A = arith.constant 0 : i32
      %cond3A_514 = arith.cmpi ne, %convert_element_type3A, %cond3A : i32
      scf.if %cond3A_514 {
        %dma_start3A_1190 = arith.constant 0 : i32
        %dma_start3A_1191 = arith.constant 0 : i32
        %dma_start3A_1192 = tpu.memref_slice %arg6[%dma_start3A_1190, %dma_start3A_1191] : memref<200x64xf32, #tpu.memory_space<vmem>> -> memref<128x64xf32, #tpu.memory_space<vmem>>
        %dma_start3A_1193 = arith.constant 0 : i32
        %dma_start3A_1194 = tpu.memref_slice %arg5[%add3A_512, %dma_start3A_1193] : memref<128x200xi32, #tpu.memory_space<vmem>> -> memref<1x128xi32, #tpu.memory_space<vmem>>
        %dma_start3A_1195 = tpu.memref_squeeze %dma_start3A_1194 : memref<1x128xi32, #tpu.memory_space<vmem>> -> memref<128xi32, #tpu.memory_space<vmem>>
        %dma_start3A_1196 = arith.constant 0 : i32
        %dma_start3A_1197 = arith.constant 0 : i32
        %dma_start3A_1198 = tpu.memref_slice %arg3[%dma_start3A_1196, %dma_start3A_1197] : memref<1015808x64xf32, #tpu.memory_space<hbm>> -> memref<1015808x64xf32, #tpu.memory_space<hbm>>
        tpu.enqueue_indirect_dma source(%dma_start3A_1198 : memref<1015808x64xf32, #tpu.memory_space<hbm>>) target(%dma_start3A_1192 : memref<128x64xf32, #tpu.memory_space<vmem>>) offsets(%dma_start3A_1195 : memref<128xi32, #tpu.memory_space<vmem>>) semaphore(%arg13 : memref<!tpu.dma_semaphore, #tpu.memory_space<semaphore_mem>>)
        %dma_start3A_1199 = arith.constant 128 : i32
        %dma_start3A_1200 = arith.constant 0 : i32
        %dma_start3A_1201 = tpu.memref_slice %arg6[%dma_start3A_1199, %dma_start3A_1200] : memref<200x64xf32, #tpu.memory_space<vmem>> -> memref<72x64xf32, #tpu.memory_space<vmem>>
        %dma_start3A_1202 = arith.constant 128 : i32
        %dma_start3A_1203 = tpu.memref_slice %arg5[%add3A_512, %dma_start3A_1202] : memref<128x200xi32, #tpu.memory_space<vmem>> -> memref<1x72xi32, #tpu.memory_space<vmem>>
        %dma_start3A_1204 = tpu.memref_squeeze %dma_start3A_1203 : memref<1x72xi32, #tpu.memory_space<vmem>> -> memref<72xi32, #tpu.memory_space<vmem>>
        %dma_start3A_1205 = arith.constant 0 : i32
        %dma_start3A_1206 = arith.constant 0 : i32
        %dma_start3A_1207 = tpu.memref_slice %arg3[%dma_start3A_1205, %dma_start3A_1206] : memref<1015808x64xf32, #tpu.memory_space<hbm>> -> memref<1015808x64xf32, #tpu.memory_space<hbm>>
        tpu.enqueue_indirect_dma source(%dma_start3A_1207 : memref<1015808x64xf32, #tpu.memory_space<hbm>>) target(%dma_start3A_1201 : memref<72x64xf32, #tpu.memory_space<vmem>>) offsets(%dma_start3A_1204 : memref<72xi32, #tpu.memory_space<vmem>>) semaphore(%arg13 : memref<!tpu.dma_semaphore, #tpu.memory_space<semaphore_mem>>)
      } else {
      }
      %mul3A_515 = arith.constant 6 : i32
      %mul3A_516 = arith.muli %mul3A_515, %scan3A_382 : i32
      %add3A_517 = arith.constant 1 : i32
      %add3A_518 = arith.addi %mul3A_516, %add3A_517 : i32
      %dma_wait3A_519 = arith.constant 0 : i32
      %dma_wait3A_520 = arith.constant 0 : i32
      %dma_wait3A_521 = tpu.memref_slice %arg3[%dma_wait3A_519, %dma_wait3A_520] : memref<1015808x64xf32, #tpu.memory_space<hbm>> -> memref<200x64xf32, #tpu.memory_space<hbm>>
      %dma_wait3A_522 = arith.constant 0 : i32
      %dma_wait3A_523 = arith.constant 0 : i32
      %dma_wait3A_524 = tpu.memref_slice %arg3[%dma_wait3A_522, %dma_wait3A_523] : memref<1015808x64xf32, #tpu.memory_space<hbm>> -> memref<200x64xf32, #tpu.memory_space<hbm>>
      tpu.wait_dma2 semaphore(%arg14 : memref<!tpu.dma_semaphore, #tpu.memory_space<semaphore_mem>>) src(%dma_wait3A_524 : memref<200x64xf32, #tpu.memory_space<hbm>>) dst(%arg7 : memref<200x64xf32, #tpu.memory_space<vmem>>)
      %broadcast_in_dim3A_525 = arith.constant 0.000000e+00 : f32
      %broadcast_in_dim3A_526 = vector.broadcast %broadcast_in_dim3A_525 : f32 to vector<16xf32>
      %broadcast_in_dim3A_527 = arith.constant 0.000000e+00 : f32
      %broadcast_in_dim3A_528 = vector.broadcast %broadcast_in_dim3A_527 : f32 to vector<16xf32>
      %broadcast_in_dim3A_529 = arith.constant 0.000000e+00 : f32
      %broadcast_in_dim3A_530 = vector.broadcast %broadcast_in_dim3A_529 : f32 to vector<16xf32>
      %broadcast_in_dim3A_531 = arith.constant 0.000000e+00 : f32
      %broadcast_in_dim3A_532 = vector.broadcast %broadcast_in_dim3A_531 : f32 to vector<16xf32>
      %broadcast_in_dim3A_533 = arith.constant 0.000000e+00 : f32
      %broadcast_in_dim3A_534 = vector.broadcast %broadcast_in_dim3A_533 : f32 to vector<16xf32>
      %broadcast_in_dim3A_535 = arith.constant 0.000000e+00 : f32
      %broadcast_in_dim3A_536 = vector.broadcast %broadcast_in_dim3A_535 : f32 to vector<16xf32>
      %broadcast_in_dim3A_537 = arith.constant 0.000000e+00 : f32
      %broadcast_in_dim3A_538 = vector.broadcast %broadcast_in_dim3A_537 : f32 to vector<16xf32>
      %broadcast_in_dim3A_539 = arith.constant 0.000000e+00 : f32
      %broadcast_in_dim3A_540 = vector.broadcast %broadcast_in_dim3A_539 : f32 to vector<16xf32>
      %broadcast_in_dim3A_541 = arith.constant 0.000000e+00 : f32
      %broadcast_in_dim3A_542 = vector.broadcast %broadcast_in_dim3A_541 : f32 to vector<16xf32>
      %broadcast_in_dim3A_543 = arith.constant 0.000000e+00 : f32
      %broadcast_in_dim3A_544 = vector.broadcast %broadcast_in_dim3A_543 : f32 to vector<16xf32>
      %broadcast_in_dim3A_545 = arith.constant 0.000000e+00 : f32
      %broadcast_in_dim3A_546 = vector.broadcast %broadcast_in_dim3A_545 : f32 to vector<16xf32>
      %broadcast_in_dim3A_547 = arith.constant 0.000000e+00 : f32
      %broadcast_in_dim3A_548 = vector.broadcast %broadcast_in_dim3A_547 : f32 to vector<16xf32>
      %broadcast_in_dim3A_549 = arith.constant 0.000000e+00 : f32
      %broadcast_in_dim3A_550 = vector.broadcast %broadcast_in_dim3A_549 : f32 to vector<16xf32>
      %broadcast_in_dim3A_551 = arith.constant 0.000000e+00 : f32
      %broadcast_in_dim3A_552 = vector.broadcast %broadcast_in_dim3A_551 : f32 to vector<16xf32>
      %broadcast_in_dim3A_553 = arith.constant 0.000000e+00 : f32
      %broadcast_in_dim3A_554 = vector.broadcast %broadcast_in_dim3A_553 : f32 to vector<16xf32>
      %broadcast_in_dim3A_555 = arith.constant 0.000000e+00 : f32
      %broadcast_in_dim3A_556 = vector.broadcast %broadcast_in_dim3A_555 : f32 to vector<16xf32>
      %broadcast_in_dim3A_557 = arith.constant 0.000000e+00 : f32
      %broadcast_in_dim3A_558 = vector.broadcast %broadcast_in_dim3A_557 : f32 to vector<16xf32>
      %broadcast_in_dim3A_559 = arith.constant 0.000000e+00 : f32
      %broadcast_in_dim3A_560 = vector.broadcast %broadcast_in_dim3A_559 : f32 to vector<16xf32>
      %broadcast_in_dim3A_561 = arith.constant 0.000000e+00 : f32
      %broadcast_in_dim3A_562 = vector.broadcast %broadcast_in_dim3A_561 : f32 to vector<16xf32>
      %broadcast_in_dim3A_563 = arith.constant 0.000000e+00 : f32
      %broadcast_in_dim3A_564 = vector.broadcast %broadcast_in_dim3A_563 : f32 to vector<16xf32>
      %broadcast_in_dim3A_565 = arith.constant 0.000000e+00 : f32
      %broadcast_in_dim3A_566 = vector.broadcast %broadcast_in_dim3A_565 : f32 to vector<16xf32>
      %broadcast_in_dim3A_567 = arith.constant 0.000000e+00 : f32
      %broadcast_in_dim3A_568 = vector.broadcast %broadcast_in_dim3A_567 : f32 to vector<16xf32>
      %broadcast_in_dim3A_569 = arith.constant 0.000000e+00 : f32
      %broadcast_in_dim3A_570 = vector.broadcast %broadcast_in_dim3A_569 : f32 to vector<16xf32>
      %broadcast_in_dim3A_571 = arith.constant 0.000000e+00 : f32
      %broadcast_in_dim3A_572 = vector.broadcast %broadcast_in_dim3A_571 : f32 to vector<16xf32>
      %broadcast_in_dim3A_573 = arith.constant 0.000000e+00 : f32
      %broadcast_in_dim3A_574 = vector.broadcast %broadcast_in_dim3A_573 : f32 to vector<16xf32>
      %broadcast_in_dim3A_575 = arith.constant 0.000000e+00 : f32
      %broadcast_in_dim3A_576 = vector.broadcast %broadcast_in_dim3A_575 : f32 to vector<16xf32>
      %broadcast_in_dim3A_577 = arith.constant 0.000000e+00 : f32
      %broadcast_in_dim3A_578 = vector.broadcast %broadcast_in_dim3A_577 : f32 to vector<16xf32>
      %broadcast_in_dim3A_579 = arith.constant 0.000000e+00 : f32
      %broadcast_in_dim3A_580 = vector.broadcast %broadcast_in_dim3A_579 : f32 to vector<16xf32>
      %broadcast_in_dim3A_581 = arith.constant 0.000000e+00 : f32
      %broadcast_in_dim3A_582 = vector.broadcast %broadcast_in_dim3A_581 : f32 to vector<16xf32>
      %broadcast_in_dim3A_583 = arith.constant 0.000000e+00 : f32
      %broadcast_in_dim3A_584 = vector.broadcast %broadcast_in_dim3A_583 : f32 to vector<16xf32>
      %broadcast_in_dim3A_585 = arith.constant 0.000000e+00 : f32
      %broadcast_in_dim3A_586 = vector.broadcast %broadcast_in_dim3A_585 : f32 to vector<16xf32>
      %broadcast_in_dim3A_587 = arith.constant 0.000000e+00 : f32
      %broadcast_in_dim3A_588 = vector.broadcast %broadcast_in_dim3A_587 : f32 to vector<16xf32>
      %scan3A_589 = arith.constant 0 : i32
      %scan3A_590 = arith.constant 25 : i32
      %scan3A_591 = arith.addi %scan3A_589, %scan3A_590 : i32
      %scan3A_592 = arith.constant 1 : i32
      %scan3A_593:32 = scf.for %scan3A_1190 = %scan3A_589 to %scan3A_591 step %scan3A_592 iter_args(%scan3A_1191 = %broadcast_in_dim3A_526, %scan3A_1192 = %broadcast_in_dim3A_528, %scan3A_1193 = %broadcast_in_dim3A_530, %scan3A_1194 = %broadcast_in_dim3A_532, %scan3A_1195 = %broadcast_in_dim3A_534, %scan3A_1196 = %broadcast_in_dim3A_536, %scan3A_1197 = %broadcast_in_dim3A_538, %scan3A_1198 = %broadcast_in_dim3A_540, %scan3A_1199 = %broadcast_in_dim3A_542, %scan3A_1200 = %broadcast_in_dim3A_544, %scan3A_1201 = %broadcast_in_dim3A_546, %scan3A_1202 = %broadcast_in_dim3A_548, %scan3A_1203 = %broadcast_in_dim3A_550, %scan3A_1204 = %broadcast_in_dim3A_552, %scan3A_1205 = %broadcast_in_dim3A_554, %scan3A_1206 = %broadcast_in_dim3A_556, %scan3A_1207 = %broadcast_in_dim3A_558, %scan3A_1208 = %broadcast_in_dim3A_560, %scan3A_1209 = %broadcast_in_dim3A_562, %scan3A_1210 = %broadcast_in_dim3A_564, %scan3A_1211 = %broadcast_in_dim3A_566, %scan3A_1212 = %broadcast_in_dim3A_568, %scan3A_1213 = %broadcast_in_dim3A_570, %scan3A_1214 = %broadcast_in_dim3A_572, %scan3A_1215 = %broadcast_in_dim3A_574, %scan3A_1216 = %broadcast_in_dim3A_576, %scan3A_1217 = %broadcast_in_dim3A_578, %scan3A_1218 = %broadcast_in_dim3A_580, %scan3A_1219 = %broadcast_in_dim3A_582, %scan3A_1220 = %broadcast_in_dim3A_584, %scan3A_1221 = %broadcast_in_dim3A_586, %scan3A_1222 = %broadcast_in_dim3A_588) -> (vector<16xf32>, vector<16xf32>, vector<16xf32>, vector<16xf32>, vector<16xf32>, vector<16xf32>, vector<16xf32>, vector<16xf32>, vector<16xf32>, vector<16xf32>, vector<16xf32>, vector<16xf32>, vector<16xf32>, vector<16xf32>, vector<16xf32>, vector<16xf32>, vector<16xf32>, vector<16xf32>, vector<16xf32>, vector<16xf32>, vector<16xf32>, vector<16xf32>, vector<16xf32>, vector<16xf32>, vector<16xf32>, vector<16xf32>, vector<16xf32>, vector<16xf32>, vector<16xf32>, vector<16xf32>, vector<16xf32>, vector<16xf32>)  : i32 {
        %mul3A_1223 = arith.constant 8 : i32
        %mul3A_1224 = arith.muli %scan3A_1190, %mul3A_1223 : i32
        %add3A_1225 = arith.constant 0 : i32
        %add3A_1226 = arith.addi %mul3A_1224, %add3A_1225 : i32
        %get3A = arith.index_cast %add3A_1226 : i32 to index
        %get3A_1227 = arith.constant 0 : index
        %get3A_1228 = tpu.vector_load %arg7[%get3A, %get3A_1227] {strides = array<i32>} : memref<200x64xf32, #tpu.memory_space<vmem>>, vector<1x16xf32>,
        %get3A_1229 = vector.shape_cast %get3A_1228 : vector<1x16xf32> to vector<16xf32>
        %add3A_1230 = arith.addf %scan3A_1191, %get3A_1229 : vector<16xf32>
        %mul3A_1231 = arith.constant 8 : i32
        %mul3A_1232 = arith.muli %scan3A_1190, %mul3A_1231 : i32
        %add3A_1233 = arith.constant 0 : i32
        %add3A_1234 = arith.addi %mul3A_1232, %add3A_1233 : i32
        %get3A_1235 = arith.index_cast %add3A_1234 : i32 to index
        %get3A_1236 = arith.constant 16 : index
        %get3A_1237 = tpu.vector_load %arg7[%get3A_1235, %get3A_1236] {strides = array<i32>} : memref<200x64xf32, #tpu.memory_space<vmem>>, vector<1x16xf32>,
        %get3A_1238 = vector.shape_cast %get3A_1237 : vector<1x16xf32> to vector<16xf32>
        %add3A_1239 = arith.addf %scan3A_1192, %get3A_1238 : vector<16xf32>
        %mul3A_1240 = arith.constant 8 : i32
        %mul3A_1241 = arith.muli %scan3A_1190, %mul3A_1240 : i32
        %add3A_1242 = arith.constant 0 : i32
        %add3A_1243 = arith.addi %mul3A_1241, %add3A_1242 : i32
        %get3A_1244 = arith.index_cast %add3A_1243 : i32 to index
        %get3A_1245 = arith.constant 32 : index
        %get3A_1246 = tpu.vector_load %arg7[%get3A_1244, %get3A_1245] {strides = array<i32>} : memref<200x64xf32, #tpu.memory_space<vmem>>, vector<1x16xf32>,
        %get3A_1247 = vector.shape_cast %get3A_1246 : vector<1x16xf32> to vector<16xf32>
        %add3A_1248 = arith.addf %scan3A_1193, %get3A_1247 : vector<16xf32>
        %mul3A_1249 = arith.constant 8 : i32
        %mul3A_1250 = arith.muli %scan3A_1190, %mul3A_1249 : i32
        %add3A_1251 = arith.constant 0 : i32
        %add3A_1252 = arith.addi %mul3A_1250, %add3A_1251 : i32
        %get3A_1253 = arith.index_cast %add3A_1252 : i32 to index
        %get3A_1254 = arith.constant 48 : index
        %get3A_1255 = tpu.vector_load %arg7[%get3A_1253, %get3A_1254] {strides = array<i32>} : memref<200x64xf32, #tpu.memory_space<vmem>>, vector<1x16xf32>,
        %get3A_1256 = vector.shape_cast %get3A_1255 : vector<1x16xf32> to vector<16xf32>
        %add3A_1257 = arith.addf %scan3A_1194, %get3A_1256 : vector<16xf32>
        %mul3A_1258 = arith.constant 8 : i32
        %mul3A_1259 = arith.muli %scan3A_1190, %mul3A_1258 : i32
        %add3A_1260 = arith.constant 1 : i32
        %add3A_1261 = arith.addi %mul3A_1259, %add3A_1260 : i32
        %get3A_1262 = arith.index_cast %add3A_1261 : i32 to index
        %get3A_1263 = arith.constant 0 : index
        %get3A_1264 = tpu.vector_load %arg7[%get3A_1262, %get3A_1263] {strides = array<i32>} : memref<200x64xf32, #tpu.memory_space<vmem>>, vector<1x16xf32>,
        %get3A_1265 = vector.shape_cast %get3A_1264 : vector<1x16xf32> to vector<16xf32>
        %add3A_1266 = arith.addf %scan3A_1195, %get3A_1265 : vector<16xf32>
        %mul3A_1267 = arith.constant 8 : i32
        %mul3A_1268 = arith.muli %scan3A_1190, %mul3A_1267 : i32
        %add3A_1269 = arith.constant 1 : i32
        %add3A_1270 = arith.addi %mul3A_1268, %add3A_1269 : i32
        %get3A_1271 = arith.index_cast %add3A_1270 : i32 to index
        %get3A_1272 = arith.constant 16 : index
        %get3A_1273 = tpu.vector_load %arg7[%get3A_1271, %get3A_1272] {strides = array<i32>} : memref<200x64xf32, #tpu.memory_space<vmem>>, vector<1x16xf32>,
        %get3A_1274 = vector.shape_cast %get3A_1273 : vector<1x16xf32> to vector<16xf32>
        %add3A_1275 = arith.addf %scan3A_1196, %get3A_1274 : vector<16xf32>
        %mul3A_1276 = arith.constant 8 : i32
        %mul3A_1277 = arith.muli %scan3A_1190, %mul3A_1276 : i32
        %add3A_1278 = arith.constant 1 : i32
        %add3A_1279 = arith.addi %mul3A_1277, %add3A_1278 : i32
        %get3A_1280 = arith.index_cast %add3A_1279 : i32 to index
        %get3A_1281 = arith.constant 32 : index
        %get3A_1282 = tpu.vector_load %arg7[%get3A_1280, %get3A_1281] {strides = array<i32>} : memref<200x64xf32, #tpu.memory_space<vmem>>, vector<1x16xf32>,
        %get3A_1283 = vector.shape_cast %get3A_1282 : vector<1x16xf32> to vector<16xf32>
        %add3A_1284 = arith.addf %scan3A_1197, %get3A_1283 : vector<16xf32>
        %mul3A_1285 = arith.constant 8 : i32
        %mul3A_1286 = arith.muli %scan3A_1190, %mul3A_1285 : i32
        %add3A_1287 = arith.constant 1 : i32
        %add3A_1288 = arith.addi %mul3A_1286, %add3A_1287 : i32
        %get3A_1289 = arith.index_cast %add3A_1288 : i32 to index
        %get3A_1290 = arith.constant 48 : index
        %get3A_1291 = tpu.vector_load %arg7[%get3A_1289, %get3A_1290] {strides = array<i32>} : memref<200x64xf32, #tpu.memory_space<vmem>>, vector<1x16xf32>,
        %get3A_1292 = vector.shape_cast %get3A_1291 : vector<1x16xf32> to vector<16xf32>
        %add3A_1293 = arith.addf %scan3A_1198, %get3A_1292 : vector<16xf32>
        %mul3A_1294 = arith.constant 8 : i32
        %mul3A_1295 = arith.muli %scan3A_1190, %mul3A_1294 : i32
        %add3A_1296 = arith.constant 2 : i32
        %add3A_1297 = arith.addi %mul3A_1295, %add3A_1296 : i32
        %get3A_1298 = arith.index_cast %add3A_1297 : i32 to index
        %get3A_1299 = arith.constant 0 : index
        %get3A_1300 = tpu.vector_load %arg7[%get3A_1298, %get3A_1299] {strides = array<i32>} : memref<200x64xf32, #tpu.memory_space<vmem>>, vector<1x16xf32>,
        %get3A_1301 = vector.shape_cast %get3A_1300 : vector<1x16xf32> to vector<16xf32>
        %add3A_1302 = arith.addf %scan3A_1199, %get3A_1301 : vector<16xf32>
        %mul3A_1303 = arith.constant 8 : i32
        %mul3A_1304 = arith.muli %scan3A_1190, %mul3A_1303 : i32
        %add3A_1305 = arith.constant 2 : i32
        %add3A_1306 = arith.addi %mul3A_1304, %add3A_1305 : i32
        %get3A_1307 = arith.index_cast %add3A_1306 : i32 to index
        %get3A_1308 = arith.constant 16 : index
        %get3A_1309 = tpu.vector_load %arg7[%get3A_1307, %get3A_1308] {strides = array<i32>} : memref<200x64xf32, #tpu.memory_space<vmem>>, vector<1x16xf32>,
        %get3A_1310 = vector.shape_cast %get3A_1309 : vector<1x16xf32> to vector<16xf32>
        %add3A_1311 = arith.addf %scan3A_1200, %get3A_1310 : vector<16xf32>
        %mul3A_1312 = arith.constant 8 : i32
        %mul3A_1313 = arith.muli %scan3A_1190, %mul3A_1312 : i32
        %add3A_1314 = arith.constant 2 : i32
        %add3A_1315 = arith.addi %mul3A_1313, %add3A_1314 : i32
        %get3A_1316 = arith.index_cast %add3A_1315 : i32 to index
        %get3A_1317 = arith.constant 32 : index
        %get3A_1318 = tpu.vector_load %arg7[%get3A_1316, %get3A_1317] {strides = array<i32>} : memref<200x64xf32, #tpu.memory_space<vmem>>, vector<1x16xf32>,
        %get3A_1319 = vector.shape_cast %get3A_1318 : vector<1x16xf32> to vector<16xf32>
        %add3A_1320 = arith.addf %scan3A_1201, %get3A_1319 : vector<16xf32>
        %mul3A_1321 = arith.constant 8 : i32
        %mul3A_1322 = arith.muli %scan3A_1190, %mul3A_1321 : i32
        %add3A_1323 = arith.constant 2 : i32
        %add3A_1324 = arith.addi %mul3A_1322, %add3A_1323 : i32
        %get3A_1325 = arith.index_cast %add3A_1324 : i32 to index
        %get3A_1326 = arith.constant 48 : index
        %get3A_1327 = tpu.vector_load %arg7[%get3A_1325, %get3A_1326] {strides = array<i32>} : memref<200x64xf32, #tpu.memory_space<vmem>>, vector<1x16xf32>,
        %get3A_1328 = vector.shape_cast %get3A_1327 : vector<1x16xf32> to vector<16xf32>
        %add3A_1329 = arith.addf %scan3A_1202, %get3A_1328 : vector<16xf32>
        %mul3A_1330 = arith.constant 8 : i32
        %mul3A_1331 = arith.muli %scan3A_1190, %mul3A_1330 : i32
        %add3A_1332 = arith.constant 3 : i32
        %add3A_1333 = arith.addi %mul3A_1331, %add3A_1332 : i32
        %get3A_1334 = arith.index_cast %add3A_1333 : i32 to index
        %get3A_1335 = arith.constant 0 : index
        %get3A_1336 = tpu.vector_load %arg7[%get3A_1334, %get3A_1335] {strides = array<i32>} : memref<200x64xf32, #tpu.memory_space<vmem>>, vector<1x16xf32>,
        %get3A_1337 = vector.shape_cast %get3A_1336 : vector<1x16xf32> to vector<16xf32>
        %add3A_1338 = arith.addf %scan3A_1203, %get3A_1337 : vector<16xf32>
        %mul3A_1339 = arith.constant 8 : i32
        %mul3A_1340 = arith.muli %scan3A_1190, %mul3A_1339 : i32
        %add3A_1341 = arith.constant 3 : i32
        %add3A_1342 = arith.addi %mul3A_1340, %add3A_1341 : i32
        %get3A_1343 = arith.index_cast %add3A_1342 : i32 to index
        %get3A_1344 = arith.constant 16 : index
        %get3A_1345 = tpu.vector_load %arg7[%get3A_1343, %get3A_1344] {strides = array<i32>} : memref<200x64xf32, #tpu.memory_space<vmem>>, vector<1x16xf32>,
        %get3A_1346 = vector.shape_cast %get3A_1345 : vector<1x16xf32> to vector<16xf32>
        %add3A_1347 = arith.addf %scan3A_1204, %get3A_1346 : vector<16xf32>
        %mul3A_1348 = arith.constant 8 : i32
        %mul3A_1349 = arith.muli %scan3A_1190, %mul3A_1348 : i32
        %add3A_1350 = arith.constant 3 : i32
        %add3A_1351 = arith.addi %mul3A_1349, %add3A_1350 : i32
        %get3A_1352 = arith.index_cast %add3A_1351 : i32 to index
        %get3A_1353 = arith.constant 32 : index
        %get3A_1354 = tpu.vector_load %arg7[%get3A_1352, %get3A_1353] {strides = array<i32>} : memref<200x64xf32, #tpu.memory_space<vmem>>, vector<1x16xf32>,
        %get3A_1355 = vector.shape_cast %get3A_1354 : vector<1x16xf32> to vector<16xf32>
        %add3A_1356 = arith.addf %scan3A_1205, %get3A_1355 : vector<16xf32>
        %mul3A_1357 = arith.constant 8 : i32
        %mul3A_1358 = arith.muli %scan3A_1190, %mul3A_1357 : i32
        %add3A_1359 = arith.constant 3 : i32
        %add3A_1360 = arith.addi %mul3A_1358, %add3A_1359 : i32
        %get3A_1361 = arith.index_cast %add3A_1360 : i32 to index
        %get3A_1362 = arith.constant 48 : index
        %get3A_1363 = tpu.vector_load %arg7[%get3A_1361, %get3A_1362] {strides = array<i32>} : memref<200x64xf32, #tpu.memory_space<vmem>>, vector<1x16xf32>,
        %get3A_1364 = vector.shape_cast %get3A_1363 : vector<1x16xf32> to vector<16xf32>
        %add3A_1365 = arith.addf %scan3A_1206, %get3A_1364 : vector<16xf32>
        %mul3A_1366 = arith.constant 8 : i32
        %mul3A_1367 = arith.muli %scan3A_1190, %mul3A_1366 : i32
        %add3A_1368 = arith.constant 4 : i32
        %add3A_1369 = arith.addi %mul3A_1367, %add3A_1368 : i32
        %get3A_1370 = arith.index_cast %add3A_1369 : i32 to index
        %get3A_1371 = arith.constant 0 : index
        %get3A_1372 = tpu.vector_load %arg7[%get3A_1370, %get3A_1371] {strides = array<i32>} : memref<200x64xf32, #tpu.memory_space<vmem>>, vector<1x16xf32>,
        %get3A_1373 = vector.shape_cast %get3A_1372 : vector<1x16xf32> to vector<16xf32>
        %add3A_1374 = arith.addf %scan3A_1207, %get3A_1373 : vector<16xf32>
        %mul3A_1375 = arith.constant 8 : i32
        %mul3A_1376 = arith.muli %scan3A_1190, %mul3A_1375 : i32
        %add3A_1377 = arith.constant 4 : i32
        %add3A_1378 = arith.addi %mul3A_1376, %add3A_1377 : i32
        %get3A_1379 = arith.index_cast %add3A_1378 : i32 to index
        %get3A_1380 = arith.constant 16 : index
        %get3A_1381 = tpu.vector_load %arg7[%get3A_1379, %get3A_1380] {strides = array<i32>} : memref<200x64xf32, #tpu.memory_space<vmem>>, vector<1x16xf32>,
        %get3A_1382 = vector.shape_cast %get3A_1381 : vector<1x16xf32> to vector<16xf32>
        %add3A_1383 = arith.addf %scan3A_1208, %get3A_1382 : vector<16xf32>
        %mul3A_1384 = arith.constant 8 : i32
        %mul3A_1385 = arith.muli %scan3A_1190, %mul3A_1384 : i32
        %add3A_1386 = arith.constant 4 : i32
        %add3A_1387 = arith.addi %mul3A_1385, %add3A_1386 : i32
        %get3A_1388 = arith.index_cast %add3A_1387 : i32 to index
        %get3A_1389 = arith.constant 32 : index
        %get3A_1390 = tpu.vector_load %arg7[%get3A_1388, %get3A_1389] {strides = array<i32>} : memref<200x64xf32, #tpu.memory_space<vmem>>, vector<1x16xf32>,
        %get3A_1391 = vector.shape_cast %get3A_1390 : vector<1x16xf32> to vector<16xf32>
        %add3A_1392 = arith.addf %scan3A_1209, %get3A_1391 : vector<16xf32>
        %mul3A_1393 = arith.constant 8 : i32
        %mul3A_1394 = arith.muli %scan3A_1190, %mul3A_1393 : i32
        %add3A_1395 = arith.constant 4 : i32
        %add3A_1396 = arith.addi %mul3A_1394, %add3A_1395 : i32
        %get3A_1397 = arith.index_cast %add3A_1396 : i32 to index
        %get3A_1398 = arith.constant 48 : index
        %get3A_1399 = tpu.vector_load %arg7[%get3A_1397, %get3A_1398] {strides = array<i32>} : memref<200x64xf32, #tpu.memory_space<vmem>>, vector<1x16xf32>,
        %get3A_1400 = vector.shape_cast %get3A_1399 : vector<1x16xf32> to vector<16xf32>
        %add3A_1401 = arith.addf %scan3A_1210, %get3A_1400 : vector<16xf32>
        %mul3A_1402 = arith.constant 8 : i32
        %mul3A_1403 = arith.muli %scan3A_1190, %mul3A_1402 : i32
        %add3A_1404 = arith.constant 5 : i32
        %add3A_1405 = arith.addi %mul3A_1403, %add3A_1404 : i32
        %get3A_1406 = arith.index_cast %add3A_1405 : i32 to index
        %get3A_1407 = arith.constant 0 : index
        %get3A_1408 = tpu.vector_load %arg7[%get3A_1406, %get3A_1407] {strides = array<i32>} : memref<200x64xf32, #tpu.memory_space<vmem>>, vector<1x16xf32>,
        %get3A_1409 = vector.shape_cast %get3A_1408 : vector<1x16xf32> to vector<16xf32>
        %add3A_1410 = arith.addf %scan3A_1211, %get3A_1409 : vector<16xf32>
        %mul3A_1411 = arith.constant 8 : i32
        %mul3A_1412 = arith.muli %scan3A_1190, %mul3A_1411 : i32
        %add3A_1413 = arith.constant 5 : i32
        %add3A_1414 = arith.addi %mul3A_1412, %add3A_1413 : i32
        %get3A_1415 = arith.index_cast %add3A_1414 : i32 to index
        %get3A_1416 = arith.constant 16 : index
        %get3A_1417 = tpu.vector_load %arg7[%get3A_1415, %get3A_1416] {strides = array<i32>} : memref<200x64xf32, #tpu.memory_space<vmem>>, vector<1x16xf32>,
        %get3A_1418 = vector.shape_cast %get3A_1417 : vector<1x16xf32> to vector<16xf32>
        %add3A_1419 = arith.addf %scan3A_1212, %get3A_1418 : vector<16xf32>
        %mul3A_1420 = arith.constant 8 : i32
        %mul3A_1421 = arith.muli %scan3A_1190, %mul3A_1420 : i32
        %add3A_1422 = arith.constant 5 : i32
        %add3A_1423 = arith.addi %mul3A_1421, %add3A_1422 : i32
        %get3A_1424 = arith.index_cast %add3A_1423 : i32 to index
        %get3A_1425 = arith.constant 32 : index
        %get3A_1426 = tpu.vector_load %arg7[%get3A_1424, %get3A_1425] {strides = array<i32>} : memref<200x64xf32, #tpu.memory_space<vmem>>, vector<1x16xf32>,
        %get3A_1427 = vector.shape_cast %get3A_1426 : vector<1x16xf32> to vector<16xf32>
        %add3A_1428 = arith.addf %scan3A_1213, %get3A_1427 : vector<16xf32>
        %mul3A_1429 = arith.constant 8 : i32
        %mul3A_1430 = arith.muli %scan3A_1190, %mul3A_1429 : i32
        %add3A_1431 = arith.constant 5 : i32
        %add3A_1432 = arith.addi %mul3A_1430, %add3A_1431 : i32
        %get3A_1433 = arith.index_cast %add3A_1432 : i32 to index
        %get3A_1434 = arith.constant 48 : index
        %get3A_1435 = tpu.vector_load %arg7[%get3A_1433, %get3A_1434] {strides = array<i32>} : memref<200x64xf32, #tpu.memory_space<vmem>>, vector<1x16xf32>,
        %get3A_1436 = vector.shape_cast %get3A_1435 : vector<1x16xf32> to vector<16xf32>
        %add3A_1437 = arith.addf %scan3A_1214, %get3A_1436 : vector<16xf32>
        %mul3A_1438 = arith.constant 8 : i32
        %mul3A_1439 = arith.muli %scan3A_1190, %mul3A_1438 : i32
        %add3A_1440 = arith.constant 6 : i32
        %add3A_1441 = arith.addi %mul3A_1439, %add3A_1440 : i32
        %get3A_1442 = arith.index_cast %add3A_1441 : i32 to index
        %get3A_1443 = arith.constant 0 : index
        %get3A_1444 = tpu.vector_load %arg7[%get3A_1442, %get3A_1443] {strides = array<i32>} : memref<200x64xf32, #tpu.memory_space<vmem>>, vector<1x16xf32>,
        %get3A_1445 = vector.shape_cast %get3A_1444 : vector<1x16xf32> to vector<16xf32>
        %add3A_1446 = arith.addf %scan3A_1215, %get3A_1445 : vector<16xf32>
        %mul3A_1447 = arith.constant 8 : i32
        %mul3A_1448 = arith.muli %scan3A_1190, %mul3A_1447 : i32
        %add3A_1449 = arith.constant 6 : i32
        %add3A_1450 = arith.addi %mul3A_1448, %add3A_1449 : i32
        %get3A_1451 = arith.index_cast %add3A_1450 : i32 to index
        %get3A_1452 = arith.constant 16 : index
        %get3A_1453 = tpu.vector_load %arg7[%get3A_1451, %get3A_1452] {strides = array<i32>} : memref<200x64xf32, #tpu.memory_space<vmem>>, vector<1x16xf32>,
        %get3A_1454 = vector.shape_cast %get3A_1453 : vector<1x16xf32> to vector<16xf32>
        %add3A_1455 = arith.addf %scan3A_1216, %get3A_1454 : vector<16xf32>
        %mul3A_1456 = arith.constant 8 : i32
        %mul3A_1457 = arith.muli %scan3A_1190, %mul3A_1456 : i32
        %add3A_1458 = arith.constant 6 : i32
        %add3A_1459 = arith.addi %mul3A_1457, %add3A_1458 : i32
        %get3A_1460 = arith.index_cast %add3A_1459 : i32 to index
        %get3A_1461 = arith.constant 32 : index
        %get3A_1462 = tpu.vector_load %arg7[%get3A_1460, %get3A_1461] {strides = array<i32>} : memref<200x64xf32, #tpu.memory_space<vmem>>, vector<1x16xf32>,
        %get3A_1463 = vector.shape_cast %get3A_1462 : vector<1x16xf32> to vector<16xf32>
        %add3A_1464 = arith.addf %scan3A_1217, %get3A_1463 : vector<16xf32>
        %mul3A_1465 = arith.constant 8 : i32
        %mul3A_1466 = arith.muli %scan3A_1190, %mul3A_1465 : i32
        %add3A_1467 = arith.constant 6 : i32
        %add3A_1468 = arith.addi %mul3A_1466, %add3A_1467 : i32
        %get3A_1469 = arith.index_cast %add3A_1468 : i32 to index
        %get3A_1470 = arith.constant 48 : index
        %get3A_1471 = tpu.vector_load %arg7[%get3A_1469, %get3A_1470] {strides = array<i32>} : memref<200x64xf32, #tpu.memory_space<vmem>>, vector<1x16xf32>,
        %get3A_1472 = vector.shape_cast %get3A_1471 : vector<1x16xf32> to vector<16xf32>
        %add3A_1473 = arith.addf %scan3A_1218, %get3A_1472 : vector<16xf32>
        %mul3A_1474 = arith.constant 8 : i32
        %mul3A_1475 = arith.muli %scan3A_1190, %mul3A_1474 : i32
        %add3A_1476 = arith.constant 7 : i32
        %add3A_1477 = arith.addi %mul3A_1475, %add3A_1476 : i32
        %get3A_1478 = arith.index_cast %add3A_1477 : i32 to index
        %get3A_1479 = arith.constant 0 : index
        %get3A_1480 = tpu.vector_load %arg7[%get3A_1478, %get3A_1479] {strides = array<i32>} : memref<200x64xf32, #tpu.memory_space<vmem>>, vector<1x16xf32>,
        %get3A_1481 = vector.shape_cast %get3A_1480 : vector<1x16xf32> to vector<16xf32>
        %add3A_1482 = arith.addf %scan3A_1219, %get3A_1481 : vector<16xf32>
        %mul3A_1483 = arith.constant 8 : i32
        %mul3A_1484 = arith.muli %scan3A_1190, %mul3A_1483 : i32
        %add3A_1485 = arith.constant 7 : i32
        %add3A_1486 = arith.addi %mul3A_1484, %add3A_1485 : i32
        %get3A_1487 = arith.index_cast %add3A_1486 : i32 to index
        %get3A_1488 = arith.constant 16 : index
        %get3A_1489 = tpu.vector_load %arg7[%get3A_1487, %get3A_1488] {strides = array<i32>} : memref<200x64xf32, #tpu.memory_space<vmem>>, vector<1x16xf32>,
        %get3A_1490 = vector.shape_cast %get3A_1489 : vector<1x16xf32> to vector<16xf32>
        %add3A_1491 = arith.addf %scan3A_1220, %get3A_1490 : vector<16xf32>
        %mul3A_1492 = arith.constant 8 : i32
        %mul3A_1493 = arith.muli %scan3A_1190, %mul3A_1492 : i32
        %add3A_1494 = arith.constant 7 : i32
        %add3A_1495 = arith.addi %mul3A_1493, %add3A_1494 : i32
        %get3A_1496 = arith.index_cast %add3A_1495 : i32 to index
        %get3A_1497 = arith.constant 32 : index
        %get3A_1498 = tpu.vector_load %arg7[%get3A_1496, %get3A_1497] {strides = array<i32>} : memref<200x64xf32, #tpu.memory_space<vmem>>, vector<1x16xf32>,
        %get3A_1499 = vector.shape_cast %get3A_1498 : vector<1x16xf32> to vector<16xf32>
        %add3A_1500 = arith.addf %scan3A_1221, %get3A_1499 : vector<16xf32>
        %mul3A_1501 = arith.constant 8 : i32
        %mul3A_1502 = arith.muli %scan3A_1190, %mul3A_1501 : i32
        %add3A_1503 = arith.constant 7 : i32
        %add3A_1504 = arith.addi %mul3A_1502, %add3A_1503 : i32
        %get3A_1505 = arith.index_cast %add3A_1504 : i32 to index
        %get3A_1506 = arith.constant 48 : index
        %get3A_1507 = tpu.vector_load %arg7[%get3A_1505, %get3A_1506] {strides = array<i32>} : memref<200x64xf32, #tpu.memory_space<vmem>>, vector<1x16xf32>,
        %get3A_1508 = vector.shape_cast %get3A_1507 : vector<1x16xf32> to vector<16xf32>
        %add3A_1509 = arith.addf %scan3A_1222, %get3A_1508 : vector<16xf32>
        scf.yield %add3A_1230, %add3A_1239, %add3A_1248, %add3A_1257, %add3A_1266, %add3A_1275, %add3A_1284, %add3A_1293, %add3A_1302, %add3A_1311, %add3A_1320, %add3A_1329, %add3A_1338, %add3A_1347, %add3A_1356, %add3A_1365, %add3A_1374, %add3A_1383, %add3A_1392, %add3A_1401, %add3A_1410, %add3A_1419, %add3A_1428, %add3A_1437, %add3A_1446, %add3A_1455, %add3A_1464, %add3A_1473, %add3A_1482, %add3A_1491, %add3A_1500, %add3A_1509 : vector<16xf32>, vector<16xf32>, vector<16xf32>, vector<16xf32>, vector<16xf32>, vector<16xf32>, vector<16xf32>, vector<16xf32>, vector<16xf32>, vector<16xf32>, vector<16xf32>, vector<16xf32>, vector<16xf32>, vector<16xf32>, vector<16xf32>, vector<16xf32>, vector<16xf32>, vector<16xf32>, vector<16xf32>, vector<16xf32>, vector<16xf32>, vector<16xf32>, vector<16xf32>, vector<16xf32>, vector<16xf32>, vector<16xf32>, vector<16xf32>, vector<16xf32>, vector<16xf32>, vector<16xf32>, vector<16xf32>, vector<16xf32>
      }
      %scan3A_594 = arith.constant 25 : i32
      %add3A_595 = arith.addf %scan3A_593#0, %scan3A_593#16 : vector<16xf32>
      %add3A_596 = arith.addf %scan3A_593#4, %scan3A_593#20 : vector<16xf32>
      %add3A_597 = arith.addf %scan3A_593#8, %scan3A_593#24 : vector<16xf32>
      %add3A_598 = arith.addf %scan3A_593#12, %scan3A_593#28 : vector<16xf32>
      %add3A_599 = arith.addf %add3A_595, %add3A_597 : vector<16xf32>
      %add3A_600 = arith.addf %add3A_596, %add3A_598 : vector<16xf32>
      %add3A_601 = arith.addf %add3A_599, %add3A_600 : vector<16xf32>
      %swap3A_602 = arith.index_cast %add3A_518 : i32 to index
      %swap3A_603 = arith.constant 0 : index
      %swap3A_604 = tpu.vector_load %arg12[%swap3A_602, %swap3A_603] {strides = array<i32>} : memref<128x64xf32, #tpu.memory_space<vmem>>, vector<1x16xf32>,
      %swap3A_605 = vector.shape_cast %swap3A_604 : vector<1x16xf32> to vector<16xf32>
      %swap3A_606 = vector.shape_cast %add3A_601 : vector<16xf32> to vector<1x16xf32>
      tpu.vector_store %arg12[%swap3A_602, %swap3A_603], %swap3A_606 {strides = array<i32>} : memref<128x64xf32, #tpu.memory_space<vmem>>, vector<1x16xf32>,
      %add3A_607 = arith.addf %scan3A_593#1, %scan3A_593#17 : vector<16xf32>
      %add3A_608 = arith.addf %scan3A_593#5, %scan3A_593#21 : vector<16xf32>
      %add3A_609 = arith.addf %scan3A_593#9, %scan3A_593#25 : vector<16xf32>
      %add3A_610 = arith.addf %scan3A_593#13, %scan3A_593#29 : vector<16xf32>
      %add3A_611 = arith.addf %add3A_607, %add3A_609 : vector<16xf32>
      %add3A_612 = arith.addf %add3A_608, %add3A_610 : vector<16xf32>
      %add3A_613 = arith.addf %add3A_611, %add3A_612 : vector<16xf32>
      %swap3A_614 = arith.index_cast %add3A_518 : i32 to index
      %swap3A_615 = arith.constant 16 : index
      %swap3A_616 = tpu.vector_load %arg12[%swap3A_614, %swap3A_615] {strides = array<i32>} : memref<128x64xf32, #tpu.memory_space<vmem>>, vector<1x16xf32>,
      %swap3A_617 = vector.shape_cast %swap3A_616 : vector<1x16xf32> to vector<16xf32>
      %swap3A_618 = vector.shape_cast %add3A_613 : vector<16xf32> to vector<1x16xf32>
      tpu.vector_store %arg12[%swap3A_614, %swap3A_615], %swap3A_618 {strides = array<i32>} : memref<128x64xf32, #tpu.memory_space<vmem>>, vector<1x16xf32>,
      %add3A_619 = arith.addf %scan3A_593#2, %scan3A_593#18 : vector<16xf32>
      %add3A_620 = arith.addf %scan3A_593#6, %scan3A_593#22 : vector<16xf32>
      %add3A_621 = arith.addf %scan3A_593#10, %scan3A_593#26 : vector<16xf32>
      %add3A_622 = arith.addf %scan3A_593#14, %scan3A_593#30 : vector<16xf32>
      %add3A_623 = arith.addf %add3A_619, %add3A_621 : vector<16xf32>
      %add3A_624 = arith.addf %add3A_620, %add3A_622 : vector<16xf32>
      %add3A_625 = arith.addf %add3A_623, %add3A_624 : vector<16xf32>
      %swap3A_626 = arith.index_cast %add3A_518 : i32 to index
      %swap3A_627 = arith.constant 32 : index
      %swap3A_628 = tpu.vector_load %arg12[%swap3A_626, %swap3A_627] {strides = array<i32>} : memref<128x64xf32, #tpu.memory_space<vmem>>, vector<1x16xf32>,
      %swap3A_629 = vector.shape_cast %swap3A_628 : vector<1x16xf32> to vector<16xf32>
      %swap3A_630 = vector.shape_cast %add3A_625 : vector<16xf32> to vector<1x16xf32>
      tpu.vector_store %arg12[%swap3A_626, %swap3A_627], %swap3A_630 {strides = array<i32>} : memref<128x64xf32, #tpu.memory_space<vmem>>, vector<1x16xf32>,
      %add3A_631 = arith.addf %scan3A_593#3, %scan3A_593#19 : vector<16xf32>
      %add3A_632 = arith.addf %scan3A_593#7, %scan3A_593#23 : vector<16xf32>
      %add3A_633 = arith.addf %scan3A_593#11, %scan3A_593#27 : vector<16xf32>
      %add3A_634 = arith.addf %scan3A_593#15, %scan3A_593#31 : vector<16xf32>
      %add3A_635 = arith.addf %add3A_631, %add3A_633 : vector<16xf32>
      %add3A_636 = arith.addf %add3A_632, %add3A_634 : vector<16xf32>
      %add3A_637 = arith.addf %add3A_635, %add3A_636 : vector<16xf32>
      %swap3A_638 = arith.index_cast %add3A_518 : i32 to index
      %swap3A_639 = arith.constant 48 : index
      %swap3A_640 = tpu.vector_load %arg12[%swap3A_638, %swap3A_639] {strides = array<i32>} : memref<128x64xf32, #tpu.memory_space<vmem>>, vector<1x16xf32>,
      %swap3A_641 = vector.shape_cast %swap3A_640 : vector<1x16xf32> to vector<16xf32>
      %swap3A_642 = vector.shape_cast %add3A_637 : vector<16xf32> to vector<1x16xf32>
      tpu.vector_store %arg12[%swap3A_638, %swap3A_639], %swap3A_642 {strides = array<i32>} : memref<128x64xf32, #tpu.memory_space<vmem>>, vector<1x16xf32>,
      %add3A_643 = arith.constant 6 : i32
      %add3A_644 = arith.addi %add3A_518, %add3A_643 : i32
      %lt3A_645 = arith.constant 128 : i32
      %lt3A_646 = arith.cmpi slt, %add3A_644, %lt3A_645 : i32
      %convert_element_type3A_647 = arith.extui %lt3A_646 : i1 to i32
      %cond3A_648 = arith.constant 0 : i32
      %cond3A_649 = arith.cmpi ne, %convert_element_type3A_647, %cond3A_648 : i32
      scf.if %cond3A_649 {
        %dma_start3A_1190 = arith.constant 0 : i32
        %dma_start3A_1191 = arith.constant 0 : i32
        %dma_start3A_1192 = tpu.memref_slice %arg7[%dma_start3A_1190, %dma_start3A_1191] : memref<200x64xf32, #tpu.memory_space<vmem>> -> memref<128x64xf32, #tpu.memory_space<vmem>>
        %dma_start3A_1193 = arith.constant 0 : i32
        %dma_start3A_1194 = tpu.memref_slice %arg5[%add3A_644, %dma_start3A_1193] : memref<128x200xi32, #tpu.memory_space<vmem>> -> memref<1x128xi32, #tpu.memory_space<vmem>>
        %dma_start3A_1195 = tpu.memref_squeeze %dma_start3A_1194 : memref<1x128xi32, #tpu.memory_space<vmem>> -> memref<128xi32, #tpu.memory_space<vmem>>
        %dma_start3A_1196 = arith.constant 0 : i32
        %dma_start3A_1197 = arith.constant 0 : i32
        %dma_start3A_1198 = tpu.memref_slice %arg3[%dma_start3A_1196, %dma_start3A_1197] : memref<1015808x64xf32, #tpu.memory_space<hbm>> -> memref<1015808x64xf32, #tpu.memory_space<hbm>>
        tpu.enqueue_indirect_dma source(%dma_start3A_1198 : memref<1015808x64xf32, #tpu.memory_space<hbm>>) target(%dma_start3A_1192 : memref<128x64xf32, #tpu.memory_space<vmem>>) offsets(%dma_start3A_1195 : memref<128xi32, #tpu.memory_space<vmem>>) semaphore(%arg14 : memref<!tpu.dma_semaphore, #tpu.memory_space<semaphore_mem>>)
        %dma_start3A_1199 = arith.constant 128 : i32
        %dma_start3A_1200 = arith.constant 0 : i32
        %dma_start3A_1201 = tpu.memref_slice %arg7[%dma_start3A_1199, %dma_start3A_1200] : memref<200x64xf32, #tpu.memory_space<vmem>> -> memref<72x64xf32, #tpu.memory_space<vmem>>
        %dma_start3A_1202 = arith.constant 128 : i32
        %dma_start3A_1203 = tpu.memref_slice %arg5[%add3A_644, %dma_start3A_1202] : memref<128x200xi32, #tpu.memory_space<vmem>> -> memref<1x72xi32, #tpu.memory_space<vmem>>
        %dma_start3A_1204 = tpu.memref_squeeze %dma_start3A_1203 : memref<1x72xi32, #tpu.memory_space<vmem>> -> memref<72xi32, #tpu.memory_space<vmem>>
        %dma_start3A_1205 = arith.constant 0 : i32
        %dma_start3A_1206 = arith.constant 0 : i32
        %dma_start3A_1207 = tpu.memref_slice %arg3[%dma_start3A_1205, %dma_start3A_1206] : memref<1015808x64xf32, #tpu.memory_space<hbm>> -> memref<1015808x64xf32, #tpu.memory_space<hbm>>
        tpu.enqueue_indirect_dma source(%dma_start3A_1207 : memref<1015808x64xf32, #tpu.memory_space<hbm>>) target(%dma_start3A_1201 : memref<72x64xf32, #tpu.memory_space<vmem>>) offsets(%dma_start3A_1204 : memref<72xi32, #tpu.memory_space<vmem>>) semaphore(%arg14 : memref<!tpu.dma_semaphore, #tpu.memory_space<semaphore_mem>>)
      } else {
      }
      %mul3A_650 = arith.constant 6 : i32
      %mul3A_651 = arith.muli %mul3A_650, %scan3A_382 : i32
      %add3A_652 = arith.constant 2 : i32
      %add3A_653 = arith.addi %mul3A_651, %add3A_652 : i32
      %dma_wait3A_654 = arith.constant 0 : i32
      %dma_wait3A_655 = arith.constant 0 : i32
      %dma_wait3A_656 = tpu.memref_slice %arg3[%dma_wait3A_654, %dma_wait3A_655] : memref<1015808x64xf32, #tpu.memory_space<hbm>> -> memref<200x64xf32, #tpu.memory_space<hbm>>
      %dma_wait3A_657 = arith.constant 0 : i32
      %dma_wait3A_658 = arith.constant 0 : i32
      %dma_wait3A_659 = tpu.memref_slice %arg3[%dma_wait3A_657, %dma_wait3A_658] : memref<1015808x64xf32, #tpu.memory_space<hbm>> -> memref<200x64xf32, #tpu.memory_space<hbm>>
      tpu.wait_dma2 semaphore(%arg15 : memref<!tpu.dma_semaphore, #tpu.memory_space<semaphore_mem>>) src(%dma_wait3A_659 : memref<200x64xf32, #tpu.memory_space<hbm>>) dst(%arg8 : memref<200x64xf32, #tpu.memory_space<vmem>>)
      %broadcast_in_dim3A_660 = arith.constant 0.000000e+00 : f32
      %broadcast_in_dim3A_661 = vector.broadcast %broadcast_in_dim3A_660 : f32 to vector<16xf32>
      %broadcast_in_dim3A_662 = arith.constant 0.000000e+00 : f32
      %broadcast_in_dim3A_663 = vector.broadcast %broadcast_in_dim3A_662 : f32 to vector<16xf32>
      %broadcast_in_dim3A_664 = arith.constant 0.000000e+00 : f32
      %broadcast_in_dim3A_665 = vector.broadcast %broadcast_in_dim3A_664 : f32 to vector<16xf32>
      %broadcast_in_dim3A_666 = arith.constant 0.000000e+00 : f32
      %broadcast_in_dim3A_667 = vector.broadcast %broadcast_in_dim3A_666 : f32 to vector<16xf32>
      %broadcast_in_dim3A_668 = arith.constant 0.000000e+00 : f32
      %broadcast_in_dim3A_669 = vector.broadcast %broadcast_in_dim3A_668 : f32 to vector<16xf32>
      %broadcast_in_dim3A_670 = arith.constant 0.000000e+00 : f32
      %broadcast_in_dim3A_671 = vector.broadcast %broadcast_in_dim3A_670 : f32 to vector<16xf32>
      %broadcast_in_dim3A_672 = arith.constant 0.000000e+00 : f32
      %broadcast_in_dim3A_673 = vector.broadcast %broadcast_in_dim3A_672 : f32 to vector<16xf32>
      %broadcast_in_dim3A_674 = arith.constant 0.000000e+00 : f32
      %broadcast_in_dim3A_675 = vector.broadcast %broadcast_in_dim3A_674 : f32 to vector<16xf32>
      %broadcast_in_dim3A_676 = arith.constant 0.000000e+00 : f32
      %broadcast_in_dim3A_677 = vector.broadcast %broadcast_in_dim3A_676 : f32 to vector<16xf32>
      %broadcast_in_dim3A_678 = arith.constant 0.000000e+00 : f32
      %broadcast_in_dim3A_679 = vector.broadcast %broadcast_in_dim3A_678 : f32 to vector<16xf32>
      %broadcast_in_dim3A_680 = arith.constant 0.000000e+00 : f32
      %broadcast_in_dim3A_681 = vector.broadcast %broadcast_in_dim3A_680 : f32 to vector<16xf32>
      %broadcast_in_dim3A_682 = arith.constant 0.000000e+00 : f32
      %broadcast_in_dim3A_683 = vector.broadcast %broadcast_in_dim3A_682 : f32 to vector<16xf32>
      %broadcast_in_dim3A_684 = arith.constant 0.000000e+00 : f32
      %broadcast_in_dim3A_685 = vector.broadcast %broadcast_in_dim3A_684 : f32 to vector<16xf32>
      %broadcast_in_dim3A_686 = arith.constant 0.000000e+00 : f32
      %broadcast_in_dim3A_687 = vector.broadcast %broadcast_in_dim3A_686 : f32 to vector<16xf32>
      %broadcast_in_dim3A_688 = arith.constant 0.000000e+00 : f32
      %broadcast_in_dim3A_689 = vector.broadcast %broadcast_in_dim3A_688 : f32 to vector<16xf32>
      %broadcast_in_dim3A_690 = arith.constant 0.000000e+00 : f32
      %broadcast_in_dim3A_691 = vector.broadcast %broadcast_in_dim3A_690 : f32 to vector<16xf32>
      %broadcast_in_dim3A_692 = arith.constant 0.000000e+00 : f32
      %broadcast_in_dim3A_693 = vector.broadcast %broadcast_in_dim3A_692 : f32 to vector<16xf32>
      %broadcast_in_dim3A_694 = arith.constant 0.000000e+00 : f32
      %broadcast_in_dim3A_695 = vector.broadcast %broadcast_in_dim3A_694 : f32 to vector<16xf32>
      %broadcast_in_dim3A_696 = arith.constant 0.000000e+00 : f32
      %broadcast_in_dim3A_697 = vector.broadcast %broadcast_in_dim3A_696 : f32 to vector<16xf32>
      %broadcast_in_dim3A_698 = arith.constant 0.000000e+00 : f32
      %broadcast_in_dim3A_699 = vector.broadcast %broadcast_in_dim3A_698 : f32 to vector<16xf32>
      %broadcast_in_dim3A_700 = arith.constant 0.000000e+00 : f32
      %broadcast_in_dim3A_701 = vector.broadcast %broadcast_in_dim3A_700 : f32 to vector<16xf32>
      %broadcast_in_dim3A_702 = arith.constant 0.000000e+00 : f32
      %broadcast_in_dim3A_703 = vector.broadcast %broadcast_in_dim3A_702 : f32 to vector<16xf32>
      %broadcast_in_dim3A_704 = arith.constant 0.000000e+00 : f32
      %broadcast_in_dim3A_705 = vector.broadcast %broadcast_in_dim3A_704 : f32 to vector<16xf32>
      %broadcast_in_dim3A_706 = arith.constant 0.000000e+00 : f32
      %broadcast_in_dim3A_707 = vector.broadcast %broadcast_in_dim3A_706 : f32 to vector<16xf32>
      %broadcast_in_dim3A_708 = arith.constant 0.000000e+00 : f32
      %broadcast_in_dim3A_709 = vector.broadcast %broadcast_in_dim3A_708 : f32 to vector<16xf32>
      %broadcast_in_dim3A_710 = arith.constant 0.000000e+00 : f32
      %broadcast_in_dim3A_711 = vector.broadcast %broadcast_in_dim3A_710 : f32 to vector<16xf32>
      %broadcast_in_dim3A_712 = arith.constant 0.000000e+00 : f32
      %broadcast_in_dim3A_713 = vector.broadcast %broadcast_in_dim3A_712 : f32 to vector<16xf32>
      %broadcast_in_dim3A_714 = arith.constant 0.000000e+00 : f32
      %broadcast_in_dim3A_715 = vector.broadcast %broadcast_in_dim3A_714 : f32 to vector<16xf32>
      %broadcast_in_dim3A_716 = arith.constant 0.000000e+00 : f32
      %broadcast_in_dim3A_717 = vector.broadcast %broadcast_in_dim3A_716 : f32 to vector<16xf32>
      %broadcast_in_dim3A_718 = arith.constant 0.000000e+00 : f32
      %broadcast_in_dim3A_719 = vector.broadcast %broadcast_in_dim3A_718 : f32 to vector<16xf32>
      %broadcast_in_dim3A_720 = arith.constant 0.000000e+00 : f32
      %broadcast_in_dim3A_721 = vector.broadcast %broadcast_in_dim3A_720 : f32 to vector<16xf32>
      %broadcast_in_dim3A_722 = arith.constant 0.000000e+00 : f32
      %broadcast_in_dim3A_723 = vector.broadcast %broadcast_in_dim3A_722 : f32 to vector<16xf32>
      %scan3A_724 = arith.constant 0 : i32
      %scan3A_725 = arith.constant 25 : i32
      %scan3A_726 = arith.addi %scan3A_724, %scan3A_725 : i32
      %scan3A_727 = arith.constant 1 : i32
      %scan3A_728:32 = scf.for %scan3A_1190 = %scan3A_724 to %scan3A_726 step %scan3A_727 iter_args(%scan3A_1191 = %broadcast_in_dim3A_661, %scan3A_1192 = %broadcast_in_dim3A_663, %scan3A_1193 = %broadcast_in_dim3A_665, %scan3A_1194 = %broadcast_in_dim3A_667, %scan3A_1195 = %broadcast_in_dim3A_669, %scan3A_1196 = %broadcast_in_dim3A_671, %scan3A_1197 = %broadcast_in_dim3A_673, %scan3A_1198 = %broadcast_in_dim3A_675, %scan3A_1199 = %broadcast_in_dim3A_677, %scan3A_1200 = %broadcast_in_dim3A_679, %scan3A_1201 = %broadcast_in_dim3A_681, %scan3A_1202 = %broadcast_in_dim3A_683, %scan3A_1203 = %broadcast_in_dim3A_685, %scan3A_1204 = %broadcast_in_dim3A_687, %scan3A_1205 = %broadcast_in_dim3A_689, %scan3A_1206 = %broadcast_in_dim3A_691, %scan3A_1207 = %broadcast_in_dim3A_693, %scan3A_1208 = %broadcast_in_dim3A_695, %scan3A_1209 = %broadcast_in_dim3A_697, %scan3A_1210 = %broadcast_in_dim3A_699, %scan3A_1211 = %broadcast_in_dim3A_701, %scan3A_1212 = %broadcast_in_dim3A_703, %scan3A_1213 = %broadcast_in_dim3A_705, %scan3A_1214 = %broadcast_in_dim3A_707, %scan3A_1215 = %broadcast_in_dim3A_709, %scan3A_1216 = %broadcast_in_dim3A_711, %scan3A_1217 = %broadcast_in_dim3A_713, %scan3A_1218 = %broadcast_in_dim3A_715, %scan3A_1219 = %broadcast_in_dim3A_717, %scan3A_1220 = %broadcast_in_dim3A_719, %scan3A_1221 = %broadcast_in_dim3A_721, %scan3A_1222 = %broadcast_in_dim3A_723) -> (vector<16xf32>, vector<16xf32>, vector<16xf32>, vector<16xf32>, vector<16xf32>, vector<16xf32>, vector<16xf32>, vector<16xf32>, vector<16xf32>, vector<16xf32>, vector<16xf32>, vector<16xf32>, vector<16xf32>, vector<16xf32>, vector<16xf32>, vector<16xf32>, vector<16xf32>, vector<16xf32>, vector<16xf32>, vector<16xf32>, vector<16xf32>, vector<16xf32>, vector<16xf32>, vector<16xf32>, vector<16xf32>, vector<16xf32>, vector<16xf32>, vector<16xf32>, vector<16xf32>, vector<16xf32>, vector<16xf32>, vector<16xf32>)  : i32 {
        %mul3A_1223 = arith.constant 8 : i32
        %mul3A_1224 = arith.muli %scan3A_1190, %mul3A_1223 : i32
        %add3A_1225 = arith.constant 0 : i32
        %add3A_1226 = arith.addi %mul3A_1224, %add3A_1225 : i32
        %get3A = arith.index_cast %add3A_1226 : i32 to index
        %get3A_1227 = arith.constant 0 : index
        %get3A_1228 = tpu.vector_load %arg8[%get3A, %get3A_1227] {strides = array<i32>} : memref<200x64xf32, #tpu.memory_space<vmem>>, vector<1x16xf32>,
        %get3A_1229 = vector.shape_cast %get3A_1228 : vector<1x16xf32> to vector<16xf32>
        %add3A_1230 = arith.addf %scan3A_1191, %get3A_1229 : vector<16xf32>
        %mul3A_1231 = arith.constant 8 : i32
        %mul3A_1232 = arith.muli %scan3A_1190, %mul3A_1231 : i32
        %add3A_1233 = arith.constant 0 : i32
        %add3A_1234 = arith.addi %mul3A_1232, %add3A_1233 : i32
        %get3A_1235 = arith.index_cast %add3A_1234 : i32 to index
        %get3A_1236 = arith.constant 16 : index
        %get3A_1237 = tpu.vector_load %arg8[%get3A_1235, %get3A_1236] {strides = array<i32>} : memref<200x64xf32, #tpu.memory_space<vmem>>, vector<1x16xf32>,
        %get3A_1238 = vector.shape_cast %get3A_1237 : vector<1x16xf32> to vector<16xf32>
        %add3A_1239 = arith.addf %scan3A_1192, %get3A_1238 : vector<16xf32>
        %mul3A_1240 = arith.constant 8 : i32
        %mul3A_1241 = arith.muli %scan3A_1190, %mul3A_1240 : i32
        %add3A_1242 = arith.constant 0 : i32
        %add3A_1243 = arith.addi %mul3A_1241, %add3A_1242 : i32
        %get3A_1244 = arith.index_cast %add3A_1243 : i32 to index
        %get3A_1245 = arith.constant 32 : index
        %get3A_1246 = tpu.vector_load %arg8[%get3A_1244, %get3A_1245] {strides = array<i32>} : memref<200x64xf32, #tpu.memory_space<vmem>>, vector<1x16xf32>,
        %get3A_1247 = vector.shape_cast %get3A_1246 : vector<1x16xf32> to vector<16xf32>
        %add3A_1248 = arith.addf %scan3A_1193, %get3A_1247 : vector<16xf32>
        %mul3A_1249 = arith.constant 8 : i32
        %mul3A_1250 = arith.muli %scan3A_1190, %mul3A_1249 : i32
        %add3A_1251 = arith.constant 0 : i32
        %add3A_1252 = arith.addi %mul3A_1250, %add3A_1251 : i32
        %get3A_1253 = arith.index_cast %add3A_1252 : i32 to index
        %get3A_1254 = arith.constant 48 : index
        %get3A_1255 = tpu.vector_load %arg8[%get3A_1253, %get3A_1254] {strides = array<i32>} : memref<200x64xf32, #tpu.memory_space<vmem>>, vector<1x16xf32>,
        %get3A_1256 = vector.shape_cast %get3A_1255 : vector<1x16xf32> to vector<16xf32>
        %add3A_1257 = arith.addf %scan3A_1194, %get3A_1256 : vector<16xf32>
        %mul3A_1258 = arith.constant 8 : i32
        %mul3A_1259 = arith.muli %scan3A_1190, %mul3A_1258 : i32
        %add3A_1260 = arith.constant 1 : i32
        %add3A_1261 = arith.addi %mul3A_1259, %add3A_1260 : i32
        %get3A_1262 = arith.index_cast %add3A_1261 : i32 to index
        %get3A_1263 = arith.constant 0 : index
        %get3A_1264 = tpu.vector_load %arg8[%get3A_1262, %get3A_1263] {strides = array<i32>} : memref<200x64xf32, #tpu.memory_space<vmem>>, vector<1x16xf32>,
        %get3A_1265 = vector.shape_cast %get3A_1264 : vector<1x16xf32> to vector<16xf32>
        %add3A_1266 = arith.addf %scan3A_1195, %get3A_1265 : vector<16xf32>
        %mul3A_1267 = arith.constant 8 : i32
        %mul3A_1268 = arith.muli %scan3A_1190, %mul3A_1267 : i32
        %add3A_1269 = arith.constant 1 : i32
        %add3A_1270 = arith.addi %mul3A_1268, %add3A_1269 : i32
        %get3A_1271 = arith.index_cast %add3A_1270 : i32 to index
        %get3A_1272 = arith.constant 16 : index
        %get3A_1273 = tpu.vector_load %arg8[%get3A_1271, %get3A_1272] {strides = array<i32>} : memref<200x64xf32, #tpu.memory_space<vmem>>, vector<1x16xf32>,
        %get3A_1274 = vector.shape_cast %get3A_1273 : vector<1x16xf32> to vector<16xf32>
        %add3A_1275 = arith.addf %scan3A_1196, %get3A_1274 : vector<16xf32>
        %mul3A_1276 = arith.constant 8 : i32
        %mul3A_1277 = arith.muli %scan3A_1190, %mul3A_1276 : i32
        %add3A_1278 = arith.constant 1 : i32
        %add3A_1279 = arith.addi %mul3A_1277, %add3A_1278 : i32
        %get3A_1280 = arith.index_cast %add3A_1279 : i32 to index
        %get3A_1281 = arith.constant 32 : index
        %get3A_1282 = tpu.vector_load %arg8[%get3A_1280, %get3A_1281] {strides = array<i32>} : memref<200x64xf32, #tpu.memory_space<vmem>>, vector<1x16xf32>,
        %get3A_1283 = vector.shape_cast %get3A_1282 : vector<1x16xf32> to vector<16xf32>
        %add3A_1284 = arith.addf %scan3A_1197, %get3A_1283 : vector<16xf32>
        %mul3A_1285 = arith.constant 8 : i32
        %mul3A_1286 = arith.muli %scan3A_1190, %mul3A_1285 : i32
        %add3A_1287 = arith.constant 1 : i32
        %add3A_1288 = arith.addi %mul3A_1286, %add3A_1287 : i32
        %get3A_1289 = arith.index_cast %add3A_1288 : i32 to index
        %get3A_1290 = arith.constant 48 : index
        %get3A_1291 = tpu.vector_load %arg8[%get3A_1289, %get3A_1290] {strides = array<i32>} : memref<200x64xf32, #tpu.memory_space<vmem>>, vector<1x16xf32>,
        %get3A_1292 = vector.shape_cast %get3A_1291 : vector<1x16xf32> to vector<16xf32>
        %add3A_1293 = arith.addf %scan3A_1198, %get3A_1292 : vector<16xf32>
        %mul3A_1294 = arith.constant 8 : i32
        %mul3A_1295 = arith.muli %scan3A_1190, %mul3A_1294 : i32
        %add3A_1296 = arith.constant 2 : i32
        %add3A_1297 = arith.addi %mul3A_1295, %add3A_1296 : i32
        %get3A_1298 = arith.index_cast %add3A_1297 : i32 to index
        %get3A_1299 = arith.constant 0 : index
        %get3A_1300 = tpu.vector_load %arg8[%get3A_1298, %get3A_1299] {strides = array<i32>} : memref<200x64xf32, #tpu.memory_space<vmem>>, vector<1x16xf32>,
        %get3A_1301 = vector.shape_cast %get3A_1300 : vector<1x16xf32> to vector<16xf32>
        %add3A_1302 = arith.addf %scan3A_1199, %get3A_1301 : vector<16xf32>
        %mul3A_1303 = arith.constant 8 : i32
        %mul3A_1304 = arith.muli %scan3A_1190, %mul3A_1303 : i32
        %add3A_1305 = arith.constant 2 : i32
        %add3A_1306 = arith.addi %mul3A_1304, %add3A_1305 : i32
        %get3A_1307 = arith.index_cast %add3A_1306 : i32 to index
        %get3A_1308 = arith.constant 16 : index
        %get3A_1309 = tpu.vector_load %arg8[%get3A_1307, %get3A_1308] {strides = array<i32>} : memref<200x64xf32, #tpu.memory_space<vmem>>, vector<1x16xf32>,
        %get3A_1310 = vector.shape_cast %get3A_1309 : vector<1x16xf32> to vector<16xf32>
        %add3A_1311 = arith.addf %scan3A_1200, %get3A_1310 : vector<16xf32>
        %mul3A_1312 = arith.constant 8 : i32
        %mul3A_1313 = arith.muli %scan3A_1190, %mul3A_1312 : i32
        %add3A_1314 = arith.constant 2 : i32
        %add3A_1315 = arith.addi %mul3A_1313, %add3A_1314 : i32
        %get3A_1316 = arith.index_cast %add3A_1315 : i32 to index
        %get3A_1317 = arith.constant 32 : index
        %get3A_1318 = tpu.vector_load %arg8[%get3A_1316, %get3A_1317] {strides = array<i32>} : memref<200x64xf32, #tpu.memory_space<vmem>>, vector<1x16xf32>,
        %get3A_1319 = vector.shape_cast %get3A_1318 : vector<1x16xf32> to vector<16xf32>
        %add3A_1320 = arith.addf %scan3A_1201, %get3A_1319 : vector<16xf32>
        %mul3A_1321 = arith.constant 8 : i32
        %mul3A_1322 = arith.muli %scan3A_1190, %mul3A_1321 : i32
        %add3A_1323 = arith.constant 2 : i32
        %add3A_1324 = arith.addi %mul3A_1322, %add3A_1323 : i32
        %get3A_1325 = arith.index_cast %add3A_1324 : i32 to index
        %get3A_1326 = arith.constant 48 : index
        %get3A_1327 = tpu.vector_load %arg8[%get3A_1325, %get3A_1326] {strides = array<i32>} : memref<200x64xf32, #tpu.memory_space<vmem>>, vector<1x16xf32>,
        %get3A_1328 = vector.shape_cast %get3A_1327 : vector<1x16xf32> to vector<16xf32>
        %add3A_1329 = arith.addf %scan3A_1202, %get3A_1328 : vector<16xf32>
        %mul3A_1330 = arith.constant 8 : i32
        %mul3A_1331 = arith.muli %scan3A_1190, %mul3A_1330 : i32
        %add3A_1332 = arith.constant 3 : i32
        %add3A_1333 = arith.addi %mul3A_1331, %add3A_1332 : i32
        %get3A_1334 = arith.index_cast %add3A_1333 : i32 to index
        %get3A_1335 = arith.constant 0 : index
        %get3A_1336 = tpu.vector_load %arg8[%get3A_1334, %get3A_1335] {strides = array<i32>} : memref<200x64xf32, #tpu.memory_space<vmem>>, vector<1x16xf32>,
        %get3A_1337 = vector.shape_cast %get3A_1336 : vector<1x16xf32> to vector<16xf32>
        %add3A_1338 = arith.addf %scan3A_1203, %get3A_1337 : vector<16xf32>
        %mul3A_1339 = arith.constant 8 : i32
        %mul3A_1340 = arith.muli %scan3A_1190, %mul3A_1339 : i32
        %add3A_1341 = arith.constant 3 : i32
        %add3A_1342 = arith.addi %mul3A_1340, %add3A_1341 : i32
        %get3A_1343 = arith.index_cast %add3A_1342 : i32 to index
        %get3A_1344 = arith.constant 16 : index
        %get3A_1345 = tpu.vector_load %arg8[%get3A_1343, %get3A_1344] {strides = array<i32>} : memref<200x64xf32, #tpu.memory_space<vmem>>, vector<1x16xf32>,
        %get3A_1346 = vector.shape_cast %get3A_1345 : vector<1x16xf32> to vector<16xf32>
        %add3A_1347 = arith.addf %scan3A_1204, %get3A_1346 : vector<16xf32>
        %mul3A_1348 = arith.constant 8 : i32
        %mul3A_1349 = arith.muli %scan3A_1190, %mul3A_1348 : i32
        %add3A_1350 = arith.constant 3 : i32
        %add3A_1351 = arith.addi %mul3A_1349, %add3A_1350 : i32
        %get3A_1352 = arith.index_cast %add3A_1351 : i32 to index
        %get3A_1353 = arith.constant 32 : index
        %get3A_1354 = tpu.vector_load %arg8[%get3A_1352, %get3A_1353] {strides = array<i32>} : memref<200x64xf32, #tpu.memory_space<vmem>>, vector<1x16xf32>,
        %get3A_1355 = vector.shape_cast %get3A_1354 : vector<1x16xf32> to vector<16xf32>
        %add3A_1356 = arith.addf %scan3A_1205, %get3A_1355 : vector<16xf32>
        %mul3A_1357 = arith.constant 8 : i32
        %mul3A_1358 = arith.muli %scan3A_1190, %mul3A_1357 : i32
        %add3A_1359 = arith.constant 3 : i32
        %add3A_1360 = arith.addi %mul3A_1358, %add3A_1359 : i32
        %get3A_1361 = arith.index_cast %add3A_1360 : i32 to index
        %get3A_1362 = arith.constant 48 : index
        %get3A_1363 = tpu.vector_load %arg8[%get3A_1361, %get3A_1362] {strides = array<i32>} : memref<200x64xf32, #tpu.memory_space<vmem>>, vector<1x16xf32>,
        %get3A_1364 = vector.shape_cast %get3A_1363 : vector<1x16xf32> to vector<16xf32>
        %add3A_1365 = arith.addf %scan3A_1206, %get3A_1364 : vector<16xf32>
        %mul3A_1366 = arith.constant 8 : i32
        %mul3A_1367 = arith.muli %scan3A_1190, %mul3A_1366 : i32
        %add3A_1368 = arith.constant 4 : i32
        %add3A_1369 = arith.addi %mul3A_1367, %add3A_1368 : i32
        %get3A_1370 = arith.index_cast %add3A_1369 : i32 to index
        %get3A_1371 = arith.constant 0 : index
        %get3A_1372 = tpu.vector_load %arg8[%get3A_1370, %get3A_1371] {strides = array<i32>} : memref<200x64xf32, #tpu.memory_space<vmem>>, vector<1x16xf32>,
        %get3A_1373 = vector.shape_cast %get3A_1372 : vector<1x16xf32> to vector<16xf32>
        %add3A_1374 = arith.addf %scan3A_1207, %get3A_1373 : vector<16xf32>
        %mul3A_1375 = arith.constant 8 : i32
        %mul3A_1376 = arith.muli %scan3A_1190, %mul3A_1375 : i32
        %add3A_1377 = arith.constant 4 : i32
        %add3A_1378 = arith.addi %mul3A_1376, %add3A_1377 : i32
        %get3A_1379 = arith.index_cast %add3A_1378 : i32 to index
        %get3A_1380 = arith.constant 16 : index
        %get3A_1381 = tpu.vector_load %arg8[%get3A_1379, %get3A_1380] {strides = array<i32>} : memref<200x64xf32, #tpu.memory_space<vmem>>, vector<1x16xf32>,
        %get3A_1382 = vector.shape_cast %get3A_1381 : vector<1x16xf32> to vector<16xf32>
        %add3A_1383 = arith.addf %scan3A_1208, %get3A_1382 : vector<16xf32>
        %mul3A_1384 = arith.constant 8 : i32
        %mul3A_1385 = arith.muli %scan3A_1190, %mul3A_1384 : i32
        %add3A_1386 = arith.constant 4 : i32
        %add3A_1387 = arith.addi %mul3A_1385, %add3A_1386 : i32
        %get3A_1388 = arith.index_cast %add3A_1387 : i32 to index
        %get3A_1389 = arith.constant 32 : index
        %get3A_1390 = tpu.vector_load %arg8[%get3A_1388, %get3A_1389] {strides = array<i32>} : memref<200x64xf32, #tpu.memory_space<vmem>>, vector<1x16xf32>,
        %get3A_1391 = vector.shape_cast %get3A_1390 : vector<1x16xf32> to vector<16xf32>
        %add3A_1392 = arith.addf %scan3A_1209, %get3A_1391 : vector<16xf32>
        %mul3A_1393 = arith.constant 8 : i32
        %mul3A_1394 = arith.muli %scan3A_1190, %mul3A_1393 : i32
        %add3A_1395 = arith.constant 4 : i32
        %add3A_1396 = arith.addi %mul3A_1394, %add3A_1395 : i32
        %get3A_1397 = arith.index_cast %add3A_1396 : i32 to index
        %get3A_1398 = arith.constant 48 : index
        %get3A_1399 = tpu.vector_load %arg8[%get3A_1397, %get3A_1398] {strides = array<i32>} : memref<200x64xf32, #tpu.memory_space<vmem>>, vector<1x16xf32>,
        %get3A_1400 = vector.shape_cast %get3A_1399 : vector<1x16xf32> to vector<16xf32>
        %add3A_1401 = arith.addf %scan3A_1210, %get3A_1400 : vector<16xf32>
        %mul3A_1402 = arith.constant 8 : i32
        %mul3A_1403 = arith.muli %scan3A_1190, %mul3A_1402 : i32
        %add3A_1404 = arith.constant 5 : i32
        %add3A_1405 = arith.addi %mul3A_1403, %add3A_1404 : i32
        %get3A_1406 = arith.index_cast %add3A_1405 : i32 to index
        %get3A_1407 = arith.constant 0 : index
        %get3A_1408 = tpu.vector_load %arg8[%get3A_1406, %get3A_1407] {strides = array<i32>} : memref<200x64xf32, #tpu.memory_space<vmem>>, vector<1x16xf32>,
        %get3A_1409 = vector.shape_cast %get3A_1408 : vector<1x16xf32> to vector<16xf32>
        %add3A_1410 = arith.addf %scan3A_1211, %get3A_1409 : vector<16xf32>
        %mul3A_1411 = arith.constant 8 : i32
        %mul3A_1412 = arith.muli %scan3A_1190, %mul3A_1411 : i32
        %add3A_1413 = arith.constant 5 : i32
        %add3A_1414 = arith.addi %mul3A_1412, %add3A_1413 : i32
        %get3A_1415 = arith.index_cast %add3A_1414 : i32 to index
        %get3A_1416 = arith.constant 16 : index
        %get3A_1417 = tpu.vector_load %arg8[%get3A_1415, %get3A_1416] {strides = array<i32>} : memref<200x64xf32, #tpu.memory_space<vmem>>, vector<1x16xf32>,
        %get3A_1418 = vector.shape_cast %get3A_1417 : vector<1x16xf32> to vector<16xf32>
        %add3A_1419 = arith.addf %scan3A_1212, %get3A_1418 : vector<16xf32>
        %mul3A_1420 = arith.constant 8 : i32
        %mul3A_1421 = arith.muli %scan3A_1190, %mul3A_1420 : i32
        %add3A_1422 = arith.constant 5 : i32
        %add3A_1423 = arith.addi %mul3A_1421, %add3A_1422 : i32
        %get3A_1424 = arith.index_cast %add3A_1423 : i32 to index
        %get3A_1425 = arith.constant 32 : index
        %get3A_1426 = tpu.vector_load %arg8[%get3A_1424, %get3A_1425] {strides = array<i32>} : memref<200x64xf32, #tpu.memory_space<vmem>>, vector<1x16xf32>,
        %get3A_1427 = vector.shape_cast %get3A_1426 : vector<1x16xf32> to vector<16xf32>
        %add3A_1428 = arith.addf %scan3A_1213, %get3A_1427 : vector<16xf32>
        %mul3A_1429 = arith.constant 8 : i32
        %mul3A_1430 = arith.muli %scan3A_1190, %mul3A_1429 : i32
        %add3A_1431 = arith.constant 5 : i32
        %add3A_1432 = arith.addi %mul3A_1430, %add3A_1431 : i32
        %get3A_1433 = arith.index_cast %add3A_1432 : i32 to index
        %get3A_1434 = arith.constant 48 : index
        %get3A_1435 = tpu.vector_load %arg8[%get3A_1433, %get3A_1434] {strides = array<i32>} : memref<200x64xf32, #tpu.memory_space<vmem>>, vector<1x16xf32>,
        %get3A_1436 = vector.shape_cast %get3A_1435 : vector<1x16xf32> to vector<16xf32>
        %add3A_1437 = arith.addf %scan3A_1214, %get3A_1436 : vector<16xf32>
        %mul3A_1438 = arith.constant 8 : i32
        %mul3A_1439 = arith.muli %scan3A_1190, %mul3A_1438 : i32
        %add3A_1440 = arith.constant 6 : i32
        %add3A_1441 = arith.addi %mul3A_1439, %add3A_1440 : i32
        %get3A_1442 = arith.index_cast %add3A_1441 : i32 to index
        %get3A_1443 = arith.constant 0 : index
        %get3A_1444 = tpu.vector_load %arg8[%get3A_1442, %get3A_1443] {strides = array<i32>} : memref<200x64xf32, #tpu.memory_space<vmem>>, vector<1x16xf32>,
        %get3A_1445 = vector.shape_cast %get3A_1444 : vector<1x16xf32> to vector<16xf32>
        %add3A_1446 = arith.addf %scan3A_1215, %get3A_1445 : vector<16xf32>
        %mul3A_1447 = arith.constant 8 : i32
        %mul3A_1448 = arith.muli %scan3A_1190, %mul3A_1447 : i32
        %add3A_1449 = arith.constant 6 : i32
        %add3A_1450 = arith.addi %mul3A_1448, %add3A_1449 : i32
        %get3A_1451 = arith.index_cast %add3A_1450 : i32 to index
        %get3A_1452 = arith.constant 16 : index
        %get3A_1453 = tpu.vector_load %arg8[%get3A_1451, %get3A_1452] {strides = array<i32>} : memref<200x64xf32, #tpu.memory_space<vmem>>, vector<1x16xf32>,
        %get3A_1454 = vector.shape_cast %get3A_1453 : vector<1x16xf32> to vector<16xf32>
        %add3A_1455 = arith.addf %scan3A_1216, %get3A_1454 : vector<16xf32>
        %mul3A_1456 = arith.constant 8 : i32
        %mul3A_1457 = arith.muli %scan3A_1190, %mul3A_1456 : i32
        %add3A_1458 = arith.constant 6 : i32
        %add3A_1459 = arith.addi %mul3A_1457, %add3A_1458 : i32
        %get3A_1460 = arith.index_cast %add3A_1459 : i32 to index
        %get3A_1461 = arith.constant 32 : index
        %get3A_1462 = tpu.vector_load %arg8[%get3A_1460, %get3A_1461] {strides = array<i32>} : memref<200x64xf32, #tpu.memory_space<vmem>>, vector<1x16xf32>,
        %get3A_1463 = vector.shape_cast %get3A_1462 : vector<1x16xf32> to vector<16xf32>
        %add3A_1464 = arith.addf %scan3A_1217, %get3A_1463 : vector<16xf32>
        %mul3A_1465 = arith.constant 8 : i32
        %mul3A_1466 = arith.muli %scan3A_1190, %mul3A_1465 : i32
        %add3A_1467 = arith.constant 6 : i32
        %add3A_1468 = arith.addi %mul3A_1466, %add3A_1467 : i32
        %get3A_1469 = arith.index_cast %add3A_1468 : i32 to index
        %get3A_1470 = arith.constant 48 : index
        %get3A_1471 = tpu.vector_load %arg8[%get3A_1469, %get3A_1470] {strides = array<i32>} : memref<200x64xf32, #tpu.memory_space<vmem>>, vector<1x16xf32>,
        %get3A_1472 = vector.shape_cast %get3A_1471 : vector<1x16xf32> to vector<16xf32>
        %add3A_1473 = arith.addf %scan3A_1218, %get3A_1472 : vector<16xf32>
        %mul3A_1474 = arith.constant 8 : i32
        %mul3A_1475 = arith.muli %scan3A_1190, %mul3A_1474 : i32
        %add3A_1476 = arith.constant 7 : i32
        %add3A_1477 = arith.addi %mul3A_1475, %add3A_1476 : i32
        %get3A_1478 = arith.index_cast %add3A_1477 : i32 to index
        %get3A_1479 = arith.constant 0 : index
        %get3A_1480 = tpu.vector_load %arg8[%get3A_1478, %get3A_1479] {strides = array<i32>} : memref<200x64xf32, #tpu.memory_space<vmem>>, vector<1x16xf32>,
        %get3A_1481 = vector.shape_cast %get3A_1480 : vector<1x16xf32> to vector<16xf32>
        %add3A_1482 = arith.addf %scan3A_1219, %get3A_1481 : vector<16xf32>
        %mul3A_1483 = arith.constant 8 : i32
        %mul3A_1484 = arith.muli %scan3A_1190, %mul3A_1483 : i32
        %add3A_1485 = arith.constant 7 : i32
        %add3A_1486 = arith.addi %mul3A_1484, %add3A_1485 : i32
        %get3A_1487 = arith.index_cast %add3A_1486 : i32 to index
        %get3A_1488 = arith.constant 16 : index
        %get3A_1489 = tpu.vector_load %arg8[%get3A_1487, %get3A_1488] {strides = array<i32>} : memref<200x64xf32, #tpu.memory_space<vmem>>, vector<1x16xf32>,
        %get3A_1490 = vector.shape_cast %get3A_1489 : vector<1x16xf32> to vector<16xf32>
        %add3A_1491 = arith.addf %scan3A_1220, %get3A_1490 : vector<16xf32>
        %mul3A_1492 = arith.constant 8 : i32
        %mul3A_1493 = arith.muli %scan3A_1190, %mul3A_1492 : i32
        %add3A_1494 = arith.constant 7 : i32
        %add3A_1495 = arith.addi %mul3A_1493, %add3A_1494 : i32
        %get3A_1496 = arith.index_cast %add3A_1495 : i32 to index
        %get3A_1497 = arith.constant 32 : index
        %get3A_1498 = tpu.vector_load %arg8[%get3A_1496, %get3A_1497] {strides = array<i32>} : memref<200x64xf32, #tpu.memory_space<vmem>>, vector<1x16xf32>,
        %get3A_1499 = vector.shape_cast %get3A_1498 : vector<1x16xf32> to vector<16xf32>
        %add3A_1500 = arith.addf %scan3A_1221, %get3A_1499 : vector<16xf32>
        %mul3A_1501 = arith.constant 8 : i32
        %mul3A_1502 = arith.muli %scan3A_1190, %mul3A_1501 : i32
        %add3A_1503 = arith.constant 7 : i32
        %add3A_1504 = arith.addi %mul3A_1502, %add3A_1503 : i32
        %get3A_1505 = arith.index_cast %add3A_1504 : i32 to index
        %get3A_1506 = arith.constant 48 : index
        %get3A_1507 = tpu.vector_load %arg8[%get3A_1505, %get3A_1506] {strides = array<i32>} : memref<200x64xf32, #tpu.memory_space<vmem>>, vector<1x16xf32>,
        %get3A_1508 = vector.shape_cast %get3A_1507 : vector<1x16xf32> to vector<16xf32>
        %add3A_1509 = arith.addf %scan3A_1222, %get3A_1508 : vector<16xf32>
        scf.yield %add3A_1230, %add3A_1239, %add3A_1248, %add3A_1257, %add3A_1266, %add3A_1275, %add3A_1284, %add3A_1293, %add3A_1302, %add3A_1311, %add3A_1320, %add3A_1329, %add3A_1338, %add3A_1347, %add3A_1356, %add3A_1365, %add3A_1374, %add3A_1383, %add3A_1392, %add3A_1401, %add3A_1410, %add3A_1419, %add3A_1428, %add3A_1437, %add3A_1446, %add3A_1455, %add3A_1464, %add3A_1473, %add3A_1482, %add3A_1491, %add3A_1500, %add3A_1509 : vector<16xf32>, vector<16xf32>, vector<16xf32>, vector<16xf32>, vector<16xf32>, vector<16xf32>, vector<16xf32>, vector<16xf32>, vector<16xf32>, vector<16xf32>, vector<16xf32>, vector<16xf32>, vector<16xf32>, vector<16xf32>, vector<16xf32>, vector<16xf32>, vector<16xf32>, vector<16xf32>, vector<16xf32>, vector<16xf32>, vector<16xf32>, vector<16xf32>, vector<16xf32>, vector<16xf32>, vector<16xf32>, vector<16xf32>, vector<16xf32>, vector<16xf32>, vector<16xf32>, vector<16xf32>, vector<16xf32>, vector<16xf32>
      }
      %scan3A_729 = arith.constant 25 : i32
      %add3A_730 = arith.addf %scan3A_728#0, %scan3A_728#16 : vector<16xf32>
      %add3A_731 = arith.addf %scan3A_728#4, %scan3A_728#20 : vector<16xf32>
      %add3A_732 = arith.addf %scan3A_728#8, %scan3A_728#24 : vector<16xf32>
      %add3A_733 = arith.addf %scan3A_728#12, %scan3A_728#28 : vector<16xf32>
      %add3A_734 = arith.addf %add3A_730, %add3A_732 : vector<16xf32>
      %add3A_735 = arith.addf %add3A_731, %add3A_733 : vector<16xf32>
      %add3A_736 = arith.addf %add3A_734, %add3A_735 : vector<16xf32>
      %swap3A_737 = arith.index_cast %add3A_653 : i32 to index
      %swap3A_738 = arith.constant 0 : index
      %swap3A_739 = tpu.vector_load %arg12[%swap3A_737, %swap3A_738] {strides = array<i32>} : memref<128x64xf32, #tpu.memory_space<vmem>>, vector<1x16xf32>,
      %swap3A_740 = vector.shape_cast %swap3A_739 : vector<1x16xf32> to vector<16xf32>
      %swap3A_741 = vector.shape_cast %add3A_736 : vector<16xf32> to vector<1x16xf32>
      tpu.vector_store %arg12[%swap3A_737, %swap3A_738], %swap3A_741 {strides = array<i32>} : memref<128x64xf32, #tpu.memory_space<vmem>>, vector<1x16xf32>,
      %add3A_742 = arith.addf %scan3A_728#1, %scan3A_728#17 : vector<16xf32>
      %add3A_743 = arith.addf %scan3A_728#5, %scan3A_728#21 : vector<16xf32>
      %add3A_744 = arith.addf %scan3A_728#9, %scan3A_728#25 : vector<16xf32>
      %add3A_745 = arith.addf %scan3A_728#13, %scan3A_728#29 : vector<16xf32>
      %add3A_746 = arith.addf %add3A_742, %add3A_744 : vector<16xf32>
      %add3A_747 = arith.addf %add3A_743, %add3A_745 : vector<16xf32>
      %add3A_748 = arith.addf %add3A_746, %add3A_747 : vector<16xf32>
      %swap3A_749 = arith.index_cast %add3A_653 : i32 to index
      %swap3A_750 = arith.constant 16 : index
      %swap3A_751 = tpu.vector_load %arg12[%swap3A_749, %swap3A_750] {strides = array<i32>} : memref<128x64xf32, #tpu.memory_space<vmem>>, vector<1x16xf32>,
      %swap3A_752 = vector.shape_cast %swap3A_751 : vector<1x16xf32> to vector<16xf32>
      %swap3A_753 = vector.shape_cast %add3A_748 : vector<16xf32> to vector<1x16xf32>
      tpu.vector_store %arg12[%swap3A_749, %swap3A_750], %swap3A_753 {strides = array<i32>} : memref<128x64xf32, #tpu.memory_space<vmem>>, vector<1x16xf32>,
      %add3A_754 = arith.addf %scan3A_728#2, %scan3A_728#18 : vector<16xf32>
      %add3A_755 = arith.addf %scan3A_728#6, %scan3A_728#22 : vector<16xf32>
      %add3A_756 = arith.addf %scan3A_728#10, %scan3A_728#26 : vector<16xf32>
      %add3A_757 = arith.addf %scan3A_728#14, %scan3A_728#30 : vector<16xf32>
      %add3A_758 = arith.addf %add3A_754, %add3A_756 : vector<16xf32>
      %add3A_759 = arith.addf %add3A_755, %add3A_757 : vector<16xf32>
      %add3A_760 = arith.addf %add3A_758, %add3A_759 : vector<16xf32>
      %swap3A_761 = arith.index_cast %add3A_653 : i32 to index
      %swap3A_762 = arith.constant 32 : index
      %swap3A_763 = tpu.vector_load %arg12[%swap3A_761, %swap3A_762] {strides = array<i32>} : memref<128x64xf32, #tpu.memory_space<vmem>>, vector<1x16xf32>,
      %swap3A_764 = vector.shape_cast %swap3A_763 : vector<1x16xf32> to vector<16xf32>
      %swap3A_765 = vector.shape_cast %add3A_760 : vector<16xf32> to vector<1x16xf32>
      tpu.vector_store %arg12[%swap3A_761, %swap3A_762], %swap3A_765 {strides = array<i32>} : memref<128x64xf32, #tpu.memory_space<vmem>>, vector<1x16xf32>,
      %add3A_766 = arith.addf %scan3A_728#3, %scan3A_728#19 : vector<16xf32>
      %add3A_767 = arith.addf %scan3A_728#7, %scan3A_728#23 : vector<16xf32>
      %add3A_768 = arith.addf %scan3A_728#11, %scan3A_728#27 : vector<16xf32>
      %add3A_769 = arith.addf %scan3A_728#15, %scan3A_728#31 : vector<16xf32>
      %add3A_770 = arith.addf %add3A_766, %add3A_768 : vector<16xf32>
      %add3A_771 = arith.addf %add3A_767, %add3A_769 : vector<16xf32>
      %add3A_772 = arith.addf %add3A_770, %add3A_771 : vector<16xf32>
      %swap3A_773 = arith.index_cast %add3A_653 : i32 to index
      %swap3A_774 = arith.constant 48 : index
      %swap3A_775 = tpu.vector_load %arg12[%swap3A_773, %swap3A_774] {strides = array<i32>} : memref<128x64xf32, #tpu.memory_space<vmem>>, vector<1x16xf32>,
      %swap3A_776 = vector.shape_cast %swap3A_775 : vector<1x16xf32> to vector<16xf32>
      %swap3A_777 = vector.shape_cast %add3A_772 : vector<16xf32> to vector<1x16xf32>
      tpu.vector_store %arg12[%swap3A_773, %swap3A_774], %swap3A_777 {strides = array<i32>} : memref<128x64xf32, #tpu.memory_space<vmem>>, vector<1x16xf32>,
      %add3A_778 = arith.constant 6 : i32
      %add3A_779 = arith.addi %add3A_653, %add3A_778 : i32
      %lt3A_780 = arith.constant 128 : i32
      %lt3A_781 = arith.cmpi slt, %add3A_779, %lt3A_780 : i32
      %convert_element_type3A_782 = arith.extui %lt3A_781 : i1 to i32
      %cond3A_783 = arith.constant 0 : i32
      %cond3A_784 = arith.cmpi ne, %convert_element_type3A_782, %cond3A_783 : i32
      scf.if %cond3A_784 {
        %dma_start3A_1190 = arith.constant 0 : i32
        %dma_start3A_1191 = arith.constant 0 : i32
        %dma_start3A_1192 = tpu.memref_slice %arg8[%dma_start3A_1190, %dma_start3A_1191] : memref<200x64xf32, #tpu.memory_space<vmem>> -> memref<128x64xf32, #tpu.memory_space<vmem>>
        %dma_start3A_1193 = arith.constant 0 : i32
        %dma_start3A_1194 = tpu.memref_slice %arg5[%add3A_779, %dma_start3A_1193] : memref<128x200xi32, #tpu.memory_space<vmem>> -> memref<1x128xi32, #tpu.memory_space<vmem>>
        %dma_start3A_1195 = tpu.memref_squeeze %dma_start3A_1194 : memref<1x128xi32, #tpu.memory_space<vmem>> -> memref<128xi32, #tpu.memory_space<vmem>>
        %dma_start3A_1196 = arith.constant 0 : i32
        %dma_start3A_1197 = arith.constant 0 : i32
        %dma_start3A_1198 = tpu.memref_slice %arg3[%dma_start3A_1196, %dma_start3A_1197] : memref<1015808x64xf32, #tpu.memory_space<hbm>> -> memref<1015808x64xf32, #tpu.memory_space<hbm>>
        tpu.enqueue_indirect_dma source(%dma_start3A_1198 : memref<1015808x64xf32, #tpu.memory_space<hbm>>) target(%dma_start3A_1192 : memref<128x64xf32, #tpu.memory_space<vmem>>) offsets(%dma_start3A_1195 : memref<128xi32, #tpu.memory_space<vmem>>) semaphore(%arg15 : memref<!tpu.dma_semaphore, #tpu.memory_space<semaphore_mem>>)
        %dma_start3A_1199 = arith.constant 128 : i32
        %dma_start3A_1200 = arith.constant 0 : i32
        %dma_start3A_1201 = tpu.memref_slice %arg8[%dma_start3A_1199, %dma_start3A_1200] : memref<200x64xf32, #tpu.memory_space<vmem>> -> memref<72x64xf32, #tpu.memory_space<vmem>>
        %dma_start3A_1202 = arith.constant 128 : i32
        %dma_start3A_1203 = tpu.memref_slice %arg5[%add3A_779, %dma_start3A_1202] : memref<128x200xi32, #tpu.memory_space<vmem>> -> memref<1x72xi32, #tpu.memory_space<vmem>>
        %dma_start3A_1204 = tpu.memref_squeeze %dma_start3A_1203 : memref<1x72xi32, #tpu.memory_space<vmem>> -> memref<72xi32, #tpu.memory_space<vmem>>
        %dma_start3A_1205 = arith.constant 0 : i32
        %dma_start3A_1206 = arith.constant 0 : i32
        %dma_start3A_1207 = tpu.memref_slice %arg3[%dma_start3A_1205, %dma_start3A_1206] : memref<1015808x64xf32, #tpu.memory_space<hbm>> -> memref<1015808x64xf32, #tpu.memory_space<hbm>>
        tpu.enqueue_indirect_dma source(%dma_start3A_1207 : memref<1015808x64xf32, #tpu.memory_space<hbm>>) target(%dma_start3A_1201 : memref<72x64xf32, #tpu.memory_space<vmem>>) offsets(%dma_start3A_1204 : memref<72xi32, #tpu.memory_space<vmem>>) semaphore(%arg15 : memref<!tpu.dma_semaphore, #tpu.memory_space<semaphore_mem>>)
      } else {
      }
      %mul3A_785 = arith.constant 6 : i32
      %mul3A_786 = arith.muli %mul3A_785, %scan3A_382 : i32
      %add3A_787 = arith.constant 3 : i32
      %add3A_788 = arith.addi %mul3A_786, %add3A_787 : i32
      %dma_wait3A_789 = arith.constant 0 : i32
      %dma_wait3A_790 = arith.constant 0 : i32
      %dma_wait3A_791 = tpu.memref_slice %arg3[%dma_wait3A_789, %dma_wait3A_790] : memref<1015808x64xf32, #tpu.memory_space<hbm>> -> memref<200x64xf32, #tpu.memory_space<hbm>>
      %dma_wait3A_792 = arith.constant 0 : i32
      %dma_wait3A_793 = arith.constant 0 : i32
      %dma_wait3A_794 = tpu.memref_slice %arg3[%dma_wait3A_792, %dma_wait3A_793] : memref<1015808x64xf32, #tpu.memory_space<hbm>> -> memref<200x64xf32, #tpu.memory_space<hbm>>
      tpu.wait_dma2 semaphore(%arg16 : memref<!tpu.dma_semaphore, #tpu.memory_space<semaphore_mem>>) src(%dma_wait3A_794 : memref<200x64xf32, #tpu.memory_space<hbm>>) dst(%arg9 : memref<200x64xf32, #tpu.memory_space<vmem>>)
      %broadcast_in_dim3A_795 = arith.constant 0.000000e+00 : f32
      %broadcast_in_dim3A_796 = vector.broadcast %broadcast_in_dim3A_795 : f32 to vector<16xf32>
      %broadcast_in_dim3A_797 = arith.constant 0.000000e+00 : f32
      %broadcast_in_dim3A_798 = vector.broadcast %broadcast_in_dim3A_797 : f32 to vector<16xf32>
      %broadcast_in_dim3A_799 = arith.constant 0.000000e+00 : f32
      %broadcast_in_dim3A_800 = vector.broadcast %broadcast_in_dim3A_799 : f32 to vector<16xf32>
      %broadcast_in_dim3A_801 = arith.constant 0.000000e+00 : f32
      %broadcast_in_dim3A_802 = vector.broadcast %broadcast_in_dim3A_801 : f32 to vector<16xf32>
      %broadcast_in_dim3A_803 = arith.constant 0.000000e+00 : f32
      %broadcast_in_dim3A_804 = vector.broadcast %broadcast_in_dim3A_803 : f32 to vector<16xf32>
      %broadcast_in_dim3A_805 = arith.constant 0.000000e+00 : f32
      %broadcast_in_dim3A_806 = vector.broadcast %broadcast_in_dim3A_805 : f32 to vector<16xf32>
      %broadcast_in_dim3A_807 = arith.constant 0.000000e+00 : f32
      %broadcast_in_dim3A_808 = vector.broadcast %broadcast_in_dim3A_807 : f32 to vector<16xf32>
      %broadcast_in_dim3A_809 = arith.constant 0.000000e+00 : f32
      %broadcast_in_dim3A_810 = vector.broadcast %broadcast_in_dim3A_809 : f32 to vector<16xf32>
      %broadcast_in_dim3A_811 = arith.constant 0.000000e+00 : f32
      %broadcast_in_dim3A_812 = vector.broadcast %broadcast_in_dim3A_811 : f32 to vector<16xf32>
      %broadcast_in_dim3A_813 = arith.constant 0.000000e+00 : f32
      %broadcast_in_dim3A_814 = vector.broadcast %broadcast_in_dim3A_813 : f32 to vector<16xf32>
      %broadcast_in_dim3A_815 = arith.constant 0.000000e+00 : f32
      %broadcast_in_dim3A_816 = vector.broadcast %broadcast_in_dim3A_815 : f32 to vector<16xf32>
      %broadcast_in_dim3A_817 = arith.constant 0.000000e+00 : f32
      %broadcast_in_dim3A_818 = vector.broadcast %broadcast_in_dim3A_817 : f32 to vector<16xf32>
      %broadcast_in_dim3A_819 = arith.constant 0.000000e+00 : f32
      %broadcast_in_dim3A_820 = vector.broadcast %broadcast_in_dim3A_819 : f32 to vector<16xf32>
      %broadcast_in_dim3A_821 = arith.constant 0.000000e+00 : f32
      %broadcast_in_dim3A_822 = vector.broadcast %broadcast_in_dim3A_821 : f32 to vector<16xf32>
      %broadcast_in_dim3A_823 = arith.constant 0.000000e+00 : f32
      %broadcast_in_dim3A_824 = vector.broadcast %broadcast_in_dim3A_823 : f32 to vector<16xf32>
      %broadcast_in_dim3A_825 = arith.constant 0.000000e+00 : f32
      %broadcast_in_dim3A_826 = vector.broadcast %broadcast_in_dim3A_825 : f32 to vector<16xf32>
      %broadcast_in_dim3A_827 = arith.constant 0.000000e+00 : f32
      %broadcast_in_dim3A_828 = vector.broadcast %broadcast_in_dim3A_827 : f32 to vector<16xf32>
      %broadcast_in_dim3A_829 = arith.constant 0.000000e+00 : f32
      %broadcast_in_dim3A_830 = vector.broadcast %broadcast_in_dim3A_829 : f32 to vector<16xf32>
      %broadcast_in_dim3A_831 = arith.constant 0.000000e+00 : f32
      %broadcast_in_dim3A_832 = vector.broadcast %broadcast_in_dim3A_831 : f32 to vector<16xf32>
      %broadcast_in_dim3A_833 = arith.constant 0.000000e+00 : f32
      %broadcast_in_dim3A_834 = vector.broadcast %broadcast_in_dim3A_833 : f32 to vector<16xf32>
      %broadcast_in_dim3A_835 = arith.constant 0.000000e+00 : f32
      %broadcast_in_dim3A_836 = vector.broadcast %broadcast_in_dim3A_835 : f32 to vector<16xf32>
      %broadcast_in_dim3A_837 = arith.constant 0.000000e+00 : f32
      %broadcast_in_dim3A_838 = vector.broadcast %broadcast_in_dim3A_837 : f32 to vector<16xf32>
      %broadcast_in_dim3A_839 = arith.constant 0.000000e+00 : f32
      %broadcast_in_dim3A_840 = vector.broadcast %broadcast_in_dim3A_839 : f32 to vector<16xf32>
      %broadcast_in_dim3A_841 = arith.constant 0.000000e+00 : f32
      %broadcast_in_dim3A_842 = vector.broadcast %broadcast_in_dim3A_841 : f32 to vector<16xf32>
      %broadcast_in_dim3A_843 = arith.constant 0.000000e+00 : f32
      %broadcast_in_dim3A_844 = vector.broadcast %broadcast_in_dim3A_843 : f32 to vector<16xf32>
      %broadcast_in_dim3A_845 = arith.constant 0.000000e+00 : f32
      %broadcast_in_dim3A_846 = vector.broadcast %broadcast_in_dim3A_845 : f32 to vector<16xf32>
      %broadcast_in_dim3A_847 = arith.constant 0.000000e+00 : f32
      %broadcast_in_dim3A_848 = vector.broadcast %broadcast_in_dim3A_847 : f32 to vector<16xf32>
      %broadcast_in_dim3A_849 = arith.constant 0.000000e+00 : f32
      %broadcast_in_dim3A_850 = vector.broadcast %broadcast_in_dim3A_849 : f32 to vector<16xf32>
      %broadcast_in_dim3A_851 = arith.constant 0.000000e+00 : f32
      %broadcast_in_dim3A_852 = vector.broadcast %broadcast_in_dim3A_851 : f32 to vector<16xf32>
      %broadcast_in_dim3A_853 = arith.constant 0.000000e+00 : f32
      %broadcast_in_dim3A_854 = vector.broadcast %broadcast_in_dim3A_853 : f32 to vector<16xf32>
      %broadcast_in_dim3A_855 = arith.constant 0.000000e+00 : f32
      %broadcast_in_dim3A_856 = vector.broadcast %broadcast_in_dim3A_855 : f32 to vector<16xf32>
      %broadcast_in_dim3A_857 = arith.constant 0.000000e+00 : f32
      %broadcast_in_dim3A_858 = vector.broadcast %broadcast_in_dim3A_857 : f32 to vector<16xf32>
      %scan3A_859 = arith.constant 0 : i32
      %scan3A_860 = arith.constant 25 : i32
      %scan3A_861 = arith.addi %scan3A_859, %scan3A_860 : i32
      %scan3A_862 = arith.constant 1 : i32
      %scan3A_863:32 = scf.for %scan3A_1190 = %scan3A_859 to %scan3A_861 step %scan3A_862 iter_args(%scan3A_1191 = %broadcast_in_dim3A_796, %scan3A_1192 = %broadcast_in_dim3A_798, %scan3A_1193 = %broadcast_in_dim3A_800, %scan3A_1194 = %broadcast_in_dim3A_802, %scan3A_1195 = %broadcast_in_dim3A_804, %scan3A_1196 = %broadcast_in_dim3A_806, %scan3A_1197 = %broadcast_in_dim3A_808, %scan3A_1198 = %broadcast_in_dim3A_810, %scan3A_1199 = %broadcast_in_dim3A_812, %scan3A_1200 = %broadcast_in_dim3A_814, %scan3A_1201 = %broadcast_in_dim3A_816, %scan3A_1202 = %broadcast_in_dim3A_818, %scan3A_1203 = %broadcast_in_dim3A_820, %scan3A_1204 = %broadcast_in_dim3A_822, %scan3A_1205 = %broadcast_in_dim3A_824, %scan3A_1206 = %broadcast_in_dim3A_826, %scan3A_1207 = %broadcast_in_dim3A_828, %scan3A_1208 = %broadcast_in_dim3A_830, %scan3A_1209 = %broadcast_in_dim3A_832, %scan3A_1210 = %broadcast_in_dim3A_834, %scan3A_1211 = %broadcast_in_dim3A_836, %scan3A_1212 = %broadcast_in_dim3A_838, %scan3A_1213 = %broadcast_in_dim3A_840, %scan3A_1214 = %broadcast_in_dim3A_842, %scan3A_1215 = %broadcast_in_dim3A_844, %scan3A_1216 = %broadcast_in_dim3A_846, %scan3A_1217 = %broadcast_in_dim3A_848, %scan3A_1218 = %broadcast_in_dim3A_850, %scan3A_1219 = %broadcast_in_dim3A_852, %scan3A_1220 = %broadcast_in_dim3A_854, %scan3A_1221 = %broadcast_in_dim3A_856, %scan3A_1222 = %broadcast_in_dim3A_858) -> (vector<16xf32>, vector<16xf32>, vector<16xf32>, vector<16xf32>, vector<16xf32>, vector<16xf32>, vector<16xf32>, vector<16xf32>, vector<16xf32>, vector<16xf32>, vector<16xf32>, vector<16xf32>, vector<16xf32>, vector<16xf32>, vector<16xf32>, vector<16xf32>, vector<16xf32>, vector<16xf32>, vector<16xf32>, vector<16xf32>, vector<16xf32>, vector<16xf32>, vector<16xf32>, vector<16xf32>, vector<16xf32>, vector<16xf32>, vector<16xf32>, vector<16xf32>, vector<16xf32>, vector<16xf32>, vector<16xf32>, vector<16xf32>)  : i32 {
        %mul3A_1223 = arith.constant 8 : i32
        %mul3A_1224 = arith.muli %scan3A_1190, %mul3A_1223 : i32
        %add3A_1225 = arith.constant 0 : i32
        %add3A_1226 = arith.addi %mul3A_1224, %add3A_1225 : i32
        %get3A = arith.index_cast %add3A_1226 : i32 to index
        %get3A_1227 = arith.constant 0 : index
        %get3A_1228 = tpu.vector_load %arg9[%get3A, %get3A_1227] {strides = array<i32>} : memref<200x64xf32, #tpu.memory_space<vmem>>, vector<1x16xf32>,
        %get3A_1229 = vector.shape_cast %get3A_1228 : vector<1x16xf32> to vector<16xf32>
        %add3A_1230 = arith.addf %scan3A_1191, %get3A_1229 : vector<16xf32>
        %mul3A_1231 = arith.constant 8 : i32
        %mul3A_1232 = arith.muli %scan3A_1190, %mul3A_1231 : i32
        %add3A_1233 = arith.constant 0 : i32
        %add3A_1234 = arith.addi %mul3A_1232, %add3A_1233 : i32
        %get3A_1235 = arith.index_cast %add3A_1234 : i32 to index
        %get3A_1236 = arith.constant 16 : index
        %get3A_1237 = tpu.vector_load %arg9[%get3A_1235, %get3A_1236] {strides = array<i32>} : memref<200x64xf32, #tpu.memory_space<vmem>>, vector<1x16xf32>,
        %get3A_1238 = vector.shape_cast %get3A_1237 : vector<1x16xf32> to vector<16xf32>
        %add3A_1239 = arith.addf %scan3A_1192, %get3A_1238 : vector<16xf32>
        %mul3A_1240 = arith.constant 8 : i32
        %mul3A_1241 = arith.muli %scan3A_1190, %mul3A_1240 : i32
        %add3A_1242 = arith.constant 0 : i32
        %add3A_1243 = arith.addi %mul3A_1241, %add3A_1242 : i32
        %get3A_1244 = arith.index_cast %add3A_1243 : i32 to index
        %get3A_1245 = arith.constant 32 : index
        %get3A_1246 = tpu.vector_load %arg9[%get3A_1244, %get3A_1245] {strides = array<i32>} : memref<200x64xf32, #tpu.memory_space<vmem>>, vector<1x16xf32>,
        %get3A_1247 = vector.shape_cast %get3A_1246 : vector<1x16xf32> to vector<16xf32>
        %add3A_1248 = arith.addf %scan3A_1193, %get3A_1247 : vector<16xf32>
        %mul3A_1249 = arith.constant 8 : i32
        %mul3A_1250 = arith.muli %scan3A_1190, %mul3A_1249 : i32
        %add3A_1251 = arith.constant 0 : i32
        %add3A_1252 = arith.addi %mul3A_1250, %add3A_1251 : i32
        %get3A_1253 = arith.index_cast %add3A_1252 : i32 to index
        %get3A_1254 = arith.constant 48 : index
        %get3A_1255 = tpu.vector_load %arg9[%get3A_1253, %get3A_1254] {strides = array<i32>} : memref<200x64xf32, #tpu.memory_space<vmem>>, vector<1x16xf32>,
        %get3A_1256 = vector.shape_cast %get3A_1255 : vector<1x16xf32> to vector<16xf32>
        %add3A_1257 = arith.addf %scan3A_1194, %get3A_1256 : vector<16xf32>
        %mul3A_1258 = arith.constant 8 : i32
        %mul3A_1259 = arith.muli %scan3A_1190, %mul3A_1258 : i32
        %add3A_1260 = arith.constant 1 : i32
        %add3A_1261 = arith.addi %mul3A_1259, %add3A_1260 : i32
        %get3A_1262 = arith.index_cast %add3A_1261 : i32 to index
        %get3A_1263 = arith.constant 0 : index
        %get3A_1264 = tpu.vector_load %arg9[%get3A_1262, %get3A_1263] {strides = array<i32>} : memref<200x64xf32, #tpu.memory_space<vmem>>, vector<1x16xf32>,
        %get3A_1265 = vector.shape_cast %get3A_1264 : vector<1x16xf32> to vector<16xf32>
        %add3A_1266 = arith.addf %scan3A_1195, %get3A_1265 : vector<16xf32>
        %mul3A_1267 = arith.constant 8 : i32
        %mul3A_1268 = arith.muli %scan3A_1190, %mul3A_1267 : i32
        %add3A_1269 = arith.constant 1 : i32
        %add3A_1270 = arith.addi %mul3A_1268, %add3A_1269 : i32
        %get3A_1271 = arith.index_cast %add3A_1270 : i32 to index
        %get3A_1272 = arith.constant 16 : index
        %get3A_1273 = tpu.vector_load %arg9[%get3A_1271, %get3A_1272] {strides = array<i32>} : memref<200x64xf32, #tpu.memory_space<vmem>>, vector<1x16xf32>,
        %get3A_1274 = vector.shape_cast %get3A_1273 : vector<1x16xf32> to vector<16xf32>
        %add3A_1275 = arith.addf %scan3A_1196, %get3A_1274 : vector<16xf32>
        %mul3A_1276 = arith.constant 8 : i32
        %mul3A_1277 = arith.muli %scan3A_1190, %mul3A_1276 : i32
        %add3A_1278 = arith.constant 1 : i32
        %add3A_1279 = arith.addi %mul3A_1277, %add3A_1278 : i32
        %get3A_1280 = arith.index_cast %add3A_1279 : i32 to index
        %get3A_1281 = arith.constant 32 : index
        %get3A_1282 = tpu.vector_load %arg9[%get3A_1280, %get3A_1281] {strides = array<i32>} : memref<200x64xf32, #tpu.memory_space<vmem>>, vector<1x16xf32>,
        %get3A_1283 = vector.shape_cast %get3A_1282 : vector<1x16xf32> to vector<16xf32>
        %add3A_1284 = arith.addf %scan3A_1197, %get3A_1283 : vector<16xf32>
        %mul3A_1285 = arith.constant 8 : i32
        %mul3A_1286 = arith.muli %scan3A_1190, %mul3A_1285 : i32
        %add3A_1287 = arith.constant 1 : i32
        %add3A_1288 = arith.addi %mul3A_1286, %add3A_1287 : i32
        %get3A_1289 = arith.index_cast %add3A_1288 : i32 to index
        %get3A_1290 = arith.constant 48 : index
        %get3A_1291 = tpu.vector_load %arg9[%get3A_1289, %get3A_1290] {strides = array<i32>} : memref<200x64xf32, #tpu.memory_space<vmem>>, vector<1x16xf32>,
        %get3A_1292 = vector.shape_cast %get3A_1291 : vector<1x16xf32> to vector<16xf32>
        %add3A_1293 = arith.addf %scan3A_1198, %get3A_1292 : vector<16xf32>
        %mul3A_1294 = arith.constant 8 : i32
        %mul3A_1295 = arith.muli %scan3A_1190, %mul3A_1294 : i32
        %add3A_1296 = arith.constant 2 : i32
        %add3A_1297 = arith.addi %mul3A_1295, %add3A_1296 : i32
        %get3A_1298 = arith.index_cast %add3A_1297 : i32 to index
        %get3A_1299 = arith.constant 0 : index
        %get3A_1300 = tpu.vector_load %arg9[%get3A_1298, %get3A_1299] {strides = array<i32>} : memref<200x64xf32, #tpu.memory_space<vmem>>, vector<1x16xf32>,
        %get3A_1301 = vector.shape_cast %get3A_1300 : vector<1x16xf32> to vector<16xf32>
        %add3A_1302 = arith.addf %scan3A_1199, %get3A_1301 : vector<16xf32>
        %mul3A_1303 = arith.constant 8 : i32
        %mul3A_1304 = arith.muli %scan3A_1190, %mul3A_1303 : i32
        %add3A_1305 = arith.constant 2 : i32
        %add3A_1306 = arith.addi %mul3A_1304, %add3A_1305 : i32
        %get3A_1307 = arith.index_cast %add3A_1306 : i32 to index
        %get3A_1308 = arith.constant 16 : index
        %get3A_1309 = tpu.vector_load %arg9[%get3A_1307, %get3A_1308] {strides = array<i32>} : memref<200x64xf32, #tpu.memory_space<vmem>>, vector<1x16xf32>,
        %get3A_1310 = vector.shape_cast %get3A_1309 : vector<1x16xf32> to vector<16xf32>
        %add3A_1311 = arith.addf %scan3A_1200, %get3A_1310 : vector<16xf32>
        %mul3A_1312 = arith.constant 8 : i32
        %mul3A_1313 = arith.muli %scan3A_1190, %mul3A_1312 : i32
        %add3A_1314 = arith.constant 2 : i32
        %add3A_1315 = arith.addi %mul3A_1313, %add3A_1314 : i32
        %get3A_1316 = arith.index_cast %add3A_1315 : i32 to index
        %get3A_1317 = arith.constant 32 : index
        %get3A_1318 = tpu.vector_load %arg9[%get3A_1316, %get3A_1317] {strides = array<i32>} : memref<200x64xf32, #tpu.memory_space<vmem>>, vector<1x16xf32>,
        %get3A_1319 = vector.shape_cast %get3A_1318 : vector<1x16xf32> to vector<16xf32>
        %add3A_1320 = arith.addf %scan3A_1201, %get3A_1319 : vector<16xf32>
        %mul3A_1321 = arith.constant 8 : i32
        %mul3A_1322 = arith.muli %scan3A_1190, %mul3A_1321 : i32
        %add3A_1323 = arith.constant 2 : i32
        %add3A_1324 = arith.addi %mul3A_1322, %add3A_1323 : i32
        %get3A_1325 = arith.index_cast %add3A_1324 : i32 to index
        %get3A_1326 = arith.constant 48 : index
        %get3A_1327 = tpu.vector_load %arg9[%get3A_1325, %get3A_1326] {strides = array<i32>} : memref<200x64xf32, #tpu.memory_space<vmem>>, vector<1x16xf32>,
        %get3A_1328 = vector.shape_cast %get3A_1327 : vector<1x16xf32> to vector<16xf32>
        %add3A_1329 = arith.addf %scan3A_1202, %get3A_1328 : vector<16xf32>
        %mul3A_1330 = arith.constant 8 : i32
        %mul3A_1331 = arith.muli %scan3A_1190, %mul3A_1330 : i32
        %add3A_1332 = arith.constant 3 : i32
        %add3A_1333 = arith.addi %mul3A_1331, %add3A_1332 : i32
        %get3A_1334 = arith.index_cast %add3A_1333 : i32 to index
        %get3A_1335 = arith.constant 0 : index
        %get3A_1336 = tpu.vector_load %arg9[%get3A_1334, %get3A_1335] {strides = array<i32>} : memref<200x64xf32, #tpu.memory_space<vmem>>, vector<1x16xf32>,
        %get3A_1337 = vector.shape_cast %get3A_1336 : vector<1x16xf32> to vector<16xf32>
        %add3A_1338 = arith.addf %scan3A_1203, %get3A_1337 : vector<16xf32>
        %mul3A_1339 = arith.constant 8 : i32
        %mul3A_1340 = arith.muli %scan3A_1190, %mul3A_1339 : i32
        %add3A_1341 = arith.constant 3 : i32
        %add3A_1342 = arith.addi %mul3A_1340, %add3A_1341 : i32
        %get3A_1343 = arith.index_cast %add3A_1342 : i32 to index
        %get3A_1344 = arith.constant 16 : index
        %get3A_1345 = tpu.vector_load %arg9[%get3A_1343, %get3A_1344] {strides = array<i32>} : memref<200x64xf32, #tpu.memory_space<vmem>>, vector<1x16xf32>,
        %get3A_1346 = vector.shape_cast %get3A_1345 : vector<1x16xf32> to vector<16xf32>
        %add3A_1347 = arith.addf %scan3A_1204, %get3A_1346 : vector<16xf32>
        %mul3A_1348 = arith.constant 8 : i32
        %mul3A_1349 = arith.muli %scan3A_1190, %mul3A_1348 : i32
        %add3A_1350 = arith.constant 3 : i32
        %add3A_1351 = arith.addi %mul3A_1349, %add3A_1350 : i32
        %get3A_1352 = arith.index_cast %add3A_1351 : i32 to index
        %get3A_1353 = arith.constant 32 : index
        %get3A_1354 = tpu.vector_load %arg9[%get3A_1352, %get3A_1353] {strides = array<i32>} : memref<200x64xf32, #tpu.memory_space<vmem>>, vector<1x16xf32>,
        %get3A_1355 = vector.shape_cast %get3A_1354 : vector<1x16xf32> to vector<16xf32>
        %add3A_1356 = arith.addf %scan3A_1205, %get3A_1355 : vector<16xf32>
        %mul3A_1357 = arith.constant 8 : i32
        %mul3A_1358 = arith.muli %scan3A_1190, %mul3A_1357 : i32
        %add3A_1359 = arith.constant 3 : i32
        %add3A_1360 = arith.addi %mul3A_1358, %add3A_1359 : i32
        %get3A_1361 = arith.index_cast %add3A_1360 : i32 to index
        %get3A_1362 = arith.constant 48 : index
        %get3A_1363 = tpu.vector_load %arg9[%get3A_1361, %get3A_1362] {strides = array<i32>} : memref<200x64xf32, #tpu.memory_space<vmem>>, vector<1x16xf32>,
        %get3A_1364 = vector.shape_cast %get3A_1363 : vector<1x16xf32> to vector<16xf32>
        %add3A_1365 = arith.addf %scan3A_1206, %get3A_1364 : vector<16xf32>
        %mul3A_1366 = arith.constant 8 : i32
        %mul3A_1367 = arith.muli %scan3A_1190, %mul3A_1366 : i32
        %add3A_1368 = arith.constant 4 : i32
        %add3A_1369 = arith.addi %mul3A_1367, %add3A_1368 : i32
        %get3A_1370 = arith.index_cast %add3A_1369 : i32 to index
        %get3A_1371 = arith.constant 0 : index
        %get3A_1372 = tpu.vector_load %arg9[%get3A_1370, %get3A_1371] {strides = array<i32>} : memref<200x64xf32, #tpu.memory_space<vmem>>, vector<1x16xf32>,
        %get3A_1373 = vector.shape_cast %get3A_1372 : vector<1x16xf32> to vector<16xf32>
        %add3A_1374 = arith.addf %scan3A_1207, %get3A_1373 : vector<16xf32>
        %mul3A_1375 = arith.constant 8 : i32
        %mul3A_1376 = arith.muli %scan3A_1190, %mul3A_1375 : i32
        %add3A_1377 = arith.constant 4 : i32
        %add3A_1378 = arith.addi %mul3A_1376, %add3A_1377 : i32
        %get3A_1379 = arith.index_cast %add3A_1378 : i32 to index
        %get3A_1380 = arith.constant 16 : index
        %get3A_1381 = tpu.vector_load %arg9[%get3A_1379, %get3A_1380] {strides = array<i32>} : memref<200x64xf32, #tpu.memory_space<vmem>>, vector<1x16xf32>,
        %get3A_1382 = vector.shape_cast %get3A_1381 : vector<1x16xf32> to vector<16xf32>
        %add3A_1383 = arith.addf %scan3A_1208, %get3A_1382 : vector<16xf32>
        %mul3A_1384 = arith.constant 8 : i32
        %mul3A_1385 = arith.muli %scan3A_1190, %mul3A_1384 : i32
        %add3A_1386 = arith.constant 4 : i32
        %add3A_1387 = arith.addi %mul3A_1385, %add3A_1386 : i32
        %get3A_1388 = arith.index_cast %add3A_1387 : i32 to index
        %get3A_1389 = arith.constant 32 : index
        %get3A_1390 = tpu.vector_load %arg9[%get3A_1388, %get3A_1389] {strides = array<i32>} : memref<200x64xf32, #tpu.memory_space<vmem>>, vector<1x16xf32>,
        %get3A_1391 = vector.shape_cast %get3A_1390 : vector<1x16xf32> to vector<16xf32>
        %add3A_1392 = arith.addf %scan3A_1209, %get3A_1391 : vector<16xf32>
        %mul3A_1393 = arith.constant 8 : i32
        %mul3A_1394 = arith.muli %scan3A_1190, %mul3A_1393 : i32
        %add3A_1395 = arith.constant 4 : i32
        %add3A_1396 = arith.addi %mul3A_1394, %add3A_1395 : i32
        %get3A_1397 = arith.index_cast %add3A_1396 : i32 to index
        %get3A_1398 = arith.constant 48 : index
        %get3A_1399 = tpu.vector_load %arg9[%get3A_1397, %get3A_1398] {strides = array<i32>} : memref<200x64xf32, #tpu.memory_space<vmem>>, vector<1x16xf32>,
        %get3A_1400 = vector.shape_cast %get3A_1399 : vector<1x16xf32> to vector<16xf32>
        %add3A_1401 = arith.addf %scan3A_1210, %get3A_1400 : vector<16xf32>
        %mul3A_1402 = arith.constant 8 : i32
        %mul3A_1403 = arith.muli %scan3A_1190, %mul3A_1402 : i32
        %add3A_1404 = arith.constant 5 : i32
        %add3A_1405 = arith.addi %mul3A_1403, %add3A_1404 : i32
        %get3A_1406 = arith.index_cast %add3A_1405 : i32 to index
        %get3A_1407 = arith.constant 0 : index
        %get3A_1408 = tpu.vector_load %arg9[%get3A_1406, %get3A_1407] {strides = array<i32>} : memref<200x64xf32, #tpu.memory_space<vmem>>, vector<1x16xf32>,
        %get3A_1409 = vector.shape_cast %get3A_1408 : vector<1x16xf32> to vector<16xf32>
        %add3A_1410 = arith.addf %scan3A_1211, %get3A_1409 : vector<16xf32>
        %mul3A_1411 = arith.constant 8 : i32
        %mul3A_1412 = arith.muli %scan3A_1190, %mul3A_1411 : i32
        %add3A_1413 = arith.constant 5 : i32
        %add3A_1414 = arith.addi %mul3A_1412, %add3A_1413 : i32
        %get3A_1415 = arith.index_cast %add3A_1414 : i32 to index
        %get3A_1416 = arith.constant 16 : index
        %get3A_1417 = tpu.vector_load %arg9[%get3A_1415, %get3A_1416] {strides = array<i32>} : memref<200x64xf32, #tpu.memory_space<vmem>>, vector<1x16xf32>,
        %get3A_1418 = vector.shape_cast %get3A_1417 : vector<1x16xf32> to vector<16xf32>
        %add3A_1419 = arith.addf %scan3A_1212, %get3A_1418 : vector<16xf32>
        %mul3A_1420 = arith.constant 8 : i32
        %mul3A_1421 = arith.muli %scan3A_1190, %mul3A_1420 : i32
        %add3A_1422 = arith.constant 5 : i32
        %add3A_1423 = arith.addi %mul3A_1421, %add3A_1422 : i32
        %get3A_1424 = arith.index_cast %add3A_1423 : i32 to index
        %get3A_1425 = arith.constant 32 : index
        %get3A_1426 = tpu.vector_load %arg9[%get3A_1424, %get3A_1425] {strides = array<i32>} : memref<200x64xf32, #tpu.memory_space<vmem>>, vector<1x16xf32>,
        %get3A_1427 = vector.shape_cast %get3A_1426 : vector<1x16xf32> to vector<16xf32>
        %add3A_1428 = arith.addf %scan3A_1213, %get3A_1427 : vector<16xf32>
        %mul3A_1429 = arith.constant 8 : i32
        %mul3A_1430 = arith.muli %scan3A_1190, %mul3A_1429 : i32
        %add3A_1431 = arith.constant 5 : i32
        %add3A_1432 = arith.addi %mul3A_1430, %add3A_1431 : i32
        %get3A_1433 = arith.index_cast %add3A_1432 : i32 to index
        %get3A_1434 = arith.constant 48 : index
        %get3A_1435 = tpu.vector_load %arg9[%get3A_1433, %get3A_1434] {strides = array<i32>} : memref<200x64xf32, #tpu.memory_space<vmem>>, vector<1x16xf32>,
        %get3A_1436 = vector.shape_cast %get3A_1435 : vector<1x16xf32> to vector<16xf32>
        %add3A_1437 = arith.addf %scan3A_1214, %get3A_1436 : vector<16xf32>
        %mul3A_1438 = arith.constant 8 : i32
        %mul3A_1439 = arith.muli %scan3A_1190, %mul3A_1438 : i32
        %add3A_1440 = arith.constant 6 : i32
        %add3A_1441 = arith.addi %mul3A_1439, %add3A_1440 : i32
        %get3A_1442 = arith.index_cast %add3A_1441 : i32 to index
        %get3A_1443 = arith.constant 0 : index
        %get3A_1444 = tpu.vector_load %arg9[%get3A_1442, %get3A_1443] {strides = array<i32>} : memref<200x64xf32, #tpu.memory_space<vmem>>, vector<1x16xf32>,
        %get3A_1445 = vector.shape_cast %get3A_1444 : vector<1x16xf32> to vector<16xf32>
        %add3A_1446 = arith.addf %scan3A_1215, %get3A_1445 : vector<16xf32>
        %mul3A_1447 = arith.constant 8 : i32
        %mul3A_1448 = arith.muli %scan3A_1190, %mul3A_1447 : i32
        %add3A_1449 = arith.constant 6 : i32
        %add3A_1450 = arith.addi %mul3A_1448, %add3A_1449 : i32
        %get3A_1451 = arith.index_cast %add3A_1450 : i32 to index
        %get3A_1452 = arith.constant 16 : index
        %get3A_1453 = tpu.vector_load %arg9[%get3A_1451, %get3A_1452] {strides = array<i32>} : memref<200x64xf32, #tpu.memory_space<vmem>>, vector<1x16xf32>,
        %get3A_1454 = vector.shape_cast %get3A_1453 : vector<1x16xf32> to vector<16xf32>
        %add3A_1455 = arith.addf %scan3A_1216, %get3A_1454 : vector<16xf32>
        %mul3A_1456 = arith.constant 8 : i32
        %mul3A_1457 = arith.muli %scan3A_1190, %mul3A_1456 : i32
        %add3A_1458 = arith.constant 6 : i32
        %add3A_1459 = arith.addi %mul3A_1457, %add3A_1458 : i32
        %get3A_1460 = arith.index_cast %add3A_1459 : i32 to index
        %get3A_1461 = arith.constant 32 : index
        %get3A_1462 = tpu.vector_load %arg9[%get3A_1460, %get3A_1461] {strides = array<i32>} : memref<200x64xf32, #tpu.memory_space<vmem>>, vector<1x16xf32>,
        %get3A_1463 = vector.shape_cast %get3A_1462 : vector<1x16xf32> to vector<16xf32>
        %add3A_1464 = arith.addf %scan3A_1217, %get3A_1463 : vector<16xf32>
        %mul3A_1465 = arith.constant 8 : i32
        %mul3A_1466 = arith.muli %scan3A_1190, %mul3A_1465 : i32
        %add3A_1467 = arith.constant 6 : i32
        %add3A_1468 = arith.addi %mul3A_1466, %add3A_1467 : i32
        %get3A_1469 = arith.index_cast %add3A_1468 : i32 to index
        %get3A_1470 = arith.constant 48 : index
        %get3A_1471 = tpu.vector_load %arg9[%get3A_1469, %get3A_1470] {strides = array<i32>} : memref<200x64xf32, #tpu.memory_space<vmem>>, vector<1x16xf32>,
        %get3A_1472 = vector.shape_cast %get3A_1471 : vector<1x16xf32> to vector<16xf32>
        %add3A_1473 = arith.addf %scan3A_1218, %get3A_1472 : vector<16xf32>
        %mul3A_1474 = arith.constant 8 : i32
        %mul3A_1475 = arith.muli %scan3A_1190, %mul3A_1474 : i32
        %add3A_1476 = arith.constant 7 : i32
        %add3A_1477 = arith.addi %mul3A_1475, %add3A_1476 : i32
        %get3A_1478 = arith.index_cast %add3A_1477 : i32 to index
        %get3A_1479 = arith.constant 0 : index
        %get3A_1480 = tpu.vector_load %arg9[%get3A_1478, %get3A_1479] {strides = array<i32>} : memref<200x64xf32, #tpu.memory_space<vmem>>, vector<1x16xf32>,
        %get3A_1481 = vector.shape_cast %get3A_1480 : vector<1x16xf32> to vector<16xf32>
        %add3A_1482 = arith.addf %scan3A_1219, %get3A_1481 : vector<16xf32>
        %mul3A_1483 = arith.constant 8 : i32
        %mul3A_1484 = arith.muli %scan3A_1190, %mul3A_1483 : i32
        %add3A_1485 = arith.constant 7 : i32
        %add3A_1486 = arith.addi %mul3A_1484, %add3A_1485 : i32
        %get3A_1487 = arith.index_cast %add3A_1486 : i32 to index
        %get3A_1488 = arith.constant 16 : index
        %get3A_1489 = tpu.vector_load %arg9[%get3A_1487, %get3A_1488] {strides = array<i32>} : memref<200x64xf32, #tpu.memory_space<vmem>>, vector<1x16xf32>,
        %get3A_1490 = vector.shape_cast %get3A_1489 : vector<1x16xf32> to vector<16xf32>
        %add3A_1491 = arith.addf %scan3A_1220, %get3A_1490 : vector<16xf32>
        %mul3A_1492 = arith.constant 8 : i32
        %mul3A_1493 = arith.muli %scan3A_1190, %mul3A_1492 : i32
        %add3A_1494 = arith.constant 7 : i32
        %add3A_1495 = arith.addi %mul3A_1493, %add3A_1494 : i32
        %get3A_1496 = arith.index_cast %add3A_1495 : i32 to index
        %get3A_1497 = arith.constant 32 : index
        %get3A_1498 = tpu.vector_load %arg9[%get3A_1496, %get3A_1497] {strides = array<i32>} : memref<200x64xf32, #tpu.memory_space<vmem>>, vector<1x16xf32>,
        %get3A_1499 = vector.shape_cast %get3A_1498 : vector<1x16xf32> to vector<16xf32>
        %add3A_1500 = arith.addf %scan3A_1221, %get3A_1499 : vector<16xf32>
        %mul3A_1501 = arith.constant 8 : i32
        %mul3A_1502 = arith.muli %scan3A_1190, %mul3A_1501 : i32
        %add3A_1503 = arith.constant 7 : i32
        %add3A_1504 = arith.addi %mul3A_1502, %add3A_1503 : i32
        %get3A_1505 = arith.index_cast %add3A_1504 : i32 to index
        %get3A_1506 = arith.constant 48 : index
        %get3A_1507 = tpu.vector_load %arg9[%get3A_1505, %get3A_1506] {strides = array<i32>} : memref<200x64xf32, #tpu.memory_space<vmem>>, vector<1x16xf32>,
        %get3A_1508 = vector.shape_cast %get3A_1507 : vector<1x16xf32> to vector<16xf32>
        %add3A_1509 = arith.addf %scan3A_1222, %get3A_1508 : vector<16xf32>
        scf.yield %add3A_1230, %add3A_1239, %add3A_1248, %add3A_1257, %add3A_1266, %add3A_1275, %add3A_1284, %add3A_1293, %add3A_1302, %add3A_1311, %add3A_1320, %add3A_1329, %add3A_1338, %add3A_1347, %add3A_1356, %add3A_1365, %add3A_1374, %add3A_1383, %add3A_1392, %add3A_1401, %add3A_1410, %add3A_1419, %add3A_1428, %add3A_1437, %add3A_1446, %add3A_1455, %add3A_1464, %add3A_1473, %add3A_1482, %add3A_1491, %add3A_1500, %add3A_1509 : vector<16xf32>, vector<16xf32>, vector<16xf32>, vector<16xf32>, vector<16xf32>, vector<16xf32>, vector<16xf32>, vector<16xf32>, vector<16xf32>, vector<16xf32>, vector<16xf32>, vector<16xf32>, vector<16xf32>, vector<16xf32>, vector<16xf32>, vector<16xf32>, vector<16xf32>, vector<16xf32>, vector<16xf32>, vector<16xf32>, vector<16xf32>, vector<16xf32>, vector<16xf32>, vector<16xf32>, vector<16xf32>, vector<16xf32>, vector<16xf32>, vector<16xf32>, vector<16xf32>, vector<16xf32>, vector<16xf32>, vector<16xf32>
      }
      %scan3A_864 = arith.constant 25 : i32
      %add3A_865 = arith.addf %scan3A_863#0, %scan3A_863#16 : vector<16xf32>
      %add3A_866 = arith.addf %scan3A_863#4, %scan3A_863#20 : vector<16xf32>
      %add3A_867 = arith.addf %scan3A_863#8, %scan3A_863#24 : vector<16xf32>
      %add3A_868 = arith.addf %scan3A_863#12, %scan3A_863#28 : vector<16xf32>
      %add3A_869 = arith.addf %add3A_865, %add3A_867 : vector<16xf32>
      %add3A_870 = arith.addf %add3A_866, %add3A_868 : vector<16xf32>
      %add3A_871 = arith.addf %add3A_869, %add3A_870 : vector<16xf32>
      %swap3A_872 = arith.index_cast %add3A_788 : i32 to index
      %swap3A_873 = arith.constant 0 : index
      %swap3A_874 = tpu.vector_load %arg12[%swap3A_872, %swap3A_873] {strides = array<i32>} : memref<128x64xf32, #tpu.memory_space<vmem>>, vector<1x16xf32>,
      %swap3A_875 = vector.shape_cast %swap3A_874 : vector<1x16xf32> to vector<16xf32>
      %swap3A_876 = vector.shape_cast %add3A_871 : vector<16xf32> to vector<1x16xf32>
      tpu.vector_store %arg12[%swap3A_872, %swap3A_873], %swap3A_876 {strides = array<i32>} : memref<128x64xf32, #tpu.memory_space<vmem>>, vector<1x16xf32>,
      %add3A_877 = arith.addf %scan3A_863#1, %scan3A_863#17 : vector<16xf32>
      %add3A_878 = arith.addf %scan3A_863#5, %scan3A_863#21 : vector<16xf32>
      %add3A_879 = arith.addf %scan3A_863#9, %scan3A_863#25 : vector<16xf32>
      %add3A_880 = arith.addf %scan3A_863#13, %scan3A_863#29 : vector<16xf32>
      %add3A_881 = arith.addf %add3A_877, %add3A_879 : vector<16xf32>
      %add3A_882 = arith.addf %add3A_878, %add3A_880 : vector<16xf32>
      %add3A_883 = arith.addf %add3A_881, %add3A_882 : vector<16xf32>
      %swap3A_884 = arith.index_cast %add3A_788 : i32 to index
      %swap3A_885 = arith.constant 16 : index
      %swap3A_886 = tpu.vector_load %arg12[%swap3A_884, %swap3A_885] {strides = array<i32>} : memref<128x64xf32, #tpu.memory_space<vmem>>, vector<1x16xf32>,
      %swap3A_887 = vector.shape_cast %swap3A_886 : vector<1x16xf32> to vector<16xf32>
      %swap3A_888 = vector.shape_cast %add3A_883 : vector<16xf32> to vector<1x16xf32>
      tpu.vector_store %arg12[%swap3A_884, %swap3A_885], %swap3A_888 {strides = array<i32>} : memref<128x64xf32, #tpu.memory_space<vmem>>, vector<1x16xf32>,
      %add3A_889 = arith.addf %scan3A_863#2, %scan3A_863#18 : vector<16xf32>
      %add3A_890 = arith.addf %scan3A_863#6, %scan3A_863#22 : vector<16xf32>
      %add3A_891 = arith.addf %scan3A_863#10, %scan3A_863#26 : vector<16xf32>
      %add3A_892 = arith.addf %scan3A_863#14, %scan3A_863#30 : vector<16xf32>
      %add3A_893 = arith.addf %add3A_889, %add3A_891 : vector<16xf32>
      %add3A_894 = arith.addf %add3A_890, %add3A_892 : vector<16xf32>
      %add3A_895 = arith.addf %add3A_893, %add3A_894 : vector<16xf32>
      %swap3A_896 = arith.index_cast %add3A_788 : i32 to index
      %swap3A_897 = arith.constant 32 : index
      %swap3A_898 = tpu.vector_load %arg12[%swap3A_896, %swap3A_897] {strides = array<i32>} : memref<128x64xf32, #tpu.memory_space<vmem>>, vector<1x16xf32>,
      %swap3A_899 = vector.shape_cast %swap3A_898 : vector<1x16xf32> to vector<16xf32>
      %swap3A_900 = vector.shape_cast %add3A_895 : vector<16xf32> to vector<1x16xf32>
      tpu.vector_store %arg12[%swap3A_896, %swap3A_897], %swap3A_900 {strides = array<i32>} : memref<128x64xf32, #tpu.memory_space<vmem>>, vector<1x16xf32>,
      %add3A_901 = arith.addf %scan3A_863#3, %scan3A_863#19 : vector<16xf32>
      %add3A_902 = arith.addf %scan3A_863#7, %scan3A_863#23 : vector<16xf32>
      %add3A_903 = arith.addf %scan3A_863#11, %scan3A_863#27 : vector<16xf32>
      %add3A_904 = arith.addf %scan3A_863#15, %scan3A_863#31 : vector<16xf32>
      %add3A_905 = arith.addf %add3A_901, %add3A_903 : vector<16xf32>
      %add3A_906 = arith.addf %add3A_902, %add3A_904 : vector<16xf32>
      %add3A_907 = arith.addf %add3A_905, %add3A_906 : vector<16xf32>
      %swap3A_908 = arith.index_cast %add3A_788 : i32 to index
      %swap3A_909 = arith.constant 48 : index
      %swap3A_910 = tpu.vector_load %arg12[%swap3A_908, %swap3A_909] {strides = array<i32>} : memref<128x64xf32, #tpu.memory_space<vmem>>, vector<1x16xf32>,
      %swap3A_911 = vector.shape_cast %swap3A_910 : vector<1x16xf32> to vector<16xf32>
      %swap3A_912 = vector.shape_cast %add3A_907 : vector<16xf32> to vector<1x16xf32>
      tpu.vector_store %arg12[%swap3A_908, %swap3A_909], %swap3A_912 {strides = array<i32>} : memref<128x64xf32, #tpu.memory_space<vmem>>, vector<1x16xf32>,
      %add3A_913 = arith.constant 6 : i32
      %add3A_914 = arith.addi %add3A_788, %add3A_913 : i32
      %lt3A_915 = arith.constant 128 : i32
      %lt3A_916 = arith.cmpi slt, %add3A_914, %lt3A_915 : i32
      %convert_element_type3A_917 = arith.extui %lt3A_916 : i1 to i32
      %cond3A_918 = arith.constant 0 : i32
      %cond3A_919 = arith.cmpi ne, %convert_element_type3A_917, %cond3A_918 : i32
      scf.if %cond3A_919 {
        %dma_start3A_1190 = arith.constant 0 : i32
        %dma_start3A_1191 = arith.constant 0 : i32
        %dma_start3A_1192 = tpu.memref_slice %arg9[%dma_start3A_1190, %dma_start3A_1191] : memref<200x64xf32, #tpu.memory_space<vmem>> -> memref<128x64xf32, #tpu.memory_space<vmem>>
        %dma_start3A_1193 = arith.constant 0 : i32
        %dma_start3A_1194 = tpu.memref_slice %arg5[%add3A_914, %dma_start3A_1193] : memref<128x200xi32, #tpu.memory_space<vmem>> -> memref<1x128xi32, #tpu.memory_space<vmem>>
        %dma_start3A_1195 = tpu.memref_squeeze %dma_start3A_1194 : memref<1x128xi32, #tpu.memory_space<vmem>> -> memref<128xi32, #tpu.memory_space<vmem>>
        %dma_start3A_1196 = arith.constant 0 : i32
        %dma_start3A_1197 = arith.constant 0 : i32
        %dma_start3A_1198 = tpu.memref_slice %arg3[%dma_start3A_1196, %dma_start3A_1197] : memref<1015808x64xf32, #tpu.memory_space<hbm>> -> memref<1015808x64xf32, #tpu.memory_space<hbm>>
        tpu.enqueue_indirect_dma source(%dma_start3A_1198 : memref<1015808x64xf32, #tpu.memory_space<hbm>>) target(%dma_start3A_1192 : memref<128x64xf32, #tpu.memory_space<vmem>>) offsets(%dma_start3A_1195 : memref<128xi32, #tpu.memory_space<vmem>>) semaphore(%arg16 : memref<!tpu.dma_semaphore, #tpu.memory_space<semaphore_mem>>)
        %dma_start3A_1199 = arith.constant 128 : i32
        %dma_start3A_1200 = arith.constant 0 : i32
        %dma_start3A_1201 = tpu.memref_slice %arg9[%dma_start3A_1199, %dma_start3A_1200] : memref<200x64xf32, #tpu.memory_space<vmem>> -> memref<72x64xf32, #tpu.memory_space<vmem>>
        %dma_start3A_1202 = arith.constant 128 : i32
        %dma_start3A_1203 = tpu.memref_slice %arg5[%add3A_914, %dma_start3A_1202] : memref<128x200xi32, #tpu.memory_space<vmem>> -> memref<1x72xi32, #tpu.memory_space<vmem>>
        %dma_start3A_1204 = tpu.memref_squeeze %dma_start3A_1203 : memref<1x72xi32, #tpu.memory_space<vmem>> -> memref<72xi32, #tpu.memory_space<vmem>>
        %dma_start3A_1205 = arith.constant 0 : i32
        %dma_start3A_1206 = arith.constant 0 : i32
        %dma_start3A_1207 = tpu.memref_slice %arg3[%dma_start3A_1205, %dma_start3A_1206] : memref<1015808x64xf32, #tpu.memory_space<hbm>> -> memref<1015808x64xf32, #tpu.memory_space<hbm>>
        tpu.enqueue_indirect_dma source(%dma_start3A_1207 : memref<1015808x64xf32, #tpu.memory_space<hbm>>) target(%dma_start3A_1201 : memref<72x64xf32, #tpu.memory_space<vmem>>) offsets(%dma_start3A_1204 : memref<72xi32, #tpu.memory_space<vmem>>) semaphore(%arg16 : memref<!tpu.dma_semaphore, #tpu.memory_space<semaphore_mem>>)
      } else {
      }
      %mul3A_920 = arith.constant 6 : i32
      %mul3A_921 = arith.muli %mul3A_920, %scan3A_382 : i32
      %add3A_922 = arith.constant 4 : i32
      %add3A_923 = arith.addi %mul3A_921, %add3A_922 : i32
      %dma_wait3A_924 = arith.constant 0 : i32
      %dma_wait3A_925 = arith.constant 0 : i32
      %dma_wait3A_926 = tpu.memref_slice %arg3[%dma_wait3A_924, %dma_wait3A_925] : memref<1015808x64xf32, #tpu.memory_space<hbm>> -> memref<200x64xf32, #tpu.memory_space<hbm>>
      %dma_wait3A_927 = arith.constant 0 : i32
      %dma_wait3A_928 = arith.constant 0 : i32
      %dma_wait3A_929 = tpu.memref_slice %arg3[%dma_wait3A_927, %dma_wait3A_928] : memref<1015808x64xf32, #tpu.memory_space<hbm>> -> memref<200x64xf32, #tpu.memory_space<hbm>>
      tpu.wait_dma2 semaphore(%arg17 : memref<!tpu.dma_semaphore, #tpu.memory_space<semaphore_mem>>) src(%dma_wait3A_929 : memref<200x64xf32, #tpu.memory_space<hbm>>) dst(%arg10 : memref<200x64xf32, #tpu.memory_space<vmem>>)
      %broadcast_in_dim3A_930 = arith.constant 0.000000e+00 : f32
      %broadcast_in_dim3A_931 = vector.broadcast %broadcast_in_dim3A_930 : f32 to vector<16xf32>
      %broadcast_in_dim3A_932 = arith.constant 0.000000e+00 : f32
      %broadcast_in_dim3A_933 = vector.broadcast %broadcast_in_dim3A_932 : f32 to vector<16xf32>
      %broadcast_in_dim3A_934 = arith.constant 0.000000e+00 : f32
      %broadcast_in_dim3A_935 = vector.broadcast %broadcast_in_dim3A_934 : f32 to vector<16xf32>
      %broadcast_in_dim3A_936 = arith.constant 0.000000e+00 : f32
      %broadcast_in_dim3A_937 = vector.broadcast %broadcast_in_dim3A_936 : f32 to vector<16xf32>
      %broadcast_in_dim3A_938 = arith.constant 0.000000e+00 : f32
      %broadcast_in_dim3A_939 = vector.broadcast %broadcast_in_dim3A_938 : f32 to vector<16xf32>
      %broadcast_in_dim3A_940 = arith.constant 0.000000e+00 : f32
      %broadcast_in_dim3A_941 = vector.broadcast %broadcast_in_dim3A_940 : f32 to vector<16xf32>
      %broadcast_in_dim3A_942 = arith.constant 0.000000e+00 : f32
      %broadcast_in_dim3A_943 = vector.broadcast %broadcast_in_dim3A_942 : f32 to vector<16xf32>
      %broadcast_in_dim3A_944 = arith.constant 0.000000e+00 : f32
      %broadcast_in_dim3A_945 = vector.broadcast %broadcast_in_dim3A_944 : f32 to vector<16xf32>
      %broadcast_in_dim3A_946 = arith.constant 0.000000e+00 : f32
      %broadcast_in_dim3A_947 = vector.broadcast %broadcast_in_dim3A_946 : f32 to vector<16xf32>
      %broadcast_in_dim3A_948 = arith.constant 0.000000e+00 : f32
      %broadcast_in_dim3A_949 = vector.broadcast %broadcast_in_dim3A_948 : f32 to vector<16xf32>
      %broadcast_in_dim3A_950 = arith.constant 0.000000e+00 : f32
      %broadcast_in_dim3A_951 = vector.broadcast %broadcast_in_dim3A_950 : f32 to vector<16xf32>
      %broadcast_in_dim3A_952 = arith.constant 0.000000e+00 : f32
      %broadcast_in_dim3A_953 = vector.broadcast %broadcast_in_dim3A_952 : f32 to vector<16xf32>
      %broadcast_in_dim3A_954 = arith.constant 0.000000e+00 : f32
      %broadcast_in_dim3A_955 = vector.broadcast %broadcast_in_dim3A_954 : f32 to vector<16xf32>
      %broadcast_in_dim3A_956 = arith.constant 0.000000e+00 : f32
      %broadcast_in_dim3A_957 = vector.broadcast %broadcast_in_dim3A_956 : f32 to vector<16xf32>
      %broadcast_in_dim3A_958 = arith.constant 0.000000e+00 : f32
      %broadcast_in_dim3A_959 = vector.broadcast %broadcast_in_dim3A_958 : f32 to vector<16xf32>
      %broadcast_in_dim3A_960 = arith.constant 0.000000e+00 : f32
      %broadcast_in_dim3A_961 = vector.broadcast %broadcast_in_dim3A_960 : f32 to vector<16xf32>
      %broadcast_in_dim3A_962 = arith.constant 0.000000e+00 : f32
      %broadcast_in_dim3A_963 = vector.broadcast %broadcast_in_dim3A_962 : f32 to vector<16xf32>
      %broadcast_in_dim3A_964 = arith.constant 0.000000e+00 : f32
      %broadcast_in_dim3A_965 = vector.broadcast %broadcast_in_dim3A_964 : f32 to vector<16xf32>
      %broadcast_in_dim3A_966 = arith.constant 0.000000e+00 : f32
      %broadcast_in_dim3A_967 = vector.broadcast %broadcast_in_dim3A_966 : f32 to vector<16xf32>
      %broadcast_in_dim3A_968 = arith.constant 0.000000e+00 : f32
      %broadcast_in_dim3A_969 = vector.broadcast %broadcast_in_dim3A_968 : f32 to vector<16xf32>
      %broadcast_in_dim3A_970 = arith.constant 0.000000e+00 : f32
      %broadcast_in_dim3A_971 = vector.broadcast %broadcast_in_dim3A_970 : f32 to vector<16xf32>
      %broadcast_in_dim3A_972 = arith.constant 0.000000e+00 : f32
      %broadcast_in_dim3A_973 = vector.broadcast %broadcast_in_dim3A_972 : f32 to vector<16xf32>
      %broadcast_in_dim3A_974 = arith.constant 0.000000e+00 : f32
      %broadcast_in_dim3A_975 = vector.broadcast %broadcast_in_dim3A_974 : f32 to vector<16xf32>
      %broadcast_in_dim3A_976 = arith.constant 0.000000e+00 : f32
      %broadcast_in_dim3A_977 = vector.broadcast %broadcast_in_dim3A_976 : f32 to vector<16xf32>
      %broadcast_in_dim3A_978 = arith.constant 0.000000e+00 : f32
      %broadcast_in_dim3A_979 = vector.broadcast %broadcast_in_dim3A_978 : f32 to vector<16xf32>
      %broadcast_in_dim3A_980 = arith.constant 0.000000e+00 : f32
      %broadcast_in_dim3A_981 = vector.broadcast %broadcast_in_dim3A_980 : f32 to vector<16xf32>
      %broadcast_in_dim3A_982 = arith.constant 0.000000e+00 : f32
      %broadcast_in_dim3A_983 = vector.broadcast %broadcast_in_dim3A_982 : f32 to vector<16xf32>
      %broadcast_in_dim3A_984 = arith.constant 0.000000e+00 : f32
      %broadcast_in_dim3A_985 = vector.broadcast %broadcast_in_dim3A_984 : f32 to vector<16xf32>
      %broadcast_in_dim3A_986 = arith.constant 0.000000e+00 : f32
      %broadcast_in_dim3A_987 = vector.broadcast %broadcast_in_dim3A_986 : f32 to vector<16xf32>
      %broadcast_in_dim3A_988 = arith.constant 0.000000e+00 : f32
      %broadcast_in_dim3A_989 = vector.broadcast %broadcast_in_dim3A_988 : f32 to vector<16xf32>
      %broadcast_in_dim3A_990 = arith.constant 0.000000e+00 : f32
      %broadcast_in_dim3A_991 = vector.broadcast %broadcast_in_dim3A_990 : f32 to vector<16xf32>
      %broadcast_in_dim3A_992 = arith.constant 0.000000e+00 : f32
      %broadcast_in_dim3A_993 = vector.broadcast %broadcast_in_dim3A_992 : f32 to vector<16xf32>
      %scan3A_994 = arith.constant 0 : i32
      %scan3A_995 = arith.constant 25 : i32
      %scan3A_996 = arith.addi %scan3A_994, %scan3A_995 : i32
      %scan3A_997 = arith.constant 1 : i32
      %scan3A_998:32 = scf.for %scan3A_1190 = %scan3A_994 to %scan3A_996 step %scan3A_997 iter_args(%scan3A_1191 = %broadcast_in_dim3A_931, %scan3A_1192 = %broadcast_in_dim3A_933, %scan3A_1193 = %broadcast_in_dim3A_935, %scan3A_1194 = %broadcast_in_dim3A_937, %scan3A_1195 = %broadcast_in_dim3A_939, %scan3A_1196 = %broadcast_in_dim3A_941, %scan3A_1197 = %broadcast_in_dim3A_943, %scan3A_1198 = %broadcast_in_dim3A_945, %scan3A_1199 = %broadcast_in_dim3A_947, %scan3A_1200 = %broadcast_in_dim3A_949, %scan3A_1201 = %broadcast_in_dim3A_951, %scan3A_1202 = %broadcast_in_dim3A_953, %scan3A_1203 = %broadcast_in_dim3A_955, %scan3A_1204 = %broadcast_in_dim3A_957, %scan3A_1205 = %broadcast_in_dim3A_959, %scan3A_1206 = %broadcast_in_dim3A_961, %scan3A_1207 = %broadcast_in_dim3A_963, %scan3A_1208 = %broadcast_in_dim3A_965, %scan3A_1209 = %broadcast_in_dim3A_967, %scan3A_1210 = %broadcast_in_dim3A_969, %scan3A_1211 = %broadcast_in_dim3A_971, %scan3A_1212 = %broadcast_in_dim3A_973, %scan3A_1213 = %broadcast_in_dim3A_975, %scan3A_1214 = %broadcast_in_dim3A_977, %scan3A_1215 = %broadcast_in_dim3A_979, %scan3A_1216 = %broadcast_in_dim3A_981, %scan3A_1217 = %broadcast_in_dim3A_983, %scan3A_1218 = %broadcast_in_dim3A_985, %scan3A_1219 = %broadcast_in_dim3A_987, %scan3A_1220 = %broadcast_in_dim3A_989, %scan3A_1221 = %broadcast_in_dim3A_991, %scan3A_1222 = %broadcast_in_dim3A_993) -> (vector<16xf32>, vector<16xf32>, vector<16xf32>, vector<16xf32>, vector<16xf32>, vector<16xf32>, vector<16xf32>, vector<16xf32>, vector<16xf32>, vector<16xf32>, vector<16xf32>, vector<16xf32>, vector<16xf32>, vector<16xf32>, vector<16xf32>, vector<16xf32>, vector<16xf32>, vector<16xf32>, vector<16xf32>, vector<16xf32>, vector<16xf32>, vector<16xf32>, vector<16xf32>, vector<16xf32>, vector<16xf32>, vector<16xf32>, vector<16xf32>, vector<16xf32>, vector<16xf32>, vector<16xf32>, vector<16xf32>, vector<16xf32>)  : i32 {
        %mul3A_1223 = arith.constant 8 : i32
        %mul3A_1224 = arith.muli %scan3A_1190, %mul3A_1223 : i32
        %add3A_1225 = arith.constant 0 : i32
        %add3A_1226 = arith.addi %mul3A_1224, %add3A_1225 : i32
        %get3A = arith.index_cast %add3A_1226 : i32 to index
        %get3A_1227 = arith.constant 0 : index
        %get3A_1228 = tpu.vector_load %arg10[%get3A, %get3A_1227] {strides = array<i32>} : memref<200x64xf32, #tpu.memory_space<vmem>>, vector<1x16xf32>,
        %get3A_1229 = vector.shape_cast %get3A_1228 : vector<1x16xf32> to vector<16xf32>
        %add3A_1230 = arith.addf %scan3A_1191, %get3A_1229 : vector<16xf32>
        %mul3A_1231 = arith.constant 8 : i32
        %mul3A_1232 = arith.muli %scan3A_1190, %mul3A_1231 : i32
        %add3A_1233 = arith.constant 0 : i32
        %add3A_1234 = arith.addi %mul3A_1232, %add3A_1233 : i32
        %get3A_1235 = arith.index_cast %add3A_1234 : i32 to index
        %get3A_1236 = arith.constant 16 : index
        %get3A_1237 = tpu.vector_load %arg10[%get3A_1235, %get3A_1236] {strides = array<i32>} : memref<200x64xf32, #tpu.memory_space<vmem>>, vector<1x16xf32>,
        %get3A_1238 = vector.shape_cast %get3A_1237 : vector<1x16xf32> to vector<16xf32>
        %add3A_1239 = arith.addf %scan3A_1192, %get3A_1238 : vector<16xf32>
        %mul3A_1240 = arith.constant 8 : i32
        %mul3A_1241 = arith.muli %scan3A_1190, %mul3A_1240 : i32
        %add3A_1242 = arith.constant 0 : i32
        %add3A_1243 = arith.addi %mul3A_1241, %add3A_1242 : i32
        %get3A_1244 = arith.index_cast %add3A_1243 : i32 to index
        %get3A_1245 = arith.constant 32 : index
        %get3A_1246 = tpu.vector_load %arg10[%get3A_1244, %get3A_1245] {strides = array<i32>} : memref<200x64xf32, #tpu.memory_space<vmem>>, vector<1x16xf32>,
        %get3A_1247 = vector.shape_cast %get3A_1246 : vector<1x16xf32> to vector<16xf32>
        %add3A_1248 = arith.addf %scan3A_1193, %get3A_1247 : vector<16xf32>
        %mul3A_1249 = arith.constant 8 : i32
        %mul3A_1250 = arith.muli %scan3A_1190, %mul3A_1249 : i32
        %add3A_1251 = arith.constant 0 : i32
        %add3A_1252 = arith.addi %mul3A_1250, %add3A_1251 : i32
        %get3A_1253 = arith.index_cast %add3A_1252 : i32 to index
        %get3A_1254 = arith.constant 48 : index
        %get3A_1255 = tpu.vector_load %arg10[%get3A_1253, %get3A_1254] {strides = array<i32>} : memref<200x64xf32, #tpu.memory_space<vmem>>, vector<1x16xf32>,
        %get3A_1256 = vector.shape_cast %get3A_1255 : vector<1x16xf32> to vector<16xf32>
        %add3A_1257 = arith.addf %scan3A_1194, %get3A_1256 : vector<16xf32>
        %mul3A_1258 = arith.constant 8 : i32
        %mul3A_1259 = arith.muli %scan3A_1190, %mul3A_1258 : i32
        %add3A_1260 = arith.constant 1 : i32
        %add3A_1261 = arith.addi %mul3A_1259, %add3A_1260 : i32
        %get3A_1262 = arith.index_cast %add3A_1261 : i32 to index
        %get3A_1263 = arith.constant 0 : index
        %get3A_1264 = tpu.vector_load %arg10[%get3A_1262, %get3A_1263] {strides = array<i32>} : memref<200x64xf32, #tpu.memory_space<vmem>>, vector<1x16xf32>,
        %get3A_1265 = vector.shape_cast %get3A_1264 : vector<1x16xf32> to vector<16xf32>
        %add3A_1266 = arith.addf %scan3A_1195, %get3A_1265 : vector<16xf32>
        %mul3A_1267 = arith.constant 8 : i32
        %mul3A_1268 = arith.muli %scan3A_1190, %mul3A_1267 : i32
        %add3A_1269 = arith.constant 1 : i32
        %add3A_1270 = arith.addi %mul3A_1268, %add3A_1269 : i32
        %get3A_1271 = arith.index_cast %add3A_1270 : i32 to index
        %get3A_1272 = arith.constant 16 : index
        %get3A_1273 = tpu.vector_load %arg10[%get3A_1271, %get3A_1272] {strides = array<i32>} : memref<200x64xf32, #tpu.memory_space<vmem>>, vector<1x16xf32>,
        %get3A_1274 = vector.shape_cast %get3A_1273 : vector<1x16xf32> to vector<16xf32>
        %add3A_1275 = arith.addf %scan3A_1196, %get3A_1274 : vector<16xf32>
        %mul3A_1276 = arith.constant 8 : i32
        %mul3A_1277 = arith.muli %scan3A_1190, %mul3A_1276 : i32
        %add3A_1278 = arith.constant 1 : i32
        %add3A_1279 = arith.addi %mul3A_1277, %add3A_1278 : i32
        %get3A_1280 = arith.index_cast %add3A_1279 : i32 to index
        %get3A_1281 = arith.constant 32 : index
        %get3A_1282 = tpu.vector_load %arg10[%get3A_1280, %get3A_1281] {strides = array<i32>} : memref<200x64xf32, #tpu.memory_space<vmem>>, vector<1x16xf32>,
        %get3A_1283 = vector.shape_cast %get3A_1282 : vector<1x16xf32> to vector<16xf32>
        %add3A_1284 = arith.addf %scan3A_1197, %get3A_1283 : vector<16xf32>
        %mul3A_1285 = arith.constant 8 : i32
        %mul3A_1286 = arith.muli %scan3A_1190, %mul3A_1285 : i32
        %add3A_1287 = arith.constant 1 : i32
        %add3A_1288 = arith.addi %mul3A_1286, %add3A_1287 : i32
        %get3A_1289 = arith.index_cast %add3A_1288 : i32 to index
        %get3A_1290 = arith.constant 48 : index
        %get3A_1291 = tpu.vector_load %arg10[%get3A_1289, %get3A_1290] {strides = array<i32>} : memref<200x64xf32, #tpu.memory_space<vmem>>, vector<1x16xf32>,
        %get3A_1292 = vector.shape_cast %get3A_1291 : vector<1x16xf32> to vector<16xf32>
        %add3A_1293 = arith.addf %scan3A_1198, %get3A_1292 : vector<16xf32>
        %mul3A_1294 = arith.constant 8 : i32
        %mul3A_1295 = arith.muli %scan3A_1190, %mul3A_1294 : i32
        %add3A_1296 = arith.constant 2 : i32
        %add3A_1297 = arith.addi %mul3A_1295, %add3A_1296 : i32
        %get3A_1298 = arith.index_cast %add3A_1297 : i32 to index
        %get3A_1299 = arith.constant 0 : index
        %get3A_1300 = tpu.vector_load %arg10[%get3A_1298, %get3A_1299] {strides = array<i32>} : memref<200x64xf32, #tpu.memory_space<vmem>>, vector<1x16xf32>,
        %get3A_1301 = vector.shape_cast %get3A_1300 : vector<1x16xf32> to vector<16xf32>
        %add3A_1302 = arith.addf %scan3A_1199, %get3A_1301 : vector<16xf32>
        %mul3A_1303 = arith.constant 8 : i32
        %mul3A_1304 = arith.muli %scan3A_1190, %mul3A_1303 : i32
        %add3A_1305 = arith.constant 2 : i32
        %add3A_1306 = arith.addi %mul3A_1304, %add3A_1305 : i32
        %get3A_1307 = arith.index_cast %add3A_1306 : i32 to index
        %get3A_1308 = arith.constant 16 : index
        %get3A_1309 = tpu.vector_load %arg10[%get3A_1307, %get3A_1308] {strides = array<i32>} : memref<200x64xf32, #tpu.memory_space<vmem>>, vector<1x16xf32>,
        %get3A_1310 = vector.shape_cast %get3A_1309 : vector<1x16xf32> to vector<16xf32>
        %add3A_1311 = arith.addf %scan3A_1200, %get3A_1310 : vector<16xf32>
        %mul3A_1312 = arith.constant 8 : i32
        %mul3A_1313 = arith.muli %scan3A_1190, %mul3A_1312 : i32
        %add3A_1314 = arith.constant 2 : i32
        %add3A_1315 = arith.addi %mul3A_1313, %add3A_1314 : i32
        %get3A_1316 = arith.index_cast %add3A_1315 : i32 to index
        %get3A_1317 = arith.constant 32 : index
        %get3A_1318 = tpu.vector_load %arg10[%get3A_1316, %get3A_1317] {strides = array<i32>} : memref<200x64xf32, #tpu.memory_space<vmem>>, vector<1x16xf32>,
        %get3A_1319 = vector.shape_cast %get3A_1318 : vector<1x16xf32> to vector<16xf32>
        %add3A_1320 = arith.addf %scan3A_1201, %get3A_1319 : vector<16xf32>
        %mul3A_1321 = arith.constant 8 : i32
        %mul3A_1322 = arith.muli %scan3A_1190, %mul3A_1321 : i32
        %add3A_1323 = arith.constant 2 : i32
        %add3A_1324 = arith.addi %mul3A_1322, %add3A_1323 : i32
        %get3A_1325 = arith.index_cast %add3A_1324 : i32 to index
        %get3A_1326 = arith.constant 48 : index
        %get3A_1327 = tpu.vector_load %arg10[%get3A_1325, %get3A_1326] {strides = array<i32>} : memref<200x64xf32, #tpu.memory_space<vmem>>, vector<1x16xf32>,
        %get3A_1328 = vector.shape_cast %get3A_1327 : vector<1x16xf32> to vector<16xf32>
        %add3A_1329 = arith.addf %scan3A_1202, %get3A_1328 : vector<16xf32>
        %mul3A_1330 = arith.constant 8 : i32
        %mul3A_1331 = arith.muli %scan3A_1190, %mul3A_1330 : i32
        %add3A_1332 = arith.constant 3 : i32
        %add3A_1333 = arith.addi %mul3A_1331, %add3A_1332 : i32
        %get3A_1334 = arith.index_cast %add3A_1333 : i32 to index
        %get3A_1335 = arith.constant 0 : index
        %get3A_1336 = tpu.vector_load %arg10[%get3A_1334, %get3A_1335] {strides = array<i32>} : memref<200x64xf32, #tpu.memory_space<vmem>>, vector<1x16xf32>,
        %get3A_1337 = vector.shape_cast %get3A_1336 : vector<1x16xf32> to vector<16xf32>
        %add3A_1338 = arith.addf %scan3A_1203, %get3A_1337 : vector<16xf32>
        %mul3A_1339 = arith.constant 8 : i32
        %mul3A_1340 = arith.muli %scan3A_1190, %mul3A_1339 : i32
        %add3A_1341 = arith.constant 3 : i32
        %add3A_1342 = arith.addi %mul3A_1340, %add3A_1341 : i32
        %get3A_1343 = arith.index_cast %add3A_1342 : i32 to index
        %get3A_1344 = arith.constant 16 : index
        %get3A_1345 = tpu.vector_load %arg10[%get3A_1343, %get3A_1344] {strides = array<i32>} : memref<200x64xf32, #tpu.memory_space<vmem>>, vector<1x16xf32>,
        %get3A_1346 = vector.shape_cast %get3A_1345 : vector<1x16xf32> to vector<16xf32>
        %add3A_1347 = arith.addf %scan3A_1204, %get3A_1346 : vector<16xf32>
        %mul3A_1348 = arith.constant 8 : i32
        %mul3A_1349 = arith.muli %scan3A_1190, %mul3A_1348 : i32
        %add3A_1350 = arith.constant 3 : i32
        %add3A_1351 = arith.addi %mul3A_1349, %add3A_1350 : i32
        %get3A_1352 = arith.index_cast %add3A_1351 : i32 to index
        %get3A_1353 = arith.constant 32 : index
        %get3A_1354 = tpu.vector_load %arg10[%get3A_1352, %get3A_1353] {strides = array<i32>} : memref<200x64xf32, #tpu.memory_space<vmem>>, vector<1x16xf32>,
        %get3A_1355 = vector.shape_cast %get3A_1354 : vector<1x16xf32> to vector<16xf32>
        %add3A_1356 = arith.addf %scan3A_1205, %get3A_1355 : vector<16xf32>
        %mul3A_1357 = arith.constant 8 : i32
        %mul3A_1358 = arith.muli %scan3A_1190, %mul3A_1357 : i32
        %add3A_1359 = arith.constant 3 : i32
        %add3A_1360 = arith.addi %mul3A_1358, %add3A_1359 : i32
        %get3A_1361 = arith.index_cast %add3A_1360 : i32 to index
        %get3A_1362 = arith.constant 48 : index
        %get3A_1363 = tpu.vector_load %arg10[%get3A_1361, %get3A_1362] {strides = array<i32>} : memref<200x64xf32, #tpu.memory_space<vmem>>, vector<1x16xf32>,
        %get3A_1364 = vector.shape_cast %get3A_1363 : vector<1x16xf32> to vector<16xf32>
        %add3A_1365 = arith.addf %scan3A_1206, %get3A_1364 : vector<16xf32>
        %mul3A_1366 = arith.constant 8 : i32
        %mul3A_1367 = arith.muli %scan3A_1190, %mul3A_1366 : i32
        %add3A_1368 = arith.constant 4 : i32
        %add3A_1369 = arith.addi %mul3A_1367, %add3A_1368 : i32
        %get3A_1370 = arith.index_cast %add3A_1369 : i32 to index
        %get3A_1371 = arith.constant 0 : index
        %get3A_1372 = tpu.vector_load %arg10[%get3A_1370, %get3A_1371] {strides = array<i32>} : memref<200x64xf32, #tpu.memory_space<vmem>>, vector<1x16xf32>,
        %get3A_1373 = vector.shape_cast %get3A_1372 : vector<1x16xf32> to vector<16xf32>
        %add3A_1374 = arith.addf %scan3A_1207, %get3A_1373 : vector<16xf32>
        %mul3A_1375 = arith.constant 8 : i32
        %mul3A_1376 = arith.muli %scan3A_1190, %mul3A_1375 : i32
        %add3A_1377 = arith.constant 4 : i32
        %add3A_1378 = arith.addi %mul3A_1376, %add3A_1377 : i32
        %get3A_1379 = arith.index_cast %add3A_1378 : i32 to index
        %get3A_1380 = arith.constant 16 : index
        %get3A_1381 = tpu.vector_load %arg10[%get3A_1379, %get3A_1380] {strides = array<i32>} : memref<200x64xf32, #tpu.memory_space<vmem>>, vector<1x16xf32>,
        %get3A_1382 = vector.shape_cast %get3A_1381 : vector<1x16xf32> to vector<16xf32>
        %add3A_1383 = arith.addf %scan3A_1208, %get3A_1382 : vector<16xf32>
        %mul3A_1384 = arith.constant 8 : i32
        %mul3A_1385 = arith.muli %scan3A_1190, %mul3A_1384 : i32
        %add3A_1386 = arith.constant 4 : i32
        %add3A_1387 = arith.addi %mul3A_1385, %add3A_1386 : i32
        %get3A_1388 = arith.index_cast %add3A_1387 : i32 to index
        %get3A_1389 = arith.constant 32 : index
        %get3A_1390 = tpu.vector_load %arg10[%get3A_1388, %get3A_1389] {strides = array<i32>} : memref<200x64xf32, #tpu.memory_space<vmem>>, vector<1x16xf32>,
        %get3A_1391 = vector.shape_cast %get3A_1390 : vector<1x16xf32> to vector<16xf32>
        %add3A_1392 = arith.addf %scan3A_1209, %get3A_1391 : vector<16xf32>
        %mul3A_1393 = arith.constant 8 : i32
        %mul3A_1394 = arith.muli %scan3A_1190, %mul3A_1393 : i32
        %add3A_1395 = arith.constant 4 : i32
        %add3A_1396 = arith.addi %mul3A_1394, %add3A_1395 : i32
        %get3A_1397 = arith.index_cast %add3A_1396 : i32 to index
        %get3A_1398 = arith.constant 48 : index
        %get3A_1399 = tpu.vector_load %arg10[%get3A_1397, %get3A_1398] {strides = array<i32>} : memref<200x64xf32, #tpu.memory_space<vmem>>, vector<1x16xf32>,
        %get3A_1400 = vector.shape_cast %get3A_1399 : vector<1x16xf32> to vector<16xf32>
        %add3A_1401 = arith.addf %scan3A_1210, %get3A_1400 : vector<16xf32>
        %mul3A_1402 = arith.constant 8 : i32
        %mul3A_1403 = arith.muli %scan3A_1190, %mul3A_1402 : i32
        %add3A_1404 = arith.constant 5 : i32
        %add3A_1405 = arith.addi %mul3A_1403, %add3A_1404 : i32
        %get3A_1406 = arith.index_cast %add3A_1405 : i32 to index
        %get3A_1407 = arith.constant 0 : index
        %get3A_1408 = tpu.vector_load %arg10[%get3A_1406, %get3A_1407] {strides = array<i32>} : memref<200x64xf32, #tpu.memory_space<vmem>>, vector<1x16xf32>,
        %get3A_1409 = vector.shape_cast %get3A_1408 : vector<1x16xf32> to vector<16xf32>
        %add3A_1410 = arith.addf %scan3A_1211, %get3A_1409 : vector<16xf32>
        %mul3A_1411 = arith.constant 8 : i32
        %mul3A_1412 = arith.muli %scan3A_1190, %mul3A_1411 : i32
        %add3A_1413 = arith.constant 5 : i32
        %add3A_1414 = arith.addi %mul3A_1412, %add3A_1413 : i32
        %get3A_1415 = arith.index_cast %add3A_1414 : i32 to index
        %get3A_1416 = arith.constant 16 : index
        %get3A_1417 = tpu.vector_load %arg10[%get3A_1415, %get3A_1416] {strides = array<i32>} : memref<200x64xf32, #tpu.memory_space<vmem>>, vector<1x16xf32>,
        %get3A_1418 = vector.shape_cast %get3A_1417 : vector<1x16xf32> to vector<16xf32>
        %add3A_1419 = arith.addf %scan3A_1212, %get3A_1418 : vector<16xf32>
        %mul3A_1420 = arith.constant 8 : i32
        %mul3A_1421 = arith.muli %scan3A_1190, %mul3A_1420 : i32
        %add3A_1422 = arith.constant 5 : i32
        %add3A_1423 = arith.addi %mul3A_1421, %add3A_1422 : i32
        %get3A_1424 = arith.index_cast %add3A_1423 : i32 to index
        %get3A_1425 = arith.constant 32 : index
        %get3A_1426 = tpu.vector_load %arg10[%get3A_1424, %get3A_1425] {strides = array<i32>} : memref<200x64xf32, #tpu.memory_space<vmem>>, vector<1x16xf32>,
        %get3A_1427 = vector.shape_cast %get3A_1426 : vector<1x16xf32> to vector<16xf32>
        %add3A_1428 = arith.addf %scan3A_1213, %get3A_1427 : vector<16xf32>
        %mul3A_1429 = arith.constant 8 : i32
        %mul3A_1430 = arith.muli %scan3A_1190, %mul3A_1429 : i32
        %add3A_1431 = arith.constant 5 : i32
        %add3A_1432 = arith.addi %mul3A_1430, %add3A_1431 : i32
        %get3A_1433 = arith.index_cast %add3A_1432 : i32 to index
        %get3A_1434 = arith.constant 48 : index
        %get3A_1435 = tpu.vector_load %arg10[%get3A_1433, %get3A_1434] {strides = array<i32>} : memref<200x64xf32, #tpu.memory_space<vmem>>, vector<1x16xf32>,
        %get3A_1436 = vector.shape_cast %get3A_1435 : vector<1x16xf32> to vector<16xf32>
        %add3A_1437 = arith.addf %scan3A_1214, %get3A_1436 : vector<16xf32>
        %mul3A_1438 = arith.constant 8 : i32
        %mul3A_1439 = arith.muli %scan3A_1190, %mul3A_1438 : i32
        %add3A_1440 = arith.constant 6 : i32
        %add3A_1441 = arith.addi %mul3A_1439, %add3A_1440 : i32
        %get3A_1442 = arith.index_cast %add3A_1441 : i32 to index
        %get3A_1443 = arith.constant 0 : index
        %get3A_1444 = tpu.vector_load %arg10[%get3A_1442, %get3A_1443] {strides = array<i32>} : memref<200x64xf32, #tpu.memory_space<vmem>>, vector<1x16xf32>,
        %get3A_1445 = vector.shape_cast %get3A_1444 : vector<1x16xf32> to vector<16xf32>
        %add3A_1446 = arith.addf %scan3A_1215, %get3A_1445 : vector<16xf32>
        %mul3A_1447 = arith.constant 8 : i32
        %mul3A_1448 = arith.muli %scan3A_1190, %mul3A_1447 : i32
        %add3A_1449 = arith.constant 6 : i32
        %add3A_1450 = arith.addi %mul3A_1448, %add3A_1449 : i32
        %get3A_1451 = arith.index_cast %add3A_1450 : i32 to index
        %get3A_1452 = arith.constant 16 : index
        %get3A_1453 = tpu.vector_load %arg10[%get3A_1451, %get3A_1452] {strides = array<i32>} : memref<200x64xf32, #tpu.memory_space<vmem>>, vector<1x16xf32>,
        %get3A_1454 = vector.shape_cast %get3A_1453 : vector<1x16xf32> to vector<16xf32>
        %add3A_1455 = arith.addf %scan3A_1216, %get3A_1454 : vector<16xf32>
        %mul3A_1456 = arith.constant 8 : i32
        %mul3A_1457 = arith.muli %scan3A_1190, %mul3A_1456 : i32
        %add3A_1458 = arith.constant 6 : i32
        %add3A_1459 = arith.addi %mul3A_1457, %add3A_1458 : i32
        %get3A_1460 = arith.index_cast %add3A_1459 : i32 to index
        %get3A_1461 = arith.constant 32 : index
        %get3A_1462 = tpu.vector_load %arg10[%get3A_1460, %get3A_1461] {strides = array<i32>} : memref<200x64xf32, #tpu.memory_space<vmem>>, vector<1x16xf32>,
        %get3A_1463 = vector.shape_cast %get3A_1462 : vector<1x16xf32> to vector<16xf32>
        %add3A_1464 = arith.addf %scan3A_1217, %get3A_1463 : vector<16xf32>
        %mul3A_1465 = arith.constant 8 : i32
        %mul3A_1466 = arith.muli %scan3A_1190, %mul3A_1465 : i32
        %add3A_1467 = arith.constant 6 : i32
        %add3A_1468 = arith.addi %mul3A_1466, %add3A_1467 : i32
        %get3A_1469 = arith.index_cast %add3A_1468 : i32 to index
        %get3A_1470 = arith.constant 48 : index
        %get3A_1471 = tpu.vector_load %arg10[%get3A_1469, %get3A_1470] {strides = array<i32>} : memref<200x64xf32, #tpu.memory_space<vmem>>, vector<1x16xf32>,
        %get3A_1472 = vector.shape_cast %get3A_1471 : vector<1x16xf32> to vector<16xf32>
        %add3A_1473 = arith.addf %scan3A_1218, %get3A_1472 : vector<16xf32>
        %mul3A_1474 = arith.constant 8 : i32
        %mul3A_1475 = arith.muli %scan3A_1190, %mul3A_1474 : i32
        %add3A_1476 = arith.constant 7 : i32
        %add3A_1477 = arith.addi %mul3A_1475, %add3A_1476 : i32
        %get3A_1478 = arith.index_cast %add3A_1477 : i32 to index
        %get3A_1479 = arith.constant 0 : index
        %get3A_1480 = tpu.vector_load %arg10[%get3A_1478, %get3A_1479] {strides = array<i32>} : memref<200x64xf32, #tpu.memory_space<vmem>>, vector<1x16xf32>,
        %get3A_1481 = vector.shape_cast %get3A_1480 : vector<1x16xf32> to vector<16xf32>
        %add3A_1482 = arith.addf %scan3A_1219, %get3A_1481 : vector<16xf32>
        %mul3A_1483 = arith.constant 8 : i32
        %mul3A_1484 = arith.muli %scan3A_1190, %mul3A_1483 : i32
        %add3A_1485 = arith.constant 7 : i32
        %add3A_1486 = arith.addi %mul3A_1484, %add3A_1485 : i32
        %get3A_1487 = arith.index_cast %add3A_1486 : i32 to index
        %get3A_1488 = arith.constant 16 : index
        %get3A_1489 = tpu.vector_load %arg10[%get3A_1487, %get3A_1488] {strides = array<i32>} : memref<200x64xf32, #tpu.memory_space<vmem>>, vector<1x16xf32>,
        %get3A_1490 = vector.shape_cast %get3A_1489 : vector<1x16xf32> to vector<16xf32>
        %add3A_1491 = arith.addf %scan3A_1220, %get3A_1490 : vector<16xf32>
        %mul3A_1492 = arith.constant 8 : i32
        %mul3A_1493 = arith.muli %scan3A_1190, %mul3A_1492 : i32
        %add3A_1494 = arith.constant 7 : i32
        %add3A_1495 = arith.addi %mul3A_1493, %add3A_1494 : i32
        %get3A_1496 = arith.index_cast %add3A_1495 : i32 to index
        %get3A_1497 = arith.constant 32 : index
        %get3A_1498 = tpu.vector_load %arg10[%get3A_1496, %get3A_1497] {strides = array<i32>} : memref<200x64xf32, #tpu.memory_space<vmem>>, vector<1x16xf32>,
        %get3A_1499 = vector.shape_cast %get3A_1498 : vector<1x16xf32> to vector<16xf32>
        %add3A_1500 = arith.addf %scan3A_1221, %get3A_1499 : vector<16xf32>
        %mul3A_1501 = arith.constant 8 : i32
        %mul3A_1502 = arith.muli %scan3A_1190, %mul3A_1501 : i32
        %add3A_1503 = arith.constant 7 : i32
        %add3A_1504 = arith.addi %mul3A_1502, %add3A_1503 : i32
        %get3A_1505 = arith.index_cast %add3A_1504 : i32 to index
        %get3A_1506 = arith.constant 48 : index
        %get3A_1507 = tpu.vector_load %arg10[%get3A_1505, %get3A_1506] {strides = array<i32>} : memref<200x64xf32, #tpu.memory_space<vmem>>, vector<1x16xf32>,
        %get3A_1508 = vector.shape_cast %get3A_1507 : vector<1x16xf32> to vector<16xf32>
        %add3A_1509 = arith.addf %scan3A_1222, %get3A_1508 : vector<16xf32>
        scf.yield %add3A_1230, %add3A_1239, %add3A_1248, %add3A_1257, %add3A_1266, %add3A_1275, %add3A_1284, %add3A_1293, %add3A_1302, %add3A_1311, %add3A_1320, %add3A_1329, %add3A_1338, %add3A_1347, %add3A_1356, %add3A_1365, %add3A_1374, %add3A_1383, %add3A_1392, %add3A_1401, %add3A_1410, %add3A_1419, %add3A_1428, %add3A_1437, %add3A_1446, %add3A_1455, %add3A_1464, %add3A_1473, %add3A_1482, %add3A_1491, %add3A_1500, %add3A_1509 : vector<16xf32>, vector<16xf32>, vector<16xf32>, vector<16xf32>, vector<16xf32>, vector<16xf32>, vector<16xf32>, vector<16xf32>, vector<16xf32>, vector<16xf32>, vector<16xf32>, vector<16xf32>, vector<16xf32>, vector<16xf32>, vector<16xf32>, vector<16xf32>, vector<16xf32>, vector<16xf32>, vector<16xf32>, vector<16xf32>, vector<16xf32>, vector<16xf32>, vector<16xf32>, vector<16xf32>, vector<16xf32>, vector<16xf32>, vector<16xf32>, vector<16xf32>, vector<16xf32>, vector<16xf32>, vector<16xf32>, vector<16xf32>
      }
      %scan3A_999 = arith.constant 25 : i32
      %add3A_1000 = arith.addf %scan3A_998#0, %scan3A_998#16 : vector<16xf32>
      %add3A_1001 = arith.addf %scan3A_998#4, %scan3A_998#20 : vector<16xf32>
      %add3A_1002 = arith.addf %scan3A_998#8, %scan3A_998#24 : vector<16xf32>
      %add3A_1003 = arith.addf %scan3A_998#12, %scan3A_998#28 : vector<16xf32>
      %add3A_1004 = arith.addf %add3A_1000, %add3A_1002 : vector<16xf32>
      %add3A_1005 = arith.addf %add3A_1001, %add3A_1003 : vector<16xf32>
      %add3A_1006 = arith.addf %add3A_1004, %add3A_1005 : vector<16xf32>
      %swap3A_1007 = arith.index_cast %add3A_923 : i32 to index
      %swap3A_1008 = arith.constant 0 : index
      %swap3A_1009 = tpu.vector_load %arg12[%swap3A_1007, %swap3A_1008] {strides = array<i32>} : memref<128x64xf32, #tpu.memory_space<vmem>>, vector<1x16xf32>,
      %swap3A_1010 = vector.shape_cast %swap3A_1009 : vector<1x16xf32> to vector<16xf32>
      %swap3A_1011 = vector.shape_cast %add3A_1006 : vector<16xf32> to vector<1x16xf32>
      tpu.vector_store %arg12[%swap3A_1007, %swap3A_1008], %swap3A_1011 {strides = array<i32>} : memref<128x64xf32, #tpu.memory_space<vmem>>, vector<1x16xf32>,
      %add3A_1012 = arith.addf %scan3A_998#1, %scan3A_998#17 : vector<16xf32>
      %add3A_1013 = arith.addf %scan3A_998#5, %scan3A_998#21 : vector<16xf32>
      %add3A_1014 = arith.addf %scan3A_998#9, %scan3A_998#25 : vector<16xf32>
      %add3A_1015 = arith.addf %scan3A_998#13, %scan3A_998#29 : vector<16xf32>
      %add3A_1016 = arith.addf %add3A_1012, %add3A_1014 : vector<16xf32>
      %add3A_1017 = arith.addf %add3A_1013, %add3A_1015 : vector<16xf32>
      %add3A_1018 = arith.addf %add3A_1016, %add3A_1017 : vector<16xf32>
      %swap3A_1019 = arith.index_cast %add3A_923 : i32 to index
      %swap3A_1020 = arith.constant 16 : index
      %swap3A_1021 = tpu.vector_load %arg12[%swap3A_1019, %swap3A_1020] {strides = array<i32>} : memref<128x64xf32, #tpu.memory_space<vmem>>, vector<1x16xf32>,
      %swap3A_1022 = vector.shape_cast %swap3A_1021 : vector<1x16xf32> to vector<16xf32>
      %swap3A_1023 = vector.shape_cast %add3A_1018 : vector<16xf32> to vector<1x16xf32>
      tpu.vector_store %arg12[%swap3A_1019, %swap3A_1020], %swap3A_1023 {strides = array<i32>} : memref<128x64xf32, #tpu.memory_space<vmem>>, vector<1x16xf32>,
      %add3A_1024 = arith.addf %scan3A_998#2, %scan3A_998#18 : vector<16xf32>
      %add3A_1025 = arith.addf %scan3A_998#6, %scan3A_998#22 : vector<16xf32>
      %add3A_1026 = arith.addf %scan3A_998#10, %scan3A_998#26 : vector<16xf32>
      %add3A_1027 = arith.addf %scan3A_998#14, %scan3A_998#30 : vector<16xf32>
      %add3A_1028 = arith.addf %add3A_1024, %add3A_1026 : vector<16xf32>
      %add3A_1029 = arith.addf %add3A_1025, %add3A_1027 : vector<16xf32>
      %add3A_1030 = arith.addf %add3A_1028, %add3A_1029 : vector<16xf32>
      %swap3A_1031 = arith.index_cast %add3A_923 : i32 to index
      %swap3A_1032 = arith.constant 32 : index
      %swap3A_1033 = tpu.vector_load %arg12[%swap3A_1031, %swap3A_1032] {strides = array<i32>} : memref<128x64xf32, #tpu.memory_space<vmem>>, vector<1x16xf32>,
      %swap3A_1034 = vector.shape_cast %swap3A_1033 : vector<1x16xf32> to vector<16xf32>
      %swap3A_1035 = vector.shape_cast %add3A_1030 : vector<16xf32> to vector<1x16xf32>
      tpu.vector_store %arg12[%swap3A_1031, %swap3A_1032], %swap3A_1035 {strides = array<i32>} : memref<128x64xf32, #tpu.memory_space<vmem>>, vector<1x16xf32>,
      %add3A_1036 = arith.addf %scan3A_998#3, %scan3A_998#19 : vector<16xf32>
      %add3A_1037 = arith.addf %scan3A_998#7, %scan3A_998#23 : vector<16xf32>
      %add3A_1038 = arith.addf %scan3A_998#11, %scan3A_998#27 : vector<16xf32>
      %add3A_1039 = arith.addf %scan3A_998#15, %scan3A_998#31 : vector<16xf32>
      %add3A_1040 = arith.addf %add3A_1036, %add3A_1038 : vector<16xf32>
      %add3A_1041 = arith.addf %add3A_1037, %add3A_1039 : vector<16xf32>
      %add3A_1042 = arith.addf %add3A_1040, %add3A_1041 : vector<16xf32>
      %swap3A_1043 = arith.index_cast %add3A_923 : i32 to index
      %swap3A_1044 = arith.constant 48 : index
      %swap3A_1045 = tpu.vector_load %arg12[%swap3A_1043, %swap3A_1044] {strides = array<i32>} : memref<128x64xf32, #tpu.memory_space<vmem>>, vector<1x16xf32>,
      %swap3A_1046 = vector.shape_cast %swap3A_1045 : vector<1x16xf32> to vector<16xf32>
      %swap3A_1047 = vector.shape_cast %add3A_1042 : vector<16xf32> to vector<1x16xf32>
      tpu.vector_store %arg12[%swap3A_1043, %swap3A_1044], %swap3A_1047 {strides = array<i32>} : memref<128x64xf32, #tpu.memory_space<vmem>>, vector<1x16xf32>,
      %add3A_1048 = arith.constant 6 : i32
      %add3A_1049 = arith.addi %add3A_923, %add3A_1048 : i32
      %lt3A_1050 = arith.constant 128 : i32
      %lt3A_1051 = arith.cmpi slt, %add3A_1049, %lt3A_1050 : i32
      %convert_element_type3A_1052 = arith.extui %lt3A_1051 : i1 to i32
      %cond3A_1053 = arith.constant 0 : i32
      %cond3A_1054 = arith.cmpi ne, %convert_element_type3A_1052, %cond3A_1053 : i32
      scf.if %cond3A_1054 {
        %dma_start3A_1190 = arith.constant 0 : i32
        %dma_start3A_1191 = arith.constant 0 : i32
        %dma_start3A_1192 = tpu.memref_slice %arg10[%dma_start3A_1190, %dma_start3A_1191] : memref<200x64xf32, #tpu.memory_space<vmem>> -> memref<128x64xf32, #tpu.memory_space<vmem>>
        %dma_start3A_1193 = arith.constant 0 : i32
        %dma_start3A_1194 = tpu.memref_slice %arg5[%add3A_1049, %dma_start3A_1193] : memref<128x200xi32, #tpu.memory_space<vmem>> -> memref<1x128xi32, #tpu.memory_space<vmem>>
        %dma_start3A_1195 = tpu.memref_squeeze %dma_start3A_1194 : memref<1x128xi32, #tpu.memory_space<vmem>> -> memref<128xi32, #tpu.memory_space<vmem>>
        %dma_start3A_1196 = arith.constant 0 : i32
        %dma_start3A_1197 = arith.constant 0 : i32
        %dma_start3A_1198 = tpu.memref_slice %arg3[%dma_start3A_1196, %dma_start3A_1197] : memref<1015808x64xf32, #tpu.memory_space<hbm>> -> memref<1015808x64xf32, #tpu.memory_space<hbm>>
        tpu.enqueue_indirect_dma source(%dma_start3A_1198 : memref<1015808x64xf32, #tpu.memory_space<hbm>>) target(%dma_start3A_1192 : memref<128x64xf32, #tpu.memory_space<vmem>>) offsets(%dma_start3A_1195 : memref<128xi32, #tpu.memory_space<vmem>>) semaphore(%arg17 : memref<!tpu.dma_semaphore, #tpu.memory_space<semaphore_mem>>)
        %dma_start3A_1199 = arith.constant 128 : i32
        %dma_start3A_1200 = arith.constant 0 : i32
        %dma_start3A_1201 = tpu.memref_slice %arg10[%dma_start3A_1199, %dma_start3A_1200] : memref<200x64xf32, #tpu.memory_space<vmem>> -> memref<72x64xf32, #tpu.memory_space<vmem>>
        %dma_start3A_1202 = arith.constant 128 : i32
        %dma_start3A_1203 = tpu.memref_slice %arg5[%add3A_1049, %dma_start3A_1202] : memref<128x200xi32, #tpu.memory_space<vmem>> -> memref<1x72xi32, #tpu.memory_space<vmem>>
        %dma_start3A_1204 = tpu.memref_squeeze %dma_start3A_1203 : memref<1x72xi32, #tpu.memory_space<vmem>> -> memref<72xi32, #tpu.memory_space<vmem>>
        %dma_start3A_1205 = arith.constant 0 : i32
        %dma_start3A_1206 = arith.constant 0 : i32
        %dma_start3A_1207 = tpu.memref_slice %arg3[%dma_start3A_1205, %dma_start3A_1206] : memref<1015808x64xf32, #tpu.memory_space<hbm>> -> memref<1015808x64xf32, #tpu.memory_space<hbm>>
        tpu.enqueue_indirect_dma source(%dma_start3A_1207 : memref<1015808x64xf32, #tpu.memory_space<hbm>>) target(%dma_start3A_1201 : memref<72x64xf32, #tpu.memory_space<vmem>>) offsets(%dma_start3A_1204 : memref<72xi32, #tpu.memory_space<vmem>>) semaphore(%arg17 : memref<!tpu.dma_semaphore, #tpu.memory_space<semaphore_mem>>)
      } else {
      }
      %mul3A_1055 = arith.constant 6 : i32
      %mul3A_1056 = arith.muli %mul3A_1055, %scan3A_382 : i32
      %add3A_1057 = arith.constant 5 : i32
      %add3A_1058 = arith.addi %mul3A_1056, %add3A_1057 : i32
      %dma_wait3A_1059 = arith.constant 0 : i32
      %dma_wait3A_1060 = arith.constant 0 : i32
      %dma_wait3A_1061 = tpu.memref_slice %arg3[%dma_wait3A_1059, %dma_wait3A_1060] : memref<1015808x64xf32, #tpu.memory_space<hbm>> -> memref<200x64xf32, #tpu.memory_space<hbm>>
      %dma_wait3A_1062 = arith.constant 0 : i32
      %dma_wait3A_1063 = arith.constant 0 : i32
      %dma_wait3A_1064 = tpu.memref_slice %arg3[%dma_wait3A_1062, %dma_wait3A_1063] : memref<1015808x64xf32, #tpu.memory_space<hbm>> -> memref<200x64xf32, #tpu.memory_space<hbm>>
      tpu.wait_dma2 semaphore(%arg18 : memref<!tpu.dma_semaphore, #tpu.memory_space<semaphore_mem>>) src(%dma_wait3A_1064 : memref<200x64xf32, #tpu.memory_space<hbm>>) dst(%arg11 : memref<200x64xf32, #tpu.memory_space<vmem>>)
      %broadcast_in_dim3A_1065 = arith.constant 0.000000e+00 : f32
      %broadcast_in_dim3A_1066 = vector.broadcast %broadcast_in_dim3A_1065 : f32 to vector<16xf32>
      %broadcast_in_dim3A_1067 = arith.constant 0.000000e+00 : f32
      %broadcast_in_dim3A_1068 = vector.broadcast %broadcast_in_dim3A_1067 : f32 to vector<16xf32>
      %broadcast_in_dim3A_1069 = arith.constant 0.000000e+00 : f32
      %broadcast_in_dim3A_1070 = vector.broadcast %broadcast_in_dim3A_1069 : f32 to vector<16xf32>
      %broadcast_in_dim3A_1071 = arith.constant 0.000000e+00 : f32
      %broadcast_in_dim3A_1072 = vector.broadcast %broadcast_in_dim3A_1071 : f32 to vector<16xf32>
      %broadcast_in_dim3A_1073 = arith.constant 0.000000e+00 : f32
      %broadcast_in_dim3A_1074 = vector.broadcast %broadcast_in_dim3A_1073 : f32 to vector<16xf32>
      %broadcast_in_dim3A_1075 = arith.constant 0.000000e+00 : f32
      %broadcast_in_dim3A_1076 = vector.broadcast %broadcast_in_dim3A_1075 : f32 to vector<16xf32>
      %broadcast_in_dim3A_1077 = arith.constant 0.000000e+00 : f32
      %broadcast_in_dim3A_1078 = vector.broadcast %broadcast_in_dim3A_1077 : f32 to vector<16xf32>
      %broadcast_in_dim3A_1079 = arith.constant 0.000000e+00 : f32
      %broadcast_in_dim3A_1080 = vector.broadcast %broadcast_in_dim3A_1079 : f32 to vector<16xf32>
      %broadcast_in_dim3A_1081 = arith.constant 0.000000e+00 : f32
      %broadcast_in_dim3A_1082 = vector.broadcast %broadcast_in_dim3A_1081 : f32 to vector<16xf32>
      %broadcast_in_dim3A_1083 = arith.constant 0.000000e+00 : f32
      %broadcast_in_dim3A_1084 = vector.broadcast %broadcast_in_dim3A_1083 : f32 to vector<16xf32>
      %broadcast_in_dim3A_1085 = arith.constant 0.000000e+00 : f32
      %broadcast_in_dim3A_1086 = vector.broadcast %broadcast_in_dim3A_1085 : f32 to vector<16xf32>
      %broadcast_in_dim3A_1087 = arith.constant 0.000000e+00 : f32
      %broadcast_in_dim3A_1088 = vector.broadcast %broadcast_in_dim3A_1087 : f32 to vector<16xf32>
      %broadcast_in_dim3A_1089 = arith.constant 0.000000e+00 : f32
      %broadcast_in_dim3A_1090 = vector.broadcast %broadcast_in_dim3A_1089 : f32 to vector<16xf32>
      %broadcast_in_dim3A_1091 = arith.constant 0.000000e+00 : f32
      %broadcast_in_dim3A_1092 = vector.broadcast %broadcast_in_dim3A_1091 : f32 to vector<16xf32>
      %broadcast_in_dim3A_1093 = arith.constant 0.000000e+00 : f32
      %broadcast_in_dim3A_1094 = vector.broadcast %broadcast_in_dim3A_1093 : f32 to vector<16xf32>
      %broadcast_in_dim3A_1095 = arith.constant 0.000000e+00 : f32
      %broadcast_in_dim3A_1096 = vector.broadcast %broadcast_in_dim3A_1095 : f32 to vector<16xf32>
      %broadcast_in_dim3A_1097 = arith.constant 0.000000e+00 : f32
      %broadcast_in_dim3A_1098 = vector.broadcast %broadcast_in_dim3A_1097 : f32 to vector<16xf32>
      %broadcast_in_dim3A_1099 = arith.constant 0.000000e+00 : f32
      %broadcast_in_dim3A_1100 = vector.broadcast %broadcast_in_dim3A_1099 : f32 to vector<16xf32>
      %broadcast_in_dim3A_1101 = arith.constant 0.000000e+00 : f32
      %broadcast_in_dim3A_1102 = vector.broadcast %broadcast_in_dim3A_1101 : f32 to vector<16xf32>
      %broadcast_in_dim3A_1103 = arith.constant 0.000000e+00 : f32
      %broadcast_in_dim3A_1104 = vector.broadcast %broadcast_in_dim3A_1103 : f32 to vector<16xf32>
      %broadcast_in_dim3A_1105 = arith.constant 0.000000e+00 : f32
      %broadcast_in_dim3A_1106 = vector.broadcast %broadcast_in_dim3A_1105 : f32 to vector<16xf32>
      %broadcast_in_dim3A_1107 = arith.constant 0.000000e+00 : f32
      %broadcast_in_dim3A_1108 = vector.broadcast %broadcast_in_dim3A_1107 : f32 to vector<16xf32>
      %broadcast_in_dim3A_1109 = arith.constant 0.000000e+00 : f32
      %broadcast_in_dim3A_1110 = vector.broadcast %broadcast_in_dim3A_1109 : f32 to vector<16xf32>
      %broadcast_in_dim3A_1111 = arith.constant 0.000000e+00 : f32
      %broadcast_in_dim3A_1112 = vector.broadcast %broadcast_in_dim3A_1111 : f32 to vector<16xf32>
      %broadcast_in_dim3A_1113 = arith.constant 0.000000e+00 : f32
      %broadcast_in_dim3A_1114 = vector.broadcast %broadcast_in_dim3A_1113 : f32 to vector<16xf32>
      %broadcast_in_dim3A_1115 = arith.constant 0.000000e+00 : f32
      %broadcast_in_dim3A_1116 = vector.broadcast %broadcast_in_dim3A_1115 : f32 to vector<16xf32>
      %broadcast_in_dim3A_1117 = arith.constant 0.000000e+00 : f32
      %broadcast_in_dim3A_1118 = vector.broadcast %broadcast_in_dim3A_1117 : f32 to vector<16xf32>
      %broadcast_in_dim3A_1119 = arith.constant 0.000000e+00 : f32
      %broadcast_in_dim3A_1120 = vector.broadcast %broadcast_in_dim3A_1119 : f32 to vector<16xf32>
      %broadcast_in_dim3A_1121 = arith.constant 0.000000e+00 : f32
      %broadcast_in_dim3A_1122 = vector.broadcast %broadcast_in_dim3A_1121 : f32 to vector<16xf32>
      %broadcast_in_dim3A_1123 = arith.constant 0.000000e+00 : f32
      %broadcast_in_dim3A_1124 = vector.broadcast %broadcast_in_dim3A_1123 : f32 to vector<16xf32>
      %broadcast_in_dim3A_1125 = arith.constant 0.000000e+00 : f32
      %broadcast_in_dim3A_1126 = vector.broadcast %broadcast_in_dim3A_1125 : f32 to vector<16xf32>
      %broadcast_in_dim3A_1127 = arith.constant 0.000000e+00 : f32
      %broadcast_in_dim3A_1128 = vector.broadcast %broadcast_in_dim3A_1127 : f32 to vector<16xf32>
      %scan3A_1129 = arith.constant 0 : i32
      %scan3A_1130 = arith.constant 25 : i32
      %scan3A_1131 = arith.addi %scan3A_1129, %scan3A_1130 : i32
      %scan3A_1132 = arith.constant 1 : i32
      %scan3A_1133:32 = scf.for %scan3A_1190 = %scan3A_1129 to %scan3A_1131 step %scan3A_1132 iter_args(%scan3A_1191 = %broadcast_in_dim3A_1066, %scan3A_1192 = %broadcast_in_dim3A_1068, %scan3A_1193 = %broadcast_in_dim3A_1070, %scan3A_1194 = %broadcast_in_dim3A_1072, %scan3A_1195 = %broadcast_in_dim3A_1074, %scan3A_1196 = %broadcast_in_dim3A_1076, %scan3A_1197 = %broadcast_in_dim3A_1078, %scan3A_1198 = %broadcast_in_dim3A_1080, %scan3A_1199 = %broadcast_in_dim3A_1082, %scan3A_1200 = %broadcast_in_dim3A_1084, %scan3A_1201 = %broadcast_in_dim3A_1086, %scan3A_1202 = %broadcast_in_dim3A_1088, %scan3A_1203 = %broadcast_in_dim3A_1090, %scan3A_1204 = %broadcast_in_dim3A_1092, %scan3A_1205 = %broadcast_in_dim3A_1094, %scan3A_1206 = %broadcast_in_dim3A_1096, %scan3A_1207 = %broadcast_in_dim3A_1098, %scan3A_1208 = %broadcast_in_dim3A_1100, %scan3A_1209 = %broadcast_in_dim3A_1102, %scan3A_1210 = %broadcast_in_dim3A_1104, %scan3A_1211 = %broadcast_in_dim3A_1106, %scan3A_1212 = %broadcast_in_dim3A_1108, %scan3A_1213 = %broadcast_in_dim3A_1110, %scan3A_1214 = %broadcast_in_dim3A_1112, %scan3A_1215 = %broadcast_in_dim3A_1114, %scan3A_1216 = %broadcast_in_dim3A_1116, %scan3A_1217 = %broadcast_in_dim3A_1118, %scan3A_1218 = %broadcast_in_dim3A_1120, %scan3A_1219 = %broadcast_in_dim3A_1122, %scan3A_1220 = %broadcast_in_dim3A_1124, %scan3A_1221 = %broadcast_in_dim3A_1126, %scan3A_1222 = %broadcast_in_dim3A_1128) -> (vector<16xf32>, vector<16xf32>, vector<16xf32>, vector<16xf32>, vector<16xf32>, vector<16xf32>, vector<16xf32>, vector<16xf32>, vector<16xf32>, vector<16xf32>, vector<16xf32>, vector<16xf32>, vector<16xf32>, vector<16xf32>, vector<16xf32>, vector<16xf32>, vector<16xf32>, vector<16xf32>, vector<16xf32>, vector<16xf32>, vector<16xf32>, vector<16xf32>, vector<16xf32>, vector<16xf32>, vector<16xf32>, vector<16xf32>, vector<16xf32>, vector<16xf32>, vector<16xf32>, vector<16xf32>, vector<16xf32>, vector<16xf32>)  : i32 {
        %mul3A_1223 = arith.constant 8 : i32
        %mul3A_1224 = arith.muli %scan3A_1190, %mul3A_1223 : i32
        %add3A_1225 = arith.constant 0 : i32
        %add3A_1226 = arith.addi %mul3A_1224, %add3A_1225 : i32
        %get3A = arith.index_cast %add3A_1226 : i32 to index
        %get3A_1227 = arith.constant 0 : index
        %get3A_1228 = tpu.vector_load %arg11[%get3A, %get3A_1227] {strides = array<i32>} : memref<200x64xf32, #tpu.memory_space<vmem>>, vector<1x16xf32>,
        %get3A_1229 = vector.shape_cast %get3A_1228 : vector<1x16xf32> to vector<16xf32>
        %add3A_1230 = arith.addf %scan3A_1191, %get3A_1229 : vector<16xf32>
        %mul3A_1231 = arith.constant 8 : i32
        %mul3A_1232 = arith.muli %scan3A_1190, %mul3A_1231 : i32
        %add3A_1233 = arith.constant 0 : i32
        %add3A_1234 = arith.addi %mul3A_1232, %add3A_1233 : i32
        %get3A_1235 = arith.index_cast %add3A_1234 : i32 to index
        %get3A_1236 = arith.constant 16 : index
        %get3A_1237 = tpu.vector_load %arg11[%get3A_1235, %get3A_1236] {strides = array<i32>} : memref<200x64xf32, #tpu.memory_space<vmem>>, vector<1x16xf32>,
        %get3A_1238 = vector.shape_cast %get3A_1237 : vector<1x16xf32> to vector<16xf32>
        %add3A_1239 = arith.addf %scan3A_1192, %get3A_1238 : vector<16xf32>
        %mul3A_1240 = arith.constant 8 : i32
        %mul3A_1241 = arith.muli %scan3A_1190, %mul3A_1240 : i32
        %add3A_1242 = arith.constant 0 : i32
        %add3A_1243 = arith.addi %mul3A_1241, %add3A_1242 : i32
        %get3A_1244 = arith.index_cast %add3A_1243 : i32 to index
        %get3A_1245 = arith.constant 32 : index
        %get3A_1246 = tpu.vector_load %arg11[%get3A_1244, %get3A_1245] {strides = array<i32>} : memref<200x64xf32, #tpu.memory_space<vmem>>, vector<1x16xf32>,
        %get3A_1247 = vector.shape_cast %get3A_1246 : vector<1x16xf32> to vector<16xf32>
        %add3A_1248 = arith.addf %scan3A_1193, %get3A_1247 : vector<16xf32>
        %mul3A_1249 = arith.constant 8 : i32
        %mul3A_1250 = arith.muli %scan3A_1190, %mul3A_1249 : i32
        %add3A_1251 = arith.constant 0 : i32
        %add3A_1252 = arith.addi %mul3A_1250, %add3A_1251 : i32
        %get3A_1253 = arith.index_cast %add3A_1252 : i32 to index
        %get3A_1254 = arith.constant 48 : index
        %get3A_1255 = tpu.vector_load %arg11[%get3A_1253, %get3A_1254] {strides = array<i32>} : memref<200x64xf32, #tpu.memory_space<vmem>>, vector<1x16xf32>,
        %get3A_1256 = vector.shape_cast %get3A_1255 : vector<1x16xf32> to vector<16xf32>
        %add3A_1257 = arith.addf %scan3A_1194, %get3A_1256 : vector<16xf32>
        %mul3A_1258 = arith.constant 8 : i32
        %mul3A_1259 = arith.muli %scan3A_1190, %mul3A_1258 : i32
        %add3A_1260 = arith.constant 1 : i32
        %add3A_1261 = arith.addi %mul3A_1259, %add3A_1260 : i32
        %get3A_1262 = arith.index_cast %add3A_1261 : i32 to index
        %get3A_1263 = arith.constant 0 : index
        %get3A_1264 = tpu.vector_load %arg11[%get3A_1262, %get3A_1263] {strides = array<i32>} : memref<200x64xf32, #tpu.memory_space<vmem>>, vector<1x16xf32>,
        %get3A_1265 = vector.shape_cast %get3A_1264 : vector<1x16xf32> to vector<16xf32>
        %add3A_1266 = arith.addf %scan3A_1195, %get3A_1265 : vector<16xf32>
        %mul3A_1267 = arith.constant 8 : i32
        %mul3A_1268 = arith.muli %scan3A_1190, %mul3A_1267 : i32
        %add3A_1269 = arith.constant 1 : i32
        %add3A_1270 = arith.addi %mul3A_1268, %add3A_1269 : i32
        %get3A_1271 = arith.index_cast %add3A_1270 : i32 to index
        %get3A_1272 = arith.constant 16 : index
        %get3A_1273 = tpu.vector_load %arg11[%get3A_1271, %get3A_1272] {strides = array<i32>} : memref<200x64xf32, #tpu.memory_space<vmem>>, vector<1x16xf32>,
        %get3A_1274 = vector.shape_cast %get3A_1273 : vector<1x16xf32> to vector<16xf32>
        %add3A_1275 = arith.addf %scan3A_1196, %get3A_1274 : vector<16xf32>
        %mul3A_1276 = arith.constant 8 : i32
        %mul3A_1277 = arith.muli %scan3A_1190, %mul3A_1276 : i32
        %add3A_1278 = arith.constant 1 : i32
        %add3A_1279 = arith.addi %mul3A_1277, %add3A_1278 : i32
        %get3A_1280 = arith.index_cast %add3A_1279 : i32 to index
        %get3A_1281 = arith.constant 32 : index
        %get3A_1282 = tpu.vector_load %arg11[%get3A_1280, %get3A_1281] {strides = array<i32>} : memref<200x64xf32, #tpu.memory_space<vmem>>, vector<1x16xf32>,
        %get3A_1283 = vector.shape_cast %get3A_1282 : vector<1x16xf32> to vector<16xf32>
        %add3A_1284 = arith.addf %scan3A_1197, %get3A_1283 : vector<16xf32>
        %mul3A_1285 = arith.constant 8 : i32
        %mul3A_1286 = arith.muli %scan3A_1190, %mul3A_1285 : i32
        %add3A_1287 = arith.constant 1 : i32
        %add3A_1288 = arith.addi %mul3A_1286, %add3A_1287 : i32
        %get3A_1289 = arith.index_cast %add3A_1288 : i32 to index
        %get3A_1290 = arith.constant 48 : index
        %get3A_1291 = tpu.vector_load %arg11[%get3A_1289, %get3A_1290] {strides = array<i32>} : memref<200x64xf32, #tpu.memory_space<vmem>>, vector<1x16xf32>,
        %get3A_1292 = vector.shape_cast %get3A_1291 : vector<1x16xf32> to vector<16xf32>
        %add3A_1293 = arith.addf %scan3A_1198, %get3A_1292 : vector<16xf32>
        %mul3A_1294 = arith.constant 8 : i32
        %mul3A_1295 = arith.muli %scan3A_1190, %mul3A_1294 : i32
        %add3A_1296 = arith.constant 2 : i32
        %add3A_1297 = arith.addi %mul3A_1295, %add3A_1296 : i32
        %get3A_1298 = arith.index_cast %add3A_1297 : i32 to index
        %get3A_1299 = arith.constant 0 : index
        %get3A_1300 = tpu.vector_load %arg11[%get3A_1298, %get3A_1299] {strides = array<i32>} : memref<200x64xf32, #tpu.memory_space<vmem>>, vector<1x16xf32>,
        %get3A_1301 = vector.shape_cast %get3A_1300 : vector<1x16xf32> to vector<16xf32>
        %add3A_1302 = arith.addf %scan3A_1199, %get3A_1301 : vector<16xf32>
        %mul3A_1303 = arith.constant 8 : i32
        %mul3A_1304 = arith.muli %scan3A_1190, %mul3A_1303 : i32
        %add3A_1305 = arith.constant 2 : i32
        %add3A_1306 = arith.addi %mul3A_1304, %add3A_1305 : i32
        %get3A_1307 = arith.index_cast %add3A_1306 : i32 to index
        %get3A_1308 = arith.constant 16 : index
        %get3A_1309 = tpu.vector_load %arg11[%get3A_1307, %get3A_1308] {strides = array<i32>} : memref<200x64xf32, #tpu.memory_space<vmem>>, vector<1x16xf32>,
        %get3A_1310 = vector.shape_cast %get3A_1309 : vector<1x16xf32> to vector<16xf32>
        %add3A_1311 = arith.addf %scan3A_1200, %get3A_1310 : vector<16xf32>
        %mul3A_1312 = arith.constant 8 : i32
        %mul3A_1313 = arith.muli %scan3A_1190, %mul3A_1312 : i32
        %add3A_1314 = arith.constant 2 : i32
        %add3A_1315 = arith.addi %mul3A_1313, %add3A_1314 : i32
        %get3A_1316 = arith.index_cast %add3A_1315 : i32 to index
        %get3A_1317 = arith.constant 32 : index
        %get3A_1318 = tpu.vector_load %arg11[%get3A_1316, %get3A_1317] {strides = array<i32>} : memref<200x64xf32, #tpu.memory_space<vmem>>, vector<1x16xf32>,
        %get3A_1319 = vector.shape_cast %get3A_1318 : vector<1x16xf32> to vector<16xf32>
        %add3A_1320 = arith.addf %scan3A_1201, %get3A_1319 : vector<16xf32>
        %mul3A_1321 = arith.constant 8 : i32
        %mul3A_1322 = arith.muli %scan3A_1190, %mul3A_1321 : i32
        %add3A_1323 = arith.constant 2 : i32
        %add3A_1324 = arith.addi %mul3A_1322, %add3A_1323 : i32
        %get3A_1325 = arith.index_cast %add3A_1324 : i32 to index
        %get3A_1326 = arith.constant 48 : index
        %get3A_1327 = tpu.vector_load %arg11[%get3A_1325, %get3A_1326] {strides = array<i32>} : memref<200x64xf32, #tpu.memory_space<vmem>>, vector<1x16xf32>,
        %get3A_1328 = vector.shape_cast %get3A_1327 : vector<1x16xf32> to vector<16xf32>
        %add3A_1329 = arith.addf %scan3A_1202, %get3A_1328 : vector<16xf32>
        %mul3A_1330 = arith.constant 8 : i32
        %mul3A_1331 = arith.muli %scan3A_1190, %mul3A_1330 : i32
        %add3A_1332 = arith.constant 3 : i32
        %add3A_1333 = arith.addi %mul3A_1331, %add3A_1332 : i32
        %get3A_1334 = arith.index_cast %add3A_1333 : i32 to index
        %get3A_1335 = arith.constant 0 : index
        %get3A_1336 = tpu.vector_load %arg11[%get3A_1334, %get3A_1335] {strides = array<i32>} : memref<200x64xf32, #tpu.memory_space<vmem>>, vector<1x16xf32>,
        %get3A_1337 = vector.shape_cast %get3A_1336 : vector<1x16xf32> to vector<16xf32>
        %add3A_1338 = arith.addf %scan3A_1203, %get3A_1337 : vector<16xf32>
        %mul3A_1339 = arith.constant 8 : i32
        %mul3A_1340 = arith.muli %scan3A_1190, %mul3A_1339 : i32
        %add3A_1341 = arith.constant 3 : i32
        %add3A_1342 = arith.addi %mul3A_1340, %add3A_1341 : i32
        %get3A_1343 = arith.index_cast %add3A_1342 : i32 to index
        %get3A_1344 = arith.constant 16 : index
        %get3A_1345 = tpu.vector_load %arg11[%get3A_1343, %get3A_1344] {strides = array<i32>} : memref<200x64xf32, #tpu.memory_space<vmem>>, vector<1x16xf32>,
        %get3A_1346 = vector.shape_cast %get3A_1345 : vector<1x16xf32> to vector<16xf32>
        %add3A_1347 = arith.addf %scan3A_1204, %get3A_1346 : vector<16xf32>
        %mul3A_1348 = arith.constant 8 : i32
        %mul3A_1349 = arith.muli %scan3A_1190, %mul3A_1348 : i32
        %add3A_1350 = arith.constant 3 : i32
        %add3A_1351 = arith.addi %mul3A_1349, %add3A_1350 : i32
        %get3A_1352 = arith.index_cast %add3A_1351 : i32 to index
        %get3A_1353 = arith.constant 32 : index
        %get3A_1354 = tpu.vector_load %arg11[%get3A_1352, %get3A_1353] {strides = array<i32>} : memref<200x64xf32, #tpu.memory_space<vmem>>, vector<1x16xf32>,
        %get3A_1355 = vector.shape_cast %get3A_1354 : vector<1x16xf32> to vector<16xf32>
        %add3A_1356 = arith.addf %scan3A_1205, %get3A_1355 : vector<16xf32>
        %mul3A_1357 = arith.constant 8 : i32
        %mul3A_1358 = arith.muli %scan3A_1190, %mul3A_1357 : i32
        %add3A_1359 = arith.constant 3 : i32
        %add3A_1360 = arith.addi %mul3A_1358, %add3A_1359 : i32
        %get3A_1361 = arith.index_cast %add3A_1360 : i32 to index
        %get3A_1362 = arith.constant 48 : index
        %get3A_1363 = tpu.vector_load %arg11[%get3A_1361, %get3A_1362] {strides = array<i32>} : memref<200x64xf32, #tpu.memory_space<vmem>>, vector<1x16xf32>,
        %get3A_1364 = vector.shape_cast %get3A_1363 : vector<1x16xf32> to vector<16xf32>
        %add3A_1365 = arith.addf %scan3A_1206, %get3A_1364 : vector<16xf32>
        %mul3A_1366 = arith.constant 8 : i32
        %mul3A_1367 = arith.muli %scan3A_1190, %mul3A_1366 : i32
        %add3A_1368 = arith.constant 4 : i32
        %add3A_1369 = arith.addi %mul3A_1367, %add3A_1368 : i32
        %get3A_1370 = arith.index_cast %add3A_1369 : i32 to index
        %get3A_1371 = arith.constant 0 : index
        %get3A_1372 = tpu.vector_load %arg11[%get3A_1370, %get3A_1371] {strides = array<i32>} : memref<200x64xf32, #tpu.memory_space<vmem>>, vector<1x16xf32>,
        %get3A_1373 = vector.shape_cast %get3A_1372 : vector<1x16xf32> to vector<16xf32>
        %add3A_1374 = arith.addf %scan3A_1207, %get3A_1373 : vector<16xf32>
        %mul3A_1375 = arith.constant 8 : i32
        %mul3A_1376 = arith.muli %scan3A_1190, %mul3A_1375 : i32
        %add3A_1377 = arith.constant 4 : i32
        %add3A_1378 = arith.addi %mul3A_1376, %add3A_1377 : i32
        %get3A_1379 = arith.index_cast %add3A_1378 : i32 to index
        %get3A_1380 = arith.constant 16 : index
        %get3A_1381 = tpu.vector_load %arg11[%get3A_1379, %get3A_1380] {strides = array<i32>} : memref<200x64xf32, #tpu.memory_space<vmem>>, vector<1x16xf32>,
        %get3A_1382 = vector.shape_cast %get3A_1381 : vector<1x16xf32> to vector<16xf32>
        %add3A_1383 = arith.addf %scan3A_1208, %get3A_1382 : vector<16xf32>
        %mul3A_1384 = arith.constant 8 : i32
        %mul3A_1385 = arith.muli %scan3A_1190, %mul3A_1384 : i32
        %add3A_1386 = arith.constant 4 : i32
        %add3A_1387 = arith.addi %mul3A_1385, %add3A_1386 : i32
        %get3A_1388 = arith.index_cast %add3A_1387 : i32 to index
        %get3A_1389 = arith.constant 32 : index
        %get3A_1390 = tpu.vector_load %arg11[%get3A_1388, %get3A_1389] {strides = array<i32>} : memref<200x64xf32, #tpu.memory_space<vmem>>, vector<1x16xf32>,
        %get3A_1391 = vector.shape_cast %get3A_1390 : vector<1x16xf32> to vector<16xf32>
        %add3A_1392 = arith.addf %scan3A_1209, %get3A_1391 : vector<16xf32>
        %mul3A_1393 = arith.constant 8 : i32
        %mul3A_1394 = arith.muli %scan3A_1190, %mul3A_1393 : i32
        %add3A_1395 = arith.constant 4 : i32
        %add3A_1396 = arith.addi %mul3A_1394, %add3A_1395 : i32
        %get3A_1397 = arith.index_cast %add3A_1396 : i32 to index
        %get3A_1398 = arith.constant 48 : index
        %get3A_1399 = tpu.vector_load %arg11[%get3A_1397, %get3A_1398] {strides = array<i32>} : memref<200x64xf32, #tpu.memory_space<vmem>>, vector<1x16xf32>,
        %get3A_1400 = vector.shape_cast %get3A_1399 : vector<1x16xf32> to vector<16xf32>
        %add3A_1401 = arith.addf %scan3A_1210, %get3A_1400 : vector<16xf32>
        %mul3A_1402 = arith.constant 8 : i32
        %mul3A_1403 = arith.muli %scan3A_1190, %mul3A_1402 : i32
        %add3A_1404 = arith.constant 5 : i32
        %add3A_1405 = arith.addi %mul3A_1403, %add3A_1404 : i32
        %get3A_1406 = arith.index_cast %add3A_1405 : i32 to index
        %get3A_1407 = arith.constant 0 : index
        %get3A_1408 = tpu.vector_load %arg11[%get3A_1406, %get3A_1407] {strides = array<i32>} : memref<200x64xf32, #tpu.memory_space<vmem>>, vector<1x16xf32>,
        %get3A_1409 = vector.shape_cast %get3A_1408 : vector<1x16xf32> to vector<16xf32>
        %add3A_1410 = arith.addf %scan3A_1211, %get3A_1409 : vector<16xf32>
        %mul3A_1411 = arith.constant 8 : i32
        %mul3A_1412 = arith.muli %scan3A_1190, %mul3A_1411 : i32
        %add3A_1413 = arith.constant 5 : i32
        %add3A_1414 = arith.addi %mul3A_1412, %add3A_1413 : i32
        %get3A_1415 = arith.index_cast %add3A_1414 : i32 to index
        %get3A_1416 = arith.constant 16 : index
        %get3A_1417 = tpu.vector_load %arg11[%get3A_1415, %get3A_1416] {strides = array<i32>} : memref<200x64xf32, #tpu.memory_space<vmem>>, vector<1x16xf32>,
        %get3A_1418 = vector.shape_cast %get3A_1417 : vector<1x16xf32> to vector<16xf32>
        %add3A_1419 = arith.addf %scan3A_1212, %get3A_1418 : vector<16xf32>
        %mul3A_1420 = arith.constant 8 : i32
        %mul3A_1421 = arith.muli %scan3A_1190, %mul3A_1420 : i32
        %add3A_1422 = arith.constant 5 : i32
        %add3A_1423 = arith.addi %mul3A_1421, %add3A_1422 : i32
        %get3A_1424 = arith.index_cast %add3A_1423 : i32 to index
        %get3A_1425 = arith.constant 32 : index
        %get3A_1426 = tpu.vector_load %arg11[%get3A_1424, %get3A_1425] {strides = array<i32>} : memref<200x64xf32, #tpu.memory_space<vmem>>, vector<1x16xf32>,
        %get3A_1427 = vector.shape_cast %get3A_1426 : vector<1x16xf32> to vector<16xf32>
        %add3A_1428 = arith.addf %scan3A_1213, %get3A_1427 : vector<16xf32>
        %mul3A_1429 = arith.constant 8 : i32
        %mul3A_1430 = arith.muli %scan3A_1190, %mul3A_1429 : i32
        %add3A_1431 = arith.constant 5 : i32
        %add3A_1432 = arith.addi %mul3A_1430, %add3A_1431 : i32
        %get3A_1433 = arith.index_cast %add3A_1432 : i32 to index
        %get3A_1434 = arith.constant 48 : index
        %get3A_1435 = tpu.vector_load %arg11[%get3A_1433, %get3A_1434] {strides = array<i32>} : memref<200x64xf32, #tpu.memory_space<vmem>>, vector<1x16xf32>,
        %get3A_1436 = vector.shape_cast %get3A_1435 : vector<1x16xf32> to vector<16xf32>
        %add3A_1437 = arith.addf %scan3A_1214, %get3A_1436 : vector<16xf32>
        %mul3A_1438 = arith.constant 8 : i32
        %mul3A_1439 = arith.muli %scan3A_1190, %mul3A_1438 : i32
        %add3A_1440 = arith.constant 6 : i32
        %add3A_1441 = arith.addi %mul3A_1439, %add3A_1440 : i32
        %get3A_1442 = arith.index_cast %add3A_1441 : i32 to index
        %get3A_1443 = arith.constant 0 : index
        %get3A_1444 = tpu.vector_load %arg11[%get3A_1442, %get3A_1443] {strides = array<i32>} : memref<200x64xf32, #tpu.memory_space<vmem>>, vector<1x16xf32>,
        %get3A_1445 = vector.shape_cast %get3A_1444 : vector<1x16xf32> to vector<16xf32>
        %add3A_1446 = arith.addf %scan3A_1215, %get3A_1445 : vector<16xf32>
        %mul3A_1447 = arith.constant 8 : i32
        %mul3A_1448 = arith.muli %scan3A_1190, %mul3A_1447 : i32
        %add3A_1449 = arith.constant 6 : i32
        %add3A_1450 = arith.addi %mul3A_1448, %add3A_1449 : i32
        %get3A_1451 = arith.index_cast %add3A_1450 : i32 to index
        %get3A_1452 = arith.constant 16 : index
        %get3A_1453 = tpu.vector_load %arg11[%get3A_1451, %get3A_1452] {strides = array<i32>} : memref<200x64xf32, #tpu.memory_space<vmem>>, vector<1x16xf32>,
        %get3A_1454 = vector.shape_cast %get3A_1453 : vector<1x16xf32> to vector<16xf32>
        %add3A_1455 = arith.addf %scan3A_1216, %get3A_1454 : vector<16xf32>
        %mul3A_1456 = arith.constant 8 : i32
        %mul3A_1457 = arith.muli %scan3A_1190, %mul3A_1456 : i32
        %add3A_1458 = arith.constant 6 : i32
        %add3A_1459 = arith.addi %mul3A_1457, %add3A_1458 : i32
        %get3A_1460 = arith.index_cast %add3A_1459 : i32 to index
        %get3A_1461 = arith.constant 32 : index
        %get3A_1462 = tpu.vector_load %arg11[%get3A_1460, %get3A_1461] {strides = array<i32>} : memref<200x64xf32, #tpu.memory_space<vmem>>, vector<1x16xf32>,
        %get3A_1463 = vector.shape_cast %get3A_1462 : vector<1x16xf32> to vector<16xf32>
        %add3A_1464 = arith.addf %scan3A_1217, %get3A_1463 : vector<16xf32>
        %mul3A_1465 = arith.constant 8 : i32
        %mul3A_1466 = arith.muli %scan3A_1190, %mul3A_1465 : i32
        %add3A_1467 = arith.constant 6 : i32
        %add3A_1468 = arith.addi %mul3A_1466, %add3A_1467 : i32
        %get3A_1469 = arith.index_cast %add3A_1468 : i32 to index
        %get3A_1470 = arith.constant 48 : index
        %get3A_1471 = tpu.vector_load %arg11[%get3A_1469, %get3A_1470] {strides = array<i32>} : memref<200x64xf32, #tpu.memory_space<vmem>>, vector<1x16xf32>,
        %get3A_1472 = vector.shape_cast %get3A_1471 : vector<1x16xf32> to vector<16xf32>
        %add3A_1473 = arith.addf %scan3A_1218, %get3A_1472 : vector<16xf32>
        %mul3A_1474 = arith.constant 8 : i32
        %mul3A_1475 = arith.muli %scan3A_1190, %mul3A_1474 : i32
        %add3A_1476 = arith.constant 7 : i32
        %add3A_1477 = arith.addi %mul3A_1475, %add3A_1476 : i32
        %get3A_1478 = arith.index_cast %add3A_1477 : i32 to index
        %get3A_1479 = arith.constant 0 : index
        %get3A_1480 = tpu.vector_load %arg11[%get3A_1478, %get3A_1479] {strides = array<i32>} : memref<200x64xf32, #tpu.memory_space<vmem>>, vector<1x16xf32>,
        %get3A_1481 = vector.shape_cast %get3A_1480 : vector<1x16xf32> to vector<16xf32>
        %add3A_1482 = arith.addf %scan3A_1219, %get3A_1481 : vector<16xf32>
        %mul3A_1483 = arith.constant 8 : i32
        %mul3A_1484 = arith.muli %scan3A_1190, %mul3A_1483 : i32
        %add3A_1485 = arith.constant 7 : i32
        %add3A_1486 = arith.addi %mul3A_1484, %add3A_1485 : i32
        %get3A_1487 = arith.index_cast %add3A_1486 : i32 to index
        %get3A_1488 = arith.constant 16 : index
        %get3A_1489 = tpu.vector_load %arg11[%get3A_1487, %get3A_1488] {strides = array<i32>} : memref<200x64xf32, #tpu.memory_space<vmem>>, vector<1x16xf32>,
        %get3A_1490 = vector.shape_cast %get3A_1489 : vector<1x16xf32> to vector<16xf32>
        %add3A_1491 = arith.addf %scan3A_1220, %get3A_1490 : vector<16xf32>
        %mul3A_1492 = arith.constant 8 : i32
        %mul3A_1493 = arith.muli %scan3A_1190, %mul3A_1492 : i32
        %add3A_1494 = arith.constant 7 : i32
        %add3A_1495 = arith.addi %mul3A_1493, %add3A_1494 : i32
        %get3A_1496 = arith.index_cast %add3A_1495 : i32 to index
        %get3A_1497 = arith.constant 32 : index
        %get3A_1498 = tpu.vector_load %arg11[%get3A_1496, %get3A_1497] {strides = array<i32>} : memref<200x64xf32, #tpu.memory_space<vmem>>, vector<1x16xf32>,
        %get3A_1499 = vector.shape_cast %get3A_1498 : vector<1x16xf32> to vector<16xf32>
        %add3A_1500 = arith.addf %scan3A_1221, %get3A_1499 : vector<16xf32>
        %mul3A_1501 = arith.constant 8 : i32
        %mul3A_1502 = arith.muli %scan3A_1190, %mul3A_1501 : i32
        %add3A_1503 = arith.constant 7 : i32
        %add3A_1504 = arith.addi %mul3A_1502, %add3A_1503 : i32
        %get3A_1505 = arith.index_cast %add3A_1504 : i32 to index
        %get3A_1506 = arith.constant 48 : index
        %get3A_1507 = tpu.vector_load %arg11[%get3A_1505, %get3A_1506] {strides = array<i32>} : memref<200x64xf32, #tpu.memory_space<vmem>>, vector<1x16xf32>,
        %get3A_1508 = vector.shape_cast %get3A_1507 : vector<1x16xf32> to vector<16xf32>
        %add3A_1509 = arith.addf %scan3A_1222, %get3A_1508 : vector<16xf32>
        scf.yield %add3A_1230, %add3A_1239, %add3A_1248, %add3A_1257, %add3A_1266, %add3A_1275, %add3A_1284, %add3A_1293, %add3A_1302, %add3A_1311, %add3A_1320, %add3A_1329, %add3A_1338, %add3A_1347, %add3A_1356, %add3A_1365, %add3A_1374, %add3A_1383, %add3A_1392, %add3A_1401, %add3A_1410, %add3A_1419, %add3A_1428, %add3A_1437, %add3A_1446, %add3A_1455, %add3A_1464, %add3A_1473, %add3A_1482, %add3A_1491, %add3A_1500, %add3A_1509 : vector<16xf32>, vector<16xf32>, vector<16xf32>, vector<16xf32>, vector<16xf32>, vector<16xf32>, vector<16xf32>, vector<16xf32>, vector<16xf32>, vector<16xf32>, vector<16xf32>, vector<16xf32>, vector<16xf32>, vector<16xf32>, vector<16xf32>, vector<16xf32>, vector<16xf32>, vector<16xf32>, vector<16xf32>, vector<16xf32>, vector<16xf32>, vector<16xf32>, vector<16xf32>, vector<16xf32>, vector<16xf32>, vector<16xf32>, vector<16xf32>, vector<16xf32>, vector<16xf32>, vector<16xf32>, vector<16xf32>, vector<16xf32>
      }
      %scan3A_1134 = arith.constant 25 : i32
      %add3A_1135 = arith.addf %scan3A_1133#0, %scan3A_1133#16 : vector<16xf32>
      %add3A_1136 = arith.addf %scan3A_1133#4, %scan3A_1133#20 : vector<16xf32>
      %add3A_1137 = arith.addf %scan3A_1133#8, %scan3A_1133#24 : vector<16xf32>
      %add3A_1138 = arith.addf %scan3A_1133#12, %scan3A_1133#28 : vector<16xf32>
      %add3A_1139 = arith.addf %add3A_1135, %add3A_1137 : vector<16xf32>
      %add3A_1140 = arith.addf %add3A_1136, %add3A_1138 : vector<16xf32>
      %add3A_1141 = arith.addf %add3A_1139, %add3A_1140 : vector<16xf32>
      %swap3A_1142 = arith.index_cast %add3A_1058 : i32 to index
      %swap3A_1143 = arith.constant 0 : index
      %swap3A_1144 = tpu.vector_load %arg12[%swap3A_1142, %swap3A_1143] {strides = array<i32>} : memref<128x64xf32, #tpu.memory_space<vmem>>, vector<1x16xf32>,
      %swap3A_1145 = vector.shape_cast %swap3A_1144 : vector<1x16xf32> to vector<16xf32>
      %swap3A_1146 = vector.shape_cast %add3A_1141 : vector<16xf32> to vector<1x16xf32>
      tpu.vector_store %arg12[%swap3A_1142, %swap3A_1143], %swap3A_1146 {strides = array<i32>} : memref<128x64xf32, #tpu.memory_space<vmem>>, vector<1x16xf32>,
      %add3A_1147 = arith.addf %scan3A_1133#1, %scan3A_1133#17 : vector<16xf32>
      %add3A_1148 = arith.addf %scan3A_1133#5, %scan3A_1133#21 : vector<16xf32>
      %add3A_1149 = arith.addf %scan3A_1133#9, %scan3A_1133#25 : vector<16xf32>
      %add3A_1150 = arith.addf %scan3A_1133#13, %scan3A_1133#29 : vector<16xf32>
      %add3A_1151 = arith.addf %add3A_1147, %add3A_1149 : vector<16xf32>
      %add3A_1152 = arith.addf %add3A_1148, %add3A_1150 : vector<16xf32>
      %add3A_1153 = arith.addf %add3A_1151, %add3A_1152 : vector<16xf32>
      %swap3A_1154 = arith.index_cast %add3A_1058 : i32 to index
      %swap3A_1155 = arith.constant 16 : index
      %swap3A_1156 = tpu.vector_load %arg12[%swap3A_1154, %swap3A_1155] {strides = array<i32>} : memref<128x64xf32, #tpu.memory_space<vmem>>, vector<1x16xf32>,
      %swap3A_1157 = vector.shape_cast %swap3A_1156 : vector<1x16xf32> to vector<16xf32>
      %swap3A_1158 = vector.shape_cast %add3A_1153 : vector<16xf32> to vector<1x16xf32>
      tpu.vector_store %arg12[%swap3A_1154, %swap3A_1155], %swap3A_1158 {strides = array<i32>} : memref<128x64xf32, #tpu.memory_space<vmem>>, vector<1x16xf32>,
      %add3A_1159 = arith.addf %scan3A_1133#2, %scan3A_1133#18 : vector<16xf32>
      %add3A_1160 = arith.addf %scan3A_1133#6, %scan3A_1133#22 : vector<16xf32>
      %add3A_1161 = arith.addf %scan3A_1133#10, %scan3A_1133#26 : vector<16xf32>
      %add3A_1162 = arith.addf %scan3A_1133#14, %scan3A_1133#30 : vector<16xf32>
      %add3A_1163 = arith.addf %add3A_1159, %add3A_1161 : vector<16xf32>
      %add3A_1164 = arith.addf %add3A_1160, %add3A_1162 : vector<16xf32>
      %add3A_1165 = arith.addf %add3A_1163, %add3A_1164 : vector<16xf32>
      %swap3A_1166 = arith.index_cast %add3A_1058 : i32 to index
      %swap3A_1167 = arith.constant 32 : index
      %swap3A_1168 = tpu.vector_load %arg12[%swap3A_1166, %swap3A_1167] {strides = array<i32>} : memref<128x64xf32, #tpu.memory_space<vmem>>, vector<1x16xf32>,
      %swap3A_1169 = vector.shape_cast %swap3A_1168 : vector<1x16xf32> to vector<16xf32>
      %swap3A_1170 = vector.shape_cast %add3A_1165 : vector<16xf32> to vector<1x16xf32>
      tpu.vector_store %arg12[%swap3A_1166, %swap3A_1167], %swap3A_1170 {strides = array<i32>} : memref<128x64xf32, #tpu.memory_space<vmem>>, vector<1x16xf32>,
      %add3A_1171 = arith.addf %scan3A_1133#3, %scan3A_1133#19 : vector<16xf32>
      %add3A_1172 = arith.addf %scan3A_1133#7, %scan3A_1133#23 : vector<16xf32>
      %add3A_1173 = arith.addf %scan3A_1133#11, %scan3A_1133#27 : vector<16xf32>
      %add3A_1174 = arith.addf %scan3A_1133#15, %scan3A_1133#31 : vector<16xf32>
      %add3A_1175 = arith.addf %add3A_1171, %add3A_1173 : vector<16xf32>
      %add3A_1176 = arith.addf %add3A_1172, %add3A_1174 : vector<16xf32>
      %add3A_1177 = arith.addf %add3A_1175, %add3A_1176 : vector<16xf32>
      %swap3A_1178 = arith.index_cast %add3A_1058 : i32 to index
      %swap3A_1179 = arith.constant 48 : index
      %swap3A_1180 = tpu.vector_load %arg12[%swap3A_1178, %swap3A_1179] {strides = array<i32>} : memref<128x64xf32, #tpu.memory_space<vmem>>, vector<1x16xf32>,
      %swap3A_1181 = vector.shape_cast %swap3A_1180 : vector<1x16xf32> to vector<16xf32>
      %swap3A_1182 = vector.shape_cast %add3A_1177 : vector<16xf32> to vector<1x16xf32>
      tpu.vector_store %arg12[%swap3A_1178, %swap3A_1179], %swap3A_1182 {strides = array<i32>} : memref<128x64xf32, #tpu.memory_space<vmem>>, vector<1x16xf32>,
      %add3A_1183 = arith.constant 6 : i32
      %add3A_1184 = arith.addi %add3A_1058, %add3A_1183 : i32
      %lt3A_1185 = arith.constant 128 : i32
      %lt3A_1186 = arith.cmpi slt, %add3A_1184, %lt3A_1185 : i32
      %convert_element_type3A_1187 = arith.extui %lt3A_1186 : i1 to i32
      %cond3A_1188 = arith.constant 0 : i32
      %cond3A_1189 = arith.cmpi ne, %convert_element_type3A_1187, %cond3A_1188 : i32
      scf.if %cond3A_1189 {
        %dma_start3A_1190 = arith.constant 0 : i32
        %dma_start3A_1191 = arith.constant 0 : i32
        %dma_start3A_1192 = tpu.memref_slice %arg11[%dma_start3A_1190, %dma_start3A_1191] : memref<200x64xf32, #tpu.memory_space<vmem>> -> memref<128x64xf32, #tpu.memory_space<vmem>>
        %dma_start3A_1193 = arith.constant 0 : i32
        %dma_start3A_1194 = tpu.memref_slice %arg5[%add3A_1184, %dma_start3A_1193] : memref<128x200xi32, #tpu.memory_space<vmem>> -> memref<1x128xi32, #tpu.memory_space<vmem>>
        %dma_start3A_1195 = tpu.memref_squeeze %dma_start3A_1194 : memref<1x128xi32, #tpu.memory_space<vmem>> -> memref<128xi32, #tpu.memory_space<vmem>>
        %dma_start3A_1196 = arith.constant 0 : i32
        %dma_start3A_1197 = arith.constant 0 : i32
        %dma_start3A_1198 = tpu.memref_slice %arg3[%dma_start3A_1196, %dma_start3A_1197] : memref<1015808x64xf32, #tpu.memory_space<hbm>> -> memref<1015808x64xf32, #tpu.memory_space<hbm>>
        tpu.enqueue_indirect_dma source(%dma_start3A_1198 : memref<1015808x64xf32, #tpu.memory_space<hbm>>) target(%dma_start3A_1192 : memref<128x64xf32, #tpu.memory_space<vmem>>) offsets(%dma_start3A_1195 : memref<128xi32, #tpu.memory_space<vmem>>) semaphore(%arg18 : memref<!tpu.dma_semaphore, #tpu.memory_space<semaphore_mem>>)
        %dma_start3A_1199 = arith.constant 128 : i32
        %dma_start3A_1200 = arith.constant 0 : i32
        %dma_start3A_1201 = tpu.memref_slice %arg11[%dma_start3A_1199, %dma_start3A_1200] : memref<200x64xf32, #tpu.memory_space<vmem>> -> memref<72x64xf32, #tpu.memory_space<vmem>>
        %dma_start3A_1202 = arith.constant 128 : i32
        %dma_start3A_1203 = tpu.memref_slice %arg5[%add3A_1184, %dma_start3A_1202] : memref<128x200xi32, #tpu.memory_space<vmem>> -> memref<1x72xi32, #tpu.memory_space<vmem>>
        %dma_start3A_1204 = tpu.memref_squeeze %dma_start3A_1203 : memref<1x72xi32, #tpu.memory_space<vmem>> -> memref<72xi32, #tpu.memory_space<vmem>>
        %dma_start3A_1205 = arith.constant 0 : i32
        %dma_start3A_1206 = arith.constant 0 : i32
        %dma_start3A_1207 = tpu.memref_slice %arg3[%dma_start3A_1205, %dma_start3A_1206] : memref<1015808x64xf32, #tpu.memory_space<hbm>> -> memref<1015808x64xf32, #tpu.memory_space<hbm>>
        tpu.enqueue_indirect_dma source(%dma_start3A_1207 : memref<1015808x64xf32, #tpu.memory_space<hbm>>) target(%dma_start3A_1201 : memref<72x64xf32, #tpu.memory_space<vmem>>) offsets(%dma_start3A_1204 : memref<72xi32, #tpu.memory_space<vmem>>) semaphore(%arg18 : memref<!tpu.dma_semaphore, #tpu.memory_space<semaphore_mem>>)
      } else {
      }
    }
    %scan3A_126 = arith.constant 21 : i32
    %dma_wait3A = arith.constant 0 : i32
    %dma_wait3A_127 = arith.constant 0 : i32
    %dma_wait3A_128 = tpu.memref_slice %arg3[%dma_wait3A, %dma_wait3A_127] : memref<1015808x64xf32, #tpu.memory_space<hbm>> -> memref<200x64xf32, #tpu.memory_space<hbm>>
    %dma_wait3A_129 = arith.constant 0 : i32
    %dma_wait3A_130 = arith.constant 0 : i32
    %dma_wait3A_131 = tpu.memref_slice %arg3[%dma_wait3A_129, %dma_wait3A_130] : memref<1015808x64xf32, #tpu.memory_space<hbm>> -> memref<200x64xf32, #tpu.memory_space<hbm>>
    tpu.wait_dma2 semaphore(%arg13 : memref<!tpu.dma_semaphore, #tpu.memory_space<semaphore_mem>>) src(%dma_wait3A_131 : memref<200x64xf32, #tpu.memory_space<hbm>>) dst(%arg6 : memref<200x64xf32, #tpu.memory_space<vmem>>)
    %broadcast_in_dim3A = arith.constant 0.000000e+00 : f32
    %broadcast_in_dim3A_132 = vector.broadcast %broadcast_in_dim3A : f32 to vector<16xf32>
    %broadcast_in_dim3A_133 = arith.constant 0.000000e+00 : f32
    %broadcast_in_dim3A_134 = vector.broadcast %broadcast_in_dim3A_133 : f32 to vector<16xf32>
    %broadcast_in_dim3A_135 = arith.constant 0.000000e+00 : f32
    %broadcast_in_dim3A_136 = vector.broadcast %broadcast_in_dim3A_135 : f32 to vector<16xf32>
    %broadcast_in_dim3A_137 = arith.constant 0.000000e+00 : f32
    %broadcast_in_dim3A_138 = vector.broadcast %broadcast_in_dim3A_137 : f32 to vector<16xf32>
    %broadcast_in_dim3A_139 = arith.constant 0.000000e+00 : f32
    %broadcast_in_dim3A_140 = vector.broadcast %broadcast_in_dim3A_139 : f32 to vector<16xf32>
    %broadcast_in_dim3A_141 = arith.constant 0.000000e+00 : f32
    %broadcast_in_dim3A_142 = vector.broadcast %broadcast_in_dim3A_141 : f32 to vector<16xf32>
    %broadcast_in_dim3A_143 = arith.constant 0.000000e+00 : f32
    %broadcast_in_dim3A_144 = vector.broadcast %broadcast_in_dim3A_143 : f32 to vector<16xf32>
    %broadcast_in_dim3A_145 = arith.constant 0.000000e+00 : f32
    %broadcast_in_dim3A_146 = vector.broadcast %broadcast_in_dim3A_145 : f32 to vector<16xf32>
    %broadcast_in_dim3A_147 = arith.constant 0.000000e+00 : f32
    %broadcast_in_dim3A_148 = vector.broadcast %broadcast_in_dim3A_147 : f32 to vector<16xf32>
    %broadcast_in_dim3A_149 = arith.constant 0.000000e+00 : f32
    %broadcast_in_dim3A_150 = vector.broadcast %broadcast_in_dim3A_149 : f32 to vector<16xf32>
    %broadcast_in_dim3A_151 = arith.constant 0.000000e+00 : f32
    %broadcast_in_dim3A_152 = vector.broadcast %broadcast_in_dim3A_151 : f32 to vector<16xf32>
    %broadcast_in_dim3A_153 = arith.constant 0.000000e+00 : f32
    %broadcast_in_dim3A_154 = vector.broadcast %broadcast_in_dim3A_153 : f32 to vector<16xf32>
    %broadcast_in_dim3A_155 = arith.constant 0.000000e+00 : f32
    %broadcast_in_dim3A_156 = vector.broadcast %broadcast_in_dim3A_155 : f32 to vector<16xf32>
    %broadcast_in_dim3A_157 = arith.constant 0.000000e+00 : f32
    %broadcast_in_dim3A_158 = vector.broadcast %broadcast_in_dim3A_157 : f32 to vector<16xf32>
    %broadcast_in_dim3A_159 = arith.constant 0.000000e+00 : f32
    %broadcast_in_dim3A_160 = vector.broadcast %broadcast_in_dim3A_159 : f32 to vector<16xf32>
    %broadcast_in_dim3A_161 = arith.constant 0.000000e+00 : f32
    %broadcast_in_dim3A_162 = vector.broadcast %broadcast_in_dim3A_161 : f32 to vector<16xf32>
    %broadcast_in_dim3A_163 = arith.constant 0.000000e+00 : f32
    %broadcast_in_dim3A_164 = vector.broadcast %broadcast_in_dim3A_163 : f32 to vector<16xf32>
    %broadcast_in_dim3A_165 = arith.constant 0.000000e+00 : f32
    %broadcast_in_dim3A_166 = vector.broadcast %broadcast_in_dim3A_165 : f32 to vector<16xf32>
    %broadcast_in_dim3A_167 = arith.constant 0.000000e+00 : f32
    %broadcast_in_dim3A_168 = vector.broadcast %broadcast_in_dim3A_167 : f32 to vector<16xf32>
    %broadcast_in_dim3A_169 = arith.constant 0.000000e+00 : f32
    %broadcast_in_dim3A_170 = vector.broadcast %broadcast_in_dim3A_169 : f32 to vector<16xf32>
    %broadcast_in_dim3A_171 = arith.constant 0.000000e+00 : f32
    %broadcast_in_dim3A_172 = vector.broadcast %broadcast_in_dim3A_171 : f32 to vector<16xf32>
    %broadcast_in_dim3A_173 = arith.constant 0.000000e+00 : f32
    %broadcast_in_dim3A_174 = vector.broadcast %broadcast_in_dim3A_173 : f32 to vector<16xf32>
    %broadcast_in_dim3A_175 = arith.constant 0.000000e+00 : f32
    %broadcast_in_dim3A_176 = vector.broadcast %broadcast_in_dim3A_175 : f32 to vector<16xf32>
    %broadcast_in_dim3A_177 = arith.constant 0.000000e+00 : f32
    %broadcast_in_dim3A_178 = vector.broadcast %broadcast_in_dim3A_177 : f32 to vector<16xf32>
    %broadcast_in_dim3A_179 = arith.constant 0.000000e+00 : f32
    %broadcast_in_dim3A_180 = vector.broadcast %broadcast_in_dim3A_179 : f32 to vector<16xf32>
    %broadcast_in_dim3A_181 = arith.constant 0.000000e+00 : f32
    %broadcast_in_dim3A_182 = vector.broadcast %broadcast_in_dim3A_181 : f32 to vector<16xf32>
    %broadcast_in_dim3A_183 = arith.constant 0.000000e+00 : f32
    %broadcast_in_dim3A_184 = vector.broadcast %broadcast_in_dim3A_183 : f32 to vector<16xf32>
    %broadcast_in_dim3A_185 = arith.constant 0.000000e+00 : f32
    %broadcast_in_dim3A_186 = vector.broadcast %broadcast_in_dim3A_185 : f32 to vector<16xf32>
    %broadcast_in_dim3A_187 = arith.constant 0.000000e+00 : f32
    %broadcast_in_dim3A_188 = vector.broadcast %broadcast_in_dim3A_187 : f32 to vector<16xf32>
    %broadcast_in_dim3A_189 = arith.constant 0.000000e+00 : f32
    %broadcast_in_dim3A_190 = vector.broadcast %broadcast_in_dim3A_189 : f32 to vector<16xf32>
    %broadcast_in_dim3A_191 = arith.constant 0.000000e+00 : f32
    %broadcast_in_dim3A_192 = vector.broadcast %broadcast_in_dim3A_191 : f32 to vector<16xf32>
    %broadcast_in_dim3A_193 = arith.constant 0.000000e+00 : f32
    %broadcast_in_dim3A_194 = vector.broadcast %broadcast_in_dim3A_193 : f32 to vector<16xf32>
    %scan3A_195 = arith.constant 0 : i32
    %scan3A_196 = arith.constant 25 : i32
    %scan3A_197 = arith.addi %scan3A_195, %scan3A_196 : i32
    %scan3A_198 = arith.constant 1 : i32
    %scan3A_199:32 = scf.for %scan3A_382 = %scan3A_195 to %scan3A_197 step %scan3A_198 iter_args(%scan3A_383 = %broadcast_in_dim3A_132, %scan3A_384 = %broadcast_in_dim3A_134, %scan3A_385 = %broadcast_in_dim3A_136, %scan3A_386 = %broadcast_in_dim3A_138, %scan3A_387 = %broadcast_in_dim3A_140, %scan3A_388 = %broadcast_in_dim3A_142, %scan3A_389 = %broadcast_in_dim3A_144, %scan3A_390 = %broadcast_in_dim3A_146, %scan3A_391 = %broadcast_in_dim3A_148, %scan3A_392 = %broadcast_in_dim3A_150, %scan3A_393 = %broadcast_in_dim3A_152, %scan3A_394 = %broadcast_in_dim3A_154, %scan3A_395 = %broadcast_in_dim3A_156, %scan3A_396 = %broadcast_in_dim3A_158, %scan3A_397 = %broadcast_in_dim3A_160, %scan3A_398 = %broadcast_in_dim3A_162, %scan3A_399 = %broadcast_in_dim3A_164, %scan3A_400 = %broadcast_in_dim3A_166, %scan3A_401 = %broadcast_in_dim3A_168, %scan3A_402 = %broadcast_in_dim3A_170, %scan3A_403 = %broadcast_in_dim3A_172, %scan3A_404 = %broadcast_in_dim3A_174, %scan3A_405 = %broadcast_in_dim3A_176, %scan3A_406 = %broadcast_in_dim3A_178, %scan3A_407 = %broadcast_in_dim3A_180, %scan3A_408 = %broadcast_in_dim3A_182, %scan3A_409 = %broadcast_in_dim3A_184, %scan3A_410 = %broadcast_in_dim3A_186, %scan3A_411 = %broadcast_in_dim3A_188, %scan3A_412 = %broadcast_in_dim3A_190, %scan3A_413 = %broadcast_in_dim3A_192, %scan3A_414 = %broadcast_in_dim3A_194) -> (vector<16xf32>, vector<16xf32>, vector<16xf32>, vector<16xf32>, vector<16xf32>, vector<16xf32>, vector<16xf32>, vector<16xf32>, vector<16xf32>, vector<16xf32>, vector<16xf32>, vector<16xf32>, vector<16xf32>, vector<16xf32>, vector<16xf32>, vector<16xf32>, vector<16xf32>, vector<16xf32>, vector<16xf32>, vector<16xf32>, vector<16xf32>, vector<16xf32>, vector<16xf32>, vector<16xf32>, vector<16xf32>, vector<16xf32>, vector<16xf32>, vector<16xf32>, vector<16xf32>, vector<16xf32>, vector<16xf32>, vector<16xf32>)  : i32 {
      %mul3A_415 = arith.constant 8 : i32
      %mul3A_416 = arith.muli %scan3A_382, %mul3A_415 : i32
      %add3A_417 = arith.constant 0 : i32
      %add3A_418 = arith.addi %mul3A_416, %add3A_417 : i32
      %get3A = arith.index_cast %add3A_418 : i32 to index
      %get3A_419 = arith.constant 0 : index
      %get3A_420 = tpu.vector_load %arg6[%get3A, %get3A_419] {strides = array<i32>} : memref<200x64xf32, #tpu.memory_space<vmem>>, vector<1x16xf32>,
      %get3A_421 = vector.shape_cast %get3A_420 : vector<1x16xf32> to vector<16xf32>
      %add3A_422 = arith.addf %scan3A_383, %get3A_421 : vector<16xf32>
      %mul3A_423 = arith.constant 8 : i32
      %mul3A_424 = arith.muli %scan3A_382, %mul3A_423 : i32
      %add3A_425 = arith.constant 0 : i32
      %add3A_426 = arith.addi %mul3A_424, %add3A_425 : i32
      %get3A_427 = arith.index_cast %add3A_426 : i32 to index
      %get3A_428 = arith.constant 16 : index
      %get3A_429 = tpu.vector_load %arg6[%get3A_427, %get3A_428] {strides = array<i32>} : memref<200x64xf32, #tpu.memory_space<vmem>>, vector<1x16xf32>,
      %get3A_430 = vector.shape_cast %get3A_429 : vector<1x16xf32> to vector<16xf32>
      %add3A_431 = arith.addf %scan3A_384, %get3A_430 : vector<16xf32>
      %mul3A_432 = arith.constant 8 : i32
      %mul3A_433 = arith.muli %scan3A_382, %mul3A_432 : i32
      %add3A_434 = arith.constant 0 : i32
      %add3A_435 = arith.addi %mul3A_433, %add3A_434 : i32
      %get3A_436 = arith.index_cast %add3A_435 : i32 to index
      %get3A_437 = arith.constant 32 : index
      %get3A_438 = tpu.vector_load %arg6[%get3A_436, %get3A_437] {strides = array<i32>} : memref<200x64xf32, #tpu.memory_space<vmem>>, vector<1x16xf32>,
      %get3A_439 = vector.shape_cast %get3A_438 : vector<1x16xf32> to vector<16xf32>
      %add3A_440 = arith.addf %scan3A_385, %get3A_439 : vector<16xf32>
      %mul3A_441 = arith.constant 8 : i32
      %mul3A_442 = arith.muli %scan3A_382, %mul3A_441 : i32
      %add3A_443 = arith.constant 0 : i32
      %add3A_444 = arith.addi %mul3A_442, %add3A_443 : i32
      %get3A_445 = arith.index_cast %add3A_444 : i32 to index
      %get3A_446 = arith.constant 48 : index
      %get3A_447 = tpu.vector_load %arg6[%get3A_445, %get3A_446] {strides = array<i32>} : memref<200x64xf32, #tpu.memory_space<vmem>>, vector<1x16xf32>,
      %get3A_448 = vector.shape_cast %get3A_447 : vector<1x16xf32> to vector<16xf32>
      %add3A_449 = arith.addf %scan3A_386, %get3A_448 : vector<16xf32>
      %mul3A_450 = arith.constant 8 : i32
      %mul3A_451 = arith.muli %scan3A_382, %mul3A_450 : i32
      %add3A_452 = arith.constant 1 : i32
      %add3A_453 = arith.addi %mul3A_451, %add3A_452 : i32
      %get3A_454 = arith.index_cast %add3A_453 : i32 to index
      %get3A_455 = arith.constant 0 : index
      %get3A_456 = tpu.vector_load %arg6[%get3A_454, %get3A_455] {strides = array<i32>} : memref<200x64xf32, #tpu.memory_space<vmem>>, vector<1x16xf32>,
      %get3A_457 = vector.shape_cast %get3A_456 : vector<1x16xf32> to vector<16xf32>
      %add3A_458 = arith.addf %scan3A_387, %get3A_457 : vector<16xf32>
      %mul3A_459 = arith.constant 8 : i32
      %mul3A_460 = arith.muli %scan3A_382, %mul3A_459 : i32
      %add3A_461 = arith.constant 1 : i32
      %add3A_462 = arith.addi %mul3A_460, %add3A_461 : i32
      %get3A_463 = arith.index_cast %add3A_462 : i32 to index
      %get3A_464 = arith.constant 16 : index
      %get3A_465 = tpu.vector_load %arg6[%get3A_463, %get3A_464] {strides = array<i32>} : memref<200x64xf32, #tpu.memory_space<vmem>>, vector<1x16xf32>,
      %get3A_466 = vector.shape_cast %get3A_465 : vector<1x16xf32> to vector<16xf32>
      %add3A_467 = arith.addf %scan3A_388, %get3A_466 : vector<16xf32>
      %mul3A_468 = arith.constant 8 : i32
      %mul3A_469 = arith.muli %scan3A_382, %mul3A_468 : i32
      %add3A_470 = arith.constant 1 : i32
      %add3A_471 = arith.addi %mul3A_469, %add3A_470 : i32
      %get3A_472 = arith.index_cast %add3A_471 : i32 to index
      %get3A_473 = arith.constant 32 : index
      %get3A_474 = tpu.vector_load %arg6[%get3A_472, %get3A_473] {strides = array<i32>} : memref<200x64xf32, #tpu.memory_space<vmem>>, vector<1x16xf32>,
      %get3A_475 = vector.shape_cast %get3A_474 : vector<1x16xf32> to vector<16xf32>
      %add3A_476 = arith.addf %scan3A_389, %get3A_475 : vector<16xf32>
      %mul3A_477 = arith.constant 8 : i32
      %mul3A_478 = arith.muli %scan3A_382, %mul3A_477 : i32
      %add3A_479 = arith.constant 1 : i32
      %add3A_480 = arith.addi %mul3A_478, %add3A_479 : i32
      %get3A_481 = arith.index_cast %add3A_480 : i32 to index
      %get3A_482 = arith.constant 48 : index
      %get3A_483 = tpu.vector_load %arg6[%get3A_481, %get3A_482] {strides = array<i32>} : memref<200x64xf32, #tpu.memory_space<vmem>>, vector<1x16xf32>,
      %get3A_484 = vector.shape_cast %get3A_483 : vector<1x16xf32> to vector<16xf32>
      %add3A_485 = arith.addf %scan3A_390, %get3A_484 : vector<16xf32>
      %mul3A_486 = arith.constant 8 : i32
      %mul3A_487 = arith.muli %scan3A_382, %mul3A_486 : i32
      %add3A_488 = arith.constant 2 : i32
      %add3A_489 = arith.addi %mul3A_487, %add3A_488 : i32
      %get3A_490 = arith.index_cast %add3A_489 : i32 to index
      %get3A_491 = arith.constant 0 : index
      %get3A_492 = tpu.vector_load %arg6[%get3A_490, %get3A_491] {strides = array<i32>} : memref<200x64xf32, #tpu.memory_space<vmem>>, vector<1x16xf32>,
      %get3A_493 = vector.shape_cast %get3A_492 : vector<1x16xf32> to vector<16xf32>
      %add3A_494 = arith.addf %scan3A_391, %get3A_493 : vector<16xf32>
      %mul3A_495 = arith.constant 8 : i32
      %mul3A_496 = arith.muli %scan3A_382, %mul3A_495 : i32
      %add3A_497 = arith.constant 2 : i32
      %add3A_498 = arith.addi %mul3A_496, %add3A_497 : i32
      %get3A_499 = arith.index_cast %add3A_498 : i32 to index
      %get3A_500 = arith.constant 16 : index
      %get3A_501 = tpu.vector_load %arg6[%get3A_499, %get3A_500] {strides = array<i32>} : memref<200x64xf32, #tpu.memory_space<vmem>>, vector<1x16xf32>,
      %get3A_502 = vector.shape_cast %get3A_501 : vector<1x16xf32> to vector<16xf32>
      %add3A_503 = arith.addf %scan3A_392, %get3A_502 : vector<16xf32>
      %mul3A_504 = arith.constant 8 : i32
      %mul3A_505 = arith.muli %scan3A_382, %mul3A_504 : i32
      %add3A_506 = arith.constant 2 : i32
      %add3A_507 = arith.addi %mul3A_505, %add3A_506 : i32
      %get3A_508 = arith.index_cast %add3A_507 : i32 to index
      %get3A_509 = arith.constant 32 : index
      %get3A_510 = tpu.vector_load %arg6[%get3A_508, %get3A_509] {strides = array<i32>} : memref<200x64xf32, #tpu.memory_space<vmem>>, vector<1x16xf32>,
      %get3A_511 = vector.shape_cast %get3A_510 : vector<1x16xf32> to vector<16xf32>
      %add3A_512 = arith.addf %scan3A_393, %get3A_511 : vector<16xf32>
      %mul3A_513 = arith.constant 8 : i32
      %mul3A_514 = arith.muli %scan3A_382, %mul3A_513 : i32
      %add3A_515 = arith.constant 2 : i32
      %add3A_516 = arith.addi %mul3A_514, %add3A_515 : i32
      %get3A_517 = arith.index_cast %add3A_516 : i32 to index
      %get3A_518 = arith.constant 48 : index
      %get3A_519 = tpu.vector_load %arg6[%get3A_517, %get3A_518] {strides = array<i32>} : memref<200x64xf32, #tpu.memory_space<vmem>>, vector<1x16xf32>,
      %get3A_520 = vector.shape_cast %get3A_519 : vector<1x16xf32> to vector<16xf32>
      %add3A_521 = arith.addf %scan3A_394, %get3A_520 : vector<16xf32>
      %mul3A_522 = arith.constant 8 : i32
      %mul3A_523 = arith.muli %scan3A_382, %mul3A_522 : i32
      %add3A_524 = arith.constant 3 : i32
      %add3A_525 = arith.addi %mul3A_523, %add3A_524 : i32
      %get3A_526 = arith.index_cast %add3A_525 : i32 to index
      %get3A_527 = arith.constant 0 : index
      %get3A_528 = tpu.vector_load %arg6[%get3A_526, %get3A_527] {strides = array<i32>} : memref<200x64xf32, #tpu.memory_space<vmem>>, vector<1x16xf32>,
      %get3A_529 = vector.shape_cast %get3A_528 : vector<1x16xf32> to vector<16xf32>
      %add3A_530 = arith.addf %scan3A_395, %get3A_529 : vector<16xf32>
      %mul3A_531 = arith.constant 8 : i32
      %mul3A_532 = arith.muli %scan3A_382, %mul3A_531 : i32
      %add3A_533 = arith.constant 3 : i32
      %add3A_534 = arith.addi %mul3A_532, %add3A_533 : i32
      %get3A_535 = arith.index_cast %add3A_534 : i32 to index
      %get3A_536 = arith.constant 16 : index
      %get3A_537 = tpu.vector_load %arg6[%get3A_535, %get3A_536] {strides = array<i32>} : memref<200x64xf32, #tpu.memory_space<vmem>>, vector<1x16xf32>,
      %get3A_538 = vector.shape_cast %get3A_537 : vector<1x16xf32> to vector<16xf32>
      %add3A_539 = arith.addf %scan3A_396, %get3A_538 : vector<16xf32>
      %mul3A_540 = arith.constant 8 : i32
      %mul3A_541 = arith.muli %scan3A_382, %mul3A_540 : i32
      %add3A_542 = arith.constant 3 : i32
      %add3A_543 = arith.addi %mul3A_541, %add3A_542 : i32
      %get3A_544 = arith.index_cast %add3A_543 : i32 to index
      %get3A_545 = arith.constant 32 : index
      %get3A_546 = tpu.vector_load %arg6[%get3A_544, %get3A_545] {strides = array<i32>} : memref<200x64xf32, #tpu.memory_space<vmem>>, vector<1x16xf32>,
      %get3A_547 = vector.shape_cast %get3A_546 : vector<1x16xf32> to vector<16xf32>
      %add3A_548 = arith.addf %scan3A_397, %get3A_547 : vector<16xf32>
      %mul3A_549 = arith.constant 8 : i32
      %mul3A_550 = arith.muli %scan3A_382, %mul3A_549 : i32
      %add3A_551 = arith.constant 3 : i32
      %add3A_552 = arith.addi %mul3A_550, %add3A_551 : i32
      %get3A_553 = arith.index_cast %add3A_552 : i32 to index
      %get3A_554 = arith.constant 48 : index
      %get3A_555 = tpu.vector_load %arg6[%get3A_553, %get3A_554] {strides = array<i32>} : memref<200x64xf32, #tpu.memory_space<vmem>>, vector<1x16xf32>,
      %get3A_556 = vector.shape_cast %get3A_555 : vector<1x16xf32> to vector<16xf32>
      %add3A_557 = arith.addf %scan3A_398, %get3A_556 : vector<16xf32>
      %mul3A_558 = arith.constant 8 : i32
      %mul3A_559 = arith.muli %scan3A_382, %mul3A_558 : i32
      %add3A_560 = arith.constant 4 : i32
      %add3A_561 = arith.addi %mul3A_559, %add3A_560 : i32
      %get3A_562 = arith.index_cast %add3A_561 : i32 to index
      %get3A_563 = arith.constant 0 : index
      %get3A_564 = tpu.vector_load %arg6[%get3A_562, %get3A_563] {strides = array<i32>} : memref<200x64xf32, #tpu.memory_space<vmem>>, vector<1x16xf32>,
      %get3A_565 = vector.shape_cast %get3A_564 : vector<1x16xf32> to vector<16xf32>
      %add3A_566 = arith.addf %scan3A_399, %get3A_565 : vector<16xf32>
      %mul3A_567 = arith.constant 8 : i32
      %mul3A_568 = arith.muli %scan3A_382, %mul3A_567 : i32
      %add3A_569 = arith.constant 4 : i32
      %add3A_570 = arith.addi %mul3A_568, %add3A_569 : i32
      %get3A_571 = arith.index_cast %add3A_570 : i32 to index
      %get3A_572 = arith.constant 16 : index
      %get3A_573 = tpu.vector_load %arg6[%get3A_571, %get3A_572] {strides = array<i32>} : memref<200x64xf32, #tpu.memory_space<vmem>>, vector<1x16xf32>,
      %get3A_574 = vector.shape_cast %get3A_573 : vector<1x16xf32> to vector<16xf32>
      %add3A_575 = arith.addf %scan3A_400, %get3A_574 : vector<16xf32>
      %mul3A_576 = arith.constant 8 : i32
      %mul3A_577 = arith.muli %scan3A_382, %mul3A_576 : i32
      %add3A_578 = arith.constant 4 : i32
      %add3A_579 = arith.addi %mul3A_577, %add3A_578 : i32
      %get3A_580 = arith.index_cast %add3A_579 : i32 to index
      %get3A_581 = arith.constant 32 : index
      %get3A_582 = tpu.vector_load %arg6[%get3A_580, %get3A_581] {strides = array<i32>} : memref<200x64xf32, #tpu.memory_space<vmem>>, vector<1x16xf32>,
      %get3A_583 = vector.shape_cast %get3A_582 : vector<1x16xf32> to vector<16xf32>
      %add3A_584 = arith.addf %scan3A_401, %get3A_583 : vector<16xf32>
      %mul3A_585 = arith.constant 8 : i32
      %mul3A_586 = arith.muli %scan3A_382, %mul3A_585 : i32
      %add3A_587 = arith.constant 4 : i32
      %add3A_588 = arith.addi %mul3A_586, %add3A_587 : i32
      %get3A_589 = arith.index_cast %add3A_588 : i32 to index
      %get3A_590 = arith.constant 48 : index
      %get3A_591 = tpu.vector_load %arg6[%get3A_589, %get3A_590] {strides = array<i32>} : memref<200x64xf32, #tpu.memory_space<vmem>>, vector<1x16xf32>,
      %get3A_592 = vector.shape_cast %get3A_591 : vector<1x16xf32> to vector<16xf32>
      %add3A_593 = arith.addf %scan3A_402, %get3A_592 : vector<16xf32>
      %mul3A_594 = arith.constant 8 : i32
      %mul3A_595 = arith.muli %scan3A_382, %mul3A_594 : i32
      %add3A_596 = arith.constant 5 : i32
      %add3A_597 = arith.addi %mul3A_595, %add3A_596 : i32
      %get3A_598 = arith.index_cast %add3A_597 : i32 to index
      %get3A_599 = arith.constant 0 : index
      %get3A_600 = tpu.vector_load %arg6[%get3A_598, %get3A_599] {strides = array<i32>} : memref<200x64xf32, #tpu.memory_space<vmem>>, vector<1x16xf32>,
      %get3A_601 = vector.shape_cast %get3A_600 : vector<1x16xf32> to vector<16xf32>
      %add3A_602 = arith.addf %scan3A_403, %get3A_601 : vector<16xf32>
      %mul3A_603 = arith.constant 8 : i32
      %mul3A_604 = arith.muli %scan3A_382, %mul3A_603 : i32
      %add3A_605 = arith.constant 5 : i32
      %add3A_606 = arith.addi %mul3A_604, %add3A_605 : i32
      %get3A_607 = arith.index_cast %add3A_606 : i32 to index
      %get3A_608 = arith.constant 16 : index
      %get3A_609 = tpu.vector_load %arg6[%get3A_607, %get3A_608] {strides = array<i32>} : memref<200x64xf32, #tpu.memory_space<vmem>>, vector<1x16xf32>,
      %get3A_610 = vector.shape_cast %get3A_609 : vector<1x16xf32> to vector<16xf32>
      %add3A_611 = arith.addf %scan3A_404, %get3A_610 : vector<16xf32>
      %mul3A_612 = arith.constant 8 : i32
      %mul3A_613 = arith.muli %scan3A_382, %mul3A_612 : i32
      %add3A_614 = arith.constant 5 : i32
      %add3A_615 = arith.addi %mul3A_613, %add3A_614 : i32
      %get3A_616 = arith.index_cast %add3A_615 : i32 to index
      %get3A_617 = arith.constant 32 : index
      %get3A_618 = tpu.vector_load %arg6[%get3A_616, %get3A_617] {strides = array<i32>} : memref<200x64xf32, #tpu.memory_space<vmem>>, vector<1x16xf32>,
      %get3A_619 = vector.shape_cast %get3A_618 : vector<1x16xf32> to vector<16xf32>
      %add3A_620 = arith.addf %scan3A_405, %get3A_619 : vector<16xf32>
      %mul3A_621 = arith.constant 8 : i32
      %mul3A_622 = arith.muli %scan3A_382, %mul3A_621 : i32
      %add3A_623 = arith.constant 5 : i32
      %add3A_624 = arith.addi %mul3A_622, %add3A_623 : i32
      %get3A_625 = arith.index_cast %add3A_624 : i32 to index
      %get3A_626 = arith.constant 48 : index
      %get3A_627 = tpu.vector_load %arg6[%get3A_625, %get3A_626] {strides = array<i32>} : memref<200x64xf32, #tpu.memory_space<vmem>>, vector<1x16xf32>,
      %get3A_628 = vector.shape_cast %get3A_627 : vector<1x16xf32> to vector<16xf32>
      %add3A_629 = arith.addf %scan3A_406, %get3A_628 : vector<16xf32>
      %mul3A_630 = arith.constant 8 : i32
      %mul3A_631 = arith.muli %scan3A_382, %mul3A_630 : i32
      %add3A_632 = arith.constant 6 : i32
      %add3A_633 = arith.addi %mul3A_631, %add3A_632 : i32
      %get3A_634 = arith.index_cast %add3A_633 : i32 to index
      %get3A_635 = arith.constant 0 : index
      %get3A_636 = tpu.vector_load %arg6[%get3A_634, %get3A_635] {strides = array<i32>} : memref<200x64xf32, #tpu.memory_space<vmem>>, vector<1x16xf32>,
      %get3A_637 = vector.shape_cast %get3A_636 : vector<1x16xf32> to vector<16xf32>
      %add3A_638 = arith.addf %scan3A_407, %get3A_637 : vector<16xf32>
      %mul3A_639 = arith.constant 8 : i32
      %mul3A_640 = arith.muli %scan3A_382, %mul3A_639 : i32
      %add3A_641 = arith.constant 6 : i32
      %add3A_642 = arith.addi %mul3A_640, %add3A_641 : i32
      %get3A_643 = arith.index_cast %add3A_642 : i32 to index
      %get3A_644 = arith.constant 16 : index
      %get3A_645 = tpu.vector_load %arg6[%get3A_643, %get3A_644] {strides = array<i32>} : memref<200x64xf32, #tpu.memory_space<vmem>>, vector<1x16xf32>,
      %get3A_646 = vector.shape_cast %get3A_645 : vector<1x16xf32> to vector<16xf32>
      %add3A_647 = arith.addf %scan3A_408, %get3A_646 : vector<16xf32>
      %mul3A_648 = arith.constant 8 : i32
      %mul3A_649 = arith.muli %scan3A_382, %mul3A_648 : i32
      %add3A_650 = arith.constant 6 : i32
      %add3A_651 = arith.addi %mul3A_649, %add3A_650 : i32
      %get3A_652 = arith.index_cast %add3A_651 : i32 to index
      %get3A_653 = arith.constant 32 : index
      %get3A_654 = tpu.vector_load %arg6[%get3A_652, %get3A_653] {strides = array<i32>} : memref<200x64xf32, #tpu.memory_space<vmem>>, vector<1x16xf32>,
      %get3A_655 = vector.shape_cast %get3A_654 : vector<1x16xf32> to vector<16xf32>
      %add3A_656 = arith.addf %scan3A_409, %get3A_655 : vector<16xf32>
      %mul3A_657 = arith.constant 8 : i32
      %mul3A_658 = arith.muli %scan3A_382, %mul3A_657 : i32
      %add3A_659 = arith.constant 6 : i32
      %add3A_660 = arith.addi %mul3A_658, %add3A_659 : i32
      %get3A_661 = arith.index_cast %add3A_660 : i32 to index
      %get3A_662 = arith.constant 48 : index
      %get3A_663 = tpu.vector_load %arg6[%get3A_661, %get3A_662] {strides = array<i32>} : memref<200x64xf32, #tpu.memory_space<vmem>>, vector<1x16xf32>,
      %get3A_664 = vector.shape_cast %get3A_663 : vector<1x16xf32> to vector<16xf32>
      %add3A_665 = arith.addf %scan3A_410, %get3A_664 : vector<16xf32>
      %mul3A_666 = arith.constant 8 : i32
      %mul3A_667 = arith.muli %scan3A_382, %mul3A_666 : i32
      %add3A_668 = arith.constant 7 : i32
      %add3A_669 = arith.addi %mul3A_667, %add3A_668 : i32
      %get3A_670 = arith.index_cast %add3A_669 : i32 to index
      %get3A_671 = arith.constant 0 : index
      %get3A_672 = tpu.vector_load %arg6[%get3A_670, %get3A_671] {strides = array<i32>} : memref<200x64xf32, #tpu.memory_space<vmem>>, vector<1x16xf32>,
      %get3A_673 = vector.shape_cast %get3A_672 : vector<1x16xf32> to vector<16xf32>
      %add3A_674 = arith.addf %scan3A_411, %get3A_673 : vector<16xf32>
      %mul3A_675 = arith.constant 8 : i32
      %mul3A_676 = arith.muli %scan3A_382, %mul3A_675 : i32
      %add3A_677 = arith.constant 7 : i32
      %add3A_678 = arith.addi %mul3A_676, %add3A_677 : i32
      %get3A_679 = arith.index_cast %add3A_678 : i32 to index
      %get3A_680 = arith.constant 16 : index
      %get3A_681 = tpu.vector_load %arg6[%get3A_679, %get3A_680] {strides = array<i32>} : memref<200x64xf32, #tpu.memory_space<vmem>>, vector<1x16xf32>,
      %get3A_682 = vector.shape_cast %get3A_681 : vector<1x16xf32> to vector<16xf32>
      %add3A_683 = arith.addf %scan3A_412, %get3A_682 : vector<16xf32>
      %mul3A_684 = arith.constant 8 : i32
      %mul3A_685 = arith.muli %scan3A_382, %mul3A_684 : i32
      %add3A_686 = arith.constant 7 : i32
      %add3A_687 = arith.addi %mul3A_685, %add3A_686 : i32
      %get3A_688 = arith.index_cast %add3A_687 : i32 to index
      %get3A_689 = arith.constant 32 : index
      %get3A_690 = tpu.vector_load %arg6[%get3A_688, %get3A_689] {strides = array<i32>} : memref<200x64xf32, #tpu.memory_space<vmem>>, vector<1x16xf32>,
      %get3A_691 = vector.shape_cast %get3A_690 : vector<1x16xf32> to vector<16xf32>
      %add3A_692 = arith.addf %scan3A_413, %get3A_691 : vector<16xf32>
      %mul3A_693 = arith.constant 8 : i32
      %mul3A_694 = arith.muli %scan3A_382, %mul3A_693 : i32
      %add3A_695 = arith.constant 7 : i32
      %add3A_696 = arith.addi %mul3A_694, %add3A_695 : i32
      %get3A_697 = arith.index_cast %add3A_696 : i32 to index
      %get3A_698 = arith.constant 48 : index
      %get3A_699 = tpu.vector_load %arg6[%get3A_697, %get3A_698] {strides = array<i32>} : memref<200x64xf32, #tpu.memory_space<vmem>>, vector<1x16xf32>,
      %get3A_700 = vector.shape_cast %get3A_699 : vector<1x16xf32> to vector<16xf32>
      %add3A_701 = arith.addf %scan3A_414, %get3A_700 : vector<16xf32>
      scf.yield %add3A_422, %add3A_431, %add3A_440, %add3A_449, %add3A_458, %add3A_467, %add3A_476, %add3A_485, %add3A_494, %add3A_503, %add3A_512, %add3A_521, %add3A_530, %add3A_539, %add3A_548, %add3A_557, %add3A_566, %add3A_575, %add3A_584, %add3A_593, %add3A_602, %add3A_611, %add3A_620, %add3A_629, %add3A_638, %add3A_647, %add3A_656, %add3A_665, %add3A_674, %add3A_683, %add3A_692, %add3A_701 : vector<16xf32>, vector<16xf32>, vector<16xf32>, vector<16xf32>, vector<16xf32>, vector<16xf32>, vector<16xf32>, vector<16xf32>, vector<16xf32>, vector<16xf32>, vector<16xf32>, vector<16xf32>, vector<16xf32>, vector<16xf32>, vector<16xf32>, vector<16xf32>, vector<16xf32>, vector<16xf32>, vector<16xf32>, vector<16xf32>, vector<16xf32>, vector<16xf32>, vector<16xf32>, vector<16xf32>, vector<16xf32>, vector<16xf32>, vector<16xf32>, vector<16xf32>, vector<16xf32>, vector<16xf32>, vector<16xf32>, vector<16xf32>
    }
    %scan3A_200 = arith.constant 25 : i32
    %add3A_201 = arith.addf %scan3A_199#0, %scan3A_199#16 : vector<16xf32>
    %add3A_202 = arith.addf %scan3A_199#4, %scan3A_199#20 : vector<16xf32>
    %add3A_203 = arith.addf %scan3A_199#8, %scan3A_199#24 : vector<16xf32>
    %add3A_204 = arith.addf %scan3A_199#12, %scan3A_199#28 : vector<16xf32>
    %add3A_205 = arith.addf %add3A_201, %add3A_203 : vector<16xf32>
    %add3A_206 = arith.addf %add3A_202, %add3A_204 : vector<16xf32>
    %add3A_207 = arith.addf %add3A_205, %add3A_206 : vector<16xf32>
    %swap3A = arith.constant 126 : i32
    %swap3A_208 = arith.index_cast %swap3A : i32 to index
    %swap3A_209 = arith.constant 0 : index
    %swap3A_210 = tpu.vector_load %arg12[%swap3A_208, %swap3A_209] {strides = array<i32>} : memref<128x64xf32, #tpu.memory_space<vmem>>, vector<1x16xf32>,
    %swap3A_211 = vector.shape_cast %swap3A_210 : vector<1x16xf32> to vector<16xf32>
    %swap3A_212 = vector.shape_cast %add3A_207 : vector<16xf32> to vector<1x16xf32>
    tpu.vector_store %arg12[%swap3A_208, %swap3A_209], %swap3A_212 {strides = array<i32>} : memref<128x64xf32, #tpu.memory_space<vmem>>, vector<1x16xf32>,
    %add3A_213 = arith.addf %scan3A_199#1, %scan3A_199#17 : vector<16xf32>
    %add3A_214 = arith.addf %scan3A_199#5, %scan3A_199#21 : vector<16xf32>
    %add3A_215 = arith.addf %scan3A_199#9, %scan3A_199#25 : vector<16xf32>
    %add3A_216 = arith.addf %scan3A_199#13, %scan3A_199#29 : vector<16xf32>
    %add3A_217 = arith.addf %add3A_213, %add3A_215 : vector<16xf32>
    %add3A_218 = arith.addf %add3A_214, %add3A_216 : vector<16xf32>
    %add3A_219 = arith.addf %add3A_217, %add3A_218 : vector<16xf32>
    %swap3A_220 = arith.constant 126 : i32
    %swap3A_221 = arith.index_cast %swap3A_220 : i32 to index
    %swap3A_222 = arith.constant 16 : index
    %swap3A_223 = tpu.vector_load %arg12[%swap3A_221, %swap3A_222] {strides = array<i32>} : memref<128x64xf32, #tpu.memory_space<vmem>>, vector<1x16xf32>,
    %swap3A_224 = vector.shape_cast %swap3A_223 : vector<1x16xf32> to vector<16xf32>
    %swap3A_225 = vector.shape_cast %add3A_219 : vector<16xf32> to vector<1x16xf32>
    tpu.vector_store %arg12[%swap3A_221, %swap3A_222], %swap3A_225 {strides = array<i32>} : memref<128x64xf32, #tpu.memory_space<vmem>>, vector<1x16xf32>,
    %add3A_226 = arith.addf %scan3A_199#2, %scan3A_199#18 : vector<16xf32>
    %add3A_227 = arith.addf %scan3A_199#6, %scan3A_199#22 : vector<16xf32>
    %add3A_228 = arith.addf %scan3A_199#10, %scan3A_199#26 : vector<16xf32>
    %add3A_229 = arith.addf %scan3A_199#14, %scan3A_199#30 : vector<16xf32>
    %add3A_230 = arith.addf %add3A_226, %add3A_228 : vector<16xf32>
    %add3A_231 = arith.addf %add3A_227, %add3A_229 : vector<16xf32>
    %add3A_232 = arith.addf %add3A_230, %add3A_231 : vector<16xf32>
    %swap3A_233 = arith.constant 126 : i32
    %swap3A_234 = arith.index_cast %swap3A_233 : i32 to index
    %swap3A_235 = arith.constant 32 : index
    %swap3A_236 = tpu.vector_load %arg12[%swap3A_234, %swap3A_235] {strides = array<i32>} : memref<128x64xf32, #tpu.memory_space<vmem>>, vector<1x16xf32>,
    %swap3A_237 = vector.shape_cast %swap3A_236 : vector<1x16xf32> to vector<16xf32>
    %swap3A_238 = vector.shape_cast %add3A_232 : vector<16xf32> to vector<1x16xf32>
    tpu.vector_store %arg12[%swap3A_234, %swap3A_235], %swap3A_238 {strides = array<i32>} : memref<128x64xf32, #tpu.memory_space<vmem>>, vector<1x16xf32>,
    %add3A_239 = arith.addf %scan3A_199#3, %scan3A_199#19 : vector<16xf32>
    %add3A_240 = arith.addf %scan3A_199#7, %scan3A_199#23 : vector<16xf32>
    %add3A_241 = arith.addf %scan3A_199#11, %scan3A_199#27 : vector<16xf32>
    %add3A_242 = arith.addf %scan3A_199#15, %scan3A_199#31 : vector<16xf32>
    %add3A_243 = arith.addf %add3A_239, %add3A_241 : vector<16xf32>
    %add3A_244 = arith.addf %add3A_240, %add3A_242 : vector<16xf32>
    %add3A_245 = arith.addf %add3A_243, %add3A_244 : vector<16xf32>
    %swap3A_246 = arith.constant 126 : i32
    %swap3A_247 = arith.index_cast %swap3A_246 : i32 to index
    %swap3A_248 = arith.constant 48 : index
    %swap3A_249 = tpu.vector_load %arg12[%swap3A_247, %swap3A_248] {strides = array<i32>} : memref<128x64xf32, #tpu.memory_space<vmem>>, vector<1x16xf32>,
    %swap3A_250 = vector.shape_cast %swap3A_249 : vector<1x16xf32> to vector<16xf32>
    %swap3A_251 = vector.shape_cast %add3A_245 : vector<16xf32> to vector<1x16xf32>
    tpu.vector_store %arg12[%swap3A_247, %swap3A_248], %swap3A_251 {strides = array<i32>} : memref<128x64xf32, #tpu.memory_space<vmem>>, vector<1x16xf32>,
    %dma_wait3A_252 = arith.constant 0 : i32
    %dma_wait3A_253 = arith.constant 0 : i32
    %dma_wait3A_254 = tpu.memref_slice %arg3[%dma_wait3A_252, %dma_wait3A_253] : memref<1015808x64xf32, #tpu.memory_space<hbm>> -> memref<200x64xf32, #tpu.memory_space<hbm>>
    %dma_wait3A_255 = arith.constant 0 : i32
    %dma_wait3A_256 = arith.constant 0 : i32
    %dma_wait3A_257 = tpu.memref_slice %arg3[%dma_wait3A_255, %dma_wait3A_256] : memref<1015808x64xf32, #tpu.memory_space<hbm>> -> memref<200x64xf32, #tpu.memory_space<hbm>>
    tpu.wait_dma2 semaphore(%arg14 : memref<!tpu.dma_semaphore, #tpu.memory_space<semaphore_mem>>) src(%dma_wait3A_257 : memref<200x64xf32, #tpu.memory_space<hbm>>) dst(%arg7 : memref<200x64xf32, #tpu.memory_space<vmem>>)
    %broadcast_in_dim3A_258 = arith.constant 0.000000e+00 : f32
    %broadcast_in_dim3A_259 = vector.broadcast %broadcast_in_dim3A_258 : f32 to vector<16xf32>
    %broadcast_in_dim3A_260 = arith.constant 0.000000e+00 : f32
    %broadcast_in_dim3A_261 = vector.broadcast %broadcast_in_dim3A_260 : f32 to vector<16xf32>
    %broadcast_in_dim3A_262 = arith.constant 0.000000e+00 : f32
    %broadcast_in_dim3A_263 = vector.broadcast %broadcast_in_dim3A_262 : f32 to vector<16xf32>
    %broadcast_in_dim3A_264 = arith.constant 0.000000e+00 : f32
    %broadcast_in_dim3A_265 = vector.broadcast %broadcast_in_dim3A_264 : f32 to vector<16xf32>
    %broadcast_in_dim3A_266 = arith.constant 0.000000e+00 : f32
    %broadcast_in_dim3A_267 = vector.broadcast %broadcast_in_dim3A_266 : f32 to vector<16xf32>
    %broadcast_in_dim3A_268 = arith.constant 0.000000e+00 : f32
    %broadcast_in_dim3A_269 = vector.broadcast %broadcast_in_dim3A_268 : f32 to vector<16xf32>
    %broadcast_in_dim3A_270 = arith.constant 0.000000e+00 : f32
    %broadcast_in_dim3A_271 = vector.broadcast %broadcast_in_dim3A_270 : f32 to vector<16xf32>
    %broadcast_in_dim3A_272 = arith.constant 0.000000e+00 : f32
    %broadcast_in_dim3A_273 = vector.broadcast %broadcast_in_dim3A_272 : f32 to vector<16xf32>
    %broadcast_in_dim3A_274 = arith.constant 0.000000e+00 : f32
    %broadcast_in_dim3A_275 = vector.broadcast %broadcast_in_dim3A_274 : f32 to vector<16xf32>
    %broadcast_in_dim3A_276 = arith.constant 0.000000e+00 : f32
    %broadcast_in_dim3A_277 = vector.broadcast %broadcast_in_dim3A_276 : f32 to vector<16xf32>
    %broadcast_in_dim3A_278 = arith.constant 0.000000e+00 : f32
    %broadcast_in_dim3A_279 = vector.broadcast %broadcast_in_dim3A_278 : f32 to vector<16xf32>
    %broadcast_in_dim3A_280 = arith.constant 0.000000e+00 : f32
    %broadcast_in_dim3A_281 = vector.broadcast %broadcast_in_dim3A_280 : f32 to vector<16xf32>
    %broadcast_in_dim3A_282 = arith.constant 0.000000e+00 : f32
    %broadcast_in_dim3A_283 = vector.broadcast %broadcast_in_dim3A_282 : f32 to vector<16xf32>
    %broadcast_in_dim3A_284 = arith.constant 0.000000e+00 : f32
    %broadcast_in_dim3A_285 = vector.broadcast %broadcast_in_dim3A_284 : f32 to vector<16xf32>
    %broadcast_in_dim3A_286 = arith.constant 0.000000e+00 : f32
    %broadcast_in_dim3A_287 = vector.broadcast %broadcast_in_dim3A_286 : f32 to vector<16xf32>
    %broadcast_in_dim3A_288 = arith.constant 0.000000e+00 : f32
    %broadcast_in_dim3A_289 = vector.broadcast %broadcast_in_dim3A_288 : f32 to vector<16xf32>
    %broadcast_in_dim3A_290 = arith.constant 0.000000e+00 : f32
    %broadcast_in_dim3A_291 = vector.broadcast %broadcast_in_dim3A_290 : f32 to vector<16xf32>
    %broadcast_in_dim3A_292 = arith.constant 0.000000e+00 : f32
    %broadcast_in_dim3A_293 = vector.broadcast %broadcast_in_dim3A_292 : f32 to vector<16xf32>
    %broadcast_in_dim3A_294 = arith.constant 0.000000e+00 : f32
    %broadcast_in_dim3A_295 = vector.broadcast %broadcast_in_dim3A_294 : f32 to vector<16xf32>
    %broadcast_in_dim3A_296 = arith.constant 0.000000e+00 : f32
    %broadcast_in_dim3A_297 = vector.broadcast %broadcast_in_dim3A_296 : f32 to vector<16xf32>
    %broadcast_in_dim3A_298 = arith.constant 0.000000e+00 : f32
    %broadcast_in_dim3A_299 = vector.broadcast %broadcast_in_dim3A_298 : f32 to vector<16xf32>
    %broadcast_in_dim3A_300 = arith.constant 0.000000e+00 : f32
    %broadcast_in_dim3A_301 = vector.broadcast %broadcast_in_dim3A_300 : f32 to vector<16xf32>
    %broadcast_in_dim3A_302 = arith.constant 0.000000e+00 : f32
    %broadcast_in_dim3A_303 = vector.broadcast %broadcast_in_dim3A_302 : f32 to vector<16xf32>
    %broadcast_in_dim3A_304 = arith.constant 0.000000e+00 : f32
    %broadcast_in_dim3A_305 = vector.broadcast %broadcast_in_dim3A_304 : f32 to vector<16xf32>
    %broadcast_in_dim3A_306 = arith.constant 0.000000e+00 : f32
    %broadcast_in_dim3A_307 = vector.broadcast %broadcast_in_dim3A_306 : f32 to vector<16xf32>
    %broadcast_in_dim3A_308 = arith.constant 0.000000e+00 : f32
    %broadcast_in_dim3A_309 = vector.broadcast %broadcast_in_dim3A_308 : f32 to vector<16xf32>
    %broadcast_in_dim3A_310 = arith.constant 0.000000e+00 : f32
    %broadcast_in_dim3A_311 = vector.broadcast %broadcast_in_dim3A_310 : f32 to vector<16xf32>
    %broadcast_in_dim3A_312 = arith.constant 0.000000e+00 : f32
    %broadcast_in_dim3A_313 = vector.broadcast %broadcast_in_dim3A_312 : f32 to vector<16xf32>
    %broadcast_in_dim3A_314 = arith.constant 0.000000e+00 : f32
    %broadcast_in_dim3A_315 = vector.broadcast %broadcast_in_dim3A_314 : f32 to vector<16xf32>
    %broadcast_in_dim3A_316 = arith.constant 0.000000e+00 : f32
    %broadcast_in_dim3A_317 = vector.broadcast %broadcast_in_dim3A_316 : f32 to vector<16xf32>
    %broadcast_in_dim3A_318 = arith.constant 0.000000e+00 : f32
    %broadcast_in_dim3A_319 = vector.broadcast %broadcast_in_dim3A_318 : f32 to vector<16xf32>
    %broadcast_in_dim3A_320 = arith.constant 0.000000e+00 : f32
    %broadcast_in_dim3A_321 = vector.broadcast %broadcast_in_dim3A_320 : f32 to vector<16xf32>
    %scan3A_322 = arith.constant 0 : i32
    %scan3A_323 = arith.constant 25 : i32
    %scan3A_324 = arith.addi %scan3A_322, %scan3A_323 : i32
    %scan3A_325 = arith.constant 1 : i32
    %scan3A_326:32 = scf.for %scan3A_382 = %scan3A_322 to %scan3A_324 step %scan3A_325 iter_args(%scan3A_383 = %broadcast_in_dim3A_259, %scan3A_384 = %broadcast_in_dim3A_261, %scan3A_385 = %broadcast_in_dim3A_263, %scan3A_386 = %broadcast_in_dim3A_265, %scan3A_387 = %broadcast_in_dim3A_267, %scan3A_388 = %broadcast_in_dim3A_269, %scan3A_389 = %broadcast_in_dim3A_271, %scan3A_390 = %broadcast_in_dim3A_273, %scan3A_391 = %broadcast_in_dim3A_275, %scan3A_392 = %broadcast_in_dim3A_277, %scan3A_393 = %broadcast_in_dim3A_279, %scan3A_394 = %broadcast_in_dim3A_281, %scan3A_395 = %broadcast_in_dim3A_283, %scan3A_396 = %broadcast_in_dim3A_285, %scan3A_397 = %broadcast_in_dim3A_287, %scan3A_398 = %broadcast_in_dim3A_289, %scan3A_399 = %broadcast_in_dim3A_291, %scan3A_400 = %broadcast_in_dim3A_293, %scan3A_401 = %broadcast_in_dim3A_295, %scan3A_402 = %broadcast_in_dim3A_297, %scan3A_403 = %broadcast_in_dim3A_299, %scan3A_404 = %broadcast_in_dim3A_301, %scan3A_405 = %broadcast_in_dim3A_303, %scan3A_406 = %broadcast_in_dim3A_305, %scan3A_407 = %broadcast_in_dim3A_307, %scan3A_408 = %broadcast_in_dim3A_309, %scan3A_409 = %broadcast_in_dim3A_311, %scan3A_410 = %broadcast_in_dim3A_313, %scan3A_411 = %broadcast_in_dim3A_315, %scan3A_412 = %broadcast_in_dim3A_317, %scan3A_413 = %broadcast_in_dim3A_319, %scan3A_414 = %broadcast_in_dim3A_321) -> (vector<16xf32>, vector<16xf32>, vector<16xf32>, vector<16xf32>, vector<16xf32>, vector<16xf32>, vector<16xf32>, vector<16xf32>, vector<16xf32>, vector<16xf32>, vector<16xf32>, vector<16xf32>, vector<16xf32>, vector<16xf32>, vector<16xf32>, vector<16xf32>, vector<16xf32>, vector<16xf32>, vector<16xf32>, vector<16xf32>, vector<16xf32>, vector<16xf32>, vector<16xf32>, vector<16xf32>, vector<16xf32>, vector<16xf32>, vector<16xf32>, vector<16xf32>, vector<16xf32>, vector<16xf32>, vector<16xf32>, vector<16xf32>)  : i32 {
      %mul3A_415 = arith.constant 8 : i32
      %mul3A_416 = arith.muli %scan3A_382, %mul3A_415 : i32
      %add3A_417 = arith.constant 0 : i32
      %add3A_418 = arith.addi %mul3A_416, %add3A_417 : i32
      %get3A = arith.index_cast %add3A_418 : i32 to index
      %get3A_419 = arith.constant 0 : index
      %get3A_420 = tpu.vector_load %arg7[%get3A, %get3A_419] {strides = array<i32>} : memref<200x64xf32, #tpu.memory_space<vmem>>, vector<1x16xf32>,
      %get3A_421 = vector.shape_cast %get3A_420 : vector<1x16xf32> to vector<16xf32>
      %add3A_422 = arith.addf %scan3A_383, %get3A_421 : vector<16xf32>
      %mul3A_423 = arith.constant 8 : i32
      %mul3A_424 = arith.muli %scan3A_382, %mul3A_423 : i32
      %add3A_425 = arith.constant 0 : i32
      %add3A_426 = arith.addi %mul3A_424, %add3A_425 : i32
      %get3A_427 = arith.index_cast %add3A_426 : i32 to index
      %get3A_428 = arith.constant 16 : index
      %get3A_429 = tpu.vector_load %arg7[%get3A_427, %get3A_428] {strides = array<i32>} : memref<200x64xf32, #tpu.memory_space<vmem>>, vector<1x16xf32>,
      %get3A_430 = vector.shape_cast %get3A_429 : vector<1x16xf32> to vector<16xf32>
      %add3A_431 = arith.addf %scan3A_384, %get3A_430 : vector<16xf32>
      %mul3A_432 = arith.constant 8 : i32
      %mul3A_433 = arith.muli %scan3A_382, %mul3A_432 : i32
      %add3A_434 = arith.constant 0 : i32
      %add3A_435 = arith.addi %mul3A_433, %add3A_434 : i32
      %get3A_436 = arith.index_cast %add3A_435 : i32 to index
      %get3A_437 = arith.constant 32 : index
      %get3A_438 = tpu.vector_load %arg7[%get3A_436, %get3A_437] {strides = array<i32>} : memref<200x64xf32, #tpu.memory_space<vmem>>, vector<1x16xf32>,
      %get3A_439 = vector.shape_cast %get3A_438 : vector<1x16xf32> to vector<16xf32>
      %add3A_440 = arith.addf %scan3A_385, %get3A_439 : vector<16xf32>
      %mul3A_441 = arith.constant 8 : i32
      %mul3A_442 = arith.muli %scan3A_382, %mul3A_441 : i32
      %add3A_443 = arith.constant 0 : i32
      %add3A_444 = arith.addi %mul3A_442, %add3A_443 : i32
      %get3A_445 = arith.index_cast %add3A_444 : i32 to index
      %get3A_446 = arith.constant 48 : index
      %get3A_447 = tpu.vector_load %arg7[%get3A_445, %get3A_446] {strides = array<i32>} : memref<200x64xf32, #tpu.memory_space<vmem>>, vector<1x16xf32>,
      %get3A_448 = vector.shape_cast %get3A_447 : vector<1x16xf32> to vector<16xf32>
      %add3A_449 = arith.addf %scan3A_386, %get3A_448 : vector<16xf32>
      %mul3A_450 = arith.constant 8 : i32
      %mul3A_451 = arith.muli %scan3A_382, %mul3A_450 : i32
      %add3A_452 = arith.constant 1 : i32
      %add3A_453 = arith.addi %mul3A_451, %add3A_452 : i32
      %get3A_454 = arith.index_cast %add3A_453 : i32 to index
      %get3A_455 = arith.constant 0 : index
      %get3A_456 = tpu.vector_load %arg7[%get3A_454, %get3A_455] {strides = array<i32>} : memref<200x64xf32, #tpu.memory_space<vmem>>, vector<1x16xf32>,
      %get3A_457 = vector.shape_cast %get3A_456 : vector<1x16xf32> to vector<16xf32>
      %add3A_458 = arith.addf %scan3A_387, %get3A_457 : vector<16xf32>
      %mul3A_459 = arith.constant 8 : i32
      %mul3A_460 = arith.muli %scan3A_382, %mul3A_459 : i32
      %add3A_461 = arith.constant 1 : i32
      %add3A_462 = arith.addi %mul3A_460, %add3A_461 : i32
      %get3A_463 = arith.index_cast %add3A_462 : i32 to index
      %get3A_464 = arith.constant 16 : index
      %get3A_465 = tpu.vector_load %arg7[%get3A_463, %get3A_464] {strides = array<i32>} : memref<200x64xf32, #tpu.memory_space<vmem>>, vector<1x16xf32>,
      %get3A_466 = vector.shape_cast %get3A_465 : vector<1x16xf32> to vector<16xf32>
      %add3A_467 = arith.addf %scan3A_388, %get3A_466 : vector<16xf32>
      %mul3A_468 = arith.constant 8 : i32
      %mul3A_469 = arith.muli %scan3A_382, %mul3A_468 : i32
      %add3A_470 = arith.constant 1 : i32
      %add3A_471 = arith.addi %mul3A_469, %add3A_470 : i32
      %get3A_472 = arith.index_cast %add3A_471 : i32 to index
      %get3A_473 = arith.constant 32 : index
      %get3A_474 = tpu.vector_load %arg7[%get3A_472, %get3A_473] {strides = array<i32>} : memref<200x64xf32, #tpu.memory_space<vmem>>, vector<1x16xf32>,
      %get3A_475 = vector.shape_cast %get3A_474 : vector<1x16xf32> to vector<16xf32>
      %add3A_476 = arith.addf %scan3A_389, %get3A_475 : vector<16xf32>
      %mul3A_477 = arith.constant 8 : i32
      %mul3A_478 = arith.muli %scan3A_382, %mul3A_477 : i32
      %add3A_479 = arith.constant 1 : i32
      %add3A_480 = arith.addi %mul3A_478, %add3A_479 : i32
      %get3A_481 = arith.index_cast %add3A_480 : i32 to index
      %get3A_482 = arith.constant 48 : index
      %get3A_483 = tpu.vector_load %arg7[%get3A_481, %get3A_482] {strides = array<i32>} : memref<200x64xf32, #tpu.memory_space<vmem>>, vector<1x16xf32>,
      %get3A_484 = vector.shape_cast %get3A_483 : vector<1x16xf32> to vector<16xf32>
      %add3A_485 = arith.addf %scan3A_390, %get3A_484 : vector<16xf32>
      %mul3A_486 = arith.constant 8 : i32
      %mul3A_487 = arith.muli %scan3A_382, %mul3A_486 : i32
      %add3A_488 = arith.constant 2 : i32
      %add3A_489 = arith.addi %mul3A_487, %add3A_488 : i32
      %get3A_490 = arith.index_cast %add3A_489 : i32 to index
      %get3A_491 = arith.constant 0 : index
      %get3A_492 = tpu.vector_load %arg7[%get3A_490, %get3A_491] {strides = array<i32>} : memref<200x64xf32, #tpu.memory_space<vmem>>, vector<1x16xf32>,
      %get3A_493 = vector.shape_cast %get3A_492 : vector<1x16xf32> to vector<16xf32>
      %add3A_494 = arith.addf %scan3A_391, %get3A_493 : vector<16xf32>
      %mul3A_495 = arith.constant 8 : i32
      %mul3A_496 = arith.muli %scan3A_382, %mul3A_495 : i32
      %add3A_497 = arith.constant 2 : i32
      %add3A_498 = arith.addi %mul3A_496, %add3A_497 : i32
      %get3A_499 = arith.index_cast %add3A_498 : i32 to index
      %get3A_500 = arith.constant 16 : index
      %get3A_501 = tpu.vector_load %arg7[%get3A_499, %get3A_500] {strides = array<i32>} : memref<200x64xf32, #tpu.memory_space<vmem>>, vector<1x16xf32>,
      %get3A_502 = vector.shape_cast %get3A_501 : vector<1x16xf32> to vector<16xf32>
      %add3A_503 = arith.addf %scan3A_392, %get3A_502 : vector<16xf32>
      %mul3A_504 = arith.constant 8 : i32
      %mul3A_505 = arith.muli %scan3A_382, %mul3A_504 : i32
      %add3A_506 = arith.constant 2 : i32
      %add3A_507 = arith.addi %mul3A_505, %add3A_506 : i32
      %get3A_508 = arith.index_cast %add3A_507 : i32 to index
      %get3A_509 = arith.constant 32 : index
      %get3A_510 = tpu.vector_load %arg7[%get3A_508, %get3A_509] {strides = array<i32>} : memref<200x64xf32, #tpu.memory_space<vmem>>, vector<1x16xf32>,
      %get3A_511 = vector.shape_cast %get3A_510 : vector<1x16xf32> to vector<16xf32>
      %add3A_512 = arith.addf %scan3A_393, %get3A_511 : vector<16xf32>
      %mul3A_513 = arith.constant 8 : i32
      %mul3A_514 = arith.muli %scan3A_382, %mul3A_513 : i32
      %add3A_515 = arith.constant 2 : i32
      %add3A_516 = arith.addi %mul3A_514, %add3A_515 : i32
      %get3A_517 = arith.index_cast %add3A_516 : i32 to index
      %get3A_518 = arith.constant 48 : index
      %get3A_519 = tpu.vector_load %arg7[%get3A_517, %get3A_518] {strides = array<i32>} : memref<200x64xf32, #tpu.memory_space<vmem>>, vector<1x16xf32>,
      %get3A_520 = vector.shape_cast %get3A_519 : vector<1x16xf32> to vector<16xf32>
      %add3A_521 = arith.addf %scan3A_394, %get3A_520 : vector<16xf32>
      %mul3A_522 = arith.constant 8 : i32
      %mul3A_523 = arith.muli %scan3A_382, %mul3A_522 : i32
      %add3A_524 = arith.constant 3 : i32
      %add3A_525 = arith.addi %mul3A_523, %add3A_524 : i32
      %get3A_526 = arith.index_cast %add3A_525 : i32 to index
      %get3A_527 = arith.constant 0 : index
      %get3A_528 = tpu.vector_load %arg7[%get3A_526, %get3A_527] {strides = array<i32>} : memref<200x64xf32, #tpu.memory_space<vmem>>, vector<1x16xf32>,
      %get3A_529 = vector.shape_cast %get3A_528 : vector<1x16xf32> to vector<16xf32>
      %add3A_530 = arith.addf %scan3A_395, %get3A_529 : vector<16xf32>
      %mul3A_531 = arith.constant 8 : i32
      %mul3A_532 = arith.muli %scan3A_382, %mul3A_531 : i32
      %add3A_533 = arith.constant 3 : i32
      %add3A_534 = arith.addi %mul3A_532, %add3A_533 : i32
      %get3A_535 = arith.index_cast %add3A_534 : i32 to index
      %get3A_536 = arith.constant 16 : index
      %get3A_537 = tpu.vector_load %arg7[%get3A_535, %get3A_536] {strides = array<i32>} : memref<200x64xf32, #tpu.memory_space<vmem>>, vector<1x16xf32>,
      %get3A_538 = vector.shape_cast %get3A_537 : vector<1x16xf32> to vector<16xf32>
      %add3A_539 = arith.addf %scan3A_396, %get3A_538 : vector<16xf32>
      %mul3A_540 = arith.constant 8 : i32
      %mul3A_541 = arith.muli %scan3A_382, %mul3A_540 : i32
      %add3A_542 = arith.constant 3 : i32
      %add3A_543 = arith.addi %mul3A_541, %add3A_542 : i32
      %get3A_544 = arith.index_cast %add3A_543 : i32 to index
      %get3A_545 = arith.constant 32 : index
      %get3A_546 = tpu.vector_load %arg7[%get3A_544, %get3A_545] {strides = array<i32>} : memref<200x64xf32, #tpu.memory_space<vmem>>, vector<1x16xf32>,
      %get3A_547 = vector.shape_cast %get3A_546 : vector<1x16xf32> to vector<16xf32>
      %add3A_548 = arith.addf %scan3A_397, %get3A_547 : vector<16xf32>
      %mul3A_549 = arith.constant 8 : i32
      %mul3A_550 = arith.muli %scan3A_382, %mul3A_549 : i32
      %add3A_551 = arith.constant 3 : i32
      %add3A_552 = arith.addi %mul3A_550, %add3A_551 : i32
      %get3A_553 = arith.index_cast %add3A_552 : i32 to index
      %get3A_554 = arith.constant 48 : index
      %get3A_555 = tpu.vector_load %arg7[%get3A_553, %get3A_554] {strides = array<i32>} : memref<200x64xf32, #tpu.memory_space<vmem>>, vector<1x16xf32>,
      %get3A_556 = vector.shape_cast %get3A_555 : vector<1x16xf32> to vector<16xf32>
      %add3A_557 = arith.addf %scan3A_398, %get3A_556 : vector<16xf32>
      %mul3A_558 = arith.constant 8 : i32
      %mul3A_559 = arith.muli %scan3A_382, %mul3A_558 : i32
      %add3A_560 = arith.constant 4 : i32
      %add3A_561 = arith.addi %mul3A_559, %add3A_560 : i32
      %get3A_562 = arith.index_cast %add3A_561 : i32 to index
      %get3A_563 = arith.constant 0 : index
      %get3A_564 = tpu.vector_load %arg7[%get3A_562, %get3A_563] {strides = array<i32>} : memref<200x64xf32, #tpu.memory_space<vmem>>, vector<1x16xf32>,
      %get3A_565 = vector.shape_cast %get3A_564 : vector<1x16xf32> to vector<16xf32>
      %add3A_566 = arith.addf %scan3A_399, %get3A_565 : vector<16xf32>
      %mul3A_567 = arith.constant 8 : i32
      %mul3A_568 = arith.muli %scan3A_382, %mul3A_567 : i32
      %add3A_569 = arith.constant 4 : i32
      %add3A_570 = arith.addi %mul3A_568, %add3A_569 : i32
      %get3A_571 = arith.index_cast %add3A_570 : i32 to index
      %get3A_572 = arith.constant 16 : index
      %get3A_573 = tpu.vector_load %arg7[%get3A_571, %get3A_572] {strides = array<i32>} : memref<200x64xf32, #tpu.memory_space<vmem>>, vector<1x16xf32>,
      %get3A_574 = vector.shape_cast %get3A_573 : vector<1x16xf32> to vector<16xf32>
      %add3A_575 = arith.addf %scan3A_400, %get3A_574 : vector<16xf32>
      %mul3A_576 = arith.constant 8 : i32
      %mul3A_577 = arith.muli %scan3A_382, %mul3A_576 : i32
      %add3A_578 = arith.constant 4 : i32
      %add3A_579 = arith.addi %mul3A_577, %add3A_578 : i32
      %get3A_580 = arith.index_cast %add3A_579 : i32 to index
      %get3A_581 = arith.constant 32 : index
      %get3A_582 = tpu.vector_load %arg7[%get3A_580, %get3A_581] {strides = array<i32>} : memref<200x64xf32, #tpu.memory_space<vmem>>, vector<1x16xf32>,
      %get3A_583 = vector.shape_cast %get3A_582 : vector<1x16xf32> to vector<16xf32>
      %add3A_584 = arith.addf %scan3A_401, %get3A_583 : vector<16xf32>
      %mul3A_585 = arith.constant 8 : i32
      %mul3A_586 = arith.muli %scan3A_382, %mul3A_585 : i32
      %add3A_587 = arith.constant 4 : i32
      %add3A_588 = arith.addi %mul3A_586, %add3A_587 : i32
      %get3A_589 = arith.index_cast %add3A_588 : i32 to index
      %get3A_590 = arith.constant 48 : index
      %get3A_591 = tpu.vector_load %arg7[%get3A_589, %get3A_590] {strides = array<i32>} : memref<200x64xf32, #tpu.memory_space<vmem>>, vector<1x16xf32>,
      %get3A_592 = vector.shape_cast %get3A_591 : vector<1x16xf32> to vector<16xf32>
      %add3A_593 = arith.addf %scan3A_402, %get3A_592 : vector<16xf32>
      %mul3A_594 = arith.constant 8 : i32
      %mul3A_595 = arith.muli %scan3A_382, %mul3A_594 : i32
      %add3A_596 = arith.constant 5 : i32
      %add3A_597 = arith.addi %mul3A_595, %add3A_596 : i32
      %get3A_598 = arith.index_cast %add3A_597 : i32 to index
      %get3A_599 = arith.constant 0 : index
      %get3A_600 = tpu.vector_load %arg7[%get3A_598, %get3A_599] {strides = array<i32>} : memref<200x64xf32, #tpu.memory_space<vmem>>, vector<1x16xf32>,
      %get3A_601 = vector.shape_cast %get3A_600 : vector<1x16xf32> to vector<16xf32>
      %add3A_602 = arith.addf %scan3A_403, %get3A_601 : vector<16xf32>
      %mul3A_603 = arith.constant 8 : i32
      %mul3A_604 = arith.muli %scan3A_382, %mul3A_603 : i32
      %add3A_605 = arith.constant 5 : i32
      %add3A_606 = arith.addi %mul3A_604, %add3A_605 : i32
      %get3A_607 = arith.index_cast %add3A_606 : i32 to index
      %get3A_608 = arith.constant 16 : index
      %get3A_609 = tpu.vector_load %arg7[%get3A_607, %get3A_608] {strides = array<i32>} : memref<200x64xf32, #tpu.memory_space<vmem>>, vector<1x16xf32>,
      %get3A_610 = vector.shape_cast %get3A_609 : vector<1x16xf32> to vector<16xf32>
      %add3A_611 = arith.addf %scan3A_404, %get3A_610 : vector<16xf32>
      %mul3A_612 = arith.constant 8 : i32
      %mul3A_613 = arith.muli %scan3A_382, %mul3A_612 : i32
      %add3A_614 = arith.constant 5 : i32
      %add3A_615 = arith.addi %mul3A_613, %add3A_614 : i32
      %get3A_616 = arith.index_cast %add3A_615 : i32 to index
      %get3A_617 = arith.constant 32 : index
      %get3A_618 = tpu.vector_load %arg7[%get3A_616, %get3A_617] {strides = array<i32>} : memref<200x64xf32, #tpu.memory_space<vmem>>, vector<1x16xf32>,
      %get3A_619 = vector.shape_cast %get3A_618 : vector<1x16xf32> to vector<16xf32>
      %add3A_620 = arith.addf %scan3A_405, %get3A_619 : vector<16xf32>
      %mul3A_621 = arith.constant 8 : i32
      %mul3A_622 = arith.muli %scan3A_382, %mul3A_621 : i32
      %add3A_623 = arith.constant 5 : i32
      %add3A_624 = arith.addi %mul3A_622, %add3A_623 : i32
      %get3A_625 = arith.index_cast %add3A_624 : i32 to index
      %get3A_626 = arith.constant 48 : index
      %get3A_627 = tpu.vector_load %arg7[%get3A_625, %get3A_626] {strides = array<i32>} : memref<200x64xf32, #tpu.memory_space<vmem>>, vector<1x16xf32>,
      %get3A_628 = vector.shape_cast %get3A_627 : vector<1x16xf32> to vector<16xf32>
      %add3A_629 = arith.addf %scan3A_406, %get3A_628 : vector<16xf32>
      %mul3A_630 = arith.constant 8 : i32
      %mul3A_631 = arith.muli %scan3A_382, %mul3A_630 : i32
      %add3A_632 = arith.constant 6 : i32
      %add3A_633 = arith.addi %mul3A_631, %add3A_632 : i32
      %get3A_634 = arith.index_cast %add3A_633 : i32 to index
      %get3A_635 = arith.constant 0 : index
      %get3A_636 = tpu.vector_load %arg7[%get3A_634, %get3A_635] {strides = array<i32>} : memref<200x64xf32, #tpu.memory_space<vmem>>, vector<1x16xf32>,
      %get3A_637 = vector.shape_cast %get3A_636 : vector<1x16xf32> to vector<16xf32>
      %add3A_638 = arith.addf %scan3A_407, %get3A_637 : vector<16xf32>
      %mul3A_639 = arith.constant 8 : i32
      %mul3A_640 = arith.muli %scan3A_382, %mul3A_639 : i32
      %add3A_641 = arith.constant 6 : i32
      %add3A_642 = arith.addi %mul3A_640, %add3A_641 : i32
      %get3A_643 = arith.index_cast %add3A_642 : i32 to index
      %get3A_644 = arith.constant 16 : index
      %get3A_645 = tpu.vector_load %arg7[%get3A_643, %get3A_644] {strides = array<i32>} : memref<200x64xf32, #tpu.memory_space<vmem>>, vector<1x16xf32>,
      %get3A_646 = vector.shape_cast %get3A_645 : vector<1x16xf32> to vector<16xf32>
      %add3A_647 = arith.addf %scan3A_408, %get3A_646 : vector<16xf32>
      %mul3A_648 = arith.constant 8 : i32
      %mul3A_649 = arith.muli %scan3A_382, %mul3A_648 : i32
      %add3A_650 = arith.constant 6 : i32
      %add3A_651 = arith.addi %mul3A_649, %add3A_650 : i32
      %get3A_652 = arith.index_cast %add3A_651 : i32 to index
      %get3A_653 = arith.constant 32 : index
      %get3A_654 = tpu.vector_load %arg7[%get3A_652, %get3A_653] {strides = array<i32>} : memref<200x64xf32, #tpu.memory_space<vmem>>, vector<1x16xf32>,
      %get3A_655 = vector.shape_cast %get3A_654 : vector<1x16xf32> to vector<16xf32>
      %add3A_656 = arith.addf %scan3A_409, %get3A_655 : vector<16xf32>
      %mul3A_657 = arith.constant 8 : i32
      %mul3A_658 = arith.muli %scan3A_382, %mul3A_657 : i32
      %add3A_659 = arith.constant 6 : i32
      %add3A_660 = arith.addi %mul3A_658, %add3A_659 : i32
      %get3A_661 = arith.index_cast %add3A_660 : i32 to index
      %get3A_662 = arith.constant 48 : index
      %get3A_663 = tpu.vector_load %arg7[%get3A_661, %get3A_662] {strides = array<i32>} : memref<200x64xf32, #tpu.memory_space<vmem>>, vector<1x16xf32>,
      %get3A_664 = vector.shape_cast %get3A_663 : vector<1x16xf32> to vector<16xf32>
      %add3A_665 = arith.addf %scan3A_410, %get3A_664 : vector<16xf32>
      %mul3A_666 = arith.constant 8 : i32
      %mul3A_667 = arith.muli %scan3A_382, %mul3A_666 : i32
      %add3A_668 = arith.constant 7 : i32
      %add3A_669 = arith.addi %mul3A_667, %add3A_668 : i32
      %get3A_670 = arith.index_cast %add3A_669 : i32 to index
      %get3A_671 = arith.constant 0 : index
      %get3A_672 = tpu.vector_load %arg7[%get3A_670, %get3A_671] {strides = array<i32>} : memref<200x64xf32, #tpu.memory_space<vmem>>, vector<1x16xf32>,
      %get3A_673 = vector.shape_cast %get3A_672 : vector<1x16xf32> to vector<16xf32>
      %add3A_674 = arith.addf %scan3A_411, %get3A_673 : vector<16xf32>
      %mul3A_675 = arith.constant 8 : i32
      %mul3A_676 = arith.muli %scan3A_382, %mul3A_675 : i32
      %add3A_677 = arith.constant 7 : i32
      %add3A_678 = arith.addi %mul3A_676, %add3A_677 : i32
      %get3A_679 = arith.index_cast %add3A_678 : i32 to index
      %get3A_680 = arith.constant 16 : index
      %get3A_681 = tpu.vector_load %arg7[%get3A_679, %get3A_680] {strides = array<i32>} : memref<200x64xf32, #tpu.memory_space<vmem>>, vector<1x16xf32>,
      %get3A_682 = vector.shape_cast %get3A_681 : vector<1x16xf32> to vector<16xf32>
      %add3A_683 = arith.addf %scan3A_412, %get3A_682 : vector<16xf32>
      %mul3A_684 = arith.constant 8 : i32
      %mul3A_685 = arith.muli %scan3A_382, %mul3A_684 : i32
      %add3A_686 = arith.constant 7 : i32
      %add3A_687 = arith.addi %mul3A_685, %add3A_686 : i32
      %get3A_688 = arith.index_cast %add3A_687 : i32 to index
      %get3A_689 = arith.constant 32 : index
      %get3A_690 = tpu.vector_load %arg7[%get3A_688, %get3A_689] {strides = array<i32>} : memref<200x64xf32, #tpu.memory_space<vmem>>, vector<1x16xf32>,
      %get3A_691 = vector.shape_cast %get3A_690 : vector<1x16xf32> to vector<16xf32>
      %add3A_692 = arith.addf %scan3A_413, %get3A_691 : vector<16xf32>
      %mul3A_693 = arith.constant 8 : i32
      %mul3A_694 = arith.muli %scan3A_382, %mul3A_693 : i32
      %add3A_695 = arith.constant 7 : i32
      %add3A_696 = arith.addi %mul3A_694, %add3A_695 : i32
      %get3A_697 = arith.index_cast %add3A_696 : i32 to index
      %get3A_698 = arith.constant 48 : index
      %get3A_699 = tpu.vector_load %arg7[%get3A_697, %get3A_698] {strides = array<i32>} : memref<200x64xf32, #tpu.memory_space<vmem>>, vector<1x16xf32>,
      %get3A_700 = vector.shape_cast %get3A_699 : vector<1x16xf32> to vector<16xf32>
      %add3A_701 = arith.addf %scan3A_414, %get3A_700 : vector<16xf32>
      scf.yield %add3A_422, %add3A_431, %add3A_440, %add3A_449, %add3A_458, %add3A_467, %add3A_476, %add3A_485, %add3A_494, %add3A_503, %add3A_512, %add3A_521, %add3A_530, %add3A_539, %add3A_548, %add3A_557, %add3A_566, %add3A_575, %add3A_584, %add3A_593, %add3A_602, %add3A_611, %add3A_620, %add3A_629, %add3A_638, %add3A_647, %add3A_656, %add3A_665, %add3A_674, %add3A_683, %add3A_692, %add3A_701 : vector<16xf32>, vector<16xf32>, vector<16xf32>, vector<16xf32>, vector<16xf32>, vector<16xf32>, vector<16xf32>, vector<16xf32>, vector<16xf32>, vector<16xf32>, vector<16xf32>, vector<16xf32>, vector<16xf32>, vector<16xf32>, vector<16xf32>, vector<16xf32>, vector<16xf32>, vector<16xf32>, vector<16xf32>, vector<16xf32>, vector<16xf32>, vector<16xf32>, vector<16xf32>, vector<16xf32>, vector<16xf32>, vector<16xf32>, vector<16xf32>, vector<16xf32>, vector<16xf32>, vector<16xf32>, vector<16xf32>, vector<16xf32>
    }
    %scan3A_327 = arith.constant 25 : i32
    %add3A_328 = arith.addf %scan3A_326#0, %scan3A_326#16 : vector<16xf32>
    %add3A_329 = arith.addf %scan3A_326#4, %scan3A_326#20 : vector<16xf32>
    %add3A_330 = arith.addf %scan3A_326#8, %scan3A_326#24 : vector<16xf32>
    %add3A_331 = arith.addf %scan3A_326#12, %scan3A_326#28 : vector<16xf32>
    %add3A_332 = arith.addf %add3A_328, %add3A_330 : vector<16xf32>
    %add3A_333 = arith.addf %add3A_329, %add3A_331 : vector<16xf32>
    %add3A_334 = arith.addf %add3A_332, %add3A_333 : vector<16xf32>
    %swap3A_335 = arith.constant 127 : i32
    %swap3A_336 = arith.index_cast %swap3A_335 : i32 to index
    %swap3A_337 = arith.constant 0 : index
    %swap3A_338 = tpu.vector_load %arg12[%swap3A_336, %swap3A_337] {strides = array<i32>} : memref<128x64xf32, #tpu.memory_space<vmem>>, vector<1x16xf32>,
    %swap3A_339 = vector.shape_cast %swap3A_338 : vector<1x16xf32> to vector<16xf32>
    %swap3A_340 = vector.shape_cast %add3A_334 : vector<16xf32> to vector<1x16xf32>
    tpu.vector_store %arg12[%swap3A_336, %swap3A_337], %swap3A_340 {strides = array<i32>} : memref<128x64xf32, #tpu.memory_space<vmem>>, vector<1x16xf32>,
    %add3A_341 = arith.addf %scan3A_326#1, %scan3A_326#17 : vector<16xf32>
    %add3A_342 = arith.addf %scan3A_326#5, %scan3A_326#21 : vector<16xf32>
    %add3A_343 = arith.addf %scan3A_326#9, %scan3A_326#25 : vector<16xf32>
    %add3A_344 = arith.addf %scan3A_326#13, %scan3A_326#29 : vector<16xf32>
    %add3A_345 = arith.addf %add3A_341, %add3A_343 : vector<16xf32>
    %add3A_346 = arith.addf %add3A_342, %add3A_344 : vector<16xf32>
    %add3A_347 = arith.addf %add3A_345, %add3A_346 : vector<16xf32>
    %swap3A_348 = arith.constant 127 : i32
    %swap3A_349 = arith.index_cast %swap3A_348 : i32 to index
    %swap3A_350 = arith.constant 16 : index
    %swap3A_351 = tpu.vector_load %arg12[%swap3A_349, %swap3A_350] {strides = array<i32>} : memref<128x64xf32, #tpu.memory_space<vmem>>, vector<1x16xf32>,
    %swap3A_352 = vector.shape_cast %swap3A_351 : vector<1x16xf32> to vector<16xf32>
    %swap3A_353 = vector.shape_cast %add3A_347 : vector<16xf32> to vector<1x16xf32>
    tpu.vector_store %arg12[%swap3A_349, %swap3A_350], %swap3A_353 {strides = array<i32>} : memref<128x64xf32, #tpu.memory_space<vmem>>, vector<1x16xf32>,
    %add3A_354 = arith.addf %scan3A_326#2, %scan3A_326#18 : vector<16xf32>
    %add3A_355 = arith.addf %scan3A_326#6, %scan3A_326#22 : vector<16xf32>
    %add3A_356 = arith.addf %scan3A_326#10, %scan3A_326#26 : vector<16xf32>
    %add3A_357 = arith.addf %scan3A_326#14, %scan3A_326#30 : vector<16xf32>
    %add3A_358 = arith.addf %add3A_354, %add3A_356 : vector<16xf32>
    %add3A_359 = arith.addf %add3A_355, %add3A_357 : vector<16xf32>
    %add3A_360 = arith.addf %add3A_358, %add3A_359 : vector<16xf32>
    %swap3A_361 = arith.constant 127 : i32
    %swap3A_362 = arith.index_cast %swap3A_361 : i32 to index
    %swap3A_363 = arith.constant 32 : index
    %swap3A_364 = tpu.vector_load %arg12[%swap3A_362, %swap3A_363] {strides = array<i32>} : memref<128x64xf32, #tpu.memory_space<vmem>>, vector<1x16xf32>,
    %swap3A_365 = vector.shape_cast %swap3A_364 : vector<1x16xf32> to vector<16xf32>
    %swap3A_366 = vector.shape_cast %add3A_360 : vector<16xf32> to vector<1x16xf32>
    tpu.vector_store %arg12[%swap3A_362, %swap3A_363], %swap3A_366 {strides = array<i32>} : memref<128x64xf32, #tpu.memory_space<vmem>>, vector<1x16xf32>,
    %add3A_367 = arith.addf %scan3A_326#3, %scan3A_326#19 : vector<16xf32>
    %add3A_368 = arith.addf %scan3A_326#7, %scan3A_326#23 : vector<16xf32>
    %add3A_369 = arith.addf %scan3A_326#11, %scan3A_326#27 : vector<16xf32>
    %add3A_370 = arith.addf %scan3A_326#15, %scan3A_326#31 : vector<16xf32>
    %add3A_371 = arith.addf %add3A_367, %add3A_369 : vector<16xf32>
    %add3A_372 = arith.addf %add3A_368, %add3A_370 : vector<16xf32>
    %add3A_373 = arith.addf %add3A_371, %add3A_372 : vector<16xf32>
    %swap3A_374 = arith.constant 127 : i32
    %swap3A_375 = arith.index_cast %swap3A_374 : i32 to index
    %swap3A_376 = arith.constant 48 : index
    %swap3A_377 = tpu.vector_load %arg12[%swap3A_375, %swap3A_376] {strides = array<i32>} : memref<128x64xf32, #tpu.memory_space<vmem>>, vector<1x16xf32>,
    %swap3A_378 = vector.shape_cast %swap3A_377 : vector<1x16xf32> to vector<16xf32>
    %swap3A_379 = vector.shape_cast %add3A_373 : vector<16xf32> to vector<1x16xf32>
    tpu.vector_store %arg12[%swap3A_375, %swap3A_376], %swap3A_379 {strides = array<i32>} : memref<128x64xf32, #tpu.memory_space<vmem>>, vector<1x16xf32>,
    %mul3A_380 = arith.constant 128 : i32
    %mul3A_381 = arith.muli %add3A, %mul3A_380 : i32
    "tpu.region"() ({
      %run_scoped3A = tpu.sem_alloc : memref<!tpu.dma_semaphore, #tpu.memory_space<semaphore_mem>>
      %dma_start3A_382 = arith.constant 0 : i32
      %dma_start3A_383 = tpu.memref_slice %arg4[%mul3A_381, %dma_start3A_382] : memref<4096x64xf32, #tpu.memory_space<hbm>> -> memref<128x64xf32, #tpu.memory_space<hbm>>
      %dma_start3A_384 = arith.constant 0 : i32
      %dma_start3A_385 = tpu.memref_slice %arg4[%mul3A_381, %dma_start3A_384] : memref<4096x64xf32, #tpu.memory_space<hbm>> -> memref<128x64xf32, #tpu.memory_space<hbm>>
      tpu.enqueue_dma source(%arg12 : memref<128x64xf32, #tpu.memory_space<vmem>>) target(%dma_start3A_385 : memref<128x64xf32, #tpu.memory_space<hbm>>) target_semaphore(%run_scoped3A : memref<!tpu.dma_semaphore, #tpu.memory_space<semaphore_mem>>)
      %dma_wait3A_386 = arith.constant 0 : i32
      %dma_wait3A_387 = tpu.memref_slice %arg4[%mul3A_381, %dma_wait3A_386] : memref<4096x64xf32, #tpu.memory_space<hbm>> -> memref<128x64xf32, #tpu.memory_space<hbm>>
      %dma_wait3A_388 = arith.constant 0 : i32
      %dma_wait3A_389 = tpu.memref_slice %arg4[%mul3A_381, %dma_wait3A_388] : memref<4096x64xf32, #tpu.memory_space<hbm>> -> memref<128x64xf32, #tpu.memory_space<hbm>>
      tpu.wait_dma2 semaphore(%run_scoped3A : memref<!tpu.dma_semaphore, #tpu.memory_space<semaphore_mem>>) src(%arg12 : memref<128x64xf32, #tpu.memory_space<vmem>>) dst(%dma_wait3A_389 : memref<128x64xf32, #tpu.memory_space<hbm>>)
      tpu.yield
    }) : () -> ()
    return
  }
}

module attributes {stable_mosaic.version = 14 : i64} {
  func.func @_tr_body(%arg0: i32, %arg1: memref<64x32768xf32, #tpu.memory_space<vmem>>, %arg2: memref<16384x128xf32, #tpu.memory_space<vmem>>) attributes {dimension_semantics = [#tpu.dimension_semantics<arbitrary>], iteration_bounds = array<i64: 31>, scalar_prefetch = 0 : i64, scratch_operands = 0 : i64, tpu.core_type = #tpu.core_type<tc>, window_params = [{transform_indices = @transform_0, window_bounds = array<i64: 64, 32768>}, {transform_indices = @transform_1, window_bounds = array<i64: 16384, 128>}]} {
    %get3A = arith.constant 0 : index
    %get3A_0 = arith.constant 0 : index
    %get3A_1 = vector.load %arg1[%get3A, %get3A_0] : memref<64x32768xf32, #tpu.memory_space<vmem>>, vector<64x32768xf32>
    %slice3A = vector.extract_strided_slice %get3A_1 {offsets = [0, 0], sizes = [64, 16384], strides = [1, 1]} : vector<64x32768xf32> to vector<64x16384xf32>
    %slice3A_2 = vector.extract_strided_slice %get3A_1 {offsets = [0, 16384], sizes = [64, 16384], strides = [1, 1]} : vector<64x32768xf32> to vector<64x16384xf32>
    %concatenate3A = tpu.concatenate %slice3A, %slice3A_2 in 0 : vector<64x16384xf32>, vector<64x16384xf32> -> vector<128x16384xf32>
    %transpose3A = tpu.transpose %concatenate3A, [1, 0] : vector<128x16384xf32> -> vector<16384x128xf32>
    %swap3A = arith.constant 0 : index
    %swap3A_3 = arith.constant 0 : index
    %swap3A_4 = vector.load %arg2[%swap3A, %swap3A_3] : memref<16384x128xf32, #tpu.memory_space<vmem>>, vector<16384x128xf32>
    tpu.vector_store %arg2[%swap3A, %swap3A_3], %transpose3A {strides = array<i32>} : memref<16384x128xf32, #tpu.memory_space<vmem>>, vector<16384x128xf32>,
    return
  }
  func.func @transform_0(%arg0: i32) -> (i32, i32) {
    %c0_i32 = arith.constant 0 : i32
    %c0_i32_0 = arith.constant 0 : i32
    return %c0_i32, %arg0 : i32, i32
  }
  func.func @transform_1(%arg0: i32) -> (i32, i32) {
    %c0_i32 = arith.constant 0 : i32
    %c0_i32_0 = arith.constant 0 : i32
    return %arg0, %c0_i32 : i32, i32
  }
}

module attributes {stable_mosaic.version = 14 : i64} {
  func.func @_mlp_body(%arg0: i32, %arg1: memref<512x64xf32, #tpu.memory_space<vmem>>, %arg2: memref<512x1xf32, #tpu.memory_space<vmem>>, %arg3: memref<512x1xf32, #tpu.memory_space<vmem>>, %arg4: memref<64x300xf32, #tpu.memory_space<vmem>>, %arg5: memref<1x300xf32, #tpu.memory_space<vmem>>, %arg6: memref<300x300xf32, #tpu.memory_space<vmem>>, %arg7: memref<1x300xf32, #tpu.memory_space<vmem>>, %arg8: memref<300x300xf32, #tpu.memory_space<vmem>>, %arg9: memref<1x300xf32, #tpu.memory_space<vmem>>, %arg10: memref<300x1xf32, #tpu.memory_space<vmem>>, %arg11: memref<1x1xf32, #tpu.memory_space<vmem>>, %arg12: memref<1x1xf32, #tpu.memory_space<vmem>>, %arg13: memref<512x1xf32, #tpu.memory_space<vmem>>) attributes {dimension_semantics = [#tpu.dimension_semantics<arbitrary>], iteration_bounds = array<i64: 8>, scalar_prefetch = 0 : i64, scratch_operands = 0 : i64, tpu.core_type = #tpu.core_type<tc>, window_params = [{transform_indices = @transform_0, window_bounds = array<i64: 512, 64>}, {transform_indices = @transform_1, window_bounds = array<i64: 512, 1>}, {transform_indices = @transform_2, window_bounds = array<i64: 512, 1>}, {pipeline_mode = #tpu.pipeline_mode<synchronous>, transform_indices = @transform_3, window_bounds = array<i64: 64, 300>}, {pipeline_mode = #tpu.pipeline_mode<synchronous>, transform_indices = @transform_4, window_bounds = array<i64: 1, 300>}, {pipeline_mode = #tpu.pipeline_mode<synchronous>, transform_indices = @transform_5, window_bounds = array<i64: 300, 300>}, {pipeline_mode = #tpu.pipeline_mode<synchronous>, transform_indices = @transform_6, window_bounds = array<i64: 1, 300>}, {pipeline_mode = #tpu.pipeline_mode<synchronous>, transform_indices = @transform_7, window_bounds = array<i64: 300, 300>}, {pipeline_mode = #tpu.pipeline_mode<synchronous>, transform_indices = @transform_8, window_bounds = array<i64: 1, 300>}, {pipeline_mode = #tpu.pipeline_mode<synchronous>, transform_indices = @transform_9, window_bounds = array<i64: 300, 1>}, {pipeline_mode = #tpu.pipeline_mode<synchronous>, transform_indices = @transform_10, window_bounds = array<i64: 1, 1>}, {pipeline_mode = #tpu.pipeline_mode<synchronous>, transform_indices = @transform_11, window_bounds = array<i64: 1, 1>}, {transform_indices = @transform_12, window_bounds = array<i64: 512, 1>}]} {
    %get3A = arith.constant 0 : index
    %get3A_0 = arith.constant 0 : index
    %get3A_1 = vector.load %arg1[%get3A, %get3A_0] : memref<512x64xf32, #tpu.memory_space<vmem>>, vector<512x64xf32>
    %get3A_2 = arith.constant 0 : index
    %get3A_3 = arith.constant 0 : index
    %get3A_4 = vector.load %arg2[%get3A_2, %get3A_3] : memref<512x1xf32, #tpu.memory_space<vmem>>, vector<512x1xf32>
    %div3A = arith.constant 1.000000e+00 : f32
    %div3A_5 = vector.broadcast %div3A : f32 to vector<512x1xf32>
    %div3A_6 = arith.divf %div3A_5, %get3A_4 : vector<512x1xf32>
    %mul3A = vector.broadcast %div3A_6 : vector<512x1xf32> to vector<512x64xf32>
    %mul3A_7 = arith.mulf %get3A_1, %mul3A : vector<512x64xf32>
    %convert_element_type3A = arith.truncf %mul3A_7 : vector<512x64xf32> to vector<512x64xbf16>
    %get3A_8 = arith.constant 0 : index
    %get3A_9 = arith.constant 0 : index
    %get3A_10 = vector.load %arg4[%get3A_8, %get3A_9] : memref<64x300xf32, #tpu.memory_space<vmem>>, vector<64x300xf32>
    %convert_element_type3A_11 = arith.truncf %get3A_10 : vector<64x300xf32> to vector<64x300xbf16>
    %dot_general3A = arith.constant dense<0.000000e+00> : vector<512x300xf32>
    %dot_general3A_12 = tpu.matmul %convert_element_type3A, %convert_element_type3A_11, %dot_general3A {dimension_numbers = #tpu.dot_dimension_numbers<[1], [0], [0], [1], [0, 0, 1, 1], [], []>, transpose_lhs_hint = false} : vector<512x64xbf16>, vector<64x300xbf16>, vector<512x300xf32> -> vector<512x300xf32>
    %get3A_13 = arith.constant 0 : index
    %get3A_14 = arith.constant 0 : index
    %get3A_15 = vector.load %arg5[%get3A_13, %get3A_14] : memref<1x300xf32, #tpu.memory_space<vmem>>, vector<1x300xf32>
    %add3A = vector.broadcast %get3A_15 : vector<1x300xf32> to vector<512x300xf32>
    %add3A_16 = arith.addf %dot_general3A_12, %add3A : vector<512x300xf32>
    %tanh3A = math.tanh %add3A_16 : vector<512x300xf32>
    %convert_element_type3A_17 = arith.truncf %tanh3A : vector<512x300xf32> to vector<512x300xbf16>
    %get3A_18 = arith.constant 0 : index
    %get3A_19 = arith.constant 0 : index
    %get3A_20 = vector.load %arg6[%get3A_18, %get3A_19] : memref<300x300xf32, #tpu.memory_space<vmem>>, vector<300x300xf32>
    %convert_element_type3A_21 = arith.truncf %get3A_20 : vector<300x300xf32> to vector<300x300xbf16>
    %dot_general3A_22 = arith.constant dense<0.000000e+00> : vector<512x300xf32>
    %dot_general3A_23 = tpu.matmul %convert_element_type3A_17, %convert_element_type3A_21, %dot_general3A_22 {dimension_numbers = #tpu.dot_dimension_numbers<[1], [0], [0], [1], [0, 0, 1, 1], [], []>, transpose_lhs_hint = false} : vector<512x300xbf16>, vector<300x300xbf16>, vector<512x300xf32> -> vector<512x300xf32>
    %get3A_24 = arith.constant 0 : index
    %get3A_25 = arith.constant 0 : index
    %get3A_26 = vector.load %arg7[%get3A_24, %get3A_25] : memref<1x300xf32, #tpu.memory_space<vmem>>, vector<1x300xf32>
    %add3A_27 = vector.broadcast %get3A_26 : vector<1x300xf32> to vector<512x300xf32>
    %add3A_28 = arith.addf %dot_general3A_23, %add3A_27 : vector<512x300xf32>
    %tanh3A_29 = math.tanh %add3A_28 : vector<512x300xf32>
    %convert_element_type3A_30 = arith.truncf %tanh3A_29 : vector<512x300xf32> to vector<512x300xbf16>
    %get3A_31 = arith.constant 0 : index
    %get3A_32 = arith.constant 0 : index
    %get3A_33 = vector.load %arg8[%get3A_31, %get3A_32] : memref<300x300xf32, #tpu.memory_space<vmem>>, vector<300x300xf32>
    %convert_element_type3A_34 = arith.truncf %get3A_33 : vector<300x300xf32> to vector<300x300xbf16>
    %dot_general3A_35 = arith.constant dense<0.000000e+00> : vector<512x300xf32>
    %dot_general3A_36 = tpu.matmul %convert_element_type3A_30, %convert_element_type3A_34, %dot_general3A_35 {dimension_numbers = #tpu.dot_dimension_numbers<[1], [0], [0], [1], [0, 0, 1, 1], [], []>, transpose_lhs_hint = false} : vector<512x300xbf16>, vector<300x300xbf16>, vector<512x300xf32> -> vector<512x300xf32>
    %get3A_37 = arith.constant 0 : index
    %get3A_38 = arith.constant 0 : index
    %get3A_39 = vector.load %arg9[%get3A_37, %get3A_38] : memref<1x300xf32, #tpu.memory_space<vmem>>, vector<1x300xf32>
    %add3A_40 = vector.broadcast %get3A_39 : vector<1x300xf32> to vector<512x300xf32>
    %add3A_41 = arith.addf %dot_general3A_36, %add3A_40 : vector<512x300xf32>
    %tanh3A_42 = math.tanh %add3A_41 : vector<512x300xf32>
    %convert_element_type3A_43 = arith.truncf %tanh3A_42 : vector<512x300xf32> to vector<512x300xbf16>
    %get3A_44 = arith.constant 0 : index
    %get3A_45 = arith.constant 0 : index
    %get3A_46 = vector.load %arg10[%get3A_44, %get3A_45] : memref<300x1xf32, #tpu.memory_space<vmem>>, vector<300x1xf32>
    %convert_element_type3A_47 = arith.truncf %get3A_46 : vector<300x1xf32> to vector<300x1xbf16>
    %dot_general3A_48 = arith.constant dense<0.000000e+00> : vector<512x1xf32>
    %dot_general3A_49 = tpu.matmul %convert_element_type3A_43, %convert_element_type3A_47, %dot_general3A_48 {dimension_numbers = #tpu.dot_dimension_numbers<[1], [0], [0], [1], [0, 0, 1, 1], [], []>, transpose_lhs_hint = false} : vector<512x300xbf16>, vector<300x1xbf16>, vector<512x1xf32> -> vector<512x1xf32>
    %get3A_50 = arith.constant 0 : index
    %get3A_51 = arith.constant 0 : index
    %get3A_52 = vector.load %arg11[%get3A_50, %get3A_51] : memref<1x1xf32, #tpu.memory_space<vmem>>, vector<1x1xf32>
    %add3A_53 = vector.broadcast %get3A_52 : vector<1x1xf32> to vector<512x1xf32>
    %add3A_54 = arith.addf %dot_general3A_49, %add3A_53 : vector<512x1xf32>
    %logistic3A = arith.negf %add3A_54 : vector<512x1xf32>
    %logistic3A_55 = math.exp %logistic3A : vector<512x1xf32>
    %logistic3A_56 = arith.constant 1.000000e+00 : f32
    %logistic3A_57 = vector.broadcast %logistic3A_56 : f32 to vector<512x1xf32>
    %logistic3A_58 = arith.addf %logistic3A_57, %logistic3A_55 : vector<512x1xf32>
    %logistic3A_59 = arith.divf %logistic3A_57, %logistic3A_58 : vector<512x1xf32>
    %gt3A = arith.constant 5.000000e-01 : f32
    %gt3A_60 = vector.broadcast %gt3A : f32 to vector<512x1xf32>
    %gt3A_61 = arith.cmpf ogt, %logistic3A_59, %gt3A_60 : vector<512x1xf32>
    %convert_element_type3A_62 = arith.extui %gt3A_61 : vector<512x1xi1> to vector<512x1xi32>
    %convert_element_type3A_63 = arith.sitofp %convert_element_type3A_62 : vector<512x1xi32> to vector<512x1xf32>
    %swap3A = arith.constant 0 : index
    %swap3A_64 = arith.constant 0 : index
    %swap3A_65 = vector.load %arg13[%swap3A, %swap3A_64] : memref<512x1xf32, #tpu.memory_space<vmem>>, vector<512x1xf32>
    tpu.vector_store %arg13[%swap3A, %swap3A_64], %convert_element_type3A_63 {strides = array<i32>} : memref<512x1xf32, #tpu.memory_space<vmem>>, vector<512x1xf32>,
    %jit3A = arith.constant 1.000000e-07 : f32
    %jit3A_66 = arith.constant 0.99999988 : f32
    %max3A = vector.broadcast %jit3A : f32 to vector<512x1xf32>
    %max3A_67 = arith.maximumf %max3A, %logistic3A_59 : vector<512x1xf32>
    %min3A = vector.broadcast %jit3A_66 : f32 to vector<512x1xf32>
    %min3A_68 = arith.minimumf %min3A, %max3A_67 : vector<512x1xf32>
    %get3A_69 = arith.constant 0 : index
    %get3A_70 = arith.constant 0 : index
    %get3A_71 = vector.load %arg3[%get3A_69, %get3A_70] : memref<512x1xf32, #tpu.memory_space<vmem>>, vector<512x1xf32>
    %log3A = math.log %min3A_68 : vector<512x1xf32>
    %mul3A_72 = arith.mulf %get3A_71, %log3A : vector<512x1xf32>
    %sub3A = arith.constant 1.000000e+00 : f32
    %sub3A_73 = vector.broadcast %sub3A : f32 to vector<512x1xf32>
    %sub3A_74 = arith.subf %sub3A_73, %get3A_71 : vector<512x1xf32>
    %sub3A_75 = arith.constant 1.000000e+00 : f32
    %sub3A_76 = vector.broadcast %sub3A_75 : f32 to vector<512x1xf32>
    %sub3A_77 = arith.subf %sub3A_76, %min3A_68 : vector<512x1xf32>
    %log3A_78 = math.log %sub3A_77 : vector<512x1xf32>
    %mul3A_79 = arith.mulf %sub3A_74, %log3A_78 : vector<512x1xf32>
    %add3A_80 = arith.addf %mul3A_72, %mul3A_79 : vector<512x1xf32>
    %reduce_sum3A = vector.shape_cast %add3A_80 : vector<512x1xf32> to vector<1x512x1xf32>
    %reduce_sum3A_81 = arith.constant dense<0.000000e+00> : vector<1xf32>
    %reduce_sum3A_82 = vector.multi_reduction <add>, %reduce_sum3A, %reduce_sum3A_81 [1, 2] : vector<1x512x1xf32> to vector<1xf32>
    %reduce_sum3A_83 = vector.shape_cast %reduce_sum3A_82 : vector<1xf32> to vector<1x1x1xf32>
    %reduce_sum3A_84 = vector.extract %reduce_sum3A_83[0, 0, 0] : f32 from vector<1x1x1xf32>
    %neg3A = arith.constant 0.000000e+00 : f32
    %neg3A_85 = arith.subf %neg3A, %reduce_sum3A_84 : f32
    %mul3A_86 = arith.constant 2.44140625E-4 : f32
    %mul3A_87 = arith.mulf %neg3A_85, %mul3A_86 : f32
    %eq3A = arith.constant 0 : i32
    %eq3A_88 = arith.cmpi eq, %arg0, %eq3A : i32
    %convert_element_type3A_89 = arith.extui %eq3A_88 : i1 to i32
    %cond3A = arith.constant 0 : i32
    %cond3A_90 = arith.cmpi ne, %convert_element_type3A_89, %cond3A : i32
    scf.if %cond3A_90 {
      %broadcast_in_dim3A = arith.constant 0.000000e+00 : f32
      %broadcast_in_dim3A_98 = vector.broadcast %broadcast_in_dim3A : f32 to vector<1x1xf32>
      %swap3A_99 = arith.constant 0 : index
      %swap3A_100 = arith.constant 0 : index
      %swap3A_101 = vector.load %arg12[%swap3A_99, %swap3A_100] : memref<1x1xf32, #tpu.memory_space<vmem>>, vector<1x1xf32>
      tpu.vector_store %arg12[%swap3A_99, %swap3A_100], %broadcast_in_dim3A_98 {strides = array<i32>} : memref<1x1xf32, #tpu.memory_space<vmem>>, vector<1x1xf32>,
    } else {
    }
    %get3A_91 = arith.constant 0 : index
    %get3A_92 = arith.constant 0 : index
    %get3A_93 = vector.load %arg12[%get3A_91, %get3A_92] : memref<1x1xf32, #tpu.memory_space<vmem>>, vector<1x1xf32>
    %reshape3A = vector.broadcast %mul3A_87 : f32 to vector<1x1xf32>
    %add3A_94 = arith.addf %get3A_93, %reshape3A : vector<1x1xf32>
    %swap3A_95 = arith.constant 0 : index
    %swap3A_96 = arith.constant 0 : index
    %swap3A_97 = vector.load %arg12[%swap3A_95, %swap3A_96] : memref<1x1xf32, #tpu.memory_space<vmem>>, vector<1x1xf32>
    tpu.vector_store %arg12[%swap3A_95, %swap3A_96], %add3A_94 {strides = array<i32>} : memref<1x1xf32, #tpu.memory_space<vmem>>, vector<1x1xf32>,
    return
  }
  func.func @transform_0(%arg0: i32) -> (i32, i32) {
    %c0_i32 = arith.constant 0 : i32
    %c0_i32_0 = arith.constant 0 : i32
    return %arg0, %c0_i32 : i32, i32
  }
  func.func @transform_1(%arg0: i32) -> (i32, i32) {
    %c0_i32 = arith.constant 0 : i32
    %c0_i32_0 = arith.constant 0 : i32
    return %arg0, %c0_i32 : i32, i32
  }
  func.func @transform_2(%arg0: i32) -> (i32, i32) {
    %c0_i32 = arith.constant 0 : i32
    %c0_i32_0 = arith.constant 0 : i32
    return %arg0, %c0_i32 : i32, i32
  }
  func.func @transform_3(%arg0: i32) -> (i32, i32) {
    %c0_i32 = arith.constant 0 : i32
    %c0_i32_0 = arith.constant 0 : i32
    %c0_i32_1 = arith.constant 0 : i32
    return %c0_i32, %c0_i32_0 : i32, i32
  }
  func.func @transform_4(%arg0: i32) -> (i32, i32) {
    %c0_i32 = arith.constant 0 : i32
    %c0_i32_0 = arith.constant 0 : i32
    %c0_i32_1 = arith.constant 0 : i32
    return %c0_i32, %c0_i32_0 : i32, i32
  }
  func.func @transform_5(%arg0: i32) -> (i32, i32) {
    %c0_i32 = arith.constant 0 : i32
    %c0_i32_0 = arith.constant 0 : i32
    %c0_i32_1 = arith.constant 0 : i32
    return %c0_i32, %c0_i32_0 : i32, i32
  }
  func.func @transform_6(%arg0: i32) -> (i32, i32) {
    %c0_i32 = arith.constant 0 : i32
    %c0_i32_0 = arith.constant 0 : i32
    %c0_i32_1 = arith.constant 0 : i32
    return %c0_i32, %c0_i32_0 : i32, i32
  }
  func.func @transform_7(%arg0: i32) -> (i32, i32) {
    %c0_i32 = arith.constant 0 : i32
    %c0_i32_0 = arith.constant 0 : i32
    %c0_i32_1 = arith.constant 0 : i32
    return %c0_i32, %c0_i32_0 : i32, i32
  }
  func.func @transform_8(%arg0: i32) -> (i32, i32) {
    %c0_i32 = arith.constant 0 : i32
    %c0_i32_0 = arith.constant 0 : i32
    %c0_i32_1 = arith.constant 0 : i32
    return %c0_i32, %c0_i32_0 : i32, i32
  }
  func.func @transform_9(%arg0: i32) -> (i32, i32) {
    %c0_i32 = arith.constant 0 : i32
    %c0_i32_0 = arith.constant 0 : i32
    %c0_i32_1 = arith.constant 0 : i32
    return %c0_i32, %c0_i32_0 : i32, i32
  }
  func.func @transform_10(%arg0: i32) -> (i32, i32) {
    %c0_i32 = arith.constant 0 : i32
    %c0_i32_0 = arith.constant 0 : i32
    %c0_i32_1 = arith.constant 0 : i32
    return %c0_i32, %c0_i32_0 : i32, i32
  }
  func.func @transform_11(%arg0: i32) -> (i32, i32) {
    %c0_i32 = arith.constant 0 : i32
    %c0_i32_0 = arith.constant 0 : i32
    %c0_i32_1 = arith.constant 0 : i32
    return %c0_i32, %c0_i32_0 : i32, i32
  }
  func.func @transform_12(%arg0: i32) -> (i32, i32) {
    %c0_i32 = arith.constant 0 : i32
    %c0_i32_0 = arith.constant 0 : i32
    return %arg0, %c0_i32 : i32, i32
  }
}

</mosaic_0001>

<sc_bundles>
// kernel: kernel.5.cloned.1.call-start
scs
__scs_entry_jumppad:
0x0: {  	(pc) =	sbr.rel $0x88, $3  }
0x1: {  	(tag) =	ssettag $0x0;
	lr =	simm.s32 $0x1  }
0x2: {  	[smem:$0x3F95] =	sst lr;
	_ =	strace $0xD0000000  }
0x3: {  	_ = 	snop  }
0x4: {  	_ = 	snop  }
0x5: {  	_ = 	snop  }
0x6: {  	_ = 	snop  }
0x7: {  	_ = 	snop  }
__scs_overlays_trampoline_lowered:
0x8: {  	[smem:$0x3FA4] =	sst s0  }
0x9: {  	[smem:$0x3FA5] =	sst s1  }
0xa: {  	[smem:$0x3FA6] =	sst s2  }
0xb: {  	[smem:$0x3FA7] =	sst s3  }
0xc: {  	[smem:$0x3FA8] =	sst s4  }
0xd: {  	[smem:$0x3FA9] =	sst s5  }
0xe: {  	[smem:$0x3FAA] =	sst s6  }
0xf: {  	[smem:$0x3FAB] =	sst s7  }
0x10: {  	[smem:$0x3FAC] =	sst s8  }
0x11: {  	[smem:$0x3FAD] =	sst s9;
	s0 =	simm.s32 @!p0 $0x0  }
0x12: {  	s1 =	sld [smem:$0x3F93];
	s0 =	simm.s32 @p0 $0x1  }
0x13: {  	[smem:$0x3FAE] =	sst s0;
	s0 =	simm.s32 @!p1 $0x0  }
0x14: {  	s2 =	sld [smem:$0x3F92];
	s0 =	simm.s32 @p1 $0x1  }
0x15: {  	[smem:$0x3FAF] =	sst s0;
	s0 =	simm.s32 @!p2 $0x0  }
0x16: {  	s3 =	sld [smem:$0x3FDB];
	s0 =	simm.s32 @p2 $0x1  }
0x17: {  	s4 =	simm.s32 $0x1BF5;
	[smem:$0x3FB1] =	sst s0  }
0x18: {  	s0 =	sld [smem:$0x3F94];
	_ =	swait.ge [sflag:s4], $0x0  }
0x19: {  	s7 =	sld [smem:$0x3F95]  }
0x1a: {  	s8 =	sadd.s32 $0xFFFFE003, lr  }
0x1b: {  	s9 =	sadd.s32 $0xFFFFFEF7, lr;
	s5 =	simm.s32 $0xFFFFFFFF;
	p2 =	slt.u32 s8, $0xFFFFF086  }
0x1c: {  	p1 =	slt.u32 s9, $0xF7A;
	s5 =	simm.s32 @!p2 $0x0  }
0x1d: {  	s5 =	simm.s32 @p1 $0x1;
	p0 =	seq.s32 s7, s2  }
0x1e: {  	s7 =	smul.u32 @!p0 $0xF7A, s2;
	p2 =	seq.s32 @!p0 s5, $0x0  }
0x1f: {  	s9 =	smul.u32 $0xF7A, s1;
	s8 =	simm.s32 @!p0 $0x1BF5;
	p2 =	por !p2, p0  }
0x20: {  	[sflag:s8] =	ssyncset.s32 @!p0 $0xFFFFF086;
	s6 =	sadd.s32 @!p0 s3, s7;
	s7 =	simm.s32 @!p0 $0x108  }
0x21: {  	s3 =	sadd.s32 s3, s9;
	s6 =	sadd.s32 @!p0 $0x88, s6;
	s7 =	simm.s32 @p2 $0x1082  }
0x22: {  	[simem:s7], [sflag:s8] =	dma.local @!p0 [hbm:s6], $0xF7A  }
0x23: {  	s9 =	sor.u32 $0xD0000000, s2;
	s6 =	simm.s32 $0x108;
	_ =	swait.ge @!p0 [sflag:s8], $0x0  }
0x24: {  	s3 =	sadd.s32 $0x88, s3;
	s6 =	simm.s32 @!p1 $0x1082;
	[sflag:s4] =	ssyncset.s32 $0xFFFFF086  }
0x25: {  	[simem:s6], [sflag:s4] =	dma.local [hbm:s3], $0xF7A  }
0x26: {  	[smem:$0x3F95] =	sst s1;
	(tag) =	ssettag s2;
	_ =	strace s9  }
0x27: {  	s1 =	sld [smem:$0x3FA5]  }
0x28: {  	s2 =	sld [smem:$0x3FA6]  }
0x29: {  	s4 =	sld [smem:$0x3FA8]  }
0x2a: {  	p0 =	seq.s32 s5, $0x0;
	s5 =	sld [smem:$0x3FA9]  }
0x2b: {  	s6 =	sld [smem:$0x3FAA]  }
0x2c: {  	s7 =	sld [smem:$0x3FAB]  }
0x2d: {  	s3 =	simm.s32 $0x108;
	s8 =	sld [smem:$0x3FAC]  }
0x2e: {  	s3 =	simm.s32 @!p0 $0x1082;
	s9 =	sld [smem:$0x3FAD]  }
0x2f: {  	lr =	sadd.s32 s0, s3;
	s0 =	sld [smem:$0x3FA4]  }
0x30: {  	s3 =	sld [smem:$0x3FA7]  }
0x31: {  	[smem:$0x3FB0] =	sst s10  }
0x32: {  	s10 =	sld [smem:$0x3FAE];
	_ =	sdelay $0x3  }
0x33: {  	p0 =	seq.s32 s10, $0x1;
	s10 =	sld [smem:$0x3FB0];
	_ =	sdelay $0x3  }
0x34: {  	[smem:$0x3FB0] =	sst s10  }
0x35: {  	s10 =	sld [smem:$0x3FAF];
	_ =	sdelay $0x3  }
0x36: {  	p1 =	seq.s32 s10, $0x1;
	s10 =	sld [smem:$0x3FB0];
	_ =	sdelay $0x3  }
0x37: {  	[smem:$0x3FB0] =	sst s10  }
0x38: {  	s10 =	sld [smem:$0x3FB1]  }
0x39: {  	_ = 	snop;
	(pc) =	sbr.ind lr, $3  }
0x3a: {  	_ = 	snop  }
0x3b: {  	_ = 	snop  }
0x3c: {  	p2 =	seq.s32 s10, $0x1;
	s10 =	sld [smem:$0x3FB0]  }
0x3d: {  	_ =	shalt  }
0x3e: {  	_ =	shalt  }
0x3f: {  	_ =	shalt  }
0x40: {  	_ =	shalt  }
0x41: {  	_ =	shalt  }
0x42: {  	_ =	shalt  }
0x43: {  	_ =	shalt  }
0x44: {  	_ =	shalt  }
0x45: {  	_ =	shalt  }
0x46: {  	_ =	shalt  }
0x47: {  	_ =	shalt  }
0x48: {  	_ =	shalt  }
0x49: {  	_ =	shalt  }
0x4a: {  	_ =	shalt  }
0x4b: {  	_ =	shalt  }
0x4c: {  	_ =	shalt  }
0x4d: {  	_ =	shalt  }
0x4e: {  	_ =	shalt  }
0x4f: {  	_ =	shalt  }
0x50: {  	_ =	shalt  }
0x51: {  	_ =	shalt  }
0x52: {  	_ =	shalt  }
0x53: {  	_ =	shalt  }
0x54: {  	_ =	shalt  }
0x55: {  	_ =	shalt  }
0x56: {  	_ =	shalt  }
0x57: {  	_ =	shalt  }
0x58: {  	_ =	shalt  }
0x59: {  	_ =	shalt  }
0x5a: {  	_ =	shalt  }
0x5b: {  	_ =	shalt  }
0x5c: {  	_ =	shalt  }
0x5d: {  	_ =	shalt  }
0x5e: {  	_ =	shalt  }
0x5f: {  	_ =	shalt  }
0x60: {  	_ =	shalt  }
0x61: {  	_ =	shalt  }
0x62: {  	_ =	shalt  }
0x63: {  	_ =	shalt  }
0x64: {  	_ =	shalt  }
0x65: {  	_ =	shalt  }
0x66: {  	_ =	shalt  }
0x67: {  	_ =	shalt  }
0x68: {  	_ =	shalt  }
0x69: {  	_ =	shalt  }
0x6a: {  	_ =	shalt  }
0x6b: {  	_ =	shalt  }
0x6c: {  	_ =	shalt  }
0x6d: {  	_ =	shalt  }
0x6e: {  	_ =	shalt  }
0x6f: {  	_ =	shalt  }
0x70: {  	_ =	shalt  }
0x71: {  	_ =	shalt  }
0x72: {  	_ =	shalt  }
0x73: {  	_ =	shalt  }
0x74: {  	_ =	shalt  }
0x75: {  	_ =	shalt  }
0x76: {  	_ =	shalt  }
0x77: {  	_ =	shalt  }
0x78: {  	_ =	shalt  }
0x79: {  	_ =	shalt  }
0x7a: {  	_ =	shalt  }
0x7b: {  	_ =	shalt  }
0x7c: {  	_ =	shalt  }
0x7d: {  	_ =	shalt  }
0x7e: {  	_ =	shalt  }
0x7f: {  	_ =	shalt  }
0x80: {  	_ =	shalt  }
0x81: {  	_ =	shalt  }
0x82: {  	_ =	shalt  }
0x83: {  	_ =	shalt  }
0x84: {  	_ =	shalt  }
0x85: {  	_ =	shalt  }
0x86: {  	_ =	shalt  }
0x87: {  	_ =	shalt  }
.Lfunc_end0:
.L_simem_size_0:
called_computation_lowered:
.L_overlay_start_0:
0x88: {  	s2 =	sld [smem:$0x3FD9]  }
0x89: {  	s3 =	sld [smem:$0x3FFE];
	_ =	sdelay $0x1  }
0x8a: {  	s1 =	srdreg.scid  }
0x8b: {  	s0 =	sand.u32 $0x1, s1  }
0x8c: {  	s16 =	sshll.u32 s0, $0xA;
	s2 =	sadd.s32 s3, s2  }
0x8d: {  	s2 =	sadd.s32 s2, s16  }
0x8e: {  	[smem:$0x3FBC] =	sst s2  }
0x8f: {  	_ = 	snop  }
0x90: {  	(tm) =	ssettm $0x1  }
0x91: {  	s17 =	sld [smem:$0x3FFB];
	_ =	sdelay $0x3  }
0x92: {  	_ =	strace s17  }
0x93: {  	s2 =	sld [smem:$0x3FFC];
	_ =	sdelay $0x3  }
0x94: {  	_ =	strace s2  }
0x95: {  	s2 =	sld [smem:$0x3FFD];
	_ =	sdelay $0x3  }
0x96: {  	_ =	strace s2  }
0x97: {  	_ =	strace $0x8FFFFFFF  }
0x98: {  	s18 =	sld [smem:$0x3FDB];
	_ =	sdelay $0x1  }
0x99: {  	s19 =	simm.s32 $_scs_section_size  }
0x9a: {  	s4 =	simm.s32 $_size__tile_overlayer_lowered;
	s5 =	simm.s32 $_tile_overlayer_lowered  }
0x9b: {  	s22 =	simm.s32 $0x1BFF;
	s21 =	sshll.u32 s5, $0x1;
	s2 =	sadd.s32 s19, s18  }
0x9c: {  	s6 =	simm.s32 $0x0;
	s20 =	sshll.u32 s4, $0x1;
	s4 =	sadd.s32 s21, s2  }
0x9d: {  	[timem:s6], [sflag:s22] =	dma.local [hbm:s4], s20  }
0x9e: {  	_ =	swait.ge [sflag:s22], s20  }
0x9f: {  	s3 =	ssub.s32 $0x0, s20;
	[sflag:s22] =	ssyncset.done $0x0  }
0xa0: {  	[sflag:s22] =	ssyncadd.s32 s3;
	_ =	sdelay $0x1  }
0xa1: {  	s23 =	simm.s32 $0x1B8B  }
0xa2: {  	_ =	swait.ge [sflag:s23], $0x1  }
0xa3: {  	[sflag:s23] =	ssyncset.done $0x0  }
0xa4: {  	s25 =	simm.s32 $0x1B8E;
	s24 =	sld [smem:$0x3FFE];
	[sflag:s23] =	ssyncadd.s32 $0xFFFFFFFF  }
0xa5: {  	s26 =	simm.s32 $execute0_lowered;
	[smem:$0x3FD2] =	sst s25  }
0xa6: {  	s4 =	sshll.u32 s26, $0x1;
	_ =	strace $0x80000046;
	[dreg:$0x1] =	wrdreg $0xFFFFFFFF  }
0xa7: {  	s28 =	simm.s32 $_size_execute0_lowered;
	s2 =	sadd.s32 s2, s4;
	[dreg:$0x0] =	wrdreg $0x0  }
0xa8: {  	s4 =	sshll.u32 s28, $0x1;
	[dreg:$0x2] =	wrdreg s2  }
0xa9: {  	[dreg:$0x3] =	wrdreg s4  }
0xaa: {  	[dreg:$0x4] =	wrdreg $0xC0  }
0xab: {  	_ =	task [dreg:s6], $0x5FFFF  }
0xac: {  	[dreg:$0x1] =	wrdreg $0xFFFFFFFF  }
0xad: {  	[dreg:$0x0] =	wrdreg $0x60  }
0xae: {  	[dreg:$0x2] =	wrdreg s24  }
0xaf: {  	[dreg:$0x3] =	wrdreg $0x9  }
0xb0: {  	_ =	task.clear_ibuf [dreg:s6], $0x4FFFF;
	_ =	strace $0x90000046  }
0xb1: {  	s29 =	simm.s32 $0x9;
	_ =	strace $0x80000048  }
0xb2: {  	_ =	swait.ge [sflag:s29], $0x1  }
0xb3: {  	[sflag:s29] =	ssyncadd.s32 $0xFFFFFFFF  }
0xb4: {  	_ =	strace $0x90000048  }
0xb5: {  	_ =	sfence  }
0xb6: {  	s30 =	sld [smem:$0x0];
	_ =	sdelay $0x2  }
0xb7: {  	s31 =	sshll.u32 s1, $0xD;
	s1 =	sshrl.u32 s1, $0x2  }
0xb8: {  	s3 =	sand.u32 $0x4000, s31;
	s1 =	sadd.s32 s1, s30  }
0xb9: {  	s0 =	sor.u32 s3, s0;
	s1 =	sshll.u32 s1, $0x11  }
0xba: {  	s0 =	sor.u32 s1, s0  }
0xbb: {  	s0 =	sadd.s32 $0x8F2B, s0  }
0xbc: {  	[sflag:s0] =	ssyncadd.remote.s32 $0x1  }
0xbd: {  	_ =	sfence.sel $0xFFFF  }
0xbe: {  	[dreg:$0x0] =	wrdreg $0xFFFFFFFF;
	(pc) =	sbr.abs _section_cstart, $3  }
0xbf: {  	[dreg:$0x1] =	wrdreg $0xFFFFFFFF  }
0xc0: {  	_ =	task.clear_ibuf [dreg:s6], $0x2FFFF;
	_ =	strace $0x9FFFFFFF  }
0xc1: {  	(tm) =	ssettm $0x7FFFFFFF  }
tec
execute0_lowered:
.L_overlay_start_1:
0x0: {  	(tag) =	ssettag $0x1  }
0x1: {  	s0 =	srdreg.scid;
	s2 =	stileid.u32  }
0x2: {  	s1 =	rddreg [dreg:$0x0];
	s7 =	simm.s32 $0x7;
	s8 =	simm.s32 $0x80  }
0x3: {  	s9 =	simm.s32 $0x6400;
	s10 =	simm.s32 $0x48;
	s11 =	simm.s32 $0x8400  }
0x4: {  	s13 =	simm.s32 $0x9600;
	s15 =	simm.s32 $0xB600;
	s28 =	simm.s32 $0x14C00  }
0x5: {  	s29 =	simm.s32 $0x3E8;
	s30 =	simm.s32 $0x15E00;
	s31 =	simm.s32 $0x468  }
0x6: {  	s12 =	simm.s32 $0x2;
	s14 =	simm.s32 $0x3;
	s16 =	simm.s32 $0x4  }
0x7: {  	s17 =	simm.s32 $0x5;
	s18 =	simm.s32 $0x6;
	s19 =	simm.s32 $0x19000  }
0x8: {  	s20 =	simm.s32 $0x0;
	s0 =	sand.u32 $0x1, s0;
	s3 =	sshll.u32 s2, $0x8  }
0x9: {  	s2 =	simm.s32 $0x0;
	s4 =	sshll.u32 s0, $0x7;
	s0 =	ssub.s32 $0x2, s0  }
0xa: {  	[smem:$0x7FF] =	sst s2;
	s3 =	sor.u32 s4, s3;
	s6 =	sshrl.u32 s0, $0x1  }
0xb: {  	_ =	strace $0x80000047;
	s4 =	smul.u32 $0x19, s3;
	s0 =	ssub.s32 s0, s6  }
0xc: {  	s5 =	sshll.u32 s3, $0x3;
	s3 =	sadd.s32 $0x1A800, s1;
	s6 =	smax.u32 s0, $0x1  }
0xd: {  	s0 =	simm.s32 $0x1;
	s4 =	sadd.s32 s4, s1;
	s1 =	sadd.s32 s5, s1  }
0xe: {  	s4 =	sadd.s32 $0x1800, s4;
	s5 =	sadd.s32 $0x7DA800, s1;
	s1 =	simm.s32 $0x17E00  }
.LBB2_1:
0xf: {  	[tilespmem:s2], [sflag:$0x7] =	stream.linear.gather [hbm4b:s4+s2], $0x6400, $0x38;
	[tilespmem:$0x1B000] =	vst v63  }
0x10: {  	_ =	swait.ge [sflag:s7], $0x6400  }
0x11: {  	[sflag:s7] =	ssyncset.done $0x0  }
0x12: {  	[sflag:s7] =	ssyncadd.s32 $0xFFFF9C00  }
0x13: {  	[tilespmem:s9], [sflag:$0x1] =	stream.indirect.gather [hbm4b:s3+s8], $0x40, s2, s8, $0xb8;
	[tilespmem:$0x1B000] =	vst v63  }
0x14: {  	_ = 	snop  }
0x15: {  	[tilespmem:s11], [sflag:$0x1] =	stream.indirect.gather [hbm4b:s3+s10], $0x40, s8, s10, $0xb8;
	[tilespmem:$0x1B000] =	vst v63  }
0x16: {  	s21 =	simm.s32 $0xC8  }
0x17: {  	[tilespmem:s13], [sflag:$0x2] =	stream.indirect.gather [hbm4b:s3+s8], $0x40, s21, s8, $0xb8;
	[tilespmem:$0x1B000] =	vst v63  }
0x18: {  	s25 =	simm.s32 $0x148  }
0x19: {  	[tilespmem:s15], [sflag:$0x2] =	stream.indirect.gather [hbm4b:s3+s10], $0x40, s25, s10, $0xb8;
	[tilespmem:$0x1B000] =	vst v63  }
0x1a: {  	s26 =	simm.s32 $0x190;
	s22 =	simm.s32 $0xC800  }
0x1b: {  	[tilespmem:s22], [sflag:$0x3] =	stream.indirect.gather [hbm4b:s3+s8], $0x40, s26, s8, $0xb8;
	[tilespmem:$0x1B000] =	vst v63  }
0x1c: {  	s23 =	simm.s32 $0x210;
	s24 =	simm.s32 $0xE800  }
0x1d: {  	[tilespmem:s24], [sflag:$0x3] =	stream.indirect.gather [hbm4b:s3+s10], $0x40, s23, s10, $0xb8;
	[tilespmem:$0x1B000] =	vst v63  }
0x1e: {  	s25 =	simm.s32 $0x258;
	s26 =	simm.s32 $0xFA00  }
0x1f: {  	[tilespmem:s26], [sflag:$0x4] =	stream.indirect.gather [hbm4b:s3+s8], $0x40, s25, s8, $0xb8;
	[tilespmem:$0x1B000] =	vst v63  }
0x20: {  	s22 =	simm.s32 $0x2D8;
	s23 =	simm.s32 $0x11A00  }
0x21: {  	[tilespmem:s23], [sflag:$0x4] =	stream.indirect.gather [hbm4b:s3+s10], $0x40, s22, s10, $0xb8;
	[tilespmem:$0x1B000] =	vst v63  }
0x22: {  	s24 =	simm.s32 $0x320;
	s25 =	simm.s32 $0x12C00  }
0x23: {  	[tilespmem:s25], [sflag:$0x5] =	stream.indirect.gather [hbm4b:s3+s8], $0x40, s24, s8, $0xb8;
	[tilespmem:$0x1B000] =	vst v63  }
0x24: {  	s26 =	simm.s32 $0x3A0  }
0x25: {  	[tilespmem:s28], [sflag:$0x5] =	stream.indirect.gather [hbm4b:s3+s10], $0x40, s26, s10, $0xb8;
	[tilespmem:$0x1B000] =	vst v63  }
0x26: {  	_ = 	snop  }
0x27: {  	[tilespmem:s30], [sflag:$0x6] =	stream.indirect.gather [hbm4b:s3+s8], $0x40, s29, s8, $0xb8;
	[tilespmem:$0x1B000] =	vst v63  }
0x28: {  	s21 =	simm.s32 $0x0  }
0x29: {  	[tilespmem:s1], [sflag:$0x6] =	stream.indirect.gather [hbm4b:s3+s10], $0x40, s31, s10, $0xb8;
	[tilespmem:$0x1B000] =	vst v63  }
.LBB2_2:
0x2a: {  	_ =	swait.ge [sflag:s0], $0x3200  }
0x2b: {  	[sflag:s0] =	ssyncset.done $0x0  }
0x2c: {  	s24 =	simm.s32 $0x0;
	[sflag:s0] =	ssyncadd.s32 $0xFFFFCE00  }
0x2d: {  	v0 =	vld [tilespmem:s24+$0x65F0]  }
0x2e: {  	v2 =	vld [tilespmem:s24+$0x6400]  }
0x2f: {  	v3 =	vld [tilespmem:s24+$0x6410]  }
0x30: {  	v4 =	vld [tilespmem:s24+$0x6420]  }
0x31: {  	v5 =	vld [tilespmem:s24+$0x6430]  }
0x32: {  	v6 =	vld [tilespmem:s24+$0x6440]  }
0x33: {  	v7 =	vld [tilespmem:s24+$0x6450]  }
0x34: {  	v8 =	vld [tilespmem:s24+$0x6460]  }
0x35: {  	v9 =	vld [tilespmem:s24+$0x6470]  }
0x36: {  	v10 =	vld [tilespmem:s24+$0x6480]  }
0x37: {  	v11 =	vld [tilespmem:s24+$0x6490]  }
0x38: {  	v12 =	vld [tilespmem:s24+$0x64A0]  }
0x39: {  	v13 =	vld [tilespmem:s24+$0x64B0]  }
0x3a: {  	v20 =	vld [tilespmem:s24+$0x64C0]  }
0x3b: {  	v21 =	vld [tilespmem:s24+$0x64D0]  }
0x3c: {  	v22 =	vld [tilespmem:s24+$0x64E0]  }
0x3d: {  	v23 =	vld [tilespmem:s24+$0x64F0]  }
0x3e: {  	v27 =	vimm.f32 $0.0e+00;
	v24 =	vld [tilespmem:s24+$0x6500]  }
0x3f: {  	v25 =	vld [tilespmem:s24+$0x6520];
	v1 =	vadd.f32 v0, v27;
	v14 =	vadd.f32 v2, v27  }
0x40: {  	v26 =	vld [tilespmem:s24+$0x6530];
	v2 =	vadd.f32 v3, v27;
	v15 =	vadd.f32 v4, v27  }
0x41: {  	v28 =	vld [tilespmem:s24+$0x6540];
	v3 =	vadd.f32 v5, v27;
	v16 =	vadd.f32 v6, v27  }
0x42: {  	v29 =	vld [tilespmem:s24+$0x6550];
	v4 =	vadd.f32 v7, v27;
	v17 =	vadd.f32 v8, v27  }
0x43: {  	v30 =	vld [tilespmem:s24+$0x6560];
	v5 =	vadd.f32 v9, v27;
	v18 =	vadd.f32 v10, v27  }
0x44: {  	v31 =	vld [tilespmem:s24+$0x6570];
	v6 =	vadd.f32 v11, v27;
	v19 =	vadd.f32 v12, v27  }
0x45: {  	v35 =	vld [tilespmem:s24+$0x6580];
	v7 =	vadd.f32 v13, v27;
	v20 =	vadd.f32 v20, v27  }
0x46: {  	v0 =	vld [tilespmem:s24+$0x6510];
	v8 =	vadd.f32 v21, v27;
	v21 =	vadd.f32 v22, v27  }
0x47: {  	v36 =	vld [tilespmem:s24+$0x6590];
	v9 =	vadd.f32 v23, v27;
	v22 =	vadd.f32 v24, v27  }
0x48: {  	v32 =	vld [tilespmem:s24+$0x65A0];
	v11 =	vadd.f32 v25, v27;
	v12 =	vadd.f32 v28, v27  }
0x49: {  	v33 =	vld [tilespmem:s24+$0x65B0];
	v13 =	vadd.f32 v29, v27;
	v23 =	vadd.f32 v30, v27  }
0x4a: {  	v34 =	vld [tilespmem:s24+$0x65C0];
	v24 =	vadd.f32 v31, v27;
	v25 =	vadd.f32 v35, v27;
	v28 =	vimm.f32 $0.0e+00  }
0x4b: {  	v35 =	vld [tilespmem:s24+$0x65D0];
	v31 =	vimm.f32 $0.0e+00;
	v29 =	vimm.f32 $0.0e+00;
	v10 =	vadd.f32 v0, v27  }
0x4c: {  	s22 =	simm.s32 $0x200;
	s23 =	simm.s32 $0x1000;
	v30 =	vimm.f32 $0.0e+00;
	v0 =	vadd.f32 v26, v27;
	v26 =	vadd.f32 v36, v27;
	v36 =	vld [tilespmem:s24+$0x65E0]  }
.LBB2_3:
0x4d: {  	p0 =	sne.s32 s23, $0xC000;
	v37 =	vld [tilespmem:s22+$0x65F0];
	v27 =	vadd.f32 v32, v27  }
0x4e: {  	v32 =	vld [tilespmem:s22+$0x6400];
	v28 =	vadd.f32 v33, v28  }
0x4f: {  	v33 =	vld [tilespmem:s22+$0x6410];
	v31 =	vadd.f32 v34, v31  }
0x50: {  	v34 =	vld [tilespmem:s22+$0x6420];
	v29 =	vadd.f32 v35, v29  }
0x51: {  	v35 =	vld [tilespmem:s22+$0x6430];
	v30 =	vadd.f32 v36, v30  }
0x52: {  	v36 =	vld [tilespmem:s22+$0x6440];
	v1 =	vadd.f32 v37, v1  }
0x53: {  	v14 =	vadd.f32 v32, v14;
	v32 =	vld [tilespmem:s22+$0x6450]  }
0x54: {  	v2 =	vadd.f32 v33, v2;
	v33 =	vld [tilespmem:s22+$0x6460]  }
0x55: {  	v15 =	vadd.f32 v34, v15;
	v34 =	vld [tilespmem:s22+$0x6470]  }
0x56: {  	v3 =	vadd.f32 v35, v3;
	v35 =	vld [tilespmem:s22+$0x6480]  }
0x57: {  	v16 =	vadd.f32 v36, v16;
	v36 =	vld [tilespmem:s22+$0x6490]  }
0x58: {  	v4 =	vadd.f32 v32, v4;
	v32 =	vld [tilespmem:s22+$0x64A0]  }
0x59: {  	v17 =	vadd.f32 v33, v17;
	v33 =	vld [tilespmem:s22+$0x64B0]  }
0x5a: {  	v5 =	vadd.f32 v34, v5;
	v34 =	vld [tilespmem:s22+$0x64C0]  }
0x5b: {  	v18 =	vadd.f32 v35, v18;
	v35 =	vld [tilespmem:s22+$0x64D0]  }
0x5c: {  	v6 =	vadd.f32 v36, v6;
	v36 =	vld [tilespmem:s22+$0x64E0]  }
0x5d: {  	v19 =	vadd.f32 v32, v19;
	v32 =	vld [tilespmem:s22+$0x64F0]  }
0x5e: {  	v7 =	vadd.f32 v33, v7;
	v33 =	vld [tilespmem:s22+$0x6500]  }
0x5f: {  	v20 =	vadd.f32 v34, v20;
	v34 =	vld [tilespmem:s22+$0x6510]  }
0x60: {  	v8 =	vadd.f32 v35, v8;
	v35 =	vld [tilespmem:s22+$0x6520]  }
0x61: {  	v21 =	vadd.f32 v36, v21;
	v36 =	vld [tilespmem:s22+$0x6530]  }
0x62: {  	v9 =	vadd.f32 v32, v9;
	v32 =	vld [tilespmem:s22+$0x6540]  }
0x63: {  	v22 =	vadd.f32 v33, v22;
	v33 =	vld [tilespmem:s22+$0x6550]  }
0x64: {  	v10 =	vadd.f32 v34, v10;
	v34 =	vld [tilespmem:s22+$0x6560]  }
0x65: {  	v11 =	vadd.f32 v35, v11;
	v35 =	vld [tilespmem:s22+$0x6570]  }
0x66: {  	v0 =	vadd.f32 v36, v0;
	v36 =	vld [tilespmem:s22+$0x6580]  }
0x67: {  	v12 =	vadd.f32 v32, v12;
	v37 =	vld [tilespmem:s22+$0x6590]  }
.Ltmp0:
0x68: {  	v13 =	vadd.f32 v33, v13;
	v32 =	vld [tilespmem:s22+$0x65A0];
	(pc) =	sbr.rel @p0 .LBB2_3-.Ltmp0, $4  }
0x69: {  	v23 =	vadd.f32 v34, v23;
	v33 =	vld [tilespmem:s22+$0x65B0]  }
0x6a: {  	v24 =	vadd.f32 v35, v24;
	v34 =	vld [tilespmem:s22+$0x65C0]  }
0x6b: {  	v25 =	vadd.f32 v36, v25;
	v35 =	vld [tilespmem:s22+$0x65D0]  }
0x6c: {  	v26 =	vadd.f32 v37, v26;
	v36 =	vld [tilespmem:s22+$0x65E0];
	s22 =	sshra.s32 s23, $0x2;
	s23 =	sadd.s32 $0x800, s23  }
0x6d: {  	v37 =	vld [tilespmem:s22+$0x65F0]  }
0x6e: {  	v38 =	vld [tilespmem:s22+$0x6400]  }
0x6f: {  	v39 =	vld [tilespmem:s22+$0x6410]  }
0x70: {  	v40 =	vld [tilespmem:s22+$0x6420]  }
0x71: {  	v41 =	vld [tilespmem:s22+$0x6430]  }
0x72: {  	v42 =	vld [tilespmem:s22+$0x6440]  }
0x73: {  	v43 =	vld [tilespmem:s22+$0x6450]  }
0x74: {  	v44 =	vld [tilespmem:s22+$0x6460]  }
0x75: {  	v45 =	vld [tilespmem:s22+$0x6470]  }
0x76: {  	v46 =	vld [tilespmem:s22+$0x6480]  }
0x77: {  	v47 =	vld [tilespmem:s22+$0x6490]  }
0x78: {  	v48 =	vld [tilespmem:s22+$0x64A0]  }
0x79: {  	v49 =	vld [tilespmem:s22+$0x64B0]  }
0x7a: {  	v50 =	vld [tilespmem:s22+$0x64C0]  }
0x7b: {  	v51 =	vld [tilespmem:s22+$0x64D0]  }
0x7c: {  	v52 =	vld [tilespmem:s22+$0x64E0]  }
0x7d: {  	v53 =	vld [tilespmem:s22+$0x64F0];
	v27 =	vadd.f32 v32, v27  }
0x7e: {  	v59 =	vld [tilespmem:s22+$0x6500];
	v28 =	vadd.f32 v33, v28;
	v31 =	vadd.f32 v34, v31  }
0x7f: {  	v60 =	vld [tilespmem:s22+$0x6520];
	v29 =	vadd.f32 v35, v29;
	v30 =	vadd.f32 v36, v30  }
0x80: {  	v61 =	vld [tilespmem:s22+$0x6530];
	v1 =	vadd.f32 v37, v1;
	v14 =	vadd.f32 v38, v14  }
0x81: {  	v62 =	vld [tilespmem:s22+$0x6540];
	v2 =	vadd.f32 v39, v2;
	v15 =	vadd.f32 v40, v15  }
0x82: {  	v63 =	vld [tilespmem:s22+$0x6550];
	v3 =	vadd.f32 v41, v3;
	v16 =	vadd.f32 v42, v16  }
0x83: {  	v54 =	vld [tilespmem:s22+$0x6560];
	v4 =	vadd.f32 v43, v4;
	v17 =	vadd.f32 v44, v17  }
0x84: {  	v55 =	vld [tilespmem:s22+$0x6570];
	v5 =	vadd.f32 v45, v5;
	v18 =	vadd.f32 v46, v18  }
0x85: {  	v56 =	vld [tilespmem:s22+$0x6580];
	v6 =	vadd.f32 v47, v6;
	v19 =	vadd.f32 v48, v19  }
0x86: {  	v57 =	vld [tilespmem:s22+$0x6590];
	v7 =	vadd.f32 v49, v7;
	v20 =	vadd.f32 v50, v20  }
0x87: {  	v58 =	vld [tilespmem:s22+$0x65A0];
	v8 =	vadd.f32 v51, v8;
	v21 =	vadd.f32 v52, v21  }
0x88: {  	v33 =	vld [tilespmem:s22+$0x6510];
	v9 =	vadd.f32 v53, v9;
	v22 =	vadd.f32 v59, v22  }
0x89: {  	v11 =	vadd.f32 v60, v11;
	v0 =	vadd.f32 v61, v0  }
0x8a: {  	v12 =	vadd.f32 v62, v12;
	v13 =	vadd.f32 v63, v13  }
0x8b: {  	v23 =	vadd.f32 v54, v23;
	v24 =	vadd.f32 v55, v24  }
0x8c: {  	v59 =	vld [tilespmem:s22+$0x65C0];
	v25 =	vadd.f32 v56, v25;
	v26 =	vadd.f32 v57, v26  }
0x8d: {  	v60 =	vld [tilespmem:s22+$0x65D0];
	v27 =	vadd.f32 v58, v27;
	v10 =	vadd.f32 v33, v10  }
0x8e: {  	v14 =	vadd.f32 v22, v14;
	v12 =	vadd.f32 v12, v16  }
0x8f: {  	v18 =	vadd.f32 v25, v18;
	v4 =	vadd.f32 v13, v4  }
0x90: {  	v61 =	vld [tilespmem:s22+$0x65B0];
	v6 =	vadd.f32 v26, v6;
	v0 =	vadd.f32 v0, v3  }
0x91: {  	v3 =	vadd.f32 v24, v5;
	v1 =	vadd.f32 v1, v9  }
0x92: {  	v16 =	vld [tilespmem:s22+$0x65E0];
	v31 =	vadd.f32 v59, v31;
	v29 =	vadd.f32 v60, v29  }
0x93: {  	v2 =	vadd.f32 v10, v2;
	v10 =	vadd.f32 v18, v14  }
0x94: {  	v20 =	vadd.f32 v31, v20;
	v8 =	vadd.f32 v29, v8  }
0x95: {  	v2 =	vadd.f32 v6, v2;
	v6 =	vadd.f32 v61, v28  }
0x96: {  	v12 =	vadd.f32 v20, v12;
	v4 =	vadd.f32 v8, v4  }
0x97: {  	v5 =	vadd.f32 v6, v7;
	v8 =	vadd.f32 v16, v30  }
0x98: {  	v10 =	vadd.f32 v12, v10;
	v2 =	vadd.f32 v4, v2  }
0x99: {  	v4 =	vadd.f32 v11, v15;
	v11 =	vadd.f32 v23, v17  }
0x9a: {  	s25 =	smul.u32 $0x600, s21;
	v12 =	vadd.f32 v27, v19;
	v8 =	vadd.f32 v8, v21  }
0x9b: {  	v1 =	vadd.f32 v1, v3;
	v0 =	vadd.f32 v5, v0  }
0x9c: {  	s22 =	sshra.s32 s25, $0x2;
	v4 =	vadd.f32 v12, v4;
	v6 =	vadd.f32 v8, v11  }
0x9d: {  	s23 =	smul.u32 $0x12C0, s21;
	v0 =	vadd.f32 v1, v0;
	[tilespmem:s22+$0x19000] =	vst v10  }
0x9e: {  	[tilespmem:s22+$0x19010] =	vst v2;
	v3 =	vadd.f32 v6, v4  }
0x9f: {  	s23 =	sshra.s32 s23, $0x2;
	[tilespmem:s22+$0x19030] =	vst v0  }
0xa0: {  	s24 =	sadd.s32 $0x4B0, s23;
	[tilespmem:s22+$0x19020] =	vst v3  }
0xa1: {  	[tilespmem:s9], [sflag:$0x1] =	stream.indirect.gather [hbm4b:s3+s8], $0x40, s24, s8, $0xb8;
	[tilespmem:$0x1B000] =	vst v63  }
0xa2: {  	s26 =	sadd.s32 $0x530, s23  }
0xa3: {  	[tilespmem:s11], [sflag:$0x1] =	stream.indirect.gather [hbm4b:s3+s10], $0x40, s26, s10, $0xb8;
	[tilespmem:$0x1B000] =	vst v63  }
0xa4: {  	_ =	swait.ge [sflag:s12], $0x3200  }
0xa5: {  	[sflag:s12] =	ssyncset.done $0x0  }
0xa6: {  	s26 =	simm.s32 $0x0;
	[sflag:s12] =	ssyncadd.s32 $0xFFFFCE00  }
0xa7: {  	v0 =	vld [tilespmem:s26+$0x97F0]  }
0xa8: {  	v2 =	vld [tilespmem:s26+$0x9600]  }
0xa9: {  	v3 =	vld [tilespmem:s26+$0x9610]  }
0xaa: {  	v4 =	vld [tilespmem:s26+$0x9620]  }
0xab: {  	v5 =	vld [tilespmem:s26+$0x9630]  }
0xac: {  	v6 =	vld [tilespmem:s26+$0x9640]  }
0xad: {  	v7 =	vld [tilespmem:s26+$0x9650]  }
0xae: {  	v8 =	vld [tilespmem:s26+$0x9660]  }
0xaf: {  	v9 =	vld [tilespmem:s26+$0x9670]  }
0xb0: {  	v10 =	vld [tilespmem:s26+$0x9680]  }
0xb1: {  	v11 =	vld [tilespmem:s26+$0x9690]  }
0xb2: {  	v12 =	vld [tilespmem:s26+$0x96A0]  }
0xb3: {  	v13 =	vld [tilespmem:s26+$0x96B0]  }
0xb4: {  	v20 =	vld [tilespmem:s26+$0x96C0]  }
0xb5: {  	v21 =	vld [tilespmem:s26+$0x96D0]  }
0xb6: {  	v22 =	vld [tilespmem:s26+$0x96E0]  }
0xb7: {  	v23 =	vld [tilespmem:s26+$0x96F0]  }
0xb8: {  	v27 =	vimm.f32 $0.0e+00;
	v24 =	vld [tilespmem:s26+$0x9700]  }
0xb9: {  	v25 =	vld [tilespmem:s26+$0x9720];
	v1 =	vadd.f32 v0, v27;
	v14 =	vadd.f32 v2, v27  }
0xba: {  	v26 =	vld [tilespmem:s26+$0x9730];
	v2 =	vadd.f32 v3, v27;
	v15 =	vadd.f32 v4, v27  }
0xbb: {  	v28 =	vld [tilespmem:s26+$0x9740];
	v3 =	vadd.f32 v5, v27;
	v16 =	vadd.f32 v6, v27  }
0xbc: {  	v29 =	vld [tilespmem:s26+$0x9750];
	v4 =	vadd.f32 v7, v27;
	v17 =	vadd.f32 v8, v27  }
0xbd: {  	v30 =	vld [tilespmem:s26+$0x9760];
	v5 =	vadd.f32 v9, v27;
	v18 =	vadd.f32 v10, v27  }
0xbe: {  	v31 =	vld [tilespmem:s26+$0x9770];
	v6 =	vadd.f32 v11, v27;
	v19 =	vadd.f32 v12, v27  }
0xbf: {  	v62 =	vld [tilespmem:s26+$0x9780];
	v7 =	vadd.f32 v13, v27;
	v20 =	vadd.f32 v20, v27  }
0xc0: {  	v0 =	vld [tilespmem:s26+$0x9710];
	v8 =	vadd.f32 v21, v27;
	v21 =	vadd.f32 v22, v27  }
0xc1: {  	v63 =	vld [tilespmem:s26+$0x9790];
	v9 =	vadd.f32 v23, v27;
	v22 =	vadd.f32 v24, v27  }
0xc2: {  	v32 =	vld [tilespmem:s26+$0x97A0];
	v11 =	vadd.f32 v25, v27;
	v12 =	vadd.f32 v28, v27  }
0xc3: {  	v33 =	vld [tilespmem:s26+$0x97B0];
	v13 =	vadd.f32 v29, v27;
	v23 =	vadd.f32 v30, v27  }
0xc4: {  	v34 =	vld [tilespmem:s26+$0x97C0];
	v24 =	vadd.f32 v31, v27;
	v25 =	vadd.f32 v62, v27;
	v28 =	vimm.f32 $0.0e+00  }
0xc5: {  	v35 =	vld [tilespmem:s26+$0x97D0];
	v31 =	vimm.f32 $0.0e+00;
	v29 =	vimm.f32 $0.0e+00;
	v10 =	vadd.f32 v0, v27  }
0xc6: {  	s25 =	simm.s32 $0x1000;
	s24 =	simm.s32 $0x200;
	v36 =	vld [tilespmem:s26+$0x97E0];
	v30 =	vimm.f32 $0.0e+00;
	v0 =	vadd.f32 v26, v27;
	v26 =	vadd.f32 v63, v27  }
.LBB2_5:
0xc7: {  	p0 =	sne.s32 s25, $0xC000;
	v37 =	vld [tilespmem:s24+$0x97F0];
	v27 =	vadd.f32 v32, v27  }
0xc8: {  	v32 =	vld [tilespmem:s24+$0x9600];
	v28 =	vadd.f32 v33, v28  }
0xc9: {  	v33 =	vld [tilespmem:s24+$0x9610];
	v31 =	vadd.f32 v34, v31  }
0xca: {  	v34 =	vld [tilespmem:s24+$0x9620];
	v29 =	vadd.f32 v35, v29  }
0xcb: {  	v35 =	vld [tilespmem:s24+$0x9630];
	v30 =	vadd.f32 v36, v30  }
0xcc: {  	v36 =	vld [tilespmem:s24+$0x9640];
	v1 =	vadd.f32 v37, v1  }
0xcd: {  	v14 =	vadd.f32 v32, v14;
	v32 =	vld [tilespmem:s24+$0x9650]  }
0xce: {  	v2 =	vadd.f32 v33, v2;
	v33 =	vld [tilespmem:s24+$0x9660]  }
0xcf: {  	v15 =	vadd.f32 v34, v15;
	v34 =	vld [tilespmem:s24+$0x9670]  }
0xd0: {  	v3 =	vadd.f32 v35, v3;
	v35 =	vld [tilespmem:s24+$0x9680]  }
0xd1: {  	v16 =	vadd.f32 v36, v16;
	v36 =	vld [tilespmem:s24+$0x9690]  }
0xd2: {  	v4 =	vadd.f32 v32, v4;
	v32 =	vld [tilespmem:s24+$0x96A0]  }
0xd3: {  	v17 =	vadd.f32 v33, v17;
	v33 =	vld [tilespmem:s24+$0x96B0]  }
0xd4: {  	v5 =	vadd.f32 v34, v5;
	v34 =	vld [tilespmem:s24+$0x96C0]  }
0xd5: {  	v18 =	vadd.f32 v35, v18;
	v35 =	vld [tilespmem:s24+$0x96D0]  }
0xd6: {  	v6 =	vadd.f32 v36, v6;
	v36 =	vld [tilespmem:s24+$0x96E0]  }
0xd7: {  	v19 =	vadd.f32 v32, v19;
	v32 =	vld [tilespmem:s24+$0x96F0]  }
0xd8: {  	v7 =	vadd.f32 v33, v7;
	v33 =	vld [tilespmem:s24+$0x9700]  }
0xd9: {  	v20 =	vadd.f32 v34, v20;
	v34 =	vld [tilespmem:s24+$0x9710]  }
0xda: {  	v8 =	vadd.f32 v35, v8;
	v35 =	vld [tilespmem:s24+$0x9720]  }
0xdb: {  	v21 =	vadd.f32 v36, v21;
	v36 =	vld [tilespmem:s24+$0x9730]  }
0xdc: {  	v9 =	vadd.f32 v32, v9;
	v32 =	vld [tilespmem:s24+$0x9740]  }
0xdd: {  	v22 =	vadd.f32 v33, v22;
	v33 =	vld [tilespmem:s24+$0x9750]  }
0xde: {  	v10 =	vadd.f32 v34, v10;
	v34 =	vld [tilespmem:s24+$0x9760]  }
0xdf: {  	v11 =	vadd.f32 v35, v11;
	v35 =	vld [tilespmem:s24+$0x9770]  }
0xe0: {  	v0 =	vadd.f32 v36, v0;
	v36 =	vld [tilespmem:s24+$0x9780]  }
0xe1: {  	v12 =	vadd.f32 v32, v12;
	v37 =	vld [tilespmem:s24+$0x9790]  }
.Ltmp1:
0xe2: {  	v13 =	vadd.f32 v33, v13;
	v32 =	vld [tilespmem:s24+$0x97A0];
	(pc) =	sbr.rel @p0 .LBB2_5-.Ltmp1, $4  }
0xe3: {  	v23 =	vadd.f32 v34, v23;
	v33 =	vld [tilespmem:s24+$0x97B0]  }
0xe4: {  	v24 =	vadd.f32 v35, v24;
	v34 =	vld [tilespmem:s24+$0x97C0]  }
0xe5: {  	v25 =	vadd.f32 v36, v25;
	v35 =	vld [tilespmem:s24+$0x97D0]  }
0xe6: {  	v26 =	vadd.f32 v37, v26;
	v36 =	vld [tilespmem:s24+$0x97E0];
	s24 =	sshra.s32 s25, $0x2;
	s25 =	sadd.s32 $0x800, s25  }
0xe7: {  	v37 =	vld [tilespmem:s24+$0x97F0]  }
0xe8: {  	v38 =	vld [tilespmem:s24+$0x9600]  }
0xe9: {  	v39 =	vld [tilespmem:s24+$0x9610]  }
0xea: {  	v40 =	vld [tilespmem:s24+$0x9620]  }
0xeb: {  	v41 =	vld [tilespmem:s24+$0x9630]  }
0xec: {  	v42 =	vld [tilespmem:s24+$0x9640]  }
0xed: {  	v43 =	vld [tilespmem:s24+$0x9650]  }
0xee: {  	v44 =	vld [tilespmem:s24+$0x9660]  }
0xef: {  	v45 =	vld [tilespmem:s24+$0x9670]  }
0xf0: {  	v46 =	vld [tilespmem:s24+$0x9680]  }
0xf1: {  	v47 =	vld [tilespmem:s24+$0x9690]  }
0xf2: {  	v48 =	vld [tilespmem:s24+$0x96A0]  }
0xf3: {  	v49 =	vld [tilespmem:s24+$0x96B0]  }
0xf4: {  	v50 =	vld [tilespmem:s24+$0x96C0]  }
0xf5: {  	v51 =	vld [tilespmem:s24+$0x96D0]  }
0xf6: {  	v52 =	vld [tilespmem:s24+$0x96E0]  }
0xf7: {  	v53 =	vld [tilespmem:s24+$0x96F0];
	v27 =	vadd.f32 v32, v27  }
0xf8: {  	v59 =	vld [tilespmem:s24+$0x9700];
	v28 =	vadd.f32 v33, v28;
	v31 =	vadd.f32 v34, v31  }
0xf9: {  	v60 =	vld [tilespmem:s24+$0x9720];
	v29 =	vadd.f32 v35, v29;
	v30 =	vadd.f32 v36, v30  }
0xfa: {  	v61 =	vld [tilespmem:s24+$0x9730];
	v1 =	vadd.f32 v37, v1;
	v14 =	vadd.f32 v38, v14  }
0xfb: {  	v62 =	vld [tilespmem:s24+$0x9740];
	v2 =	vadd.f32 v39, v2;
	v15 =	vadd.f32 v40, v15  }
0xfc: {  	v63 =	vld [tilespmem:s24+$0x9750];
	v3 =	vadd.f32 v41, v3;
	v16 =	vadd.f32 v42, v16  }
0xfd: {  	v54 =	vld [tilespmem:s24+$0x9760];
	v4 =	vadd.f32 v43, v4;
	v17 =	vadd.f32 v44, v17  }
0xfe: {  	v55 =	vld [tilespmem:s24+$0x9770];
	v5 =	vadd.f32 v45, v5;
	v18 =	vadd.f32 v46, v18  }
0xff: {  	v56 =	vld [tilespmem:s24+$0x9780];
	v6 =	vadd.f32 v47, v6;
	v19 =	vadd.f32 v48, v19  }
0x100: {  	v57 =	vld [tilespmem:s24+$0x9790];
	v7 =	vadd.f32 v49, v7;
	v20 =	vadd.f32 v50, v20  }
0x101: {  	v58 =	vld [tilespmem:s24+$0x97A0];
	v8 =	vadd.f32 v51, v8;
	v21 =	vadd.f32 v52, v21  }
0x102: {  	v33 =	vld [tilespmem:s24+$0x9710];
	v9 =	vadd.f32 v53, v9;
	v22 =	vadd.f32 v59, v22  }
0x103: {  	v11 =	vadd.f32 v60, v11;
	v0 =	vadd.f32 v61, v0  }
0x104: {  	v12 =	vadd.f32 v62, v12;
	v13 =	vadd.f32 v63, v13  }
0x105: {  	v23 =	vadd.f32 v54, v23;
	v24 =	vadd.f32 v55, v24  }
0x106: {  	v59 =	vld [tilespmem:s24+$0x97C0];
	v25 =	vadd.f32 v56, v25;
	v26 =	vadd.f32 v57, v26  }
0x107: {  	v60 =	vld [tilespmem:s24+$0x97D0];
	v27 =	vadd.f32 v58, v27;
	v10 =	vadd.f32 v33, v10  }
0x108: {  	v14 =	vadd.f32 v22, v14;
	v12 =	vadd.f32 v12, v16  }
0x109: {  	v18 =	vadd.f32 v25, v18;
	v4 =	vadd.f32 v13, v4  }
0x10a: {  	v61 =	vld [tilespmem:s24+$0x97B0];
	v6 =	vadd.f32 v26, v6;
	v0 =	vadd.f32 v0, v3  }
0x10b: {  	v3 =	vadd.f32 v24, v5;
	v1 =	vadd.f32 v1, v9  }
0x10c: {  	v16 =	vld [tilespmem:s24+$0x97E0];
	v31 =	vadd.f32 v59, v31;
	v29 =	vadd.f32 v60, v29  }
0x10d: {  	v2 =	vadd.f32 v10, v2;
	v10 =	vadd.f32 v18, v14  }
0x10e: {  	v20 =	vadd.f32 v31, v20;
	v8 =	vadd.f32 v29, v8  }
0x10f: {  	v2 =	vadd.f32 v6, v2;
	v6 =	vadd.f32 v61, v28  }
0x110: {  	v12 =	vadd.f32 v20, v12;
	v4 =	vadd.f32 v8, v4  }
0x111: {  	v5 =	vadd.f32 v6, v7;
	v8 =	vadd.f32 v16, v30  }
0x112: {  	v10 =	vadd.f32 v12, v10;
	v2 =	vadd.f32 v4, v2  }
0x113: {  	v4 =	vadd.f32 v11, v15;
	v11 =	vadd.f32 v23, v17  }
0x114: {  	v12 =	vadd.f32 v27, v19;
	v8 =	vadd.f32 v8, v21  }
0x115: {  	v1 =	vadd.f32 v1, v3;
	v0 =	vadd.f32 v5, v0  }
0x116: {  	v4 =	vadd.f32 v12, v4;
	v6 =	vadd.f32 v8, v11  }
0x117: {  	v0 =	vadd.f32 v1, v0;
	[tilespmem:s22+$0x19040] =	vst v10  }
0x118: {  	[tilespmem:s22+$0x19050] =	vst v2;
	v3 =	vadd.f32 v6, v4  }
0x119: {  	[tilespmem:s22+$0x19070] =	vst v0  }
0x11a: {  	s25 =	sadd.s32 $0x578, s23;
	[tilespmem:s22+$0x19060] =	vst v3  }
0x11b: {  	[tilespmem:s13], [sflag:$0x2] =	stream.indirect.gather [hbm4b:s3+s8], $0x40, s25, s8, $0xb8;
	[tilespmem:$0x1B000] =	vst v63  }
0x11c: {  	s26 =	sadd.s32 $0x5F8, s23  }
0x11d: {  	[tilespmem:s15], [sflag:$0x2] =	stream.indirect.gather [hbm4b:s3+s10], $0x40, s26, s10, $0xb8;
	[tilespmem:$0x1B000] =	vst v63  }
0x11e: {  	_ =	swait.ge [sflag:s14], $0x3200  }
0x11f: {  	[sflag:s14] =	ssyncset.done $0x0  }
0x120: {  	s26 =	simm.s32 $0x0;
	[sflag:s14] =	ssyncadd.s32 $0xFFFFCE00  }
0x121: {  	v0 =	vld [tilespmem:s26+$0xC9F0]  }
0x122: {  	v2 =	vld [tilespmem:s26+$0xC800]  }
0x123: {  	v3 =	vld [tilespmem:s26+$0xC810]  }
0x124: {  	v4 =	vld [tilespmem:s26+$0xC820]  }
0x125: {  	v5 =	vld [tilespmem:s26+$0xC830]  }
0x126: {  	v6 =	vld [tilespmem:s26+$0xC840]  }
0x127: {  	v7 =	vld [tilespmem:s26+$0xC850]  }
0x128: {  	v8 =	vld [tilespmem:s26+$0xC860]  }
0x129: {  	v9 =	vld [tilespmem:s26+$0xC870]  }
0x12a: {  	v10 =	vld [tilespmem:s26+$0xC880]  }
0x12b: {  	v11 =	vld [tilespmem:s26+$0xC890]  }
0x12c: {  	v12 =	vld [tilespmem:s26+$0xC8A0]  }
0x12d: {  	v13 =	vld [tilespmem:s26+$0xC8B0]  }
0x12e: {  	v20 =	vld [tilespmem:s26+$0xC8C0]  }
0x12f: {  	v21 =	vld [tilespmem:s26+$0xC8D0]  }
0x130: {  	v22 =	vld [tilespmem:s26+$0xC8E0]  }
0x131: {  	v23 =	vld [tilespmem:s26+$0xC8F0]  }
0x132: {  	v27 =	vimm.f32 $0.0e+00;
	v24 =	vld [tilespmem:s26+$0xC900]  }
0x133: {  	v25 =	vld [tilespmem:s26+$0xC920];
	v1 =	vadd.f32 v0, v27;
	v14 =	vadd.f32 v2, v27  }
0x134: {  	v26 =	vld [tilespmem:s26+$0xC930];
	v2 =	vadd.f32 v3, v27;
	v15 =	vadd.f32 v4, v27  }
0x135: {  	v28 =	vld [tilespmem:s26+$0xC940];
	v3 =	vadd.f32 v5, v27;
	v16 =	vadd.f32 v6, v27  }
0x136: {  	v29 =	vld [tilespmem:s26+$0xC950];
	v4 =	vadd.f32 v7, v27;
	v17 =	vadd.f32 v8, v27  }
0x137: {  	v30 =	vld [tilespmem:s26+$0xC960];
	v5 =	vadd.f32 v9, v27;
	v18 =	vadd.f32 v10, v27  }
0x138: {  	v31 =	vld [tilespmem:s26+$0xC970];
	v6 =	vadd.f32 v11, v27;
	v19 =	vadd.f32 v12, v27  }
0x139: {  	v62 =	vld [tilespmem:s26+$0xC980];
	v7 =	vadd.f32 v13, v27;
	v20 =	vadd.f32 v20, v27  }
0x13a: {  	v0 =	vld [tilespmem:s26+$0xC910];
	v8 =	vadd.f32 v21, v27;
	v21 =	vadd.f32 v22, v27  }
0x13b: {  	v63 =	vld [tilespmem:s26+$0xC990];
	v9 =	vadd.f32 v23, v27;
	v22 =	vadd.f32 v24, v27  }
0x13c: {  	v32 =	vld [tilespmem:s26+$0xC9A0];
	v11 =	vadd.f32 v25, v27;
	v12 =	vadd.f32 v28, v27  }
0x13d: {  	v33 =	vld [tilespmem:s26+$0xC9B0];
	v13 =	vadd.f32 v29, v27;
	v23 =	vadd.f32 v30, v27  }
0x13e: {  	v34 =	vld [tilespmem:s26+$0xC9C0];
	v24 =	vadd.f32 v31, v27;
	v25 =	vadd.f32 v62, v27;
	v28 =	vimm.f32 $0.0e+00  }
0x13f: {  	v35 =	vld [tilespmem:s26+$0xC9D0];
	v31 =	vimm.f32 $0.0e+00;
	v29 =	vimm.f32 $0.0e+00;
	v10 =	vadd.f32 v0, v27  }
0x140: {  	s24 =	simm.s32 $0x200;
	s25 =	simm.s32 $0x1000;
	v36 =	vld [tilespmem:s26+$0xC9E0];
	v30 =	vimm.f32 $0.0e+00;
	v0 =	vadd.f32 v26, v27;
	v26 =	vadd.f32 v63, v27  }
.LBB2_7:
0x141: {  	p0 =	sne.s32 s25, $0xC000;
	v37 =	vld [tilespmem:s24+$0xC9F0];
	v27 =	vadd.f32 v32, v27  }
0x142: {  	v32 =	vld [tilespmem:s24+$0xC800];
	v28 =	vadd.f32 v33, v28  }
0x143: {  	v33 =	vld [tilespmem:s24+$0xC810];
	v31 =	vadd.f32 v34, v31  }
0x144: {  	v34 =	vld [tilespmem:s24+$0xC820];
	v29 =	vadd.f32 v35, v29  }
0x145: {  	v35 =	vld [tilespmem:s24+$0xC830];
	v30 =	vadd.f32 v36, v30  }
0x146: {  	v36 =	vld [tilespmem:s24+$0xC840];
	v1 =	vadd.f32 v37, v1  }
0x147: {  	v14 =	vadd.f32 v32, v14;
	v32 =	vld [tilespmem:s24+$0xC850]  }
0x148: {  	v2 =	vadd.f32 v33, v2;
	v33 =	vld [tilespmem:s24+$0xC860]  }
0x149: {  	v15 =	vadd.f32 v34, v15;
	v34 =	vld [tilespmem:s24+$0xC870]  }
0x14a: {  	v3 =	vadd.f32 v35, v3;
	v35 =	vld [tilespmem:s24+$0xC880]  }
0x14b: {  	v16 =	vadd.f32 v36, v16;
	v36 =	vld [tilespmem:s24+$0xC890]  }
0x14c: {  	v4 =	vadd.f32 v32, v4;
	v32 =	vld [tilespmem:s24+$0xC8A0]  }
0x14d: {  	v17 =	vadd.f32 v33, v17;
	v33 =	vld [tilespmem:s24+$0xC8B0]  }
0x14e: {  	v5 =	vadd.f32 v34, v5;
	v34 =	vld [tilespmem:s24+$0xC8C0]  }
0x14f: {  	v18 =	vadd.f32 v35, v18;
	v35 =	vld [tilespmem:s24+$0xC8D0]  }
0x150: {  	v6 =	vadd.f32 v36, v6;
	v36 =	vld [tilespmem:s24+$0xC8E0]  }
0x151: {  	v19 =	vadd.f32 v32, v19;
	v32 =	vld [tilespmem:s24+$0xC8F0]  }
0x152: {  	v7 =	vadd.f32 v33, v7;
	v33 =	vld [tilespmem:s24+$0xC900]  }
0x153: {  	v20 =	vadd.f32 v34, v20;
	v34 =	vld [tilespmem:s24+$0xC910]  }
0x154: {  	v8 =	vadd.f32 v35, v8;
	v35 =	vld [tilespmem:s24+$0xC920]  }
0x155: {  	v21 =	vadd.f32 v36, v21;
	v36 =	vld [tilespmem:s24+$0xC930]  }
0x156: {  	v9 =	vadd.f32 v32, v9;
	v32 =	vld [tilespmem:s24+$0xC940]  }
0x157: {  	v22 =	vadd.f32 v33, v22;
	v33 =	vld [tilespmem:s24+$0xC950]  }
0x158: {  	v10 =	vadd.f32 v34, v10;
	v34 =	vld [tilespmem:s24+$0xC960]  }
0x159: {  	v11 =	vadd.f32 v35, v11;
	v35 =	vld [tilespmem:s24+$0xC970]  }
0x15a: {  	v0 =	vadd.f32 v36, v0;
	v36 =	vld [tilespmem:s24+$0xC980]  }
0x15b: {  	v12 =	vadd.f32 v32, v12;
	v37 =	vld [tilespmem:s24+$0xC990]  }
.Ltmp2:
0x15c: {  	v13 =	vadd.f32 v33, v13;
	v32 =	vld [tilespmem:s24+$0xC9A0];
	(pc) =	sbr.rel @p0 .LBB2_7-.Ltmp2, $4  }
0x15d: {  	v23 =	vadd.f32 v34, v23;
	v33 =	vld [tilespmem:s24+$0xC9B0]  }
0x15e: {  	v24 =	vadd.f32 v35, v24;
	v34 =	vld [tilespmem:s24+$0xC9C0]  }
0x15f: {  	v25 =	vadd.f32 v36, v25;
	v35 =	vld [tilespmem:s24+$0xC9D0]  }
0x160: {  	v26 =	vadd.f32 v37, v26;
	v36 =	vld [tilespmem:s24+$0xC9E0];
	s24 =	sshra.s32 s25, $0x2;
	s25 =	sadd.s32 $0x800, s25  }
0x161: {  	v37 =	vld [tilespmem:s24+$0xC9F0]  }
0x162: {  	v38 =	vld [tilespmem:s24+$0xC800]  }
0x163: {  	v39 =	vld [tilespmem:s24+$0xC810]  }
0x164: {  	v40 =	vld [tilespmem:s24+$0xC820]  }
0x165: {  	v41 =	vld [tilespmem:s24+$0xC830]  }
0x166: {  	v42 =	vld [tilespmem:s24+$0xC840]  }
0x167: {  	v43 =	vld [tilespmem:s24+$0xC850]  }
0x168: {  	v44 =	vld [tilespmem:s24+$0xC860]  }
0x169: {  	v45 =	vld [tilespmem:s24+$0xC870]  }
0x16a: {  	v46 =	vld [tilespmem:s24+$0xC880]  }
0x16b: {  	v47 =	vld [tilespmem:s24+$0xC890]  }
0x16c: {  	v48 =	vld [tilespmem:s24+$0xC8A0]  }
0x16d: {  	v49 =	vld [tilespmem:s24+$0xC8B0]  }
0x16e: {  	v50 =	vld [tilespmem:s24+$0xC8C0]  }
0x16f: {  	v51 =	vld [tilespmem:s24+$0xC8D0]  }
0x170: {  	v52 =	vld [tilespmem:s24+$0xC8E0]  }
0x171: {  	v53 =	vld [tilespmem:s24+$0xC8F0];
	v27 =	vadd.f32 v32, v27  }
0x172: {  	v59 =	vld [tilespmem:s24+$0xC900];
	v28 =	vadd.f32 v33, v28;
	v31 =	vadd.f32 v34, v31  }
0x173: {  	v60 =	vld [tilespmem:s24+$0xC920];
	v29 =	vadd.f32 v35, v29;
	v30 =	vadd.f32 v36, v30  }
0x174: {  	v61 =	vld [tilespmem:s24+$0xC930];
	v1 =	vadd.f32 v37, v1;
	v14 =	vadd.f32 v38, v14  }
0x175: {  	v62 =	vld [tilespmem:s24+$0xC940];
	v2 =	vadd.f32 v39, v2;
	v15 =	vadd.f32 v40, v15  }
0x176: {  	v63 =	vld [tilespmem:s24+$0xC950];
	v3 =	vadd.f32 v41, v3;
	v16 =	vadd.f32 v42, v16  }
0x177: {  	v54 =	vld [tilespmem:s24+$0xC960];
	v4 =	vadd.f32 v43, v4;
	v17 =	vadd.f32 v44, v17  }
0x178: {  	v55 =	vld [tilespmem:s24+$0xC970];
	v5 =	vadd.f32 v45, v5;
	v18 =	vadd.f32 v46, v18  }
0x179: {  	v56 =	vld [tilespmem:s24+$0xC980];
	v6 =	vadd.f32 v47, v6;
	v19 =	vadd.f32 v48, v19  }
0x17a: {  	v57 =	vld [tilespmem:s24+$0xC990];
	v7 =	vadd.f32 v49, v7;
	v20 =	vadd.f32 v50, v20  }
0x17b: {  	v58 =	vld [tilespmem:s24+$0xC9A0];
	v8 =	vadd.f32 v51, v8;
	v21 =	vadd.f32 v52, v21  }
0x17c: {  	v33 =	vld [tilespmem:s24+$0xC910];
	v9 =	vadd.f32 v53, v9;
	v22 =	vadd.f32 v59, v22  }
0x17d: {  	v11 =	vadd.f32 v60, v11;
	v0 =	vadd.f32 v61, v0  }
0x17e: {  	v12 =	vadd.f32 v62, v12;
	v13 =	vadd.f32 v63, v13  }
0x17f: {  	v23 =	vadd.f32 v54, v23;
	v24 =	vadd.f32 v55, v24  }
0x180: {  	v59 =	vld [tilespmem:s24+$0xC9C0];
	v25 =	vadd.f32 v56, v25;
	v26 =	vadd.f32 v57, v26  }
0x181: {  	v60 =	vld [tilespmem:s24+$0xC9D0];
	v27 =	vadd.f32 v58, v27;
	v10 =	vadd.f32 v33, v10  }
0x182: {  	v14 =	vadd.f32 v22, v14;
	v12 =	vadd.f32 v12, v16  }
0x183: {  	v18 =	vadd.f32 v25, v18;
	v4 =	vadd.f32 v13, v4  }
0x184: {  	v61 =	vld [tilespmem:s24+$0xC9B0];
	v6 =	vadd.f32 v26, v6;
	v0 =	vadd.f32 v0, v3  }
0x185: {  	v3 =	vadd.f32 v24, v5;
	v1 =	vadd.f32 v1, v9  }
0x186: {  	v16 =	vld [tilespmem:s24+$0xC9E0];
	v31 =	vadd.f32 v59, v31;
	v29 =	vadd.f32 v60, v29  }
0x187: {  	v2 =	vadd.f32 v10, v2;
	v10 =	vadd.f32 v18, v14  }
0x188: {  	v20 =	vadd.f32 v31, v20;
	v8 =	vadd.f32 v29, v8  }
0x189: {  	v2 =	vadd.f32 v6, v2;
	v6 =	vadd.f32 v61, v28  }
0x18a: {  	v12 =	vadd.f32 v20, v12;
	v4 =	vadd.f32 v8, v4  }
0x18b: {  	v5 =	vadd.f32 v6, v7;
	v8 =	vadd.f32 v16, v30  }
0x18c: {  	v10 =	vadd.f32 v12, v10;
	v2 =	vadd.f32 v4, v2  }
0x18d: {  	v4 =	vadd.f32 v11, v15;
	v11 =	vadd.f32 v23, v17  }
0x18e: {  	v12 =	vadd.f32 v27, v19;
	v8 =	vadd.f32 v8, v21  }
0x18f: {  	v1 =	vadd.f32 v1, v3;
	v0 =	vadd.f32 v5, v0  }
0x190: {  	v4 =	vadd.f32 v12, v4;
	v6 =	vadd.f32 v8, v11  }
0x191: {  	v0 =	vadd.f32 v1, v0;
	[tilespmem:s22+$0x19080] =	vst v10  }
0x192: {  	[tilespmem:s22+$0x19090] =	vst v2;
	v3 =	vadd.f32 v6, v4  }
0x193: {  	p0 =	seq.s32 s21, $0x14;
	[tilespmem:s22+$0x190B0] =	vst v0  }
0x194: {  	s25 =	simm.s32 @!p0 $0x80;
	s26 =	simm.s32 @!p0 $0xC800;
	s24 =	sadd.s32 @!p0 $0x640, s23;
	[tilespmem:s22+$0x190A0] =	vst v3  }
0x195: {  	[tilespmem:s26], [sflag:$0x3] =	stream.indirect.gather @!p0 [hbm4b:s3+s25], $0x40, s24, s25, $0xb8;
	[tilespmem:$0x1B000] =	vst v63  }
0x196: {  	s24 =	sadd.s32 @!p0 $0x6C0, s23;
	s25 =	simm.s32 @!p0 $0x48;
	s26 =	simm.s32 @!p0 $0xE800  }
0x197: {  	[tilespmem:s26], [sflag:$0x3] =	stream.indirect.gather @!p0 [hbm4b:s3+s25], $0x40, s24, s25, $0xb8;
	[tilespmem:$0x1B000] =	vst v63  }
0x198: {  	_ =	swait.ge [sflag:s16], $0x3200  }
0x199: {  	[sflag:s16] =	ssyncset.done $0x0  }
0x19a: {  	s26 =	simm.s32 $0x0;
	[sflag:s16] =	ssyncadd.s32 $0xFFFFCE00  }
0x19b: {  	v0 =	vld [tilespmem:s26+$0xFBF0]  }
0x19c: {  	v2 =	vld [tilespmem:s26+$0xFA00]  }
0x19d: {  	v3 =	vld [tilespmem:s26+$0xFA10]  }
0x19e: {  	v4 =	vld [tilespmem:s26+$0xFA20]  }
0x19f: {  	v5 =	vld [tilespmem:s26+$0xFA30]  }
0x1a0: {  	v6 =	vld [tilespmem:s26+$0xFA40]  }
0x1a1: {  	v7 =	vld [tilespmem:s26+$0xFA50]  }
0x1a2: {  	v8 =	vld [tilespmem:s26+$0xFA60]  }
0x1a3: {  	v9 =	vld [tilespmem:s26+$0xFA70]  }
0x1a4: {  	v10 =	vld [tilespmem:s26+$0xFA80]  }
0x1a5: {  	v11 =	vld [tilespmem:s26+$0xFA90]  }
0x1a6: {  	v12 =	vld [tilespmem:s26+$0xFAA0]  }
0x1a7: {  	v13 =	vld [tilespmem:s26+$0xFAB0]  }
0x1a8: {  	v20 =	vld [tilespmem:s26+$0xFAC0]  }
0x1a9: {  	v21 =	vld [tilespmem:s26+$0xFAD0]  }
0x1aa: {  	v22 =	vld [tilespmem:s26+$0xFAE0]  }
0x1ab: {  	v23 =	vld [tilespmem:s26+$0xFAF0]  }
0x1ac: {  	v27 =	vimm.f32 $0.0e+00;
	v24 =	vld [tilespmem:s26+$0xFB00]  }
0x1ad: {  	v25 =	vld [tilespmem:s26+$0xFB20];
	v1 =	vadd.f32 v0, v27;
	v14 =	vadd.f32 v2, v27  }
0x1ae: {  	v26 =	vld [tilespmem:s26+$0xFB30];
	v2 =	vadd.f32 v3, v27;
	v15 =	vadd.f32 v4, v27  }
0x1af: {  	v28 =	vld [tilespmem:s26+$0xFB40];
	v3 =	vadd.f32 v5, v27;
	v16 =	vadd.f32 v6, v27  }
0x1b0: {  	v29 =	vld [tilespmem:s26+$0xFB50];
	v4 =	vadd.f32 v7, v27;
	v17 =	vadd.f32 v8, v27  }
0x1b1: {  	v30 =	vld [tilespmem:s26+$0xFB60];
	v5 =	vadd.f32 v9, v27;
	v18 =	vadd.f32 v10, v27  }
0x1b2: {  	v31 =	vld [tilespmem:s26+$0xFB70];
	v6 =	vadd.f32 v11, v27;
	v19 =	vadd.f32 v12, v27  }
0x1b3: {  	v62 =	vld [tilespmem:s26+$0xFB80];
	v7 =	vadd.f32 v13, v27;
	v20 =	vadd.f32 v20, v27  }
0x1b4: {  	v0 =	vld [tilespmem:s26+$0xFB10];
	v8 =	vadd.f32 v21, v27;
	v21 =	vadd.f32 v22, v27  }
0x1b5: {  	v63 =	vld [tilespmem:s26+$0xFB90];
	v9 =	vadd.f32 v23, v27;
	v22 =	vadd.f32 v24, v27  }
0x1b6: {  	v32 =	vld [tilespmem:s26+$0xFBA0];
	v11 =	vadd.f32 v25, v27;
	v12 =	vadd.f32 v28, v27  }
0x1b7: {  	v33 =	vld [tilespmem:s26+$0xFBB0];
	v13 =	vadd.f32 v29, v27;
	v23 =	vadd.f32 v30, v27  }
0x1b8: {  	v34 =	vld [tilespmem:s26+$0xFBC0];
	v24 =	vadd.f32 v31, v27;
	v25 =	vadd.f32 v62, v27;
	v28 =	vimm.f32 $0.0e+00  }
0x1b9: {  	v35 =	vld [tilespmem:s26+$0xFBD0];
	v31 =	vimm.f32 $0.0e+00;
	v29 =	vimm.f32 $0.0e+00;
	v10 =	vadd.f32 v0, v27  }
0x1ba: {  	s24 =	simm.s32 $0x200;
	s25 =	simm.s32 $0x1000;
	v36 =	vld [tilespmem:s26+$0xFBE0];
	v30 =	vimm.f32 $0.0e+00;
	v0 =	vadd.f32 v26, v27;
	v26 =	vadd.f32 v63, v27  }
.LBB2_9:
0x1bb: {  	p1 =	sne.s32 s25, $0xC000;
	v37 =	vld [tilespmem:s24+$0xFBF0];
	v27 =	vadd.f32 v32, v27  }
0x1bc: {  	v32 =	vld [tilespmem:s24+$0xFA00];
	v28 =	vadd.f32 v33, v28  }
0x1bd: {  	v33 =	vld [tilespmem:s24+$0xFA10];
	v31 =	vadd.f32 v34, v31  }
0x1be: {  	v34 =	vld [tilespmem:s24+$0xFA20];
	v29 =	vadd.f32 v35, v29  }
0x1bf: {  	v35 =	vld [tilespmem:s24+$0xFA30];
	v30 =	vadd.f32 v36, v30  }
0x1c0: {  	v36 =	vld [tilespmem:s24+$0xFA40];
	v1 =	vadd.f32 v37, v1  }
0x1c1: {  	v14 =	vadd.f32 v32, v14;
	v32 =	vld [tilespmem:s24+$0xFA50]  }
0x1c2: {  	v2 =	vadd.f32 v33, v2;
	v33 =	vld [tilespmem:s24+$0xFA60]  }
0x1c3: {  	v15 =	vadd.f32 v34, v15;
	v34 =	vld [tilespmem:s24+$0xFA70]  }
0x1c4: {  	v3 =	vadd.f32 v35, v3;
	v35 =	vld [tilespmem:s24+$0xFA80]  }
0x1c5: {  	v16 =	vadd.f32 v36, v16;
	v36 =	vld [tilespmem:s24+$0xFA90]  }
0x1c6: {  	v4 =	vadd.f32 v32, v4;
	v32 =	vld [tilespmem:s24+$0xFAA0]  }
0x1c7: {  	v17 =	vadd.f32 v33, v17;
	v33 =	vld [tilespmem:s24+$0xFAB0]  }
0x1c8: {  	v5 =	vadd.f32 v34, v5;
	v34 =	vld [tilespmem:s24+$0xFAC0]  }
0x1c9: {  	v18 =	vadd.f32 v35, v18;
	v35 =	vld [tilespmem:s24+$0xFAD0]  }
0x1ca: {  	v6 =	vadd.f32 v36, v6;
	v36 =	vld [tilespmem:s24+$0xFAE0]  }
0x1cb: {  	v19 =	vadd.f32 v32, v19;
	v32 =	vld [tilespmem:s24+$0xFAF0]  }
0x1cc: {  	v7 =	vadd.f32 v33, v7;
	v33 =	vld [tilespmem:s24+$0xFB00]  }
0x1cd: {  	v20 =	vadd.f32 v34, v20;
	v34 =	vld [tilespmem:s24+$0xFB10]  }
0x1ce: {  	v8 =	vadd.f32 v35, v8;
	v35 =	vld [tilespmem:s24+$0xFB20]  }
0x1cf: {  	v21 =	vadd.f32 v36, v21;
	v36 =	vld [tilespmem:s24+$0xFB30]  }
0x1d0: {  	v9 =	vadd.f32 v32, v9;
	v32 =	vld [tilespmem:s24+$0xFB40]  }
0x1d1: {  	v22 =	vadd.f32 v33, v22;
	v33 =	vld [tilespmem:s24+$0xFB50]  }
0x1d2: {  	v10 =	vadd.f32 v34, v10;
	v34 =	vld [tilespmem:s24+$0xFB60]  }
0x1d3: {  	v11 =	vadd.f32 v35, v11;
	v35 =	vld [tilespmem:s24+$0xFB70]  }
0x1d4: {  	v0 =	vadd.f32 v36, v0;
	v36 =	vld [tilespmem:s24+$0xFB80]  }
0x1d5: {  	v12 =	vadd.f32 v32, v12;
	v37 =	vld [tilespmem:s24+$0xFB90]  }
.Ltmp3:
0x1d6: {  	v13 =	vadd.f32 v33, v13;
	v32 =	vld [tilespmem:s24+$0xFBA0];
	(pc) =	sbr.rel @p1 .LBB2_9-.Ltmp3, $4  }
0x1d7: {  	v23 =	vadd.f32 v34, v23;
	v33 =	vld [tilespmem:s24+$0xFBB0]  }
0x1d8: {  	v24 =	vadd.f32 v35, v24;
	v34 =	vld [tilespmem:s24+$0xFBC0]  }
0x1d9: {  	v25 =	vadd.f32 v36, v25;
	v35 =	vld [tilespmem:s24+$0xFBD0]  }
0x1da: {  	v26 =	vadd.f32 v37, v26;
	v36 =	vld [tilespmem:s24+$0xFBE0];
	s24 =	sshra.s32 s25, $0x2;
	s25 =	sadd.s32 $0x800, s25  }
0x1db: {  	v37 =	vld [tilespmem:s24+$0xFBF0]  }
0x1dc: {  	v38 =	vld [tilespmem:s24+$0xFA00]  }
0x1dd: {  	v39 =	vld [tilespmem:s24+$0xFA10]  }
0x1de: {  	v40 =	vld [tilespmem:s24+$0xFA20]  }
0x1df: {  	v41 =	vld [tilespmem:s24+$0xFA30]  }
0x1e0: {  	v42 =	vld [tilespmem:s24+$0xFA40]  }
0x1e1: {  	v43 =	vld [tilespmem:s24+$0xFA50]  }
0x1e2: {  	v44 =	vld [tilespmem:s24+$0xFA60]  }
0x1e3: {  	v45 =	vld [tilespmem:s24+$0xFA70]  }
0x1e4: {  	v46 =	vld [tilespmem:s24+$0xFA80]  }
0x1e5: {  	v47 =	vld [tilespmem:s24+$0xFA90]  }
0x1e6: {  	v48 =	vld [tilespmem:s24+$0xFAA0]  }
0x1e7: {  	v49 =	vld [tilespmem:s24+$0xFAB0]  }
0x1e8: {  	v50 =	vld [tilespmem:s24+$0xFAC0]  }
0x1e9: {  	v51 =	vld [tilespmem:s24+$0xFAD0]  }
0x1ea: {  	v52 =	vld [tilespmem:s24+$0xFAE0]  }
0x1eb: {  	v53 =	vld [tilespmem:s24+$0xFAF0];
	v27 =	vadd.f32 v32, v27  }
0x1ec: {  	v59 =	vld [tilespmem:s24+$0xFB00];
	v28 =	vadd.f32 v33, v28;
	v31 =	vadd.f32 v34, v31  }
0x1ed: {  	v60 =	vld [tilespmem:s24+$0xFB20];
	v29 =	vadd.f32 v35, v29;
	v30 =	vadd.f32 v36, v30  }
0x1ee: {  	v61 =	vld [tilespmem:s24+$0xFB30];
	v1 =	vadd.f32 v37, v1;
	v14 =	vadd.f32 v38, v14  }
0x1ef: {  	v62 =	vld [tilespmem:s24+$0xFB40];
	v2 =	vadd.f32 v39, v2;
	v15 =	vadd.f32 v40, v15  }
0x1f0: {  	v63 =	vld [tilespmem:s24+$0xFB50];
	v3 =	vadd.f32 v41, v3;
	v16 =	vadd.f32 v42, v16  }
0x1f1: {  	v54 =	vld [tilespmem:s24+$0xFB60];
	v4 =	vadd.f32 v43, v4;
	v17 =	vadd.f32 v44, v17  }
0x1f2: {  	v55 =	vld [tilespmem:s24+$0xFB70];
	v5 =	vadd.f32 v45, v5;
	v18 =	vadd.f32 v46, v18  }
0x1f3: {  	v56 =	vld [tilespmem:s24+$0xFB80];
	v6 =	vadd.f32 v47, v6;
	v19 =	vadd.f32 v48, v19  }
0x1f4: {  	v57 =	vld [tilespmem:s24+$0xFB90];
	v7 =	vadd.f32 v49, v7;
	v20 =	vadd.f32 v50, v20  }
0x1f5: {  	v58 =	vld [tilespmem:s24+$0xFBA0];
	v8 =	vadd.f32 v51, v8;
	v21 =	vadd.f32 v52, v21  }
0x1f6: {  	v33 =	vld [tilespmem:s24+$0xFB10];
	v9 =	vadd.f32 v53, v9;
	v22 =	vadd.f32 v59, v22  }
0x1f7: {  	v11 =	vadd.f32 v60, v11;
	v0 =	vadd.f32 v61, v0  }
0x1f8: {  	v12 =	vadd.f32 v62, v12;
	v13 =	vadd.f32 v63, v13  }
0x1f9: {  	v23 =	vadd.f32 v54, v23;
	v24 =	vadd.f32 v55, v24  }
0x1fa: {  	v59 =	vld [tilespmem:s24+$0xFBC0];
	v25 =	vadd.f32 v56, v25;
	v26 =	vadd.f32 v57, v26  }
0x1fb: {  	v60 =	vld [tilespmem:s24+$0xFBD0];
	v27 =	vadd.f32 v58, v27;
	v10 =	vadd.f32 v33, v10  }
0x1fc: {  	v14 =	vadd.f32 v22, v14;
	v12 =	vadd.f32 v12, v16  }
0x1fd: {  	v18 =	vadd.f32 v25, v18;
	v4 =	vadd.f32 v13, v4  }
0x1fe: {  	v61 =	vld [tilespmem:s24+$0xFBB0];
	v6 =	vadd.f32 v26, v6;
	v0 =	vadd.f32 v0, v3  }
0x1ff: {  	v3 =	vadd.f32 v24, v5;
	v1 =	vadd.f32 v1, v9  }
0x200: {  	v16 =	vld [tilespmem:s24+$0xFBE0];
	v31 =	vadd.f32 v59, v31;
	v29 =	vadd.f32 v60, v29  }
0x201: {  	v2 =	vadd.f32 v10, v2;
	v10 =	vadd.f32 v18, v14  }
0x202: {  	v20 =	vadd.f32 v31, v20;
	v8 =	vadd.f32 v29, v8  }
0x203: {  	v2 =	vadd.f32 v6, v2;
	v6 =	vadd.f32 v61, v28  }
0x204: {  	v12 =	vadd.f32 v20, v12;
	v4 =	vadd.f32 v8, v4  }
0x205: {  	v5 =	vadd.f32 v6, v7;
	v8 =	vadd.f32 v16, v30  }
0x206: {  	v10 =	vadd.f32 v12, v10;
	v2 =	vadd.f32 v4, v2  }
0x207: {  	v4 =	vadd.f32 v11, v15;
	v11 =	vadd.f32 v23, v17  }
0x208: {  	v12 =	vadd.f32 v27, v19;
	v8 =	vadd.f32 v8, v21  }
0x209: {  	v1 =	vadd.f32 v1, v3;
	v0 =	vadd.f32 v5, v0  }
0x20a: {  	v4 =	vadd.f32 v12, v4;
	v6 =	vadd.f32 v8, v11  }
0x20b: {  	v0 =	vadd.f32 v1, v0;
	[tilespmem:s22+$0x190C0] =	vst v10  }
0x20c: {  	[tilespmem:s22+$0x190D0] =	vst v2;
	v3 =	vadd.f32 v6, v4  }
0x20d: {  	[tilespmem:s22+$0x190F0] =	vst v0  }
0x20e: {  	s25 =	simm.s32 @!p0 $0x80;
	s26 =	simm.s32 @!p0 $0xFA00;
	s24 =	sadd.s32 @!p0 $0x708, s23;
	[tilespmem:s22+$0x190E0] =	vst v3  }
0x20f: {  	[tilespmem:s26], [sflag:$0x4] =	stream.indirect.gather @!p0 [hbm4b:s3+s25], $0x40, s24, s25, $0xb8;
	[tilespmem:$0x1B000] =	vst v63  }
0x210: {  	s24 =	sadd.s32 @!p0 $0x788, s23;
	s25 =	simm.s32 @!p0 $0x48;
	s26 =	simm.s32 @!p0 $0x11A00  }
0x211: {  	[tilespmem:s26], [sflag:$0x4] =	stream.indirect.gather @!p0 [hbm4b:s3+s25], $0x40, s24, s25, $0xb8;
	[tilespmem:$0x1B000] =	vst v63  }
0x212: {  	_ =	swait.ge [sflag:s17], $0x3200  }
0x213: {  	[sflag:s17] =	ssyncset.done $0x0  }
0x214: {  	s26 =	simm.s32 $0x0;
	[sflag:s17] =	ssyncadd.s32 $0xFFFFCE00  }
0x215: {  	v0 =	vld [tilespmem:s26+$0x12DF0]  }
0x216: {  	v2 =	vld [tilespmem:s26+$0x12C00]  }
0x217: {  	v3 =	vld [tilespmem:s26+$0x12C10]  }
0x218: {  	v4 =	vld [tilespmem:s26+$0x12C20]  }
0x219: {  	v5 =	vld [tilespmem:s26+$0x12C30]  }
0x21a: {  	v6 =	vld [tilespmem:s26+$0x12C40]  }
0x21b: {  	v7 =	vld [tilespmem:s26+$0x12C50]  }
0x21c: {  	v8 =	vld [tilespmem:s26+$0x12C60]  }
0x21d: {  	v9 =	vld [tilespmem:s26+$0x12C70]  }
0x21e: {  	v10 =	vld [tilespmem:s26+$0x12C80]  }
0x21f: {  	v11 =	vld [tilespmem:s26+$0x12C90]  }
0x220: {  	v12 =	vld [tilespmem:s26+$0x12CA0]  }
0x221: {  	v13 =	vld [tilespmem:s26+$0x12CB0]  }
0x222: {  	v20 =	vld [tilespmem:s26+$0x12CC0]  }
0x223: {  	v21 =	vld [tilespmem:s26+$0x12CD0]  }
0x224: {  	v22 =	vld [tilespmem:s26+$0x12CE0]  }
0x225: {  	v23 =	vld [tilespmem:s26+$0x12CF0]  }
0x226: {  	v27 =	vimm.f32 $0.0e+00;
	v24 =	vld [tilespmem:s26+$0x12D00]  }
0x227: {  	v25 =	vld [tilespmem:s26+$0x12D20];
	v1 =	vadd.f32 v0, v27;
	v14 =	vadd.f32 v2, v27  }
0x228: {  	v26 =	vld [tilespmem:s26+$0x12D30];
	v2 =	vadd.f32 v3, v27;
	v15 =	vadd.f32 v4, v27  }
0x229: {  	v28 =	vld [tilespmem:s26+$0x12D40];
	v3 =	vadd.f32 v5, v27;
	v16 =	vadd.f32 v6, v27  }
0x22a: {  	v29 =	vld [tilespmem:s26+$0x12D50];
	v4 =	vadd.f32 v7, v27;
	v17 =	vadd.f32 v8, v27  }
0x22b: {  	v30 =	vld [tilespmem:s26+$0x12D60];
	v5 =	vadd.f32 v9, v27;
	v18 =	vadd.f32 v10, v27  }
0x22c: {  	v31 =	vld [tilespmem:s26+$0x12D70];
	v6 =	vadd.f32 v11, v27;
	v19 =	vadd.f32 v12, v27  }
0x22d: {  	v62 =	vld [tilespmem:s26+$0x12D80];
	v7 =	vadd.f32 v13, v27;
	v20 =	vadd.f32 v20, v27  }
0x22e: {  	v0 =	vld [tilespmem:s26+$0x12D10];
	v8 =	vadd.f32 v21, v27;
	v21 =	vadd.f32 v22, v27  }
0x22f: {  	v63 =	vld [tilespmem:s26+$0x12D90];
	v9 =	vadd.f32 v23, v27;
	v22 =	vadd.f32 v24, v27  }
0x230: {  	v32 =	vld [tilespmem:s26+$0x12DA0];
	v11 =	vadd.f32 v25, v27;
	v12 =	vadd.f32 v28, v27  }
0x231: {  	v33 =	vld [tilespmem:s26+$0x12DB0];
	v13 =	vadd.f32 v29, v27;
	v23 =	vadd.f32 v30, v27  }
0x232: {  	v34 =	vld [tilespmem:s26+$0x12DC0];
	v24 =	vadd.f32 v31, v27;
	v25 =	vadd.f32 v62, v27;
	v28 =	vimm.f32 $0.0e+00  }
0x233: {  	v35 =	vld [tilespmem:s26+$0x12DD0];
	v31 =	vimm.f32 $0.0e+00;
	v29 =	vimm.f32 $0.0e+00;
	v10 =	vadd.f32 v0, v27  }
0x234: {  	s24 =	simm.s32 $0x200;
	s25 =	simm.s32 $0x1000;
	v36 =	vld [tilespmem:s26+$0x12DE0];
	v30 =	vimm.f32 $0.0e+00;
	v0 =	vadd.f32 v26, v27;
	v26 =	vadd.f32 v63, v27  }
.LBB2_11:
0x235: {  	p1 =	sne.s32 s25, $0xC000;
	v37 =	vld [tilespmem:s24+$0x12DF0];
	v27 =	vadd.f32 v32, v27  }
0x236: {  	v32 =	vld [tilespmem:s24+$0x12C00];
	v28 =	vadd.f32 v33, v28  }
0x237: {  	v33 =	vld [tilespmem:s24+$0x12C10];
	v31 =	vadd.f32 v34, v31  }
0x238: {  	v34 =	vld [tilespmem:s24+$0x12C20];
	v29 =	vadd.f32 v35, v29  }
0x239: {  	v35 =	vld [tilespmem:s24+$0x12C30];
	v30 =	vadd.f32 v36, v30  }
0x23a: {  	v36 =	vld [tilespmem:s24+$0x12C40];
	v1 =	vadd.f32 v37, v1  }
0x23b: {  	v14 =	vadd.f32 v32, v14;
	v32 =	vld [tilespmem:s24+$0x12C50]  }
0x23c: {  	v2 =	vadd.f32 v33, v2;
	v33 =	vld [tilespmem:s24+$0x12C60]  }
0x23d: {  	v15 =	vadd.f32 v34, v15;
	v34 =	vld [tilespmem:s24+$0x12C70]  }
0x23e: {  	v3 =	vadd.f32 v35, v3;
	v35 =	vld [tilespmem:s24+$0x12C80]  }
0x23f: {  	v16 =	vadd.f32 v36, v16;
	v36 =	vld [tilespmem:s24+$0x12C90]  }
0x240: {  	v4 =	vadd.f32 v32, v4;
	v32 =	vld [tilespmem:s24+$0x12CA0]  }
0x241: {  	v17 =	vadd.f32 v33, v17;
	v33 =	vld [tilespmem:s24+$0x12CB0]  }
0x242: {  	v5 =	vadd.f32 v34, v5;
	v34 =	vld [tilespmem:s24+$0x12CC0]  }
0x243: {  	v18 =	vadd.f32 v35, v18;
	v35 =	vld [tilespmem:s24+$0x12CD0]  }
0x244: {  	v6 =	vadd.f32 v36, v6;
	v36 =	vld [tilespmem:s24+$0x12CE0]  }
0x245: {  	v19 =	vadd.f32 v32, v19;
	v32 =	vld [tilespmem:s24+$0x12CF0]  }
0x246: {  	v7 =	vadd.f32 v33, v7;
	v33 =	vld [tilespmem:s24+$0x12D00]  }
0x247: {  	v20 =	vadd.f32 v34, v20;
	v34 =	vld [tilespmem:s24+$0x12D10]  }
0x248: {  	v8 =	vadd.f32 v35, v8;
	v35 =	vld [tilespmem:s24+$0x12D20]  }
0x249: {  	v21 =	vadd.f32 v36, v21;
	v36 =	vld [tilespmem:s24+$0x12D30]  }
0x24a: {  	v9 =	vadd.f32 v32, v9;
	v32 =	vld [tilespmem:s24+$0x12D40]  }
0x24b: {  	v22 =	vadd.f32 v33, v22;
	v33 =	vld [tilespmem:s24+$0x12D50]  }
0x24c: {  	v10 =	vadd.f32 v34, v10;
	v34 =	vld [tilespmem:s24+$0x12D60]  }
0x24d: {  	v11 =	vadd.f32 v35, v11;
	v35 =	vld [tilespmem:s24+$0x12D70]  }
0x24e: {  	v0 =	vadd.f32 v36, v0;
	v36 =	vld [tilespmem:s24+$0x12D80]  }
0x24f: {  	v12 =	vadd.f32 v32, v12;
	v37 =	vld [tilespmem:s24+$0x12D90]  }
.Ltmp4:
0x250: {  	v13 =	vadd.f32 v33, v13;
	v32 =	vld [tilespmem:s24+$0x12DA0];
	(pc) =	sbr.rel @p1 .LBB2_11-.Ltmp4, $4  }
0x251: {  	v23 =	vadd.f32 v34, v23;
	v33 =	vld [tilespmem:s24+$0x12DB0]  }
0x252: {  	v24 =	vadd.f32 v35, v24;
	v34 =	vld [tilespmem:s24+$0x12DC0]  }
0x253: {  	v25 =	vadd.f32 v36, v25;
	v35 =	vld [tilespmem:s24+$0x12DD0]  }
0x254: {  	v26 =	vadd.f32 v37, v26;
	v36 =	vld [tilespmem:s24+$0x12DE0];
	s24 =	sshra.s32 s25, $0x2;
	s25 =	sadd.s32 $0x800, s25  }
0x255: {  	v37 =	vld [tilespmem:s24+$0x12DF0]  }
0x256: {  	v38 =	vld [tilespmem:s24+$0x12C00]  }
0x257: {  	v39 =	vld [tilespmem:s24+$0x12C10]  }
0x258: {  	v40 =	vld [tilespmem:s24+$0x12C20]  }
0x259: {  	v41 =	vld [tilespmem:s24+$0x12C30]  }
0x25a: {  	v42 =	vld [tilespmem:s24+$0x12C40]  }
0x25b: {  	v43 =	vld [tilespmem:s24+$0x12C50]  }
0x25c: {  	v44 =	vld [tilespmem:s24+$0x12C60]  }
0x25d: {  	v45 =	vld [tilespmem:s24+$0x12C70]  }
0x25e: {  	v46 =	vld [tilespmem:s24+$0x12C80]  }
0x25f: {  	v47 =	vld [tilespmem:s24+$0x12C90]  }
0x260: {  	v48 =	vld [tilespmem:s24+$0x12CA0]  }
0x261: {  	v49 =	vld [tilespmem:s24+$0x12CB0]  }
0x262: {  	v50 =	vld [tilespmem:s24+$0x12CC0]  }
0x263: {  	v51 =	vld [tilespmem:s24+$0x12CD0]  }
0x264: {  	v52 =	vld [tilespmem:s24+$0x12CE0]  }
0x265: {  	v53 =	vld [tilespmem:s24+$0x12CF0];
	v27 =	vadd.f32 v32, v27  }
0x266: {  	v59 =	vld [tilespmem:s24+$0x12D00];
	v28 =	vadd.f32 v33, v28;
	v31 =	vadd.f32 v34, v31  }
0x267: {  	v60 =	vld [tilespmem:s24+$0x12D20];
	v29 =	vadd.f32 v35, v29;
	v30 =	vadd.f32 v36, v30  }
0x268: {  	v61 =	vld [tilespmem:s24+$0x12D30];
	v1 =	vadd.f32 v37, v1;
	v14 =	vadd.f32 v38, v14  }
0x269: {  	v62 =	vld [tilespmem:s24+$0x12D40];
	v2 =	vadd.f32 v39, v2;
	v15 =	vadd.f32 v40, v15  }
0x26a: {  	v63 =	vld [tilespmem:s24+$0x12D50];
	v3 =	vadd.f32 v41, v3;
	v16 =	vadd.f32 v42, v16  }
0x26b: {  	v54 =	vld [tilespmem:s24+$0x12D60];
	v4 =	vadd.f32 v43, v4;
	v17 =	vadd.f32 v44, v17  }
0x26c: {  	v55 =	vld [tilespmem:s24+$0x12D70];
	v5 =	vadd.f32 v45, v5;
	v18 =	vadd.f32 v46, v18  }
0x26d: {  	v56 =	vld [tilespmem:s24+$0x12D80];
	v6 =	vadd.f32 v47, v6;
	v19 =	vadd.f32 v48, v19  }
0x26e: {  	v57 =	vld [tilespmem:s24+$0x12D90];
	v7 =	vadd.f32 v49, v7;
	v20 =	vadd.f32 v50, v20  }
0x26f: {  	v58 =	vld [tilespmem:s24+$0x12DA0];
	v8 =	vadd.f32 v51, v8;
	v21 =	vadd.f32 v52, v21  }
0x270: {  	v33 =	vld [tilespmem:s24+$0x12D10];
	v9 =	vadd.f32 v53, v9;
	v22 =	vadd.f32 v59, v22  }
0x271: {  	v11 =	vadd.f32 v60, v11;
	v0 =	vadd.f32 v61, v0  }
0x272: {  	v12 =	vadd.f32 v62, v12;
	v13 =	vadd.f32 v63, v13  }
0x273: {  	v23 =	vadd.f32 v54, v23;
	v24 =	vadd.f32 v55, v24  }
0x274: {  	v59 =	vld [tilespmem:s24+$0x12DC0];
	v25 =	vadd.f32 v56, v25;
	v26 =	vadd.f32 v57, v26  }
0x275: {  	v60 =	vld [tilespmem:s24+$0x12DD0];
	v27 =	vadd.f32 v58, v27;
	v10 =	vadd.f32 v33, v10  }
0x276: {  	v14 =	vadd.f32 v22, v14;
	v12 =	vadd.f32 v12, v16  }
0x277: {  	v18 =	vadd.f32 v25, v18;
	v4 =	vadd.f32 v13, v4  }
0x278: {  	v61 =	vld [tilespmem:s24+$0x12DB0];
	v6 =	vadd.f32 v26, v6;
	v0 =	vadd.f32 v0, v3  }
0x279: {  	v3 =	vadd.f32 v24, v5;
	v1 =	vadd.f32 v1, v9  }
0x27a: {  	v16 =	vld [tilespmem:s24+$0x12DE0];
	v31 =	vadd.f32 v59, v31;
	v29 =	vadd.f32 v60, v29  }
0x27b: {  	v2 =	vadd.f32 v10, v2;
	v10 =	vadd.f32 v18, v14  }
0x27c: {  	v20 =	vadd.f32 v31, v20;
	v8 =	vadd.f32 v29, v8  }
0x27d: {  	v2 =	vadd.f32 v6, v2;
	v6 =	vadd.f32 v61, v28  }
0x27e: {  	v12 =	vadd.f32 v20, v12;
	v4 =	vadd.f32 v8, v4  }
0x27f: {  	v5 =	vadd.f32 v6, v7;
	v8 =	vadd.f32 v16, v30  }
0x280: {  	v10 =	vadd.f32 v12, v10;
	v2 =	vadd.f32 v4, v2  }
0x281: {  	v4 =	vadd.f32 v11, v15;
	v11 =	vadd.f32 v23, v17  }
0x282: {  	v12 =	vadd.f32 v27, v19;
	v8 =	vadd.f32 v8, v21  }
0x283: {  	v1 =	vadd.f32 v1, v3;
	v0 =	vadd.f32 v5, v0  }
0x284: {  	v4 =	vadd.f32 v12, v4;
	v6 =	vadd.f32 v8, v11  }
0x285: {  	v0 =	vadd.f32 v1, v0;
	[tilespmem:s22+$0x19100] =	vst v10  }
0x286: {  	[tilespmem:s22+$0x19110] =	vst v2;
	v3 =	vadd.f32 v6, v4  }
0x287: {  	[tilespmem:s22+$0x19130] =	vst v0  }
0x288: {  	s25 =	simm.s32 @!p0 $0x80;
	s26 =	simm.s32 @!p0 $0x12C00;
	s24 =	sadd.s32 @!p0 $0x7D0, s23;
	[tilespmem:s22+$0x19120] =	vst v3  }
0x289: {  	[tilespmem:s26], [sflag:$0x5] =	stream.indirect.gather @!p0 [hbm4b:s3+s25], $0x40, s24, s25, $0xb8;
	[tilespmem:$0x1B000] =	vst v63  }
0x28a: {  	s24 =	sadd.s32 @!p0 $0x850, s23;
	s25 =	simm.s32 @!p0 $0x48;
	s26 =	simm.s32 @!p0 $0x14C00  }
0x28b: {  	[tilespmem:s26], [sflag:$0x5] =	stream.indirect.gather @!p0 [hbm4b:s3+s25], $0x40, s24, s25, $0xb8;
	[tilespmem:$0x1B000] =	vst v63  }
0x28c: {  	_ =	swait.ge [sflag:s18], $0x3200  }
0x28d: {  	[sflag:s18] =	ssyncset.done $0x0  }
0x28e: {  	s26 =	simm.s32 $0x0;
	[sflag:s18] =	ssyncadd.s32 $0xFFFFCE00  }
0x28f: {  	v0 =	vld [tilespmem:s26+$0x15FF0]  }
0x290: {  	v2 =	vld [tilespmem:s26+$0x15E00]  }
0x291: {  	v3 =	vld [tilespmem:s26+$0x15E10]  }
0x292: {  	v4 =	vld [tilespmem:s26+$0x15E20]  }
0x293: {  	v5 =	vld [tilespmem:s26+$0x15E30]  }
0x294: {  	v6 =	vld [tilespmem:s26+$0x15E40]  }
0x295: {  	v7 =	vld [tilespmem:s26+$0x15E50]  }
0x296: {  	v8 =	vld [tilespmem:s26+$0x15E60]  }
0x297: {  	v9 =	vld [tilespmem:s26+$0x15E70]  }
0x298: {  	v10 =	vld [tilespmem:s26+$0x15E80]  }
0x299: {  	v11 =	vld [tilespmem:s26+$0x15E90]  }
0x29a: {  	v12 =	vld [tilespmem:s26+$0x15EA0]  }
0x29b: {  	v13 =	vld [tilespmem:s26+$0x15EB0]  }
0x29c: {  	v20 =	vld [tilespmem:s26+$0x15EC0]  }
0x29d: {  	v21 =	vld [tilespmem:s26+$0x15ED0]  }
0x29e: {  	v22 =	vld [tilespmem:s26+$0x15EE0]  }
0x29f: {  	v23 =	vld [tilespmem:s26+$0x15EF0]  }
0x2a0: {  	v27 =	vimm.f32 $0.0e+00;
	v24 =	vld [tilespmem:s26+$0x15F00]  }
0x2a1: {  	v25 =	vld [tilespmem:s26+$0x15F20];
	v1 =	vadd.f32 v0, v27;
	v14 =	vadd.f32 v2, v27  }
0x2a2: {  	v26 =	vld [tilespmem:s26+$0x15F30];
	v2 =	vadd.f32 v3, v27;
	v15 =	vadd.f32 v4, v27  }
0x2a3: {  	v28 =	vld [tilespmem:s26+$0x15F40];
	v3 =	vadd.f32 v5, v27;
	v16 =	vadd.f32 v6, v27  }
0x2a4: {  	v29 =	vld [tilespmem:s26+$0x15F50];
	v4 =	vadd.f32 v7, v27;
	v17 =	vadd.f32 v8, v27  }
0x2a5: {  	v30 =	vld [tilespmem:s26+$0x15F60];
	v5 =	vadd.f32 v9, v27;
	v18 =	vadd.f32 v10, v27  }
0x2a6: {  	v31 =	vld [tilespmem:s26+$0x15F70];
	v6 =	vadd.f32 v11, v27;
	v19 =	vadd.f32 v12, v27  }
0x2a7: {  	v62 =	vld [tilespmem:s26+$0x15F80];
	v7 =	vadd.f32 v13, v27;
	v20 =	vadd.f32 v20, v27  }
0x2a8: {  	v0 =	vld [tilespmem:s26+$0x15F10];
	v8 =	vadd.f32 v21, v27;
	v21 =	vadd.f32 v22, v27  }
0x2a9: {  	v63 =	vld [tilespmem:s26+$0x15F90];
	v9 =	vadd.f32 v23, v27;
	v22 =	vadd.f32 v24, v27  }
0x2aa: {  	v32 =	vld [tilespmem:s26+$0x15FA0];
	v11 =	vadd.f32 v25, v27;
	v12 =	vadd.f32 v28, v27  }
0x2ab: {  	v33 =	vld [tilespmem:s26+$0x15FB0];
	v13 =	vadd.f32 v29, v27;
	v23 =	vadd.f32 v30, v27  }
0x2ac: {  	v34 =	vld [tilespmem:s26+$0x15FC0];
	v24 =	vadd.f32 v31, v27;
	v25 =	vadd.f32 v62, v27;
	v28 =	vimm.f32 $0.0e+00  }
0x2ad: {  	v35 =	vld [tilespmem:s26+$0x15FD0];
	v31 =	vimm.f32 $0.0e+00;
	v29 =	vimm.f32 $0.0e+00;
	v10 =	vadd.f32 v0, v27  }
0x2ae: {  	s24 =	simm.s32 $0x200;
	s25 =	simm.s32 $0x1000;
	v36 =	vld [tilespmem:s26+$0x15FE0];
	v30 =	vimm.f32 $0.0e+00;
	v0 =	vadd.f32 v26, v27;
	v26 =	vadd.f32 v63, v27  }
.LBB2_13:
0x2af: {  	p1 =	sne.s32 s25, $0xC000;
	v37 =	vld [tilespmem:s24+$0x15FF0];
	v27 =	vadd.f32 v32, v27  }
0x2b0: {  	v32 =	vld [tilespmem:s24+$0x15E00];
	v28 =	vadd.f32 v33, v28  }
0x2b1: {  	v33 =	vld [tilespmem:s24+$0x15E10];
	v31 =	vadd.f32 v34, v31  }
0x2b2: {  	v34 =	vld [tilespmem:s24+$0x15E20];
	v29 =	vadd.f32 v35, v29  }
0x2b3: {  	v35 =	vld [tilespmem:s24+$0x15E30];
	v30 =	vadd.f32 v36, v30  }
0x2b4: {  	v36 =	vld [tilespmem:s24+$0x15E40];
	v1 =	vadd.f32 v37, v1  }
0x2b5: {  	v14 =	vadd.f32 v32, v14;
	v32 =	vld [tilespmem:s24+$0x15E50]  }
0x2b6: {  	v2 =	vadd.f32 v33, v2;
	v33 =	vld [tilespmem:s24+$0x15E60]  }
0x2b7: {  	v15 =	vadd.f32 v34, v15;
	v34 =	vld [tilespmem:s24+$0x15E70]  }
0x2b8: {  	v3 =	vadd.f32 v35, v3;
	v35 =	vld [tilespmem:s24+$0x15E80]  }
0x2b9: {  	v16 =	vadd.f32 v36, v16;
	v36 =	vld [tilespmem:s24+$0x15E90]  }
0x2ba: {  	v4 =	vadd.f32 v32, v4;
	v32 =	vld [tilespmem:s24+$0x15EA0]  }
0x2bb: {  	v17 =	vadd.f32 v33, v17;
	v33 =	vld [tilespmem:s24+$0x15EB0]  }
0x2bc: {  	v5 =	vadd.f32 v34, v5;
	v34 =	vld [tilespmem:s24+$0x15EC0]  }
0x2bd: {  	v18 =	vadd.f32 v35, v18;
	v35 =	vld [tilespmem:s24+$0x15ED0]  }
0x2be: {  	v6 =	vadd.f32 v36, v6;
	v36 =	vld [tilespmem:s24+$0x15EE0]  }
0x2bf: {  	v19 =	vadd.f32 v32, v19;
	v32 =	vld [tilespmem:s24+$0x15EF0]  }
0x2c0: {  	v7 =	vadd.f32 v33, v7;
	v33 =	vld [tilespmem:s24+$0x15F00]  }
0x2c1: {  	v20 =	vadd.f32 v34, v20;
	v34 =	vld [tilespmem:s24+$0x15F10]  }
0x2c2: {  	v8 =	vadd.f32 v35, v8;
	v35 =	vld [tilespmem:s24+$0x15F20]  }
0x2c3: {  	v21 =	vadd.f32 v36, v21;
	v36 =	vld [tilespmem:s24+$0x15F30]  }
0x2c4: {  	v9 =	vadd.f32 v32, v9;
	v32 =	vld [tilespmem:s24+$0x15F40]  }
0x2c5: {  	v22 =	vadd.f32 v33, v22;
	v33 =	vld [tilespmem:s24+$0x15F50]  }
0x2c6: {  	v10 =	vadd.f32 v34, v10;
	v34 =	vld [tilespmem:s24+$0x15F60]  }
0x2c7: {  	v11 =	vadd.f32 v35, v11;
	v35 =	vld [tilespmem:s24+$0x15F70]  }
0x2c8: {  	v0 =	vadd.f32 v36, v0;
	v36 =	vld [tilespmem:s24+$0x15F80]  }
0x2c9: {  	v12 =	vadd.f32 v32, v12;
	v37 =	vld [tilespmem:s24+$0x15F90]  }
.Ltmp5:
0x2ca: {  	v13 =	vadd.f32 v33, v13;
	v32 =	vld [tilespmem:s24+$0x15FA0];
	(pc) =	sbr.rel @p1 .LBB2_13-.Ltmp5, $4  }
0x2cb: {  	v23 =	vadd.f32 v34, v23;
	v33 =	vld [tilespmem:s24+$0x15FB0]  }
0x2cc: {  	v24 =	vadd.f32 v35, v24;
	v34 =	vld [tilespmem:s24+$0x15FC0]  }
0x2cd: {  	v25 =	vadd.f32 v36, v25;
	v35 =	vld [tilespmem:s24+$0x15FD0]  }
0x2ce: {  	v26 =	vadd.f32 v37, v26;
	v36 =	vld [tilespmem:s24+$0x15FE0];
	s24 =	sshra.s32 s25, $0x2;
	s25 =	sadd.s32 $0x800, s25  }
0x2cf: {  	v37 =	vld [tilespmem:s24+$0x15FF0]  }
0x2d0: {  	v38 =	vld [tilespmem:s24+$0x15E00]  }
0x2d1: {  	v39 =	vld [tilespmem:s24+$0x15E10]  }
0x2d2: {  	v40 =	vld [tilespmem:s24+$0x15E20]  }
0x2d3: {  	v41 =	vld [tilespmem:s24+$0x15E30]  }
0x2d4: {  	v42 =	vld [tilespmem:s24+$0x15E40]  }
0x2d5: {  	v43 =	vld [tilespmem:s24+$0x15E50]  }
0x2d6: {  	v44 =	vld [tilespmem:s24+$0x15E60]  }
0x2d7: {  	v45 =	vld [tilespmem:s24+$0x15E70]  }
0x2d8: {  	v46 =	vld [tilespmem:s24+$0x15E80]  }
0x2d9: {  	v47 =	vld [tilespmem:s24+$0x15E90]  }
0x2da: {  	v48 =	vld [tilespmem:s24+$0x15EA0]  }
0x2db: {  	v49 =	vld [tilespmem:s24+$0x15EB0]  }
0x2dc: {  	v50 =	vld [tilespmem:s24+$0x15EC0]  }
0x2dd: {  	v51 =	vld [tilespmem:s24+$0x15ED0];
	v27 =	vadd.f32 v32, v27  }
0x2de: {  	v52 =	vld [tilespmem:s24+$0x15EE0];
	v28 =	vadd.f32 v33, v28;
	v31 =	vadd.f32 v34, v31  }
0x2df: {  	v53 =	vld [tilespmem:s24+$0x15EF0];
	v29 =	vadd.f32 v35, v29;
	v30 =	vadd.f32 v36, v30  }
0x2e0: {  	v57 =	vld [tilespmem:s24+$0x15F00];
	v1 =	vadd.f32 v37, v1;
	v14 =	vadd.f32 v38, v14  }
0x2e1: {  	v58 =	vld [tilespmem:s24+$0x15F10];
	v2 =	vadd.f32 v39, v2;
	v15 =	vadd.f32 v40, v15  }
0x2e2: {  	v59 =	vld [tilespmem:s24+$0x15F20];
	v3 =	vadd.f32 v41, v3;
	v16 =	vadd.f32 v42, v16  }
0x2e3: {  	v60 =	vld [tilespmem:s24+$0x15F30];
	v4 =	vadd.f32 v43, v4;
	v17 =	vadd.f32 v44, v17  }
0x2e4: {  	v61 =	vld [tilespmem:s24+$0x15F40];
	v5 =	vadd.f32 v45, v5;
	v18 =	vadd.f32 v46, v18  }
0x2e5: {  	v62 =	vld [tilespmem:s24+$0x15F50];
	v6 =	vadd.f32 v47, v6;
	v19 =	vadd.f32 v48, v19  }
0x2e6: {  	v63 =	vld [tilespmem:s24+$0x15F60];
	v7 =	vadd.f32 v49, v7;
	v20 =	vadd.f32 v50, v20  }
0x2e7: {  	v46 =	vld [tilespmem:s24+$0x15F70];
	v8 =	vadd.f32 v51, v8;
	v21 =	vadd.f32 v52, v21  }
0x2e8: {  	v47 =	vld [tilespmem:s24+$0x15F80];
	v9 =	vadd.f32 v53, v9;
	v22 =	vadd.f32 v57, v22  }
0x2e9: {  	v48 =	vld [tilespmem:s24+$0x15F90];
	v10 =	vadd.f32 v58, v10;
	v11 =	vadd.f32 v59, v11  }
0x2ea: {  	v49 =	vld [tilespmem:s24+$0x15FA0];
	v0 =	vadd.f32 v60, v0;
	v12 =	vadd.f32 v61, v12  }
0x2eb: {  	v50 =	vld [tilespmem:s24+$0x15FC0];
	v13 =	vadd.f32 v62, v13;
	v23 =	vadd.f32 v63, v23  }
0x2ec: {  	v51 =	vld [tilespmem:s24+$0x15FD0];
	v14 =	vadd.f32 v22, v14;
	v12 =	vadd.f32 v12, v16  }
0x2ed: {  	v52 =	vld [tilespmem:s24+$0x15FB0];
	v2 =	vadd.f32 v10, v2;
	v4 =	vadd.f32 v13, v4  }
0x2ee: {  	v53 =	vld [tilespmem:s24+$0x15FE0];
	v57 =	vadd.f32 v11, v15;
	v58 =	vadd.f32 v23, v17  }
0x2ef: {  	v0 =	vadd.f32 v0, v3;
	v1 =	vadd.f32 v1, v9  }
0x2f0: {  	v24 =	vadd.f32 v46, v24;
	v25 =	vadd.f32 v47, v25  }
0x2f1: {  	v26 =	vadd.f32 v48, v26;
	v27 =	vadd.f32 v49, v27  }
0x2f2: {  	v31 =	vadd.f32 v50, v31;
	v29 =	vadd.f32 v51, v29  }
0x2f3: {  	v55 =	vadd.f32 v52, v28;
	v56 =	vadd.f32 v53, v30  }
0x2f4: {  	v18 =	vadd.f32 v25, v18;
	v20 =	vadd.f32 v31, v20  }
0x2f5: {  	v6 =	vadd.f32 v26, v6;
	v8 =	vadd.f32 v29, v8  }
0x2f6: {  	v59 =	vadd.f32 v27, v19;
	v60 =	vadd.f32 v24, v5  }
0x2f7: {  	v61 =	vadd.f32 v55, v7;
	v54 =	vadd.f32 v18, v14  }
0x2f8: {  	v12 =	vadd.f32 v20, v12;
	v2 =	vadd.f32 v6, v2  }
0x2f9: {  	v4 =	vadd.f32 v8, v4;
	v8 =	vadd.f32 v56, v21  }
0x2fa: {  	v0 =	vadd.f32 v61, v0;
	v1 =	vadd.f32 v1, v60  }
0x2fb: {  	v10 =	vadd.f32 v12, v54;
	v2 =	vadd.f32 v4, v2  }
.Ltmp6:
0x2fc: {  	v4 =	vadd.f32 v59, v57;
	v62 =	vadd.f32 v8, v58;
	(pc) =	sbr.rel @p0 .LBB2_16-.Ltmp6, $4  }
0x2fd: {  	v0 =	vadd.f32 v1, v0;
	[tilespmem:s22+$0x19140] =	vst v10  }
0x2fe: {  	v63 =	vadd.f32 v62, v4;
	[tilespmem:s22+$0x19150] =	vst v2  }
0x2ff: {  	[tilespmem:s22+$0x19170] =	vst v0  }
0x300: {  	[tilespmem:s22+$0x19160] =	vst v63  }
.Ltmp7:
0x301: {  	(pc) =	sbr.rel .LBB2_2-.Ltmp7, $4  }
0x302: {  	s22 =	sadd.s32 $0x898, s23  }
0x303: {  	[tilespmem:s30], [sflag:$0x6] =	stream.indirect.gather [hbm4b:s3+s8], $0x40, s22, s8, $0xb8;
	[tilespmem:$0x1B000] =	vst v63  }
0x304: {  	s26 =	sadd.s32 $0x918, s23;
	s21 =	sadd.s32 $0x1, s21  }
0x305: {  	[tilespmem:s1], [sflag:$0x6] =	stream.indirect.gather [hbm4b:s3+s10], $0x40, s26, s10, $0xb8;
	[tilespmem:$0x1B000] =	vst v63  }
.LBB2_16:
0x306: {  	_ =	swait.ge [sflag:s0], $0x3200  }
0x307: {  	[sflag:s0] =	ssyncset.done $0x0  }
0x308: {  	s23 =	simm.s32 $0x0;
	[sflag:s0] =	ssyncadd.s32 $0xFFFFCE00  }
0x309: {  	v0 =	vld [tilespmem:s23+$0x65F0]  }
0x30a: {  	v2 =	vld [tilespmem:s23+$0x6400]  }
0x30b: {  	v3 =	vld [tilespmem:s23+$0x6410]  }
0x30c: {  	v4 =	vld [tilespmem:s23+$0x6420]  }
0x30d: {  	v5 =	vld [tilespmem:s23+$0x6430]  }
0x30e: {  	v6 =	vld [tilespmem:s23+$0x6440]  }
0x30f: {  	v7 =	vld [tilespmem:s23+$0x6450]  }
0x310: {  	v8 =	vld [tilespmem:s23+$0x6460]  }
0x311: {  	v9 =	vld [tilespmem:s23+$0x6470]  }
0x312: {  	v10 =	vld [tilespmem:s23+$0x6480]  }
0x313: {  	v11 =	vld [tilespmem:s23+$0x6490]  }
0x314: {  	v12 =	vld [tilespmem:s23+$0x64A0]  }
0x315: {  	v13 =	vld [tilespmem:s23+$0x64B0]  }
0x316: {  	v20 =	vld [tilespmem:s23+$0x64C0]  }
0x317: {  	v21 =	vld [tilespmem:s23+$0x64D0]  }
0x318: {  	v22 =	vld [tilespmem:s23+$0x64E0]  }
0x319: {  	v23 =	vld [tilespmem:s23+$0x64F0]  }
0x31a: {  	v27 =	vimm.f32 $0.0e+00;
	v24 =	vld [tilespmem:s23+$0x6500]  }
0x31b: {  	v25 =	vld [tilespmem:s23+$0x6520];
	v1 =	vadd.f32 v0, v27;
	v14 =	vadd.f32 v2, v27  }
0x31c: {  	v26 =	vld [tilespmem:s23+$0x6530];
	v2 =	vadd.f32 v3, v27;
	v15 =	vadd.f32 v4, v27  }
0x31d: {  	v28 =	vld [tilespmem:s23+$0x6540];
	v3 =	vadd.f32 v5, v27;
	v16 =	vadd.f32 v6, v27  }
0x31e: {  	v29 =	vld [tilespmem:s23+$0x6550];
	v4 =	vadd.f32 v7, v27;
	v17 =	vadd.f32 v8, v27  }
0x31f: {  	v30 =	vld [tilespmem:s23+$0x6560];
	v5 =	vadd.f32 v9, v27;
	v18 =	vadd.f32 v10, v27  }
0x320: {  	v31 =	vld [tilespmem:s23+$0x6570];
	v6 =	vadd.f32 v11, v27;
	v19 =	vadd.f32 v12, v27  }
0x321: {  	v35 =	vld [tilespmem:s23+$0x6580];
	v7 =	vadd.f32 v13, v27;
	v20 =	vadd.f32 v20, v27  }
0x322: {  	v0 =	vld [tilespmem:s23+$0x6510];
	v8 =	vadd.f32 v21, v27;
	v21 =	vadd.f32 v22, v27  }
0x323: {  	v36 =	vld [tilespmem:s23+$0x6590];
	v9 =	vadd.f32 v23, v27;
	v22 =	vadd.f32 v24, v27  }
0x324: {  	v32 =	vld [tilespmem:s23+$0x65A0];
	v11 =	vadd.f32 v25, v27;
	v12 =	vadd.f32 v28, v27  }
0x325: {  	v33 =	vld [tilespmem:s23+$0x65B0];
	v13 =	vadd.f32 v29, v27;
	v23 =	vadd.f32 v30, v27  }
0x326: {  	v34 =	vld [tilespmem:s23+$0x65C0];
	v24 =	vadd.f32 v31, v27;
	v25 =	vadd.f32 v35, v27;
	v28 =	vimm.f32 $0.0e+00  }
0x327: {  	v35 =	vld [tilespmem:s23+$0x65D0];
	v31 =	vimm.f32 $0.0e+00;
	v29 =	vimm.f32 $0.0e+00;
	v10 =	vadd.f32 v0, v27  }
0x328: {  	s21 =	simm.s32 $0x200;
	s22 =	simm.s32 $0x1000;
	v30 =	vimm.f32 $0.0e+00;
	v0 =	vadd.f32 v26, v27;
	v26 =	vadd.f32 v36, v27;
	v36 =	vld [tilespmem:s23+$0x65E0]  }
.LBB2_17:
0x329: {  	p0 =	sne.s32 s22, $0xC000;
	v37 =	vld [tilespmem:s21+$0x65F0];
	v27 =	vadd.f32 v32, v27  }
0x32a: {  	v32 =	vld [tilespmem:s21+$0x6400];
	v28 =	vadd.f32 v33, v28  }
0x32b: {  	v33 =	vld [tilespmem:s21+$0x6410];
	v31 =	vadd.f32 v34, v31  }
0x32c: {  	v34 =	vld [tilespmem:s21+$0x6420];
	v29 =	vadd.f32 v35, v29  }
0x32d: {  	v35 =	vld [tilespmem:s21+$0x6430];
	v30 =	vadd.f32 v36, v30  }
0x32e: {  	v36 =	vld [tilespmem:s21+$0x6440];
	v1 =	vadd.f32 v37, v1  }
0x32f: {  	v14 =	vadd.f32 v32, v14;
	v32 =	vld [tilespmem:s21+$0x6450]  }
0x330: {  	v2 =	vadd.f32 v33, v2;
	v33 =	vld [tilespmem:s21+$0x6460]  }
0x331: {  	v15 =	vadd.f32 v34, v15;
	v34 =	vld [tilespmem:s21+$0x6470]  }
0x332: {  	v3 =	vadd.f32 v35, v3;
	v35 =	vld [tilespmem:s21+$0x6480]  }
0x333: {  	v16 =	vadd.f32 v36, v16;
	v36 =	vld [tilespmem:s21+$0x6490]  }
0x334: {  	v4 =	vadd.f32 v32, v4;
	v32 =	vld [tilespmem:s21+$0x64A0]  }
0x335: {  	v17 =	vadd.f32 v33, v17;
	v33 =	vld [tilespmem:s21+$0x64B0]  }
0x336: {  	v5 =	vadd.f32 v34, v5;
	v34 =	vld [tilespmem:s21+$0x64C0]  }
0x337: {  	v18 =	vadd.f32 v35, v18;
	v35 =	vld [tilespmem:s21+$0x64D0]  }
0x338: {  	v6 =	vadd.f32 v36, v6;
	v36 =	vld [tilespmem:s21+$0x64E0]  }
0x339: {  	v19 =	vadd.f32 v32, v19;
	v32 =	vld [tilespmem:s21+$0x64F0]  }
0x33a: {  	v7 =	vadd.f32 v33, v7;
	v33 =	vld [tilespmem:s21+$0x6500]  }
0x33b: {  	v20 =	vadd.f32 v34, v20;
	v34 =	vld [tilespmem:s21+$0x6510]  }
0x33c: {  	v8 =	vadd.f32 v35, v8;
	v35 =	vld [tilespmem:s21+$0x6520]  }
0x33d: {  	v21 =	vadd.f32 v36, v21;
	v36 =	vld [tilespmem:s21+$0x6530]  }
0x33e: {  	v9 =	vadd.f32 v32, v9;
	v32 =	vld [tilespmem:s21+$0x6540]  }
0x33f: {  	v22 =	vadd.f32 v33, v22;
	v33 =	vld [tilespmem:s21+$0x6550]  }
0x340: {  	v10 =	vadd.f32 v34, v10;
	v34 =	vld [tilespmem:s21+$0x6560]  }
0x341: {  	v11 =	vadd.f32 v35, v11;
	v35 =	vld [tilespmem:s21+$0x6570]  }
0x342: {  	v0 =	vadd.f32 v36, v0;
	v36 =	vld [tilespmem:s21+$0x6580]  }
0x343: {  	v12 =	vadd.f32 v32, v12;
	v37 =	vld [tilespmem:s21+$0x6590]  }
.Ltmp8:
0x344: {  	v13 =	vadd.f32 v33, v13;
	v32 =	vld [tilespmem:s21+$0x65A0];
	(pc) =	sbr.rel @p0 .LBB2_17-.Ltmp8, $4  }
0x345: {  	v23 =	vadd.f32 v34, v23;
	v33 =	vld [tilespmem:s21+$0x65B0]  }
0x346: {  	v24 =	vadd.f32 v35, v24;
	v34 =	vld [tilespmem:s21+$0x65C0]  }
0x347: {  	v25 =	vadd.f32 v36, v25;
	v35 =	vld [tilespmem:s21+$0x65D0]  }
0x348: {  	v26 =	vadd.f32 v37, v26;
	v36 =	vld [tilespmem:s21+$0x65E0];
	s21 =	sshra.s32 s22, $0x2;
	s22 =	sadd.s32 $0x800, s22  }
0x349: {  	v37 =	vld [tilespmem:s21+$0x65F0]  }
0x34a: {  	v38 =	vld [tilespmem:s21+$0x6400]  }
0x34b: {  	v39 =	vld [tilespmem:s21+$0x6410]  }
0x34c: {  	v40 =	vld [tilespmem:s21+$0x6420]  }
0x34d: {  	v41 =	vld [tilespmem:s21+$0x6430]  }
0x34e: {  	v42 =	vld [tilespmem:s21+$0x6440]  }
0x34f: {  	v43 =	vld [tilespmem:s21+$0x6450]  }
0x350: {  	v44 =	vld [tilespmem:s21+$0x6460]  }
0x351: {  	v45 =	vld [tilespmem:s21+$0x6470]  }
0x352: {  	v46 =	vld [tilespmem:s21+$0x6480]  }
0x353: {  	v47 =	vld [tilespmem:s21+$0x6490]  }
0x354: {  	v48 =	vld [tilespmem:s21+$0x64A0]  }
0x355: {  	v49 =	vld [tilespmem:s21+$0x64B0]  }
0x356: {  	v50 =	vld [tilespmem:s21+$0x64C0]  }
0x357: {  	v51 =	vld [tilespmem:s21+$0x64D0]  }
0x358: {  	v52 =	vld [tilespmem:s21+$0x64E0]  }
0x359: {  	v53 =	vld [tilespmem:s21+$0x64F0];
	v27 =	vadd.f32 v32, v27  }
0x35a: {  	v59 =	vld [tilespmem:s21+$0x6500];
	v28 =	vadd.f32 v33, v28;
	v31 =	vadd.f32 v34, v31  }
0x35b: {  	v60 =	vld [tilespmem:s21+$0x6520];
	v29 =	vadd.f32 v35, v29;
	v30 =	vadd.f32 v36, v30  }
0x35c: {  	v61 =	vld [tilespmem:s21+$0x6530];
	v1 =	vadd.f32 v37, v1;
	v14 =	vadd.f32 v38, v14  }
0x35d: {  	v62 =	vld [tilespmem:s21+$0x6540];
	v2 =	vadd.f32 v39, v2;
	v15 =	vadd.f32 v40, v15  }
0x35e: {  	v63 =	vld [tilespmem:s21+$0x6550];
	v3 =	vadd.f32 v41, v3;
	v16 =	vadd.f32 v42, v16  }
0x35f: {  	v54 =	vld [tilespmem:s21+$0x6560];
	v4 =	vadd.f32 v43, v4;
	v17 =	vadd.f32 v44, v17  }
0x360: {  	v55 =	vld [tilespmem:s21+$0x6570];
	v5 =	vadd.f32 v45, v5;
	v18 =	vadd.f32 v46, v18  }
0x361: {  	v56 =	vld [tilespmem:s21+$0x6580];
	v6 =	vadd.f32 v47, v6;
	v19 =	vadd.f32 v48, v19  }
0x362: {  	v57 =	vld [tilespmem:s21+$0x6590];
	v7 =	vadd.f32 v49, v7;
	v20 =	vadd.f32 v50, v20  }
0x363: {  	v58 =	vld [tilespmem:s21+$0x65A0];
	v8 =	vadd.f32 v51, v8;
	v21 =	vadd.f32 v52, v21  }
0x364: {  	v33 =	vld [tilespmem:s21+$0x6510];
	v9 =	vadd.f32 v53, v9;
	v22 =	vadd.f32 v59, v22  }
0x365: {  	v11 =	vadd.f32 v60, v11;
	v0 =	vadd.f32 v61, v0  }
0x366: {  	v12 =	vadd.f32 v62, v12;
	v13 =	vadd.f32 v63, v13  }
0x367: {  	v23 =	vadd.f32 v54, v23;
	v24 =	vadd.f32 v55, v24  }
0x368: {  	v59 =	vld [tilespmem:s21+$0x65C0];
	v25 =	vadd.f32 v56, v25;
	v26 =	vadd.f32 v57, v26  }
0x369: {  	v60 =	vld [tilespmem:s21+$0x65D0];
	v27 =	vadd.f32 v58, v27;
	v10 =	vadd.f32 v33, v10  }
0x36a: {  	v14 =	vadd.f32 v22, v14;
	v12 =	vadd.f32 v12, v16  }
0x36b: {  	v18 =	vadd.f32 v25, v18;
	v4 =	vadd.f32 v13, v4  }
0x36c: {  	v61 =	vld [tilespmem:s21+$0x65B0];
	v6 =	vadd.f32 v26, v6;
	v0 =	vadd.f32 v0, v3  }
0x36d: {  	v3 =	vadd.f32 v24, v5;
	v1 =	vadd.f32 v1, v9  }
0x36e: {  	v16 =	vld [tilespmem:s21+$0x65E0];
	v31 =	vadd.f32 v59, v31;
	v29 =	vadd.f32 v60, v29  }
0x36f: {  	v2 =	vadd.f32 v10, v2;
	v10 =	vadd.f32 v18, v14  }
0x370: {  	v20 =	vadd.f32 v31, v20;
	v8 =	vadd.f32 v29, v8  }
0x371: {  	v2 =	vadd.f32 v6, v2;
	v6 =	vadd.f32 v61, v28  }
0x372: {  	v12 =	vadd.f32 v20, v12;
	v4 =	vadd.f32 v8, v4  }
0x373: {  	v5 =	vadd.f32 v6, v7;
	v8 =	vadd.f32 v16, v30  }
0x374: {  	v10 =	vadd.f32 v12, v10;
	v2 =	vadd.f32 v4, v2  }
0x375: {  	v4 =	vadd.f32 v11, v15;
	v11 =	vadd.f32 v23, v17  }
0x376: {  	v12 =	vadd.f32 v27, v19;
	v8 =	vadd.f32 v8, v21  }
0x377: {  	v1 =	vadd.f32 v1, v3;
	v0 =	vadd.f32 v5, v0  }
0x378: {  	v4 =	vadd.f32 v12, v4;
	v6 =	vadd.f32 v8, v11  }
0x379: {  	v0 =	vadd.f32 v1, v0;
	[tilespmem:$0x1AF80] =	vst v10  }
0x37a: {  	[tilespmem:$0x1AF90] =	vst v2;
	v3 =	vadd.f32 v6, v4  }
0x37b: {  	[tilespmem:$0x1AFB0] =	vst v0  }
0x37c: {  	[tilespmem:$0x1AFA0] =	vst v3  }
0x37d: {  	_ =	swait.ge [sflag:s12], $0x3200  }
0x37e: {  	[sflag:s12] =	ssyncset.done $0x0  }
0x37f: {  	s23 =	simm.s32 $0x0;
	[sflag:s12] =	ssyncadd.s32 $0xFFFFCE00  }
0x380: {  	v0 =	vld [tilespmem:s23+$0x97F0]  }
0x381: {  	v2 =	vld [tilespmem:s23+$0x9600]  }
0x382: {  	v3 =	vld [tilespmem:s23+$0x9610]  }
0x383: {  	v4 =	vld [tilespmem:s23+$0x9620]  }
0x384: {  	v5 =	vld [tilespmem:s23+$0x9630]  }
0x385: {  	v6 =	vld [tilespmem:s23+$0x9640]  }
0x386: {  	v7 =	vld [tilespmem:s23+$0x9650]  }
0x387: {  	v8 =	vld [tilespmem:s23+$0x9660]  }
0x388: {  	v9 =	vld [tilespmem:s23+$0x9670]  }
0x389: {  	v10 =	vld [tilespmem:s23+$0x9680]  }
0x38a: {  	v11 =	vld [tilespmem:s23+$0x9690]  }
0x38b: {  	v12 =	vld [tilespmem:s23+$0x96A0]  }
0x38c: {  	v13 =	vld [tilespmem:s23+$0x96B0]  }
0x38d: {  	v20 =	vld [tilespmem:s23+$0x96C0]  }
0x38e: {  	v21 =	vld [tilespmem:s23+$0x96D0]  }
0x38f: {  	v22 =	vld [tilespmem:s23+$0x96E0]  }
0x390: {  	v23 =	vld [tilespmem:s23+$0x96F0]  }
0x391: {  	v27 =	vimm.f32 $0.0e+00;
	v24 =	vld [tilespmem:s23+$0x9700]  }
0x392: {  	v25 =	vld [tilespmem:s23+$0x9720];
	v1 =	vadd.f32 v0, v27;
	v14 =	vadd.f32 v2, v27  }
0x393: {  	v26 =	vld [tilespmem:s23+$0x9730];
	v2 =	vadd.f32 v3, v27;
	v15 =	vadd.f32 v4, v27  }
0x394: {  	v28 =	vld [tilespmem:s23+$0x9740];
	v3 =	vadd.f32 v5, v27;
	v16 =	vadd.f32 v6, v27  }
0x395: {  	v29 =	vld [tilespmem:s23+$0x9750];
	v4 =	vadd.f32 v7, v27;
	v17 =	vadd.f32 v8, v27  }
0x396: {  	v30 =	vld [tilespmem:s23+$0x9760];
	v5 =	vadd.f32 v9, v27;
	v18 =	vadd.f32 v10, v27  }
0x397: {  	v31 =	vld [tilespmem:s23+$0x9770];
	v6 =	vadd.f32 v11, v27;
	v19 =	vadd.f32 v12, v27  }
0x398: {  	v62 =	vld [tilespmem:s23+$0x9780];
	v7 =	vadd.f32 v13, v27;
	v20 =	vadd.f32 v20, v27  }
0x399: {  	v0 =	vld [tilespmem:s23+$0x9710];
	v8 =	vadd.f32 v21, v27;
	v21 =	vadd.f32 v22, v27  }
0x39a: {  	v63 =	vld [tilespmem:s23+$0x9790];
	v9 =	vadd.f32 v23, v27;
	v22 =	vadd.f32 v24, v27  }
0x39b: {  	v32 =	vld [tilespmem:s23+$0x97A0];
	v11 =	vadd.f32 v25, v27;
	v12 =	vadd.f32 v28, v27  }
0x39c: {  	v33 =	vld [tilespmem:s23+$0x97B0];
	v13 =	vadd.f32 v29, v27;
	v23 =	vadd.f32 v30, v27  }
0x39d: {  	v34 =	vld [tilespmem:s23+$0x97C0];
	v24 =	vadd.f32 v31, v27;
	v25 =	vadd.f32 v62, v27;
	v28 =	vimm.f32 $0.0e+00  }
0x39e: {  	v35 =	vld [tilespmem:s23+$0x97D0];
	v31 =	vimm.f32 $0.0e+00;
	v29 =	vimm.f32 $0.0e+00;
	v10 =	vadd.f32 v0, v27  }
0x39f: {  	s22 =	simm.s32 $0x1000;
	s21 =	simm.s32 $0x200;
	v36 =	vld [tilespmem:s23+$0x97E0];
	v30 =	vimm.f32 $0.0e+00;
	v0 =	vadd.f32 v26, v27;
	v26 =	vadd.f32 v63, v27  }
.LBB2_19:
0x3a0: {  	p0 =	sne.s32 s22, $0xC000;
	v37 =	vld [tilespmem:s21+$0x97F0];
	v27 =	vadd.f32 v32, v27  }
0x3a1: {  	v32 =	vld [tilespmem:s21+$0x9600];
	v28 =	vadd.f32 v33, v28  }
0x3a2: {  	v33 =	vld [tilespmem:s21+$0x9610];
	v31 =	vadd.f32 v34, v31  }
0x3a3: {  	v34 =	vld [tilespmem:s21+$0x9620];
	v29 =	vadd.f32 v35, v29  }
0x3a4: {  	v35 =	vld [tilespmem:s21+$0x9630];
	v30 =	vadd.f32 v36, v30  }
0x3a5: {  	v36 =	vld [tilespmem:s21+$0x9640];
	v1 =	vadd.f32 v37, v1  }
0x3a6: {  	v14 =	vadd.f32 v32, v14;
	v32 =	vld [tilespmem:s21+$0x9650]  }
0x3a7: {  	v2 =	vadd.f32 v33, v2;
	v33 =	vld [tilespmem:s21+$0x9660]  }
0x3a8: {  	v15 =	vadd.f32 v34, v15;
	v34 =	vld [tilespmem:s21+$0x9670]  }
0x3a9: {  	v3 =	vadd.f32 v35, v3;
	v35 =	vld [tilespmem:s21+$0x9680]  }
0x3aa: {  	v16 =	vadd.f32 v36, v16;
	v36 =	vld [tilespmem:s21+$0x9690]  }
0x3ab: {  	v4 =	vadd.f32 v32, v4;
	v32 =	vld [tilespmem:s21+$0x96A0]  }
0x3ac: {  	v17 =	vadd.f32 v33, v17;
	v33 =	vld [tilespmem:s21+$0x96B0]  }
0x3ad: {  	v5 =	vadd.f32 v34, v5;
	v34 =	vld [tilespmem:s21+$0x96C0]  }
0x3ae: {  	v18 =	vadd.f32 v35, v18;
	v35 =	vld [tilespmem:s21+$0x96D0]  }
0x3af: {  	v6 =	vadd.f32 v36, v6;
	v36 =	vld [tilespmem:s21+$0x96E0]  }
0x3b0: {  	v19 =	vadd.f32 v32, v19;
	v32 =	vld [tilespmem:s21+$0x96F0]  }
0x3b1: {  	v7 =	vadd.f32 v33, v7;
	v33 =	vld [tilespmem:s21+$0x9700]  }
0x3b2: {  	v20 =	vadd.f32 v34, v20;
	v34 =	vld [tilespmem:s21+$0x9710]  }
0x3b3: {  	v8 =	vadd.f32 v35, v8;
	v35 =	vld [tilespmem:s21+$0x9720]  }
0x3b4: {  	v21 =	vadd.f32 v36, v21;
	v36 =	vld [tilespmem:s21+$0x9730]  }
0x3b5: {  	v9 =	vadd.f32 v32, v9;
	v32 =	vld [tilespmem:s21+$0x9740]  }
0x3b6: {  	v22 =	vadd.f32 v33, v22;
	v33 =	vld [tilespmem:s21+$0x9750]  }
0x3b7: {  	v10 =	vadd.f32 v34, v10;
	v34 =	vld [tilespmem:s21+$0x9760]  }
0x3b8: {  	v11 =	vadd.f32 v35, v11;
	v35 =	vld [tilespmem:s21+$0x9770]  }
0x3b9: {  	v0 =	vadd.f32 v36, v0;
	v36 =	vld [tilespmem:s21+$0x9780]  }
0x3ba: {  	v12 =	vadd.f32 v32, v12;
	v37 =	vld [tilespmem:s21+$0x9790]  }
.Ltmp9:
0x3bb: {  	v13 =	vadd.f32 v33, v13;
	v32 =	vld [tilespmem:s21+$0x97A0];
	(pc) =	sbr.rel @p0 .LBB2_19-.Ltmp9, $4  }
0x3bc: {  	v23 =	vadd.f32 v34, v23;
	v33 =	vld [tilespmem:s21+$0x97B0]  }
0x3bd: {  	v24 =	vadd.f32 v35, v24;
	v34 =	vld [tilespmem:s21+$0x97C0]  }
0x3be: {  	v25 =	vadd.f32 v36, v25;
	v35 =	vld [tilespmem:s21+$0x97D0]  }
0x3bf: {  	v26 =	vadd.f32 v37, v26;
	v36 =	vld [tilespmem:s21+$0x97E0];
	s21 =	sshra.s32 s22, $0x2;
	s22 =	sadd.s32 $0x800, s22  }
0x3c0: {  	v37 =	vld [tilespmem:s21+$0x97F0]  }
0x3c1: {  	v38 =	vld [tilespmem:s21+$0x9600]  }
0x3c2: {  	v39 =	vld [tilespmem:s21+$0x9610]  }
0x3c3: {  	v40 =	vld [tilespmem:s21+$0x9620]  }
0x3c4: {  	v41 =	vld [tilespmem:s21+$0x9630]  }
0x3c5: {  	v42 =	vld [tilespmem:s21+$0x9640]  }
0x3c6: {  	v43 =	vld [tilespmem:s21+$0x9650]  }
0x3c7: {  	v44 =	vld [tilespmem:s21+$0x9660]  }
0x3c8: {  	v45 =	vld [tilespmem:s21+$0x9670]  }
0x3c9: {  	v46 =	vld [tilespmem:s21+$0x9680]  }
0x3ca: {  	v47 =	vld [tilespmem:s21+$0x9690]  }
0x3cb: {  	v48 =	vld [tilespmem:s21+$0x96A0]  }
0x3cc: {  	v49 =	vld [tilespmem:s21+$0x96B0]  }
0x3cd: {  	v50 =	vld [tilespmem:s21+$0x96C0]  }
0x3ce: {  	v51 =	vld [tilespmem:s21+$0x96D0];
	v27 =	vadd.f32 v32, v27  }
0x3cf: {  	v52 =	vld [tilespmem:s21+$0x96E0];
	v28 =	vadd.f32 v33, v28;
	v31 =	vadd.f32 v34, v31  }
0x3d0: {  	v53 =	vld [tilespmem:s21+$0x96F0];
	v29 =	vadd.f32 v35, v29;
	v30 =	vadd.f32 v36, v30  }
0x3d1: {  	v57 =	vld [tilespmem:s21+$0x9700];
	v1 =	vadd.f32 v37, v1;
	v14 =	vadd.f32 v38, v14  }
0x3d2: {  	v58 =	vld [tilespmem:s21+$0x9710];
	v2 =	vadd.f32 v39, v2;
	v15 =	vadd.f32 v40, v15  }
0x3d3: {  	v59 =	vld [tilespmem:s21+$0x9720];
	v3 =	vadd.f32 v41, v3;
	v16 =	vadd.f32 v42, v16  }
0x3d4: {  	v60 =	vld [tilespmem:s21+$0x9730];
	v4 =	vadd.f32 v43, v4;
	v17 =	vadd.f32 v44, v17  }
0x3d5: {  	v61 =	vld [tilespmem:s21+$0x9740];
	v5 =	vadd.f32 v45, v5;
	v18 =	vadd.f32 v46, v18  }
0x3d6: {  	v62 =	vld [tilespmem:s21+$0x9750];
	v6 =	vadd.f32 v47, v6;
	v19 =	vadd.f32 v48, v19  }
0x3d7: {  	v63 =	vld [tilespmem:s21+$0x9760];
	v7 =	vadd.f32 v49, v7;
	v20 =	vadd.f32 v50, v20  }
0x3d8: {  	v46 =	vld [tilespmem:s21+$0x9770];
	v8 =	vadd.f32 v51, v8;
	v21 =	vadd.f32 v52, v21  }
0x3d9: {  	v47 =	vld [tilespmem:s21+$0x9780];
	v9 =	vadd.f32 v53, v9;
	v22 =	vadd.f32 v57, v22  }
0x3da: {  	v48 =	vld [tilespmem:s21+$0x9790];
	v10 =	vadd.f32 v58, v10;
	v11 =	vadd.f32 v59, v11  }
0x3db: {  	v49 =	vld [tilespmem:s21+$0x97A0];
	v0 =	vadd.f32 v60, v0;
	v12 =	vadd.f32 v61, v12  }
0x3dc: {  	v50 =	vld [tilespmem:s21+$0x97C0];
	v13 =	vadd.f32 v62, v13;
	v23 =	vadd.f32 v63, v23  }
0x3dd: {  	v51 =	vld [tilespmem:s21+$0x97D0];
	v14 =	vadd.f32 v22, v14;
	v12 =	vadd.f32 v12, v16  }
0x3de: {  	v52 =	vld [tilespmem:s21+$0x97B0];
	v2 =	vadd.f32 v10, v2;
	v4 =	vadd.f32 v13, v4  }
0x3df: {  	v53 =	vld [tilespmem:s21+$0x97E0];
	v57 =	vadd.f32 v11, v15;
	v58 =	vadd.f32 v23, v17  }
0x3e0: {  	v0 =	vadd.f32 v0, v3;
	v1 =	vadd.f32 v1, v9  }
0x3e1: {  	v24 =	vadd.f32 v46, v24;
	v25 =	vadd.f32 v47, v25  }
0x3e2: {  	v26 =	vadd.f32 v48, v26;
	v27 =	vadd.f32 v49, v27  }
0x3e3: {  	v31 =	vadd.f32 v50, v31;
	v29 =	vadd.f32 v51, v29  }
0x3e4: {  	v55 =	vadd.f32 v52, v28;
	v56 =	vadd.f32 v53, v30  }
0x3e5: {  	v18 =	vadd.f32 v25, v18;
	v20 =	vadd.f32 v31, v20  }
0x3e6: {  	v6 =	vadd.f32 v26, v6;
	v8 =	vadd.f32 v29, v8  }
0x3e7: {  	v59 =	vadd.f32 v27, v19;
	v60 =	vadd.f32 v24, v5  }
0x3e8: {  	v61 =	vadd.f32 v55, v7;
	v54 =	vadd.f32 v18, v14  }
0x3e9: {  	v12 =	vadd.f32 v20, v12;
	v2 =	vadd.f32 v6, v2  }
0x3ea: {  	v4 =	vadd.f32 v8, v4;
	v8 =	vadd.f32 v56, v21  }
0x3eb: {  	v0 =	vadd.f32 v61, v0;
	v1 =	vadd.f32 v1, v60  }
0x3ec: {  	v10 =	vadd.f32 v12, v54;
	v2 =	vadd.f32 v4, v2  }
0x3ed: {  	v4 =	vadd.f32 v59, v57;
	v62 =	vadd.f32 v8, v58  }
0x3ee: {  	v0 =	vadd.f32 v1, v0;
	[tilespmem:$0x1AFC0] =	vst v10  }
0x3ef: {  	s20 =	sadd.s32 $0x1, s20;
	v63 =	vadd.f32 v62, v4;
	[tilespmem:$0x1AFD0] =	vst v2  }
0x3f0: {  	p0 =	sne.s32 s20, s6;
	[tilespmem:$0x1AFF0] =	vst v0  }
.Ltmp10:
0x3f1: {  	[tilespmem:$0x1AFE0] =	vst v63;
	(pc) =	sbr.rel @p0 .LBB2_1-.Ltmp10, $4  }
0x3f2: {  	[hbm4b:s5+s2] =	stream.linear.scatter [tilespmem:s19], [sflag:$0x7], $0x2000, $0x38;
	[tilespmem:$0x1B000] =	vst v63  }
0x3f3: {  	_ =	swait.ge [sflag:s7], $0x2000  }
0x3f4: {  	[sflag:s7] =	ssyncset.done $0x0  }
0x3f5: {  	[sflag:s7] =	ssyncadd.s32 $0xFFFFE000  }
0x3f6: {  	_ =	sfence.sel $0x180000  }
0x3f7: {  	[bflag:$0x0] =	sbarrier.arrive $0xFFFF  }
0x3f8: {  	_ =	strace $0x90000047  }
0x3f9: {  	s0 =	stileid.u32;
	[bflag:$0x2] =	sbarrier.arrive $0xFFFF  }
0x3fa: {  	p0 =	sne.s32 s0, $0x0;
	s0 =	rddreg [dreg:$0x1]  }
0x3fb: {  	s0 =	sadd.s32 @!p0 $0x100000, s0  }
0x3fc: {  	[sflag:s0] =	ssyncadd.tile.s32 @!p0 $0x1;
	_ =	shalt  }
.Lfunc_end2:
_tile_overlayer_lowered:
.L_overlay_start_2:
0x3fd: {  	(tag) =	ssettag $0x2  }
0x3fe: {  	s0 =	rddreg [dreg:$0x0];
	s2 =	stileid.u32  }
0x3ff: {  	s1 =	rddreg [dreg:$0x1];
	p0 =	sne.s32 s2, $0x0  }
0x400: {  	s3 =	rddreg [dreg:$0x2];
	[bflag:$0x3] =	sbarrier.arrive $0xFFFF;
	s2 =	simm.s32 @!p0 $0x1C07  }
0x401: {  	[timem:s3], [sflag:s2] =	dma.local @!p0 [hbm:s0], s1  }
0x402: {  	s0 =	simm.s32 @!p0 $0x7  }
0x403: {  	_ =	swait.ge @!p0 [sflag:s0], s1  }
0x404: {  	s1 =	ssub.s32 @!p0 $0x0, s1;
	[sflag:s0] =	ssyncset.done @!p0 $0x0  }
0x405: {  	[sflag:s0] =	ssyncadd.s32 @!p0 s1  }
0x406: {  	[bflag:$0x3] =	sbarrier.arrive $0xFFFF  }
0x407: {  	_ =	shalt  }

</sc_bundles>
